<compile_context>
chip_gen: v7x
topology: tpu7x:2x2x1
jax: 0.10.2.dev20260603
libtpu: 0.0.44.dev20260713+nightly
codegen_flags: <defaults>
</compile_context>

<pallas_src>
import functools

import jax
import jax.numpy as jnp
from jax import lax
from jax.experimental import pallas as pl
from jax.experimental.pallas import tpu as pltpu
from jax.experimental.pallas import tpu_sc as plsc

_LANES = 16
_B_TILE = 128


def _build(batch, seq, d, num_workers):
  d_tiles = d // 8
  mesh = plsc.VectorSubcoreMesh(core_axis_name="c", subcore_axis_name="s")

  @functools.partial(
      pl.kernel,
      mesh=mesh,
      out_type=jax.ShapeDtypeStruct((seq, d_tiles, num_workers, 8, _B_TILE),
                                    jnp.float32),
      compiler_params=pltpu.CompilerParams(use_tc_tiling_on_sc=False,
                                           needs_layout_passes=False),
      scratch_types=[
          pltpu.VMEM((_B_TILE * seq,), jnp.int32),
          pltpu.VMEM((_B_TILE,), jnp.int32),
          pltpu.VMEM((_B_TILE,), jnp.int32),
          pltpu.VMEM((_B_TILE, d), jnp.float32),
          pltpu.VMEM((_B_TILE, d), jnp.float32),
          pltpu.VMEM((d, _B_TILE), jnp.float32),
          pltpu.VMEM((d, _B_TILE), jnp.float32),
          pltpu.SemaphoreType.DMA,
          pltpu.SemaphoreType.DMA,
          pltpu.SemaphoreType.DMA,
          pltpu.SemaphoreType.DMA,
      ],
  )
  def k(idx_hbm, table_hbm, out_hbm, idx_v, col0, col1, rows0, rows1,
        ot0, ot1, gsem0, gsem1, osem0, osem1):
    nc = 2
    wid = lax.axis_index("s") * nc + lax.axis_index("c")
    pltpu.sync_copy(idx_hbm.at[pl.ds(wid * _B_TILE * seq, _B_TILE * seq)],
                    idx_v)

    cols = (col0, col1)
    rows = (rows0, rows1)
    outs = (ot0, ot1)
    gsems = (gsem0, gsem1)
    osems = (osem0, osem1)

    iota = lax.iota(jnp.int32, _LANES)
    iota_seq = iota * seq
    rot = [lax.bitwise_and(iota + j, _LANES - 1) for j in range(_LANES)]
    row_of = [iota + l0 for l0 in range(0, _B_TILE, _LANES)]

    def build_col(s, b):
      for l0 in range(0, _B_TILE, _LANES):
        v = plsc.load_gather(idx_v, [iota_seq + (l0 * seq + s)])
        cols[b][pl.ds(l0, _LANES)] = v

    def fire_gather(b):
      pltpu.async_copy(table_hbm.at[cols[b]], rows[b], gsems[b])

    def wait_gather(b):
      pltpu.make_async_copy(table_hbm.at[cols[b]], rows[b], gsems[b]).wait()

    def transpose(b):
      rv, ot = rows[b], outs[b]

      def col_group(g, carry):
        d0 = g * _LANES
        cols16 = [r + d0 for r in rot]
        for col in cols16:
          for row in row_of:
            v = plsc.load_gather(rv, [row, col])
            plsc.store_scatter(ot, [col, row], v)
        return carry

      lax.fori_loop(0, d // _LANES, col_group, 0)

    def fire_store(s, b):
      for dt in range(d_tiles):
        pltpu.async_copy(outs[b].at[pl.ds(dt * 8, 8)],
                         out_hbm.at[s, dt, wid], osems[b])

    def wait_store(s, b):
      for dt in range(d_tiles):
        pltpu.make_async_copy(outs[b].at[pl.ds(dt * 8, 8)],
                              out_hbm.at[s, dt, wid], osems[b]).wait()

    build_col(0, 0)
    fire_gather(0)

    def body(t, carry):
      for b in range(2):
        s = 2 * t + b
        nb = 1 - b
        @pl.when(s + 1 < seq)
        def _():
          build_col(s + 1, nb)
          fire_gather(nb)

        wait_gather(b)

        @pl.when(s >= 2)
        def _():
          wait_store(s - 2, b)

        transpose(b)
        fire_store(s, b)
      return carry

    lax.fori_loop(0, seq // 2, body, 0)
    wait_store(seq - 2, 0)
    wait_store(seq - 1, 1)

  return k


def kernel(ngram_ids, table):
  b, s = ngram_ids.shape
  d = table.shape[1]
  info = plsc.get_sparse_core_info()
  nw = info.num_cores * info.num_subcores
  idx_flat = ngram_ids.reshape(b * s).astype(jnp.int32)
  out5d = _build(b, s, d, nw)(idx_flat, table)
  return out5d.transpose(2, 4, 0, 1, 3).reshape(b, s, d)

# --- scband reference (transcript-rebuilt; emitter-appended) ---
"""Pipeline reference for scband-ngram-embedding-16853451670186 (READ-ONLY COPY).

The authoritative reference and input builder live on the scoring server;
editing this copy changes nothing except your own understanding.
"""

import jax, jax.numpy as jnp
import numpy as np

VOCAB_SIZE = 100000
EMBED_DIM = 64
PADDING_IDX = 0
BATCH = 4096
SEQ_LEN = 200


def setup_inputs(seed: int = 0) -> dict:
    key = jax.random.key(seed)
    k1, k2 = jax.random.split(key)
    ngram_ids = jax.random.randint(k1, (BATCH, SEQ_LEN), 0, VOCAB_SIZE, dtype=jnp.int64 if jax.config.jax_enable_x64 else jnp.int32)
    table = jax.random.normal(k2, (VOCAB_SIZE, EMBED_DIM), dtype=jnp.float32)
    # padding_idx row is zero-initialized in nn.Embedding
    table = table.at[PADDING_IDX].set(0.0)
    return {"ngram_ids": ngram_ids, "table": table}


def reference(ngram_ids, table):
    # nn.Embedding forward: simple gather; padding_idx row is zeros.
    tbl = table.at[PADDING_IDX].set(0.0)
    return jnp.take(tbl, ngram_ids, axis=0)

if __name__ == "__main__":
    import jax
    _d = setup_inputs()
    print(jax.jit(kernel)(*tuple(_d.values())))

</pallas_src>

<mosaic_0001>
#map = affine_map<(d0, d1) -> (0)>
#map1 = affine_map<(d0, d1) -> (0, 0)>
#map2 = affine_map<(d0, d1) -> (0, 0, 0, 0, 0)>
module attributes {stable_mosaic.version = 14 : i64} {
  func.func @k(%arg0: i32, %arg1: i32, %arg2: memref<819200xi32, #tpu.memory_space<hbm>>, %arg3: memref<100000x64xf32, #tpu.memory_space<hbm>>, %arg4: memref<200x8x32x8x128xf32, #tpu.memory_space<hbm>>, %arg5: memref<25600xi32, #tpu.memory_space<vmem>>, %arg6: memref<128xi32, #tpu.memory_space<vmem>>, %arg7: memref<128xi32, #tpu.memory_space<vmem>>, %arg8: memref<128x64xf32, #tpu.memory_space<vmem>>, %arg9: memref<128x64xf32, #tpu.memory_space<vmem>>, %arg10: memref<64x128xf32, #tpu.memory_space<vmem>>, %arg11: memref<64x128xf32, #tpu.memory_space<vmem>>, %arg12: memref<!tpu.dma_semaphore, #tpu.memory_space<semaphore_mem>>, %arg13: memref<!tpu.dma_semaphore, #tpu.memory_space<semaphore_mem>>, %arg14: memref<!tpu.dma_semaphore, #tpu.memory_space<semaphore_mem>>, %arg15: memref<!tpu.dma_semaphore, #tpu.memory_space<semaphore_mem>>) attributes {dimension_semantics = [#tpu.dimension_semantics<core_parallel>, #tpu.dimension_semantics<subcore_parallel>], iteration_bounds = array<i64: 2, 16>, scalar_prefetch = 0 : i64, scratch_operands = 11 : i64, tpu.core_type = #tpu.core_type<sc_vector_subcore>, window_params = [{transform_indices = #map}, {transform_indices = #map1}, {transform_indices = #map2}]} {
    %mul3A = arith.constant 2 : i32
    %mul3A_0 = arith.muli %arg1, %mul3A : i32
    %add3A = arith.addi %mul3A_0, %arg0 : i32
    %mul3A_1 = arith.constant 128 : i32
    %mul3A_2 = arith.muli %add3A, %mul3A_1 : i32
    %mul3A_3 = arith.constant 200 : i32
    %mul3A_4 = arith.muli %mul3A_2, %mul3A_3 : i32
    "tpu.region"() ({
      %run_scoped3A = tpu.sem_alloc : memref<!tpu.dma_semaphore, #tpu.memory_space<semaphore_mem>>
      %dma_start3A_435 = tpu.memref_slice %arg2[%mul3A_4] : memref<819200xi32, #tpu.memory_space<hbm>> -> memref<25600xi32, #tpu.memory_space<hbm>>
      %dma_start3A_436 = tpu.memref_slice %arg2[%mul3A_4] : memref<819200xi32, #tpu.memory_space<hbm>> -> memref<25600xi32, #tpu.memory_space<hbm>>
      tpu.enqueue_dma source(%dma_start3A_436 : memref<25600xi32, #tpu.memory_space<hbm>>) target(%arg5 : memref<25600xi32, #tpu.memory_space<vmem>>) target_semaphore(%run_scoped3A : memref<!tpu.dma_semaphore, #tpu.memory_space<semaphore_mem>>)
      %dma_wait3A_437 = tpu.memref_slice %arg2[%mul3A_4] : memref<819200xi32, #tpu.memory_space<hbm>> -> memref<25600xi32, #tpu.memory_space<hbm>>
      %dma_wait3A_438 = tpu.memref_slice %arg2[%mul3A_4] : memref<819200xi32, #tpu.memory_space<hbm>> -> memref<25600xi32, #tpu.memory_space<hbm>>
      tpu.wait_dma2 semaphore(%run_scoped3A : memref<!tpu.dma_semaphore, #tpu.memory_space<semaphore_mem>>) src(%dma_wait3A_438 : memref<25600xi32, #tpu.memory_space<hbm>>) dst(%arg5 : memref<25600xi32, #tpu.memory_space<vmem>>)
      tpu.yield
    }) : () -> ()
    %iota3A = tpu.iota {dimensions = array<i32: 0>} : vector<16xi32>
    %mul3A_5 = arith.constant 200 : i32
    %mul3A_6 = vector.broadcast %mul3A_5 : i32 to vector<16xi32>
    %mul3A_7 = arith.muli %iota3A, %mul3A_6 : vector<16xi32>
    %add3A_8 = arith.constant 0 : i32
    %add3A_9 = vector.broadcast %add3A_8 : i32 to vector<16xi32>
    %add3A_10 = arith.addi %iota3A, %add3A_9 : vector<16xi32>
    %and3A = arith.constant 15 : i32
    %and3A_11 = vector.broadcast %and3A : i32 to vector<16xi32>
    %and3A_12 = arith.andi %add3A_10, %and3A_11 : vector<16xi32>
    %add3A_13 = arith.constant 1 : i32
    %add3A_14 = vector.broadcast %add3A_13 : i32 to vector<16xi32>
    %add3A_15 = arith.addi %iota3A, %add3A_14 : vector<16xi32>
    %and3A_16 = arith.constant 15 : i32
    %and3A_17 = vector.broadcast %and3A_16 : i32 to vector<16xi32>
    %and3A_18 = arith.andi %add3A_15, %and3A_17 : vector<16xi32>
    %add3A_19 = arith.constant 2 : i32
    %add3A_20 = vector.broadcast %add3A_19 : i32 to vector<16xi32>
    %add3A_21 = arith.addi %iota3A, %add3A_20 : vector<16xi32>
    %and3A_22 = arith.constant 15 : i32
    %and3A_23 = vector.broadcast %and3A_22 : i32 to vector<16xi32>
    %and3A_24 = arith.andi %add3A_21, %and3A_23 : vector<16xi32>
    %add3A_25 = arith.constant 3 : i32
    %add3A_26 = vector.broadcast %add3A_25 : i32 to vector<16xi32>
    %add3A_27 = arith.addi %iota3A, %add3A_26 : vector<16xi32>
    %and3A_28 = arith.constant 15 : i32
    %and3A_29 = vector.broadcast %and3A_28 : i32 to vector<16xi32>
    %and3A_30 = arith.andi %add3A_27, %and3A_29 : vector<16xi32>
    %add3A_31 = arith.constant 4 : i32
    %add3A_32 = vector.broadcast %add3A_31 : i32 to vector<16xi32>
    %add3A_33 = arith.addi %iota3A, %add3A_32 : vector<16xi32>
    %and3A_34 = arith.constant 15 : i32
    %and3A_35 = vector.broadcast %and3A_34 : i32 to vector<16xi32>
    %and3A_36 = arith.andi %add3A_33, %and3A_35 : vector<16xi32>
    %add3A_37 = arith.constant 5 : i32
    %add3A_38 = vector.broadcast %add3A_37 : i32 to vector<16xi32>
    %add3A_39 = arith.addi %iota3A, %add3A_38 : vector<16xi32>
    %and3A_40 = arith.constant 15 : i32
    %and3A_41 = vector.broadcast %and3A_40 : i32 to vector<16xi32>
    %and3A_42 = arith.andi %add3A_39, %and3A_41 : vector<16xi32>
    %add3A_43 = arith.constant 6 : i32
    %add3A_44 = vector.broadcast %add3A_43 : i32 to vector<16xi32>
    %add3A_45 = arith.addi %iota3A, %add3A_44 : vector<16xi32>
    %and3A_46 = arith.constant 15 : i32
    %and3A_47 = vector.broadcast %and3A_46 : i32 to vector<16xi32>
    %and3A_48 = arith.andi %add3A_45, %and3A_47 : vector<16xi32>
    %add3A_49 = arith.constant 7 : i32
    %add3A_50 = vector.broadcast %add3A_49 : i32 to vector<16xi32>
    %add3A_51 = arith.addi %iota3A, %add3A_50 : vector<16xi32>
    %and3A_52 = arith.constant 15 : i32
    %and3A_53 = vector.broadcast %and3A_52 : i32 to vector<16xi32>
    %and3A_54 = arith.andi %add3A_51, %and3A_53 : vector<16xi32>
    %add3A_55 = arith.constant 8 : i32
    %add3A_56 = vector.broadcast %add3A_55 : i32 to vector<16xi32>
    %add3A_57 = arith.addi %iota3A, %add3A_56 : vector<16xi32>
    %and3A_58 = arith.constant 15 : i32
    %and3A_59 = vector.broadcast %and3A_58 : i32 to vector<16xi32>
    %and3A_60 = arith.andi %add3A_57, %and3A_59 : vector<16xi32>
    %add3A_61 = arith.constant 9 : i32
    %add3A_62 = vector.broadcast %add3A_61 : i32 to vector<16xi32>
    %add3A_63 = arith.addi %iota3A, %add3A_62 : vector<16xi32>
    %and3A_64 = arith.constant 15 : i32
    %and3A_65 = vector.broadcast %and3A_64 : i32 to vector<16xi32>
    %and3A_66 = arith.andi %add3A_63, %and3A_65 : vector<16xi32>
    %add3A_67 = arith.constant 10 : i32
    %add3A_68 = vector.broadcast %add3A_67 : i32 to vector<16xi32>
    %add3A_69 = arith.addi %iota3A, %add3A_68 : vector<16xi32>
    %and3A_70 = arith.constant 15 : i32
    %and3A_71 = vector.broadcast %and3A_70 : i32 to vector<16xi32>
    %and3A_72 = arith.andi %add3A_69, %and3A_71 : vector<16xi32>
    %add3A_73 = arith.constant 11 : i32
    %add3A_74 = vector.broadcast %add3A_73 : i32 to vector<16xi32>
    %add3A_75 = arith.addi %iota3A, %add3A_74 : vector<16xi32>
    %and3A_76 = arith.constant 15 : i32
    %and3A_77 = vector.broadcast %and3A_76 : i32 to vector<16xi32>
    %and3A_78 = arith.andi %add3A_75, %and3A_77 : vector<16xi32>
    %add3A_79 = arith.constant 12 : i32
    %add3A_80 = vector.broadcast %add3A_79 : i32 to vector<16xi32>
    %add3A_81 = arith.addi %iota3A, %add3A_80 : vector<16xi32>
    %and3A_82 = arith.constant 15 : i32
    %and3A_83 = vector.broadcast %and3A_82 : i32 to vector<16xi32>
    %and3A_84 = arith.andi %add3A_81, %and3A_83 : vector<16xi32>
    %add3A_85 = arith.constant 13 : i32
    %add3A_86 = vector.broadcast %add3A_85 : i32 to vector<16xi32>
    %add3A_87 = arith.addi %iota3A, %add3A_86 : vector<16xi32>
    %and3A_88 = arith.constant 15 : i32
    %and3A_89 = vector.broadcast %and3A_88 : i32 to vector<16xi32>
    %and3A_90 = arith.andi %add3A_87, %and3A_89 : vector<16xi32>
    %add3A_91 = arith.constant 14 : i32
    %add3A_92 = vector.broadcast %add3A_91 : i32 to vector<16xi32>
    %add3A_93 = arith.addi %iota3A, %add3A_92 : vector<16xi32>
    %and3A_94 = arith.constant 15 : i32
    %and3A_95 = vector.broadcast %and3A_94 : i32 to vector<16xi32>
    %and3A_96 = arith.andi %add3A_93, %and3A_95 : vector<16xi32>
    %add3A_97 = arith.constant 15 : i32
    %add3A_98 = vector.broadcast %add3A_97 : i32 to vector<16xi32>
    %add3A_99 = arith.addi %iota3A, %add3A_98 : vector<16xi32>
    %and3A_100 = arith.constant 15 : i32
    %and3A_101 = vector.broadcast %and3A_100 : i32 to vector<16xi32>
    %and3A_102 = arith.andi %add3A_99, %and3A_101 : vector<16xi32>
    %add3A_103 = arith.constant 0 : i32
    %add3A_104 = vector.broadcast %add3A_103 : i32 to vector<16xi32>
    %add3A_105 = arith.addi %iota3A, %add3A_104 : vector<16xi32>
    %add3A_106 = arith.constant 16 : i32
    %add3A_107 = vector.broadcast %add3A_106 : i32 to vector<16xi32>
    %add3A_108 = arith.addi %iota3A, %add3A_107 : vector<16xi32>
    %add3A_109 = arith.constant 32 : i32
    %add3A_110 = vector.broadcast %add3A_109 : i32 to vector<16xi32>
    %add3A_111 = arith.addi %iota3A, %add3A_110 : vector<16xi32>
    %add3A_112 = arith.constant 48 : i32
    %add3A_113 = vector.broadcast %add3A_112 : i32 to vector<16xi32>
    %add3A_114 = arith.addi %iota3A, %add3A_113 : vector<16xi32>
    %add3A_115 = arith.constant 64 : i32
    %add3A_116 = vector.broadcast %add3A_115 : i32 to vector<16xi32>
    %add3A_117 = arith.addi %iota3A, %add3A_116 : vector<16xi32>
    %add3A_118 = arith.constant 80 : i32
    %add3A_119 = vector.broadcast %add3A_118 : i32 to vector<16xi32>
    %add3A_120 = arith.addi %iota3A, %add3A_119 : vector<16xi32>
    %add3A_121 = arith.constant 96 : i32
    %add3A_122 = vector.broadcast %add3A_121 : i32 to vector<16xi32>
    %add3A_123 = arith.addi %iota3A, %add3A_122 : vector<16xi32>
    %add3A_124 = arith.constant 112 : i32
    %add3A_125 = vector.broadcast %add3A_124 : i32 to vector<16xi32>
    %add3A_126 = arith.addi %iota3A, %add3A_125 : vector<16xi32>
    %add3A_127 = arith.constant 0 : i32
    %add3A_128 = vector.broadcast %add3A_127 : i32 to vector<16xi32>
    %add3A_129 = arith.addi %mul3A_7, %add3A_128 : vector<16xi32>
    %gather3A = tpu.vector_load_idx %arg5[%add3A_129] : memref<25600xi32, #tpu.memory_space<vmem>>[vector<16xi32>], vector<16xi32>,
    %swap3A = arith.constant 0 : index
    %swap3A_130 = tpu.vector_load %arg6[%swap3A] {strides = array<i32>} : memref<128xi32, #tpu.memory_space<vmem>>, vector<16xi32>,
    tpu.vector_store %arg6[%swap3A], %gather3A {strides = array<i32>} : memref<128xi32, #tpu.memory_space<vmem>>, vector<16xi32>,
    %add3A_131 = arith.constant 3200 : i32
    %add3A_132 = vector.broadcast %add3A_131 : i32 to vector<16xi32>
    %add3A_133 = arith.addi %mul3A_7, %add3A_132 : vector<16xi32>
    %gather3A_134 = tpu.vector_load_idx %arg5[%add3A_133] : memref<25600xi32, #tpu.memory_space<vmem>>[vector<16xi32>], vector<16xi32>,
    %swap3A_135 = arith.constant 16 : index
    %swap3A_136 = tpu.vector_load %arg6[%swap3A_135] {strides = array<i32>} : memref<128xi32, #tpu.memory_space<vmem>>, vector<16xi32>,
    tpu.vector_store %arg6[%swap3A_135], %gather3A_134 {strides = array<i32>} : memref<128xi32, #tpu.memory_space<vmem>>, vector<16xi32>,
    %add3A_137 = arith.constant 6400 : i32
    %add3A_138 = vector.broadcast %add3A_137 : i32 to vector<16xi32>
    %add3A_139 = arith.addi %mul3A_7, %add3A_138 : vector<16xi32>
    %gather3A_140 = tpu.vector_load_idx %arg5[%add3A_139] : memref<25600xi32, #tpu.memory_space<vmem>>[vector<16xi32>], vector<16xi32>,
    %swap3A_141 = arith.constant 32 : index
    %swap3A_142 = tpu.vector_load %arg6[%swap3A_141] {strides = array<i32>} : memref<128xi32, #tpu.memory_space<vmem>>, vector<16xi32>,
    tpu.vector_store %arg6[%swap3A_141], %gather3A_140 {strides = array<i32>} : memref<128xi32, #tpu.memory_space<vmem>>, vector<16xi32>,
    %add3A_143 = arith.constant 9600 : i32
    %add3A_144 = vector.broadcast %add3A_143 : i32 to vector<16xi32>
    %add3A_145 = arith.addi %mul3A_7, %add3A_144 : vector<16xi32>
    %gather3A_146 = tpu.vector_load_idx %arg5[%add3A_145] : memref<25600xi32, #tpu.memory_space<vmem>>[vector<16xi32>], vector<16xi32>,
    %swap3A_147 = arith.constant 48 : index
    %swap3A_148 = tpu.vector_load %arg6[%swap3A_147] {strides = array<i32>} : memref<128xi32, #tpu.memory_space<vmem>>, vector<16xi32>,
    tpu.vector_store %arg6[%swap3A_147], %gather3A_146 {strides = array<i32>} : memref<128xi32, #tpu.memory_space<vmem>>, vector<16xi32>,
    %add3A_149 = arith.constant 12800 : i32
    %add3A_150 = vector.broadcast %add3A_149 : i32 to vector<16xi32>
    %add3A_151 = arith.addi %mul3A_7, %add3A_150 : vector<16xi32>
    %gather3A_152 = tpu.vector_load_idx %arg5[%add3A_151] : memref<25600xi32, #tpu.memory_space<vmem>>[vector<16xi32>], vector<16xi32>,
    %swap3A_153 = arith.constant 64 : index
    %swap3A_154 = tpu.vector_load %arg6[%swap3A_153] {strides = array<i32>} : memref<128xi32, #tpu.memory_space<vmem>>, vector<16xi32>,
    tpu.vector_store %arg6[%swap3A_153], %gather3A_152 {strides = array<i32>} : memref<128xi32, #tpu.memory_space<vmem>>, vector<16xi32>,
    %add3A_155 = arith.constant 16000 : i32
    %add3A_156 = vector.broadcast %add3A_155 : i32 to vector<16xi32>
    %add3A_157 = arith.addi %mul3A_7, %add3A_156 : vector<16xi32>
    %gather3A_158 = tpu.vector_load_idx %arg5[%add3A_157] : memref<25600xi32, #tpu.memory_space<vmem>>[vector<16xi32>], vector<16xi32>,
    %swap3A_159 = arith.constant 80 : index
    %swap3A_160 = tpu.vector_load %arg6[%swap3A_159] {strides = array<i32>} : memref<128xi32, #tpu.memory_space<vmem>>, vector<16xi32>,
    tpu.vector_store %arg6[%swap3A_159], %gather3A_158 {strides = array<i32>} : memref<128xi32, #tpu.memory_space<vmem>>, vector<16xi32>,
    %add3A_161 = arith.constant 19200 : i32
    %add3A_162 = vector.broadcast %add3A_161 : i32 to vector<16xi32>
    %add3A_163 = arith.addi %mul3A_7, %add3A_162 : vector<16xi32>
    %gather3A_164 = tpu.vector_load_idx %arg5[%add3A_163] : memref<25600xi32, #tpu.memory_space<vmem>>[vector<16xi32>], vector<16xi32>,
    %swap3A_165 = arith.constant 96 : index
    %swap3A_166 = tpu.vector_load %arg6[%swap3A_165] {strides = array<i32>} : memref<128xi32, #tpu.memory_space<vmem>>, vector<16xi32>,
    tpu.vector_store %arg6[%swap3A_165], %gather3A_164 {strides = array<i32>} : memref<128xi32, #tpu.memory_space<vmem>>, vector<16xi32>,
    %add3A_167 = arith.constant 22400 : i32
    %add3A_168 = vector.broadcast %add3A_167 : i32 to vector<16xi32>
    %add3A_169 = arith.addi %mul3A_7, %add3A_168 : vector<16xi32>
    %gather3A_170 = tpu.vector_load_idx %arg5[%add3A_169] : memref<25600xi32, #tpu.memory_space<vmem>>[vector<16xi32>], vector<16xi32>,
    %swap3A_171 = arith.constant 112 : index
    %swap3A_172 = tpu.vector_load %arg6[%swap3A_171] {strides = array<i32>} : memref<128xi32, #tpu.memory_space<vmem>>, vector<16xi32>,
    tpu.vector_store %arg6[%swap3A_171], %gather3A_170 {strides = array<i32>} : memref<128xi32, #tpu.memory_space<vmem>>, vector<16xi32>,
    %dma_start3A = arith.constant 0 : i32
    %dma_start3A_173 = arith.constant 0 : i32
    %dma_start3A_174 = tpu.memref_slice %arg3[%dma_start3A, %dma_start3A_173] : memref<100000x64xf32, #tpu.memory_space<hbm>> -> memref<100000x64xf32, #tpu.memory_space<hbm>>
    tpu.enqueue_indirect_dma source(%dma_start3A_174 : memref<100000x64xf32, #tpu.memory_space<hbm>>) target(%arg8 : memref<128x64xf32, #tpu.memory_space<vmem>>) offsets(%arg6 : memref<128xi32, #tpu.memory_space<vmem>>) semaphore(%arg12 : memref<!tpu.dma_semaphore, #tpu.memory_space<semaphore_mem>>)
    %scan3A = arith.constant 0 : i32
    %scan3A_175 = arith.constant 0 : i32
    %scan3A_176 = arith.constant 100 : i32
    %scan3A_177 = arith.addi %scan3A_175, %scan3A_176 : i32
    %scan3A_178 = arith.constant 1 : i32
    scf.for %scan3A_435 = %scan3A_175 to %scan3A_177 step %scan3A_178  : i32 {
      %mul3A_436 = arith.constant 2 : i32
      %mul3A_437 = arith.muli %mul3A_436, %scan3A_435 : i32
      %add3A_438 = arith.constant 0 : i32
      %add3A_439 = arith.addi %mul3A_437, %add3A_438 : i32
      %add3A_440 = arith.constant 1 : i32
      %add3A_441 = arith.addi %add3A_439, %add3A_440 : i32
      %lt3A = arith.constant 200 : i32
      %lt3A_442 = arith.cmpi slt, %add3A_441, %lt3A : i32
      %convert_element_type3A = arith.extui %lt3A_442 : i1 to i32
      %cond3A = arith.constant 0 : i32
      %cond3A_443 = arith.cmpi ne, %convert_element_type3A, %cond3A : i32
      scf.if %cond3A_443 {
        %add3A_722 = arith.constant 1 : i32
        %add3A_723 = arith.addi %add3A_439, %add3A_722 : i32
        %add3A_724 = arith.constant 0 : i32
        %add3A_725 = arith.addi %add3A_724, %add3A_723 : i32
        %add3A_726 = vector.broadcast %add3A_725 : i32 to vector<16xi32>
        %add3A_727 = arith.addi %mul3A_7, %add3A_726 : vector<16xi32>
        %gather3A_728 = tpu.vector_load_idx %arg5[%add3A_727] : memref<25600xi32, #tpu.memory_space<vmem>>[vector<16xi32>], vector<16xi32>,
        %swap3A_729 = arith.constant 0 : index
        %swap3A_730 = tpu.vector_load %arg7[%swap3A_729] {strides = array<i32>} : memref<128xi32, #tpu.memory_space<vmem>>, vector<16xi32>,
        tpu.vector_store %arg7[%swap3A_729], %gather3A_728 {strides = array<i32>} : memref<128xi32, #tpu.memory_space<vmem>>, vector<16xi32>,
        %add3A_731 = arith.constant 3200 : i32
        %add3A_732 = arith.addi %add3A_731, %add3A_723 : i32
        %add3A_733 = vector.broadcast %add3A_732 : i32 to vector<16xi32>
        %add3A_734 = arith.addi %mul3A_7, %add3A_733 : vector<16xi32>
        %gather3A_735 = tpu.vector_load_idx %arg5[%add3A_734] : memref<25600xi32, #tpu.memory_space<vmem>>[vector<16xi32>], vector<16xi32>,
        %swap3A_736 = arith.constant 16 : index
        %swap3A_737 = tpu.vector_load %arg7[%swap3A_736] {strides = array<i32>} : memref<128xi32, #tpu.memory_space<vmem>>, vector<16xi32>,
        tpu.vector_store %arg7[%swap3A_736], %gather3A_735 {strides = array<i32>} : memref<128xi32, #tpu.memory_space<vmem>>, vector<16xi32>,
        %add3A_738 = arith.constant 6400 : i32
        %add3A_739 = arith.addi %add3A_738, %add3A_723 : i32
        %add3A_740 = vector.broadcast %add3A_739 : i32 to vector<16xi32>
        %add3A_741 = arith.addi %mul3A_7, %add3A_740 : vector<16xi32>
        %gather3A_742 = tpu.vector_load_idx %arg5[%add3A_741] : memref<25600xi32, #tpu.memory_space<vmem>>[vector<16xi32>], vector<16xi32>,
        %swap3A_743 = arith.constant 32 : index
        %swap3A_744 = tpu.vector_load %arg7[%swap3A_743] {strides = array<i32>} : memref<128xi32, #tpu.memory_space<vmem>>, vector<16xi32>,
        tpu.vector_store %arg7[%swap3A_743], %gather3A_742 {strides = array<i32>} : memref<128xi32, #tpu.memory_space<vmem>>, vector<16xi32>,
        %add3A_745 = arith.constant 9600 : i32
        %add3A_746 = arith.addi %add3A_745, %add3A_723 : i32
        %add3A_747 = vector.broadcast %add3A_746 : i32 to vector<16xi32>
        %add3A_748 = arith.addi %mul3A_7, %add3A_747 : vector<16xi32>
        %gather3A_749 = tpu.vector_load_idx %arg5[%add3A_748] : memref<25600xi32, #tpu.memory_space<vmem>>[vector<16xi32>], vector<16xi32>,
        %swap3A_750 = arith.constant 48 : index
        %swap3A_751 = tpu.vector_load %arg7[%swap3A_750] {strides = array<i32>} : memref<128xi32, #tpu.memory_space<vmem>>, vector<16xi32>,
        tpu.vector_store %arg7[%swap3A_750], %gather3A_749 {strides = array<i32>} : memref<128xi32, #tpu.memory_space<vmem>>, vector<16xi32>,
        %add3A_752 = arith.constant 12800 : i32
        %add3A_753 = arith.addi %add3A_752, %add3A_723 : i32
        %add3A_754 = vector.broadcast %add3A_753 : i32 to vector<16xi32>
        %add3A_755 = arith.addi %mul3A_7, %add3A_754 : vector<16xi32>
        %gather3A_756 = tpu.vector_load_idx %arg5[%add3A_755] : memref<25600xi32, #tpu.memory_space<vmem>>[vector<16xi32>], vector<16xi32>,
        %swap3A_757 = arith.constant 64 : index
        %swap3A_758 = tpu.vector_load %arg7[%swap3A_757] {strides = array<i32>} : memref<128xi32, #tpu.memory_space<vmem>>, vector<16xi32>,
        tpu.vector_store %arg7[%swap3A_757], %gather3A_756 {strides = array<i32>} : memref<128xi32, #tpu.memory_space<vmem>>, vector<16xi32>,
        %add3A_759 = arith.constant 16000 : i32
        %add3A_760 = arith.addi %add3A_759, %add3A_723 : i32
        %add3A_761 = vector.broadcast %add3A_760 : i32 to vector<16xi32>
        %add3A_762 = arith.addi %mul3A_7, %add3A_761 : vector<16xi32>
        %gather3A_763 = tpu.vector_load_idx %arg5[%add3A_762] : memref<25600xi32, #tpu.memory_space<vmem>>[vector<16xi32>], vector<16xi32>,
        %swap3A_764 = arith.constant 80 : index
        %swap3A_765 = tpu.vector_load %arg7[%swap3A_764] {strides = array<i32>} : memref<128xi32, #tpu.memory_space<vmem>>, vector<16xi32>,
        tpu.vector_store %arg7[%swap3A_764], %gather3A_763 {strides = array<i32>} : memref<128xi32, #tpu.memory_space<vmem>>, vector<16xi32>,
        %add3A_766 = arith.constant 19200 : i32
        %add3A_767 = arith.addi %add3A_766, %add3A_723 : i32
        %add3A_768 = vector.broadcast %add3A_767 : i32 to vector<16xi32>
        %add3A_769 = arith.addi %mul3A_7, %add3A_768 : vector<16xi32>
        %gather3A_770 = tpu.vector_load_idx %arg5[%add3A_769] : memref<25600xi32, #tpu.memory_space<vmem>>[vector<16xi32>], vector<16xi32>,
        %swap3A_771 = arith.constant 96 : index
        %swap3A_772 = tpu.vector_load %arg7[%swap3A_771] {strides = array<i32>} : memref<128xi32, #tpu.memory_space<vmem>>, vector<16xi32>,
        tpu.vector_store %arg7[%swap3A_771], %gather3A_770 {strides = array<i32>} : memref<128xi32, #tpu.memory_space<vmem>>, vector<16xi32>,
        %add3A_773 = arith.constant 22400 : i32
        %add3A_774 = arith.addi %add3A_773, %add3A_723 : i32
        %add3A_775 = vector.broadcast %add3A_774 : i32 to vector<16xi32>
        %add3A_776 = arith.addi %mul3A_7, %add3A_775 : vector<16xi32>
        %gather3A_777 = tpu.vector_load_idx %arg5[%add3A_776] : memref<25600xi32, #tpu.memory_space<vmem>>[vector<16xi32>], vector<16xi32>,
        %swap3A_778 = arith.constant 112 : index
        %swap3A_779 = tpu.vector_load %arg7[%swap3A_778] {strides = array<i32>} : memref<128xi32, #tpu.memory_space<vmem>>, vector<16xi32>,
        tpu.vector_store %arg7[%swap3A_778], %gather3A_777 {strides = array<i32>} : memref<128xi32, #tpu.memory_space<vmem>>, vector<16xi32>,
        %dma_start3A_780 = arith.constant 0 : i32
        %dma_start3A_781 = arith.constant 0 : i32
        %dma_start3A_782 = tpu.memref_slice %arg3[%dma_start3A_780, %dma_start3A_781] : memref<100000x64xf32, #tpu.memory_space<hbm>> -> memref<100000x64xf32, #tpu.memory_space<hbm>>
        tpu.enqueue_indirect_dma source(%dma_start3A_782 : memref<100000x64xf32, #tpu.memory_space<hbm>>) target(%arg9 : memref<128x64xf32, #tpu.memory_space<vmem>>) offsets(%arg7 : memref<128xi32, #tpu.memory_space<vmem>>) semaphore(%arg13 : memref<!tpu.dma_semaphore, #tpu.memory_space<semaphore_mem>>)
      } else {
      }
      %dma_wait3A_444 = arith.constant 0 : i32
      %dma_wait3A_445 = arith.constant 0 : i32
      %dma_wait3A_446 = tpu.memref_slice %arg3[%dma_wait3A_444, %dma_wait3A_445] : memref<100000x64xf32, #tpu.memory_space<hbm>> -> memref<100000x64xf32, #tpu.memory_space<hbm>>
      tpu.wait_indirect_dma semaphore(%arg12 : memref<!tpu.dma_semaphore, #tpu.memory_space<semaphore_mem>>) src(%dma_wait3A_446 : memref<100000x64xf32, #tpu.memory_space<hbm>>) dst(%arg8 : memref<128x64xf32, #tpu.memory_space<vmem>>)
      %ge3A = arith.constant 2 : i32
      %ge3A_447 = arith.cmpi sge, %add3A_439, %ge3A : i32
      %convert_element_type3A_448 = arith.extui %ge3A_447 : i1 to i32
      %cond3A_449 = arith.constant 0 : i32
      %cond3A_450 = arith.cmpi ne, %convert_element_type3A_448, %cond3A_449 : i32
      scf.if %cond3A_450 {
        %sub3A = arith.constant 2 : i32
        %sub3A_722 = arith.subi %add3A_439, %sub3A : i32
        %dma_wait3A_723 = arith.constant 0 : i32
        %dma_wait3A_724 = arith.constant 0 : i32
        %dma_wait3A_725 = arith.constant 0 : i32
        %dma_wait3A_726 = tpu.memref_slice %arg10[%dma_wait3A_724, %dma_wait3A_725] : memref<64x128xf32, #tpu.memory_space<vmem>> -> memref<8x128xf32, #tpu.memory_space<vmem>>
        %dma_wait3A_727 = arith.constant 0 : i32
        %dma_wait3A_728 = arith.constant 0 : i32
        %dma_wait3A_729 = tpu.memref_slice %arg4[%sub3A_722, %dma_wait3A_723, %add3A, %dma_wait3A_727, %dma_wait3A_728] : memref<200x8x32x8x128xf32, #tpu.memory_space<hbm>> -> memref<1x1x1x8x128xf32, #tpu.memory_space<hbm>>
        %dma_wait3A_730 = tpu.memref_squeeze %dma_wait3A_729 : memref<1x1x1x8x128xf32, #tpu.memory_space<hbm>> -> memref<8x128xf32, #tpu.memory_space<hbm>>
        %dma_wait3A_731 = arith.constant 0 : i32
        %dma_wait3A_732 = arith.constant 0 : i32
        %dma_wait3A_733 = tpu.memref_slice %arg4[%sub3A_722, %dma_wait3A_723, %add3A, %dma_wait3A_731, %dma_wait3A_732] : memref<200x8x32x8x128xf32, #tpu.memory_space<hbm>> -> memref<1x1x1x8x128xf32, #tpu.memory_space<hbm>>
        %dma_wait3A_734 = tpu.memref_squeeze %dma_wait3A_733 : memref<1x1x1x8x128xf32, #tpu.memory_space<hbm>> -> memref<8x128xf32, #tpu.memory_space<hbm>>
        %dma_wait3A_735 = arith.constant 0 : i32
        %dma_wait3A_736 = arith.constant 0 : i32
        %dma_wait3A_737 = tpu.memref_slice %arg10[%dma_wait3A_735, %dma_wait3A_736] : memref<64x128xf32, #tpu.memory_space<vmem>> -> memref<8x128xf32, #tpu.memory_space<vmem>>
        tpu.wait_dma2 semaphore(%arg14 : memref<!tpu.dma_semaphore, #tpu.memory_space<semaphore_mem>>) src(%dma_wait3A_737 : memref<8x128xf32, #tpu.memory_space<vmem>>) dst(%dma_wait3A_734 : memref<8x128xf32, #tpu.memory_space<hbm>>)
        %dma_wait3A_738 = arith.constant 1 : i32
        %dma_wait3A_739 = arith.constant 8 : i32
        %dma_wait3A_740 = arith.constant 0 : i32
        %dma_wait3A_741 = tpu.memref_slice %arg10[%dma_wait3A_739, %dma_wait3A_740] : memref<64x128xf32, #tpu.memory_space<vmem>> -> memref<8x128xf32, #tpu.memory_space<vmem>>
        %dma_wait3A_742 = arith.constant 0 : i32
        %dma_wait3A_743 = arith.constant 0 : i32
        %dma_wait3A_744 = tpu.memref_slice %arg4[%sub3A_722, %dma_wait3A_738, %add3A, %dma_wait3A_742, %dma_wait3A_743] : memref<200x8x32x8x128xf32, #tpu.memory_space<hbm>> -> memref<1x1x1x8x128xf32, #tpu.memory_space<hbm>>
        %dma_wait3A_745 = tpu.memref_squeeze %dma_wait3A_744 : memref<1x1x1x8x128xf32, #tpu.memory_space<hbm>> -> memref<8x128xf32, #tpu.memory_space<hbm>>
        %dma_wait3A_746 = arith.constant 0 : i32
        %dma_wait3A_747 = arith.constant 0 : i32
        %dma_wait3A_748 = tpu.memref_slice %arg4[%sub3A_722, %dma_wait3A_738, %add3A, %dma_wait3A_746, %dma_wait3A_747] : memref<200x8x32x8x128xf32, #tpu.memory_space<hbm>> -> memref<1x1x1x8x128xf32, #tpu.memory_space<hbm>>
        %dma_wait3A_749 = tpu.memref_squeeze %dma_wait3A_748 : memref<1x1x1x8x128xf32, #tpu.memory_space<hbm>> -> memref<8x128xf32, #tpu.memory_space<hbm>>
        %dma_wait3A_750 = arith.constant 8 : i32
        %dma_wait3A_751 = arith.constant 0 : i32
        %dma_wait3A_752 = tpu.memref_slice %arg10[%dma_wait3A_750, %dma_wait3A_751] : memref<64x128xf32, #tpu.memory_space<vmem>> -> memref<8x128xf32, #tpu.memory_space<vmem>>
        tpu.wait_dma2 semaphore(%arg14 : memref<!tpu.dma_semaphore, #tpu.memory_space<semaphore_mem>>) src(%dma_wait3A_752 : memref<8x128xf32, #tpu.memory_space<vmem>>) dst(%dma_wait3A_749 : memref<8x128xf32, #tpu.memory_space<hbm>>)
        %dma_wait3A_753 = arith.constant 2 : i32
        %dma_wait3A_754 = arith.constant 16 : i32
        %dma_wait3A_755 = arith.constant 0 : i32
        %dma_wait3A_756 = tpu.memref_slice %arg10[%dma_wait3A_754, %dma_wait3A_755] : memref<64x128xf32, #tpu.memory_space<vmem>> -> memref<8x128xf32, #tpu.memory_space<vmem>>
        %dma_wait3A_757 = arith.constant 0 : i32
        %dma_wait3A_758 = arith.constant 0 : i32
        %dma_wait3A_759 = tpu.memref_slice %arg4[%sub3A_722, %dma_wait3A_753, %add3A, %dma_wait3A_757, %dma_wait3A_758] : memref<200x8x32x8x128xf32, #tpu.memory_space<hbm>> -> memref<1x1x1x8x128xf32, #tpu.memory_space<hbm>>
        %dma_wait3A_760 = tpu.memref_squeeze %dma_wait3A_759 : memref<1x1x1x8x128xf32, #tpu.memory_space<hbm>> -> memref<8x128xf32, #tpu.memory_space<hbm>>
        %dma_wait3A_761 = arith.constant 0 : i32
        %dma_wait3A_762 = arith.constant 0 : i32
        %dma_wait3A_763 = tpu.memref_slice %arg4[%sub3A_722, %dma_wait3A_753, %add3A, %dma_wait3A_761, %dma_wait3A_762] : memref<200x8x32x8x128xf32, #tpu.memory_space<hbm>> -> memref<1x1x1x8x128xf32, #tpu.memory_space<hbm>>
        %dma_wait3A_764 = tpu.memref_squeeze %dma_wait3A_763 : memref<1x1x1x8x128xf32, #tpu.memory_space<hbm>> -> memref<8x128xf32, #tpu.memory_space<hbm>>
        %dma_wait3A_765 = arith.constant 16 : i32
        %dma_wait3A_766 = arith.constant 0 : i32
        %dma_wait3A_767 = tpu.memref_slice %arg10[%dma_wait3A_765, %dma_wait3A_766] : memref<64x128xf32, #tpu.memory_space<vmem>> -> memref<8x128xf32, #tpu.memory_space<vmem>>
        tpu.wait_dma2 semaphore(%arg14 : memref<!tpu.dma_semaphore, #tpu.memory_space<semaphore_mem>>) src(%dma_wait3A_767 : memref<8x128xf32, #tpu.memory_space<vmem>>) dst(%dma_wait3A_764 : memref<8x128xf32, #tpu.memory_space<hbm>>)
        %dma_wait3A_768 = arith.constant 3 : i32
        %dma_wait3A_769 = arith.constant 24 : i32
        %dma_wait3A_770 = arith.constant 0 : i32
        %dma_wait3A_771 = tpu.memref_slice %arg10[%dma_wait3A_769, %dma_wait3A_770] : memref<64x128xf32, #tpu.memory_space<vmem>> -> memref<8x128xf32, #tpu.memory_space<vmem>>
        %dma_wait3A_772 = arith.constant 0 : i32
        %dma_wait3A_773 = arith.constant 0 : i32
        %dma_wait3A_774 = tpu.memref_slice %arg4[%sub3A_722, %dma_wait3A_768, %add3A, %dma_wait3A_772, %dma_wait3A_773] : memref<200x8x32x8x128xf32, #tpu.memory_space<hbm>> -> memref<1x1x1x8x128xf32, #tpu.memory_space<hbm>>
        %dma_wait3A_775 = tpu.memref_squeeze %dma_wait3A_774 : memref<1x1x1x8x128xf32, #tpu.memory_space<hbm>> -> memref<8x128xf32, #tpu.memory_space<hbm>>
        %dma_wait3A_776 = arith.constant 0 : i32
        %dma_wait3A_777 = arith.constant 0 : i32
        %dma_wait3A_778 = tpu.memref_slice %arg4[%sub3A_722, %dma_wait3A_768, %add3A, %dma_wait3A_776, %dma_wait3A_777] : memref<200x8x32x8x128xf32, #tpu.memory_space<hbm>> -> memref<1x1x1x8x128xf32, #tpu.memory_space<hbm>>
        %dma_wait3A_779 = tpu.memref_squeeze %dma_wait3A_778 : memref<1x1x1x8x128xf32, #tpu.memory_space<hbm>> -> memref<8x128xf32, #tpu.memory_space<hbm>>
        %dma_wait3A_780 = arith.constant 24 : i32
        %dma_wait3A_781 = arith.constant 0 : i32
        %dma_wait3A_782 = tpu.memref_slice %arg10[%dma_wait3A_780, %dma_wait3A_781] : memref<64x128xf32, #tpu.memory_space<vmem>> -> memref<8x128xf32, #tpu.memory_space<vmem>>
        tpu.wait_dma2 semaphore(%arg14 : memref<!tpu.dma_semaphore, #tpu.memory_space<semaphore_mem>>) src(%dma_wait3A_782 : memref<8x128xf32, #tpu.memory_space<vmem>>) dst(%dma_wait3A_779 : memref<8x128xf32, #tpu.memory_space<hbm>>)
        %dma_wait3A_783 = arith.constant 4 : i32
        %dma_wait3A_784 = arith.constant 32 : i32
        %dma_wait3A_785 = arith.constant 0 : i32
        %dma_wait3A_786 = tpu.memref_slice %arg10[%dma_wait3A_784, %dma_wait3A_785] : memref<64x128xf32, #tpu.memory_space<vmem>> -> memref<8x128xf32, #tpu.memory_space<vmem>>
        %dma_wait3A_787 = arith.constant 0 : i32
        %dma_wait3A_788 = arith.constant 0 : i32
        %dma_wait3A_789 = tpu.memref_slice %arg4[%sub3A_722, %dma_wait3A_783, %add3A, %dma_wait3A_787, %dma_wait3A_788] : memref<200x8x32x8x128xf32, #tpu.memory_space<hbm>> -> memref<1x1x1x8x128xf32, #tpu.memory_space<hbm>>
        %dma_wait3A_790 = tpu.memref_squeeze %dma_wait3A_789 : memref<1x1x1x8x128xf32, #tpu.memory_space<hbm>> -> memref<8x128xf32, #tpu.memory_space<hbm>>
        %dma_wait3A_791 = arith.constant 0 : i32
        %dma_wait3A_792 = arith.constant 0 : i32
        %dma_wait3A_793 = tpu.memref_slice %arg4[%sub3A_722, %dma_wait3A_783, %add3A, %dma_wait3A_791, %dma_wait3A_792] : memref<200x8x32x8x128xf32, #tpu.memory_space<hbm>> -> memref<1x1x1x8x128xf32, #tpu.memory_space<hbm>>
        %dma_wait3A_794 = tpu.memref_squeeze %dma_wait3A_793 : memref<1x1x1x8x128xf32, #tpu.memory_space<hbm>> -> memref<8x128xf32, #tpu.memory_space<hbm>>
        %dma_wait3A_795 = arith.constant 32 : i32
        %dma_wait3A_796 = arith.constant 0 : i32
        %dma_wait3A_797 = tpu.memref_slice %arg10[%dma_wait3A_795, %dma_wait3A_796] : memref<64x128xf32, #tpu.memory_space<vmem>> -> memref<8x128xf32, #tpu.memory_space<vmem>>
        tpu.wait_dma2 semaphore(%arg14 : memref<!tpu.dma_semaphore, #tpu.memory_space<semaphore_mem>>) src(%dma_wait3A_797 : memref<8x128xf32, #tpu.memory_space<vmem>>) dst(%dma_wait3A_794 : memref<8x128xf32, #tpu.memory_space<hbm>>)
        %dma_wait3A_798 = arith.constant 5 : i32
        %dma_wait3A_799 = arith.constant 40 : i32
        %dma_wait3A_800 = arith.constant 0 : i32
        %dma_wait3A_801 = tpu.memref_slice %arg10[%dma_wait3A_799, %dma_wait3A_800] : memref<64x128xf32, #tpu.memory_space<vmem>> -> memref<8x128xf32, #tpu.memory_space<vmem>>
        %dma_wait3A_802 = arith.constant 0 : i32
        %dma_wait3A_803 = arith.constant 0 : i32
        %dma_wait3A_804 = tpu.memref_slice %arg4[%sub3A_722, %dma_wait3A_798, %add3A, %dma_wait3A_802, %dma_wait3A_803] : memref<200x8x32x8x128xf32, #tpu.memory_space<hbm>> -> memref<1x1x1x8x128xf32, #tpu.memory_space<hbm>>
        %dma_wait3A_805 = tpu.memref_squeeze %dma_wait3A_804 : memref<1x1x1x8x128xf32, #tpu.memory_space<hbm>> -> memref<8x128xf32, #tpu.memory_space<hbm>>
        %dma_wait3A_806 = arith.constant 0 : i32
        %dma_wait3A_807 = arith.constant 0 : i32
        %dma_wait3A_808 = tpu.memref_slice %arg4[%sub3A_722, %dma_wait3A_798, %add3A, %dma_wait3A_806, %dma_wait3A_807] : memref<200x8x32x8x128xf32, #tpu.memory_space<hbm>> -> memref<1x1x1x8x128xf32, #tpu.memory_space<hbm>>
        %dma_wait3A_809 = tpu.memref_squeeze %dma_wait3A_808 : memref<1x1x1x8x128xf32, #tpu.memory_space<hbm>> -> memref<8x128xf32, #tpu.memory_space<hbm>>
        %dma_wait3A_810 = arith.constant 40 : i32
        %dma_wait3A_811 = arith.constant 0 : i32
        %dma_wait3A_812 = tpu.memref_slice %arg10[%dma_wait3A_810, %dma_wait3A_811] : memref<64x128xf32, #tpu.memory_space<vmem>> -> memref<8x128xf32, #tpu.memory_space<vmem>>
        tpu.wait_dma2 semaphore(%arg14 : memref<!tpu.dma_semaphore, #tpu.memory_space<semaphore_mem>>) src(%dma_wait3A_812 : memref<8x128xf32, #tpu.memory_space<vmem>>) dst(%dma_wait3A_809 : memref<8x128xf32, #tpu.memory_space<hbm>>)
        %dma_wait3A_813 = arith.constant 6 : i32
        %dma_wait3A_814 = arith.constant 48 : i32
        %dma_wait3A_815 = arith.constant 0 : i32
        %dma_wait3A_816 = tpu.memref_slice %arg10[%dma_wait3A_814, %dma_wait3A_815] : memref<64x128xf32, #tpu.memory_space<vmem>> -> memref<8x128xf32, #tpu.memory_space<vmem>>
        %dma_wait3A_817 = arith.constant 0 : i32
        %dma_wait3A_818 = arith.constant 0 : i32
        %dma_wait3A_819 = tpu.memref_slice %arg4[%sub3A_722, %dma_wait3A_813, %add3A, %dma_wait3A_817, %dma_wait3A_818] : memref<200x8x32x8x128xf32, #tpu.memory_space<hbm>> -> memref<1x1x1x8x128xf32, #tpu.memory_space<hbm>>
        %dma_wait3A_820 = tpu.memref_squeeze %dma_wait3A_819 : memref<1x1x1x8x128xf32, #tpu.memory_space<hbm>> -> memref<8x128xf32, #tpu.memory_space<hbm>>
        %dma_wait3A_821 = arith.constant 0 : i32
        %dma_wait3A_822 = arith.constant 0 : i32
        %dma_wait3A_823 = tpu.memref_slice %arg4[%sub3A_722, %dma_wait3A_813, %add3A, %dma_wait3A_821, %dma_wait3A_822] : memref<200x8x32x8x128xf32, #tpu.memory_space<hbm>> -> memref<1x1x1x8x128xf32, #tpu.memory_space<hbm>>
        %dma_wait3A_824 = tpu.memref_squeeze %dma_wait3A_823 : memref<1x1x1x8x128xf32, #tpu.memory_space<hbm>> -> memref<8x128xf32, #tpu.memory_space<hbm>>
        %dma_wait3A_825 = arith.constant 48 : i32
        %dma_wait3A_826 = arith.constant 0 : i32
        %dma_wait3A_827 = tpu.memref_slice %arg10[%dma_wait3A_825, %dma_wait3A_826] : memref<64x128xf32, #tpu.memory_space<vmem>> -> memref<8x128xf32, #tpu.memory_space<vmem>>
        tpu.wait_dma2 semaphore(%arg14 : memref<!tpu.dma_semaphore, #tpu.memory_space<semaphore_mem>>) src(%dma_wait3A_827 : memref<8x128xf32, #tpu.memory_space<vmem>>) dst(%dma_wait3A_824 : memref<8x128xf32, #tpu.memory_space<hbm>>)
        %dma_wait3A_828 = arith.constant 7 : i32
        %dma_wait3A_829 = arith.constant 56 : i32
        %dma_wait3A_830 = arith.constant 0 : i32
        %dma_wait3A_831 = tpu.memref_slice %arg10[%dma_wait3A_829, %dma_wait3A_830] : memref<64x128xf32, #tpu.memory_space<vmem>> -> memref<8x128xf32, #tpu.memory_space<vmem>>
        %dma_wait3A_832 = arith.constant 0 : i32
        %dma_wait3A_833 = arith.constant 0 : i32
        %dma_wait3A_834 = tpu.memref_slice %arg4[%sub3A_722, %dma_wait3A_828, %add3A, %dma_wait3A_832, %dma_wait3A_833] : memref<200x8x32x8x128xf32, #tpu.memory_space<hbm>> -> memref<1x1x1x8x128xf32, #tpu.memory_space<hbm>>
        %dma_wait3A_835 = tpu.memref_squeeze %dma_wait3A_834 : memref<1x1x1x8x128xf32, #tpu.memory_space<hbm>> -> memref<8x128xf32, #tpu.memory_space<hbm>>
        %dma_wait3A_836 = arith.constant 0 : i32
        %dma_wait3A_837 = arith.constant 0 : i32
        %dma_wait3A_838 = tpu.memref_slice %arg4[%sub3A_722, %dma_wait3A_828, %add3A, %dma_wait3A_836, %dma_wait3A_837] : memref<200x8x32x8x128xf32, #tpu.memory_space<hbm>> -> memref<1x1x1x8x128xf32, #tpu.memory_space<hbm>>
        %dma_wait3A_839 = tpu.memref_squeeze %dma_wait3A_838 : memref<1x1x1x8x128xf32, #tpu.memory_space<hbm>> -> memref<8x128xf32, #tpu.memory_space<hbm>>
        %dma_wait3A_840 = arith.constant 56 : i32
        %dma_wait3A_841 = arith.constant 0 : i32
        %dma_wait3A_842 = tpu.memref_slice %arg10[%dma_wait3A_840, %dma_wait3A_841] : memref<64x128xf32, #tpu.memory_space<vmem>> -> memref<8x128xf32, #tpu.memory_space<vmem>>
        tpu.wait_dma2 semaphore(%arg14 : memref<!tpu.dma_semaphore, #tpu.memory_space<semaphore_mem>>) src(%dma_wait3A_842 : memref<8x128xf32, #tpu.memory_space<vmem>>) dst(%dma_wait3A_839 : memref<8x128xf32, #tpu.memory_space<hbm>>)
      } else {
      }
      %scan3A_451 = arith.constant 0 : i32
      %scan3A_452 = arith.constant 0 : i32
      %scan3A_453 = arith.constant 4 : i32
      %scan3A_454 = arith.addi %scan3A_452, %scan3A_453 : i32
      %scan3A_455 = arith.constant 1 : i32
      scf.for %scan3A_722 = %scan3A_452 to %scan3A_454 step %scan3A_455  : i32 {
        %mul3A_723 = arith.constant 16 : i32
        %mul3A_724 = arith.muli %scan3A_722, %mul3A_723 : i32
        %add3A_725 = vector.broadcast %mul3A_724 : i32 to vector<16xi32>
        %add3A_726 = arith.addi %and3A_12, %add3A_725 : vector<16xi32>
        %add3A_727 = vector.broadcast %mul3A_724 : i32 to vector<16xi32>
        %add3A_728 = arith.addi %and3A_18, %add3A_727 : vector<16xi32>
        %add3A_729 = vector.broadcast %mul3A_724 : i32 to vector<16xi32>
        %add3A_730 = arith.addi %and3A_24, %add3A_729 : vector<16xi32>
        %add3A_731 = vector.broadcast %mul3A_724 : i32 to vector<16xi32>
        %add3A_732 = arith.addi %and3A_30, %add3A_731 : vector<16xi32>
        %add3A_733 = vector.broadcast %mul3A_724 : i32 to vector<16xi32>
        %add3A_734 = arith.addi %and3A_36, %add3A_733 : vector<16xi32>
        %add3A_735 = vector.broadcast %mul3A_724 : i32 to vector<16xi32>
        %add3A_736 = arith.addi %and3A_42, %add3A_735 : vector<16xi32>
        %add3A_737 = vector.broadcast %mul3A_724 : i32 to vector<16xi32>
        %add3A_738 = arith.addi %and3A_48, %add3A_737 : vector<16xi32>
        %add3A_739 = vector.broadcast %mul3A_724 : i32 to vector<16xi32>
        %add3A_740 = arith.addi %and3A_54, %add3A_739 : vector<16xi32>
        %add3A_741 = vector.broadcast %mul3A_724 : i32 to vector<16xi32>
        %add3A_742 = arith.addi %and3A_60, %add3A_741 : vector<16xi32>
        %add3A_743 = vector.broadcast %mul3A_724 : i32 to vector<16xi32>
        %add3A_744 = arith.addi %and3A_66, %add3A_743 : vector<16xi32>
        %add3A_745 = vector.broadcast %mul3A_724 : i32 to vector<16xi32>
        %add3A_746 = arith.addi %and3A_72, %add3A_745 : vector<16xi32>
        %add3A_747 = vector.broadcast %mul3A_724 : i32 to vector<16xi32>
        %add3A_748 = arith.addi %and3A_78, %add3A_747 : vector<16xi32>
        %add3A_749 = vector.broadcast %mul3A_724 : i32 to vector<16xi32>
        %add3A_750 = arith.addi %and3A_84, %add3A_749 : vector<16xi32>
        %add3A_751 = vector.broadcast %mul3A_724 : i32 to vector<16xi32>
        %add3A_752 = arith.addi %and3A_90, %add3A_751 : vector<16xi32>
        %add3A_753 = vector.broadcast %mul3A_724 : i32 to vector<16xi32>
        %add3A_754 = arith.addi %and3A_96, %add3A_753 : vector<16xi32>
        %add3A_755 = vector.broadcast %mul3A_724 : i32 to vector<16xi32>
        %add3A_756 = arith.addi %and3A_102, %add3A_755 : vector<16xi32>
        %gather3A_757 = tpu.vector_load_idx %arg8[%add3A_105, %add3A_726] : memref<128x64xf32, #tpu.memory_space<vmem>>[vector<16xi32>, vector<16xi32>], vector<16xf32>,
        tpu.vector_store_idx %arg10[%add3A_726, %add3A_105], %gather3A_757 : memref<64x128xf32, #tpu.memory_space<vmem>>[vector<16xi32>, vector<16xi32>], vector<16xf32>,
        %gather3A_758 = tpu.vector_load_idx %arg8[%add3A_108, %add3A_726] : memref<128x64xf32, #tpu.memory_space<vmem>>[vector<16xi32>, vector<16xi32>], vector<16xf32>,
        tpu.vector_store_idx %arg10[%add3A_726, %add3A_108], %gather3A_758 : memref<64x128xf32, #tpu.memory_space<vmem>>[vector<16xi32>, vector<16xi32>], vector<16xf32>,
        %gather3A_759 = tpu.vector_load_idx %arg8[%add3A_111, %add3A_726] : memref<128x64xf32, #tpu.memory_space<vmem>>[vector<16xi32>, vector<16xi32>], vector<16xf32>,
        tpu.vector_store_idx %arg10[%add3A_726, %add3A_111], %gather3A_759 : memref<64x128xf32, #tpu.memory_space<vmem>>[vector<16xi32>, vector<16xi32>], vector<16xf32>,
        %gather3A_760 = tpu.vector_load_idx %arg8[%add3A_114, %add3A_726] : memref<128x64xf32, #tpu.memory_space<vmem>>[vector<16xi32>, vector<16xi32>], vector<16xf32>,
        tpu.vector_store_idx %arg10[%add3A_726, %add3A_114], %gather3A_760 : memref<64x128xf32, #tpu.memory_space<vmem>>[vector<16xi32>, vector<16xi32>], vector<16xf32>,
        %gather3A_761 = tpu.vector_load_idx %arg8[%add3A_117, %add3A_726] : memref<128x64xf32, #tpu.memory_space<vmem>>[vector<16xi32>, vector<16xi32>], vector<16xf32>,
        tpu.vector_store_idx %arg10[%add3A_726, %add3A_117], %gather3A_761 : memref<64x128xf32, #tpu.memory_space<vmem>>[vector<16xi32>, vector<16xi32>], vector<16xf32>,
        %gather3A_762 = tpu.vector_load_idx %arg8[%add3A_120, %add3A_726] : memref<128x64xf32, #tpu.memory_space<vmem>>[vector<16xi32>, vector<16xi32>], vector<16xf32>,
        tpu.vector_store_idx %arg10[%add3A_726, %add3A_120], %gather3A_762 : memref<64x128xf32, #tpu.memory_space<vmem>>[vector<16xi32>, vector<16xi32>], vector<16xf32>,
        %gather3A_763 = tpu.vector_load_idx %arg8[%add3A_123, %add3A_726] : memref<128x64xf32, #tpu.memory_space<vmem>>[vector<16xi32>, vector<16xi32>], vector<16xf32>,
        tpu.vector_store_idx %arg10[%add3A_726, %add3A_123], %gather3A_763 : memref<64x128xf32, #tpu.memory_space<vmem>>[vector<16xi32>, vector<16xi32>], vector<16xf32>,
        %gather3A_764 = tpu.vector_load_idx %arg8[%add3A_126, %add3A_726] : memref<128x64xf32, #tpu.memory_space<vmem>>[vector<16xi32>, vector<16xi32>], vector<16xf32>,
        tpu.vector_store_idx %arg10[%add3A_726, %add3A_126], %gather3A_764 : memref<64x128xf32, #tpu.memory_space<vmem>>[vector<16xi32>, vector<16xi32>], vector<16xf32>,
        %gather3A_765 = tpu.vector_load_idx %arg8[%add3A_105, %add3A_728] : memref<128x64xf32, #tpu.memory_space<vmem>>[vector<16xi32>, vector<16xi32>], vector<16xf32>,
        tpu.vector_store_idx %arg10[%add3A_728, %add3A_105], %gather3A_765 : memref<64x128xf32, #tpu.memory_space<vmem>>[vector<16xi32>, vector<16xi32>], vector<16xf32>,
        %gather3A_766 = tpu.vector_load_idx %arg8[%add3A_108, %add3A_728] : memref<128x64xf32, #tpu.memory_space<vmem>>[vector<16xi32>, vector<16xi32>], vector<16xf32>,
        tpu.vector_store_idx %arg10[%add3A_728, %add3A_108], %gather3A_766 : memref<64x128xf32, #tpu.memory_space<vmem>>[vector<16xi32>, vector<16xi32>], vector<16xf32>,
        %gather3A_767 = tpu.vector_load_idx %arg8[%add3A_111, %add3A_728] : memref<128x64xf32, #tpu.memory_space<vmem>>[vector<16xi32>, vector<16xi32>], vector<16xf32>,
        tpu.vector_store_idx %arg10[%add3A_728, %add3A_111], %gather3A_767 : memref<64x128xf32, #tpu.memory_space<vmem>>[vector<16xi32>, vector<16xi32>], vector<16xf32>,
        %gather3A_768 = tpu.vector_load_idx %arg8[%add3A_114, %add3A_728] : memref<128x64xf32, #tpu.memory_space<vmem>>[vector<16xi32>, vector<16xi32>], vector<16xf32>,
        tpu.vector_store_idx %arg10[%add3A_728, %add3A_114], %gather3A_768 : memref<64x128xf32, #tpu.memory_space<vmem>>[vector<16xi32>, vector<16xi32>], vector<16xf32>,
        %gather3A_769 = tpu.vector_load_idx %arg8[%add3A_117, %add3A_728] : memref<128x64xf32, #tpu.memory_space<vmem>>[vector<16xi32>, vector<16xi32>], vector<16xf32>,
        tpu.vector_store_idx %arg10[%add3A_728, %add3A_117], %gather3A_769 : memref<64x128xf32, #tpu.memory_space<vmem>>[vector<16xi32>, vector<16xi32>], vector<16xf32>,
        %gather3A_770 = tpu.vector_load_idx %arg8[%add3A_120, %add3A_728] : memref<128x64xf32, #tpu.memory_space<vmem>>[vector<16xi32>, vector<16xi32>], vector<16xf32>,
        tpu.vector_store_idx %arg10[%add3A_728, %add3A_120], %gather3A_770 : memref<64x128xf32, #tpu.memory_space<vmem>>[vector<16xi32>, vector<16xi32>], vector<16xf32>,
        %gather3A_771 = tpu.vector_load_idx %arg8[%add3A_123, %add3A_728] : memref<128x64xf32, #tpu.memory_space<vmem>>[vector<16xi32>, vector<16xi32>], vector<16xf32>,
        tpu.vector_store_idx %arg10[%add3A_728, %add3A_123], %gather3A_771 : memref<64x128xf32, #tpu.memory_space<vmem>>[vector<16xi32>, vector<16xi32>], vector<16xf32>,
        %gather3A_772 = tpu.vector_load_idx %arg8[%add3A_126, %add3A_728] : memref<128x64xf32, #tpu.memory_space<vmem>>[vector<16xi32>, vector<16xi32>], vector<16xf32>,
        tpu.vector_store_idx %arg10[%add3A_728, %add3A_126], %gather3A_772 : memref<64x128xf32, #tpu.memory_space<vmem>>[vector<16xi32>, vector<16xi32>], vector<16xf32>,
        %gather3A_773 = tpu.vector_load_idx %arg8[%add3A_105, %add3A_730] : memref<128x64xf32, #tpu.memory_space<vmem>>[vector<16xi32>, vector<16xi32>], vector<16xf32>,
        tpu.vector_store_idx %arg10[%add3A_730, %add3A_105], %gather3A_773 : memref<64x128xf32, #tpu.memory_space<vmem>>[vector<16xi32>, vector<16xi32>], vector<16xf32>,
        %gather3A_774 = tpu.vector_load_idx %arg8[%add3A_108, %add3A_730] : memref<128x64xf32, #tpu.memory_space<vmem>>[vector<16xi32>, vector<16xi32>], vector<16xf32>,
        tpu.vector_store_idx %arg10[%add3A_730, %add3A_108], %gather3A_774 : memref<64x128xf32, #tpu.memory_space<vmem>>[vector<16xi32>, vector<16xi32>], vector<16xf32>,
        %gather3A_775 = tpu.vector_load_idx %arg8[%add3A_111, %add3A_730] : memref<128x64xf32, #tpu.memory_space<vmem>>[vector<16xi32>, vector<16xi32>], vector<16xf32>,
        tpu.vector_store_idx %arg10[%add3A_730, %add3A_111], %gather3A_775 : memref<64x128xf32, #tpu.memory_space<vmem>>[vector<16xi32>, vector<16xi32>], vector<16xf32>,
        %gather3A_776 = tpu.vector_load_idx %arg8[%add3A_114, %add3A_730] : memref<128x64xf32, #tpu.memory_space<vmem>>[vector<16xi32>, vector<16xi32>], vector<16xf32>,
        tpu.vector_store_idx %arg10[%add3A_730, %add3A_114], %gather3A_776 : memref<64x128xf32, #tpu.memory_space<vmem>>[vector<16xi32>, vector<16xi32>], vector<16xf32>,
        %gather3A_777 = tpu.vector_load_idx %arg8[%add3A_117, %add3A_730] : memref<128x64xf32, #tpu.memory_space<vmem>>[vector<16xi32>, vector<16xi32>], vector<16xf32>,
        tpu.vector_store_idx %arg10[%add3A_730, %add3A_117], %gather3A_777 : memref<64x128xf32, #tpu.memory_space<vmem>>[vector<16xi32>, vector<16xi32>], vector<16xf32>,
        %gather3A_778 = tpu.vector_load_idx %arg8[%add3A_120, %add3A_730] : memref<128x64xf32, #tpu.memory_space<vmem>>[vector<16xi32>, vector<16xi32>], vector<16xf32>,
        tpu.vector_store_idx %arg10[%add3A_730, %add3A_120], %gather3A_778 : memref<64x128xf32, #tpu.memory_space<vmem>>[vector<16xi32>, vector<16xi32>], vector<16xf32>,
        %gather3A_779 = tpu.vector_load_idx %arg8[%add3A_123, %add3A_730] : memref<128x64xf32, #tpu.memory_space<vmem>>[vector<16xi32>, vector<16xi32>], vector<16xf32>,
        tpu.vector_store_idx %arg10[%add3A_730, %add3A_123], %gather3A_779 : memref<64x128xf32, #tpu.memory_space<vmem>>[vector<16xi32>, vector<16xi32>], vector<16xf32>,
        %gather3A_780 = tpu.vector_load_idx %arg8[%add3A_126, %add3A_730] : memref<128x64xf32, #tpu.memory_space<vmem>>[vector<16xi32>, vector<16xi32>], vector<16xf32>,
        tpu.vector_store_idx %arg10[%add3A_730, %add3A_126], %gather3A_780 : memref<64x128xf32, #tpu.memory_space<vmem>>[vector<16xi32>, vector<16xi32>], vector<16xf32>,
        %gather3A_781 = tpu.vector_load_idx %arg8[%add3A_105, %add3A_732] : memref<128x64xf32, #tpu.memory_space<vmem>>[vector<16xi32>, vector<16xi32>], vector<16xf32>,
        tpu.vector_store_idx %arg10[%add3A_732, %add3A_105], %gather3A_781 : memref<64x128xf32, #tpu.memory_space<vmem>>[vector<16xi32>, vector<16xi32>], vector<16xf32>,
        %gather3A_782 = tpu.vector_load_idx %arg8[%add3A_108, %add3A_732] : memref<128x64xf32, #tpu.memory_space<vmem>>[vector<16xi32>, vector<16xi32>], vector<16xf32>,
        tpu.vector_store_idx %arg10[%add3A_732, %add3A_108], %gather3A_782 : memref<64x128xf32, #tpu.memory_space<vmem>>[vector<16xi32>, vector<16xi32>], vector<16xf32>,
        %gather3A_783 = tpu.vector_load_idx %arg8[%add3A_111, %add3A_732] : memref<128x64xf32, #tpu.memory_space<vmem>>[vector<16xi32>, vector<16xi32>], vector<16xf32>,
        tpu.vector_store_idx %arg10[%add3A_732, %add3A_111], %gather3A_783 : memref<64x128xf32, #tpu.memory_space<vmem>>[vector<16xi32>, vector<16xi32>], vector<16xf32>,
        %gather3A_784 = tpu.vector_load_idx %arg8[%add3A_114, %add3A_732] : memref<128x64xf32, #tpu.memory_space<vmem>>[vector<16xi32>, vector<16xi32>], vector<16xf32>,
        tpu.vector_store_idx %arg10[%add3A_732, %add3A_114], %gather3A_784 : memref<64x128xf32, #tpu.memory_space<vmem>>[vector<16xi32>, vector<16xi32>], vector<16xf32>,
        %gather3A_785 = tpu.vector_load_idx %arg8[%add3A_117, %add3A_732] : memref<128x64xf32, #tpu.memory_space<vmem>>[vector<16xi32>, vector<16xi32>], vector<16xf32>,
        tpu.vector_store_idx %arg10[%add3A_732, %add3A_117], %gather3A_785 : memref<64x128xf32, #tpu.memory_space<vmem>>[vector<16xi32>, vector<16xi32>], vector<16xf32>,
        %gather3A_786 = tpu.vector_load_idx %arg8[%add3A_120, %add3A_732] : memref<128x64xf32, #tpu.memory_space<vmem>>[vector<16xi32>, vector<16xi32>], vector<16xf32>,
        tpu.vector_store_idx %arg10[%add3A_732, %add3A_120], %gather3A_786 : memref<64x128xf32, #tpu.memory_space<vmem>>[vector<16xi32>, vector<16xi32>], vector<16xf32>,
        %gather3A_787 = tpu.vector_load_idx %arg8[%add3A_123, %add3A_732] : memref<128x64xf32, #tpu.memory_space<vmem>>[vector<16xi32>, vector<16xi32>], vector<16xf32>,
        tpu.vector_store_idx %arg10[%add3A_732, %add3A_123], %gather3A_787 : memref<64x128xf32, #tpu.memory_space<vmem>>[vector<16xi32>, vector<16xi32>], vector<16xf32>,
        %gather3A_788 = tpu.vector_load_idx %arg8[%add3A_126, %add3A_732] : memref<128x64xf32, #tpu.memory_space<vmem>>[vector<16xi32>, vector<16xi32>], vector<16xf32>,
        tpu.vector_store_idx %arg10[%add3A_732, %add3A_126], %gather3A_788 : memref<64x128xf32, #tpu.memory_space<vmem>>[vector<16xi32>, vector<16xi32>], vector<16xf32>,
        %gather3A_789 = tpu.vector_load_idx %arg8[%add3A_105, %add3A_734] : memref<128x64xf32, #tpu.memory_space<vmem>>[vector<16xi32>, vector<16xi32>], vector<16xf32>,
        tpu.vector_store_idx %arg10[%add3A_734, %add3A_105], %gather3A_789 : memref<64x128xf32, #tpu.memory_space<vmem>>[vector<16xi32>, vector<16xi32>], vector<16xf32>,
        %gather3A_790 = tpu.vector_load_idx %arg8[%add3A_108, %add3A_734] : memref<128x64xf32, #tpu.memory_space<vmem>>[vector<16xi32>, vector<16xi32>], vector<16xf32>,
        tpu.vector_store_idx %arg10[%add3A_734, %add3A_108], %gather3A_790 : memref<64x128xf32, #tpu.memory_space<vmem>>[vector<16xi32>, vector<16xi32>], vector<16xf32>,
        %gather3A_791 = tpu.vector_load_idx %arg8[%add3A_111, %add3A_734] : memref<128x64xf32, #tpu.memory_space<vmem>>[vector<16xi32>, vector<16xi32>], vector<16xf32>,
        tpu.vector_store_idx %arg10[%add3A_734, %add3A_111], %gather3A_791 : memref<64x128xf32, #tpu.memory_space<vmem>>[vector<16xi32>, vector<16xi32>], vector<16xf32>,
        %gather3A_792 = tpu.vector_load_idx %arg8[%add3A_114, %add3A_734] : memref<128x64xf32, #tpu.memory_space<vmem>>[vector<16xi32>, vector<16xi32>], vector<16xf32>,
        tpu.vector_store_idx %arg10[%add3A_734, %add3A_114], %gather3A_792 : memref<64x128xf32, #tpu.memory_space<vmem>>[vector<16xi32>, vector<16xi32>], vector<16xf32>,
        %gather3A_793 = tpu.vector_load_idx %arg8[%add3A_117, %add3A_734] : memref<128x64xf32, #tpu.memory_space<vmem>>[vector<16xi32>, vector<16xi32>], vector<16xf32>,
        tpu.vector_store_idx %arg10[%add3A_734, %add3A_117], %gather3A_793 : memref<64x128xf32, #tpu.memory_space<vmem>>[vector<16xi32>, vector<16xi32>], vector<16xf32>,
        %gather3A_794 = tpu.vector_load_idx %arg8[%add3A_120, %add3A_734] : memref<128x64xf32, #tpu.memory_space<vmem>>[vector<16xi32>, vector<16xi32>], vector<16xf32>,
        tpu.vector_store_idx %arg10[%add3A_734, %add3A_120], %gather3A_794 : memref<64x128xf32, #tpu.memory_space<vmem>>[vector<16xi32>, vector<16xi32>], vector<16xf32>,
        %gather3A_795 = tpu.vector_load_idx %arg8[%add3A_123, %add3A_734] : memref<128x64xf32, #tpu.memory_space<vmem>>[vector<16xi32>, vector<16xi32>], vector<16xf32>,
        tpu.vector_store_idx %arg10[%add3A_734, %add3A_123], %gather3A_795 : memref<64x128xf32, #tpu.memory_space<vmem>>[vector<16xi32>, vector<16xi32>], vector<16xf32>,
        %gather3A_796 = tpu.vector_load_idx %arg8[%add3A_126, %add3A_734] : memref<128x64xf32, #tpu.memory_space<vmem>>[vector<16xi32>, vector<16xi32>], vector<16xf32>,
        tpu.vector_store_idx %arg10[%add3A_734, %add3A_126], %gather3A_796 : memref<64x128xf32, #tpu.memory_space<vmem>>[vector<16xi32>, vector<16xi32>], vector<16xf32>,
        %gather3A_797 = tpu.vector_load_idx %arg8[%add3A_105, %add3A_736] : memref<128x64xf32, #tpu.memory_space<vmem>>[vector<16xi32>, vector<16xi32>], vector<16xf32>,
        tpu.vector_store_idx %arg10[%add3A_736, %add3A_105], %gather3A_797 : memref<64x128xf32, #tpu.memory_space<vmem>>[vector<16xi32>, vector<16xi32>], vector<16xf32>,
        %gather3A_798 = tpu.vector_load_idx %arg8[%add3A_108, %add3A_736] : memref<128x64xf32, #tpu.memory_space<vmem>>[vector<16xi32>, vector<16xi32>], vector<16xf32>,
        tpu.vector_store_idx %arg10[%add3A_736, %add3A_108], %gather3A_798 : memref<64x128xf32, #tpu.memory_space<vmem>>[vector<16xi32>, vector<16xi32>], vector<16xf32>,
        %gather3A_799 = tpu.vector_load_idx %arg8[%add3A_111, %add3A_736] : memref<128x64xf32, #tpu.memory_space<vmem>>[vector<16xi32>, vector<16xi32>], vector<16xf32>,
        tpu.vector_store_idx %arg10[%add3A_736, %add3A_111], %gather3A_799 : memref<64x128xf32, #tpu.memory_space<vmem>>[vector<16xi32>, vector<16xi32>], vector<16xf32>,
        %gather3A_800 = tpu.vector_load_idx %arg8[%add3A_114, %add3A_736] : memref<128x64xf32, #tpu.memory_space<vmem>>[vector<16xi32>, vector<16xi32>], vector<16xf32>,
        tpu.vector_store_idx %arg10[%add3A_736, %add3A_114], %gather3A_800 : memref<64x128xf32, #tpu.memory_space<vmem>>[vector<16xi32>, vector<16xi32>], vector<16xf32>,
        %gather3A_801 = tpu.vector_load_idx %arg8[%add3A_117, %add3A_736] : memref<128x64xf32, #tpu.memory_space<vmem>>[vector<16xi32>, vector<16xi32>], vector<16xf32>,
        tpu.vector_store_idx %arg10[%add3A_736, %add3A_117], %gather3A_801 : memref<64x128xf32, #tpu.memory_space<vmem>>[vector<16xi32>, vector<16xi32>], vector<16xf32>,
        %gather3A_802 = tpu.vector_load_idx %arg8[%add3A_120, %add3A_736] : memref<128x64xf32, #tpu.memory_space<vmem>>[vector<16xi32>, vector<16xi32>], vector<16xf32>,
        tpu.vector_store_idx %arg10[%add3A_736, %add3A_120], %gather3A_802 : memref<64x128xf32, #tpu.memory_space<vmem>>[vector<16xi32>, vector<16xi32>], vector<16xf32>,
        %gather3A_803 = tpu.vector_load_idx %arg8[%add3A_123, %add3A_736] : memref<128x64xf32, #tpu.memory_space<vmem>>[vector<16xi32>, vector<16xi32>], vector<16xf32>,
        tpu.vector_store_idx %arg10[%add3A_736, %add3A_123], %gather3A_803 : memref<64x128xf32, #tpu.memory_space<vmem>>[vector<16xi32>, vector<16xi32>], vector<16xf32>,
        %gather3A_804 = tpu.vector_load_idx %arg8[%add3A_126, %add3A_736] : memref<128x64xf32, #tpu.memory_space<vmem>>[vector<16xi32>, vector<16xi32>], vector<16xf32>,
        tpu.vector_store_idx %arg10[%add3A_736, %add3A_126], %gather3A_804 : memref<64x128xf32, #tpu.memory_space<vmem>>[vector<16xi32>, vector<16xi32>], vector<16xf32>,
        %gather3A_805 = tpu.vector_load_idx %arg8[%add3A_105, %add3A_738] : memref<128x64xf32, #tpu.memory_space<vmem>>[vector<16xi32>, vector<16xi32>], vector<16xf32>,
        tpu.vector_store_idx %arg10[%add3A_738, %add3A_105], %gather3A_805 : memref<64x128xf32, #tpu.memory_space<vmem>>[vector<16xi32>, vector<16xi32>], vector<16xf32>,
        %gather3A_806 = tpu.vector_load_idx %arg8[%add3A_108, %add3A_738] : memref<128x64xf32, #tpu.memory_space<vmem>>[vector<16xi32>, vector<16xi32>], vector<16xf32>,
        tpu.vector_store_idx %arg10[%add3A_738, %add3A_108], %gather3A_806 : memref<64x128xf32, #tpu.memory_space<vmem>>[vector<16xi32>, vector<16xi32>], vector<16xf32>,
        %gather3A_807 = tpu.vector_load_idx %arg8[%add3A_111, %add3A_738] : memref<128x64xf32, #tpu.memory_space<vmem>>[vector<16xi32>, vector<16xi32>], vector<16xf32>,
        tpu.vector_store_idx %arg10[%add3A_738, %add3A_111], %gather3A_807 : memref<64x128xf32, #tpu.memory_space<vmem>>[vector<16xi32>, vector<16xi32>], vector<16xf32>,
        %gather3A_808 = tpu.vector_load_idx %arg8[%add3A_114, %add3A_738] : memref<128x64xf32, #tpu.memory_space<vmem>>[vector<16xi32>, vector<16xi32>], vector<16xf32>,
        tpu.vector_store_idx %arg10[%add3A_738, %add3A_114], %gather3A_808 : memref<64x128xf32, #tpu.memory_space<vmem>>[vector<16xi32>, vector<16xi32>], vector<16xf32>,
        %gather3A_809 = tpu.vector_load_idx %arg8[%add3A_117, %add3A_738] : memref<128x64xf32, #tpu.memory_space<vmem>>[vector<16xi32>, vector<16xi32>], vector<16xf32>,
        tpu.vector_store_idx %arg10[%add3A_738, %add3A_117], %gather3A_809 : memref<64x128xf32, #tpu.memory_space<vmem>>[vector<16xi32>, vector<16xi32>], vector<16xf32>,
        %gather3A_810 = tpu.vector_load_idx %arg8[%add3A_120, %add3A_738] : memref<128x64xf32, #tpu.memory_space<vmem>>[vector<16xi32>, vector<16xi32>], vector<16xf32>,
        tpu.vector_store_idx %arg10[%add3A_738, %add3A_120], %gather3A_810 : memref<64x128xf32, #tpu.memory_space<vmem>>[vector<16xi32>, vector<16xi32>], vector<16xf32>,
        %gather3A_811 = tpu.vector_load_idx %arg8[%add3A_123, %add3A_738] : memref<128x64xf32, #tpu.memory_space<vmem>>[vector<16xi32>, vector<16xi32>], vector<16xf32>,
        tpu.vector_store_idx %arg10[%add3A_738, %add3A_123], %gather3A_811 : memref<64x128xf32, #tpu.memory_space<vmem>>[vector<16xi32>, vector<16xi32>], vector<16xf32>,
        %gather3A_812 = tpu.vector_load_idx %arg8[%add3A_126, %add3A_738] : memref<128x64xf32, #tpu.memory_space<vmem>>[vector<16xi32>, vector<16xi32>], vector<16xf32>,
        tpu.vector_store_idx %arg10[%add3A_738, %add3A_126], %gather3A_812 : memref<64x128xf32, #tpu.memory_space<vmem>>[vector<16xi32>, vector<16xi32>], vector<16xf32>,
        %gather3A_813 = tpu.vector_load_idx %arg8[%add3A_105, %add3A_740] : memref<128x64xf32, #tpu.memory_space<vmem>>[vector<16xi32>, vector<16xi32>], vector<16xf32>,
        tpu.vector_store_idx %arg10[%add3A_740, %add3A_105], %gather3A_813 : memref<64x128xf32, #tpu.memory_space<vmem>>[vector<16xi32>, vector<16xi32>], vector<16xf32>,
        %gather3A_814 = tpu.vector_load_idx %arg8[%add3A_108, %add3A_740] : memref<128x64xf32, #tpu.memory_space<vmem>>[vector<16xi32>, vector<16xi32>], vector<16xf32>,
        tpu.vector_store_idx %arg10[%add3A_740, %add3A_108], %gather3A_814 : memref<64x128xf32, #tpu.memory_space<vmem>>[vector<16xi32>, vector<16xi32>], vector<16xf32>,
        %gather3A_815 = tpu.vector_load_idx %arg8[%add3A_111, %add3A_740] : memref<128x64xf32, #tpu.memory_space<vmem>>[vector<16xi32>, vector<16xi32>], vector<16xf32>,
        tpu.vector_store_idx %arg10[%add3A_740, %add3A_111], %gather3A_815 : memref<64x128xf32, #tpu.memory_space<vmem>>[vector<16xi32>, vector<16xi32>], vector<16xf32>,
        %gather3A_816 = tpu.vector_load_idx %arg8[%add3A_114, %add3A_740] : memref<128x64xf32, #tpu.memory_space<vmem>>[vector<16xi32>, vector<16xi32>], vector<16xf32>,
        tpu.vector_store_idx %arg10[%add3A_740, %add3A_114], %gather3A_816 : memref<64x128xf32, #tpu.memory_space<vmem>>[vector<16xi32>, vector<16xi32>], vector<16xf32>,
        %gather3A_817 = tpu.vector_load_idx %arg8[%add3A_117, %add3A_740] : memref<128x64xf32, #tpu.memory_space<vmem>>[vector<16xi32>, vector<16xi32>], vector<16xf32>,
        tpu.vector_store_idx %arg10[%add3A_740, %add3A_117], %gather3A_817 : memref<64x128xf32, #tpu.memory_space<vmem>>[vector<16xi32>, vector<16xi32>], vector<16xf32>,
        %gather3A_818 = tpu.vector_load_idx %arg8[%add3A_120, %add3A_740] : memref<128x64xf32, #tpu.memory_space<vmem>>[vector<16xi32>, vector<16xi32>], vector<16xf32>,
        tpu.vector_store_idx %arg10[%add3A_740, %add3A_120], %gather3A_818 : memref<64x128xf32, #tpu.memory_space<vmem>>[vector<16xi32>, vector<16xi32>], vector<16xf32>,
        %gather3A_819 = tpu.vector_load_idx %arg8[%add3A_123, %add3A_740] : memref<128x64xf32, #tpu.memory_space<vmem>>[vector<16xi32>, vector<16xi32>], vector<16xf32>,
        tpu.vector_store_idx %arg10[%add3A_740, %add3A_123], %gather3A_819 : memref<64x128xf32, #tpu.memory_space<vmem>>[vector<16xi32>, vector<16xi32>], vector<16xf32>,
        %gather3A_820 = tpu.vector_load_idx %arg8[%add3A_126, %add3A_740] : memref<128x64xf32, #tpu.memory_space<vmem>>[vector<16xi32>, vector<16xi32>], vector<16xf32>,
        tpu.vector_store_idx %arg10[%add3A_740, %add3A_126], %gather3A_820 : memref<64x128xf32, #tpu.memory_space<vmem>>[vector<16xi32>, vector<16xi32>], vector<16xf32>,
        %gather3A_821 = tpu.vector_load_idx %arg8[%add3A_105, %add3A_742] : memref<128x64xf32, #tpu.memory_space<vmem>>[vector<16xi32>, vector<16xi32>], vector<16xf32>,
        tpu.vector_store_idx %arg10[%add3A_742, %add3A_105], %gather3A_821 : memref<64x128xf32, #tpu.memory_space<vmem>>[vector<16xi32>, vector<16xi32>], vector<16xf32>,
        %gather3A_822 = tpu.vector_load_idx %arg8[%add3A_108, %add3A_742] : memref<128x64xf32, #tpu.memory_space<vmem>>[vector<16xi32>, vector<16xi32>], vector<16xf32>,
        tpu.vector_store_idx %arg10[%add3A_742, %add3A_108], %gather3A_822 : memref<64x128xf32, #tpu.memory_space<vmem>>[vector<16xi32>, vector<16xi32>], vector<16xf32>,
        %gather3A_823 = tpu.vector_load_idx %arg8[%add3A_111, %add3A_742] : memref<128x64xf32, #tpu.memory_space<vmem>>[vector<16xi32>, vector<16xi32>], vector<16xf32>,
        tpu.vector_store_idx %arg10[%add3A_742, %add3A_111], %gather3A_823 : memref<64x128xf32, #tpu.memory_space<vmem>>[vector<16xi32>, vector<16xi32>], vector<16xf32>,
        %gather3A_824 = tpu.vector_load_idx %arg8[%add3A_114, %add3A_742] : memref<128x64xf32, #tpu.memory_space<vmem>>[vector<16xi32>, vector<16xi32>], vector<16xf32>,
        tpu.vector_store_idx %arg10[%add3A_742, %add3A_114], %gather3A_824 : memref<64x128xf32, #tpu.memory_space<vmem>>[vector<16xi32>, vector<16xi32>], vector<16xf32>,
        %gather3A_825 = tpu.vector_load_idx %arg8[%add3A_117, %add3A_742] : memref<128x64xf32, #tpu.memory_space<vmem>>[vector<16xi32>, vector<16xi32>], vector<16xf32>,
        tpu.vector_store_idx %arg10[%add3A_742, %add3A_117], %gather3A_825 : memref<64x128xf32, #tpu.memory_space<vmem>>[vector<16xi32>, vector<16xi32>], vector<16xf32>,
        %gather3A_826 = tpu.vector_load_idx %arg8[%add3A_120, %add3A_742] : memref<128x64xf32, #tpu.memory_space<vmem>>[vector<16xi32>, vector<16xi32>], vector<16xf32>,
        tpu.vector_store_idx %arg10[%add3A_742, %add3A_120], %gather3A_826 : memref<64x128xf32, #tpu.memory_space<vmem>>[vector<16xi32>, vector<16xi32>], vector<16xf32>,
        %gather3A_827 = tpu.vector_load_idx %arg8[%add3A_123, %add3A_742] : memref<128x64xf32, #tpu.memory_space<vmem>>[vector<16xi32>, vector<16xi32>], vector<16xf32>,
        tpu.vector_store_idx %arg10[%add3A_742, %add3A_123], %gather3A_827 : memref<64x128xf32, #tpu.memory_space<vmem>>[vector<16xi32>, vector<16xi32>], vector<16xf32>,
        %gather3A_828 = tpu.vector_load_idx %arg8[%add3A_126, %add3A_742] : memref<128x64xf32, #tpu.memory_space<vmem>>[vector<16xi32>, vector<16xi32>], vector<16xf32>,
        tpu.vector_store_idx %arg10[%add3A_742, %add3A_126], %gather3A_828 : memref<64x128xf32, #tpu.memory_space<vmem>>[vector<16xi32>, vector<16xi32>], vector<16xf32>,
        %gather3A_829 = tpu.vector_load_idx %arg8[%add3A_105, %add3A_744] : memref<128x64xf32, #tpu.memory_space<vmem>>[vector<16xi32>, vector<16xi32>], vector<16xf32>,
        tpu.vector_store_idx %arg10[%add3A_744, %add3A_105], %gather3A_829 : memref<64x128xf32, #tpu.memory_space<vmem>>[vector<16xi32>, vector<16xi32>], vector<16xf32>,
        %gather3A_830 = tpu.vector_load_idx %arg8[%add3A_108, %add3A_744] : memref<128x64xf32, #tpu.memory_space<vmem>>[vector<16xi32>, vector<16xi32>], vector<16xf32>,
        tpu.vector_store_idx %arg10[%add3A_744, %add3A_108], %gather3A_830 : memref<64x128xf32, #tpu.memory_space<vmem>>[vector<16xi32>, vector<16xi32>], vector<16xf32>,
        %gather3A_831 = tpu.vector_load_idx %arg8[%add3A_111, %add3A_744] : memref<128x64xf32, #tpu.memory_space<vmem>>[vector<16xi32>, vector<16xi32>], vector<16xf32>,
        tpu.vector_store_idx %arg10[%add3A_744, %add3A_111], %gather3A_831 : memref<64x128xf32, #tpu.memory_space<vmem>>[vector<16xi32>, vector<16xi32>], vector<16xf32>,
        %gather3A_832 = tpu.vector_load_idx %arg8[%add3A_114, %add3A_744] : memref<128x64xf32, #tpu.memory_space<vmem>>[vector<16xi32>, vector<16xi32>], vector<16xf32>,
        tpu.vector_store_idx %arg10[%add3A_744, %add3A_114], %gather3A_832 : memref<64x128xf32, #tpu.memory_space<vmem>>[vector<16xi32>, vector<16xi32>], vector<16xf32>,
        %gather3A_833 = tpu.vector_load_idx %arg8[%add3A_117, %add3A_744] : memref<128x64xf32, #tpu.memory_space<vmem>>[vector<16xi32>, vector<16xi32>], vector<16xf32>,
        tpu.vector_store_idx %arg10[%add3A_744, %add3A_117], %gather3A_833 : memref<64x128xf32, #tpu.memory_space<vmem>>[vector<16xi32>, vector<16xi32>], vector<16xf32>,
        %gather3A_834 = tpu.vector_load_idx %arg8[%add3A_120, %add3A_744] : memref<128x64xf32, #tpu.memory_space<vmem>>[vector<16xi32>, vector<16xi32>], vector<16xf32>,
        tpu.vector_store_idx %arg10[%add3A_744, %add3A_120], %gather3A_834 : memref<64x128xf32, #tpu.memory_space<vmem>>[vector<16xi32>, vector<16xi32>], vector<16xf32>,
        %gather3A_835 = tpu.vector_load_idx %arg8[%add3A_123, %add3A_744] : memref<128x64xf32, #tpu.memory_space<vmem>>[vector<16xi32>, vector<16xi32>], vector<16xf32>,
        tpu.vector_store_idx %arg10[%add3A_744, %add3A_123], %gather3A_835 : memref<64x128xf32, #tpu.memory_space<vmem>>[vector<16xi32>, vector<16xi32>], vector<16xf32>,
        %gather3A_836 = tpu.vector_load_idx %arg8[%add3A_126, %add3A_744] : memref<128x64xf32, #tpu.memory_space<vmem>>[vector<16xi32>, vector<16xi32>], vector<16xf32>,
        tpu.vector_store_idx %arg10[%add3A_744, %add3A_126], %gather3A_836 : memref<64x128xf32, #tpu.memory_space<vmem>>[vector<16xi32>, vector<16xi32>], vector<16xf32>,
        %gather3A_837 = tpu.vector_load_idx %arg8[%add3A_105, %add3A_746] : memref<128x64xf32, #tpu.memory_space<vmem>>[vector<16xi32>, vector<16xi32>], vector<16xf32>,
        tpu.vector_store_idx %arg10[%add3A_746, %add3A_105], %gather3A_837 : memref<64x128xf32, #tpu.memory_space<vmem>>[vector<16xi32>, vector<16xi32>], vector<16xf32>,
        %gather3A_838 = tpu.vector_load_idx %arg8[%add3A_108, %add3A_746] : memref<128x64xf32, #tpu.memory_space<vmem>>[vector<16xi32>, vector<16xi32>], vector<16xf32>,
        tpu.vector_store_idx %arg10[%add3A_746, %add3A_108], %gather3A_838 : memref<64x128xf32, #tpu.memory_space<vmem>>[vector<16xi32>, vector<16xi32>], vector<16xf32>,
        %gather3A_839 = tpu.vector_load_idx %arg8[%add3A_111, %add3A_746] : memref<128x64xf32, #tpu.memory_space<vmem>>[vector<16xi32>, vector<16xi32>], vector<16xf32>,
        tpu.vector_store_idx %arg10[%add3A_746, %add3A_111], %gather3A_839 : memref<64x128xf32, #tpu.memory_space<vmem>>[vector<16xi32>, vector<16xi32>], vector<16xf32>,
        %gather3A_840 = tpu.vector_load_idx %arg8[%add3A_114, %add3A_746] : memref<128x64xf32, #tpu.memory_space<vmem>>[vector<16xi32>, vector<16xi32>], vector<16xf32>,
        tpu.vector_store_idx %arg10[%add3A_746, %add3A_114], %gather3A_840 : memref<64x128xf32, #tpu.memory_space<vmem>>[vector<16xi32>, vector<16xi32>], vector<16xf32>,
        %gather3A_841 = tpu.vector_load_idx %arg8[%add3A_117, %add3A_746] : memref<128x64xf32, #tpu.memory_space<vmem>>[vector<16xi32>, vector<16xi32>], vector<16xf32>,
        tpu.vector_store_idx %arg10[%add3A_746, %add3A_117], %gather3A_841 : memref<64x128xf32, #tpu.memory_space<vmem>>[vector<16xi32>, vector<16xi32>], vector<16xf32>,
        %gather3A_842 = tpu.vector_load_idx %arg8[%add3A_120, %add3A_746] : memref<128x64xf32, #tpu.memory_space<vmem>>[vector<16xi32>, vector<16xi32>], vector<16xf32>,
        tpu.vector_store_idx %arg10[%add3A_746, %add3A_120], %gather3A_842 : memref<64x128xf32, #tpu.memory_space<vmem>>[vector<16xi32>, vector<16xi32>], vector<16xf32>,
        %gather3A_843 = tpu.vector_load_idx %arg8[%add3A_123, %add3A_746] : memref<128x64xf32, #tpu.memory_space<vmem>>[vector<16xi32>, vector<16xi32>], vector<16xf32>,
        tpu.vector_store_idx %arg10[%add3A_746, %add3A_123], %gather3A_843 : memref<64x128xf32, #tpu.memory_space<vmem>>[vector<16xi32>, vector<16xi32>], vector<16xf32>,
        %gather3A_844 = tpu.vector_load_idx %arg8[%add3A_126, %add3A_746] : memref<128x64xf32, #tpu.memory_space<vmem>>[vector<16xi32>, vector<16xi32>], vector<16xf32>,
        tpu.vector_store_idx %arg10[%add3A_746, %add3A_126], %gather3A_844 : memref<64x128xf32, #tpu.memory_space<vmem>>[vector<16xi32>, vector<16xi32>], vector<16xf32>,
        %gather3A_845 = tpu.vector_load_idx %arg8[%add3A_105, %add3A_748] : memref<128x64xf32, #tpu.memory_space<vmem>>[vector<16xi32>, vector<16xi32>], vector<16xf32>,
        tpu.vector_store_idx %arg10[%add3A_748, %add3A_105], %gather3A_845 : memref<64x128xf32, #tpu.memory_space<vmem>>[vector<16xi32>, vector<16xi32>], vector<16xf32>,
        %gather3A_846 = tpu.vector_load_idx %arg8[%add3A_108, %add3A_748] : memref<128x64xf32, #tpu.memory_space<vmem>>[vector<16xi32>, vector<16xi32>], vector<16xf32>,
        tpu.vector_store_idx %arg10[%add3A_748, %add3A_108], %gather3A_846 : memref<64x128xf32, #tpu.memory_space<vmem>>[vector<16xi32>, vector<16xi32>], vector<16xf32>,
        %gather3A_847 = tpu.vector_load_idx %arg8[%add3A_111, %add3A_748] : memref<128x64xf32, #tpu.memory_space<vmem>>[vector<16xi32>, vector<16xi32>], vector<16xf32>,
        tpu.vector_store_idx %arg10[%add3A_748, %add3A_111], %gather3A_847 : memref<64x128xf32, #tpu.memory_space<vmem>>[vector<16xi32>, vector<16xi32>], vector<16xf32>,
        %gather3A_848 = tpu.vector_load_idx %arg8[%add3A_114, %add3A_748] : memref<128x64xf32, #tpu.memory_space<vmem>>[vector<16xi32>, vector<16xi32>], vector<16xf32>,
        tpu.vector_store_idx %arg10[%add3A_748, %add3A_114], %gather3A_848 : memref<64x128xf32, #tpu.memory_space<vmem>>[vector<16xi32>, vector<16xi32>], vector<16xf32>,
        %gather3A_849 = tpu.vector_load_idx %arg8[%add3A_117, %add3A_748] : memref<128x64xf32, #tpu.memory_space<vmem>>[vector<16xi32>, vector<16xi32>], vector<16xf32>,
        tpu.vector_store_idx %arg10[%add3A_748, %add3A_117], %gather3A_849 : memref<64x128xf32, #tpu.memory_space<vmem>>[vector<16xi32>, vector<16xi32>], vector<16xf32>,
        %gather3A_850 = tpu.vector_load_idx %arg8[%add3A_120, %add3A_748] : memref<128x64xf32, #tpu.memory_space<vmem>>[vector<16xi32>, vector<16xi32>], vector<16xf32>,
        tpu.vector_store_idx %arg10[%add3A_748, %add3A_120], %gather3A_850 : memref<64x128xf32, #tpu.memory_space<vmem>>[vector<16xi32>, vector<16xi32>], vector<16xf32>,
        %gather3A_851 = tpu.vector_load_idx %arg8[%add3A_123, %add3A_748] : memref<128x64xf32, #tpu.memory_space<vmem>>[vector<16xi32>, vector<16xi32>], vector<16xf32>,
        tpu.vector_store_idx %arg10[%add3A_748, %add3A_123], %gather3A_851 : memref<64x128xf32, #tpu.memory_space<vmem>>[vector<16xi32>, vector<16xi32>], vector<16xf32>,
        %gather3A_852 = tpu.vector_load_idx %arg8[%add3A_126, %add3A_748] : memref<128x64xf32, #tpu.memory_space<vmem>>[vector<16xi32>, vector<16xi32>], vector<16xf32>,
        tpu.vector_store_idx %arg10[%add3A_748, %add3A_126], %gather3A_852 : memref<64x128xf32, #tpu.memory_space<vmem>>[vector<16xi32>, vector<16xi32>], vector<16xf32>,
        %gather3A_853 = tpu.vector_load_idx %arg8[%add3A_105, %add3A_750] : memref<128x64xf32, #tpu.memory_space<vmem>>[vector<16xi32>, vector<16xi32>], vector<16xf32>,
        tpu.vector_store_idx %arg10[%add3A_750, %add3A_105], %gather3A_853 : memref<64x128xf32, #tpu.memory_space<vmem>>[vector<16xi32>, vector<16xi32>], vector<16xf32>,
        %gather3A_854 = tpu.vector_load_idx %arg8[%add3A_108, %add3A_750] : memref<128x64xf32, #tpu.memory_space<vmem>>[vector<16xi32>, vector<16xi32>], vector<16xf32>,
        tpu.vector_store_idx %arg10[%add3A_750, %add3A_108], %gather3A_854 : memref<64x128xf32, #tpu.memory_space<vmem>>[vector<16xi32>, vector<16xi32>], vector<16xf32>,
        %gather3A_855 = tpu.vector_load_idx %arg8[%add3A_111, %add3A_750] : memref<128x64xf32, #tpu.memory_space<vmem>>[vector<16xi32>, vector<16xi32>], vector<16xf32>,
        tpu.vector_store_idx %arg10[%add3A_750, %add3A_111], %gather3A_855 : memref<64x128xf32, #tpu.memory_space<vmem>>[vector<16xi32>, vector<16xi32>], vector<16xf32>,
        %gather3A_856 = tpu.vector_load_idx %arg8[%add3A_114, %add3A_750] : memref<128x64xf32, #tpu.memory_space<vmem>>[vector<16xi32>, vector<16xi32>], vector<16xf32>,
        tpu.vector_store_idx %arg10[%add3A_750, %add3A_114], %gather3A_856 : memref<64x128xf32, #tpu.memory_space<vmem>>[vector<16xi32>, vector<16xi32>], vector<16xf32>,
        %gather3A_857 = tpu.vector_load_idx %arg8[%add3A_117, %add3A_750] : memref<128x64xf32, #tpu.memory_space<vmem>>[vector<16xi32>, vector<16xi32>], vector<16xf32>,
        tpu.vector_store_idx %arg10[%add3A_750, %add3A_117], %gather3A_857 : memref<64x128xf32, #tpu.memory_space<vmem>>[vector<16xi32>, vector<16xi32>], vector<16xf32>,
        %gather3A_858 = tpu.vector_load_idx %arg8[%add3A_120, %add3A_750] : memref<128x64xf32, #tpu.memory_space<vmem>>[vector<16xi32>, vector<16xi32>], vector<16xf32>,
        tpu.vector_store_idx %arg10[%add3A_750, %add3A_120], %gather3A_858 : memref<64x128xf32, #tpu.memory_space<vmem>>[vector<16xi32>, vector<16xi32>], vector<16xf32>,
        %gather3A_859 = tpu.vector_load_idx %arg8[%add3A_123, %add3A_750] : memref<128x64xf32, #tpu.memory_space<vmem>>[vector<16xi32>, vector<16xi32>], vector<16xf32>,
        tpu.vector_store_idx %arg10[%add3A_750, %add3A_123], %gather3A_859 : memref<64x128xf32, #tpu.memory_space<vmem>>[vector<16xi32>, vector<16xi32>], vector<16xf32>,
        %gather3A_860 = tpu.vector_load_idx %arg8[%add3A_126, %add3A_750] : memref<128x64xf32, #tpu.memory_space<vmem>>[vector<16xi32>, vector<16xi32>], vector<16xf32>,
        tpu.vector_store_idx %arg10[%add3A_750, %add3A_126], %gather3A_860 : memref<64x128xf32, #tpu.memory_space<vmem>>[vector<16xi32>, vector<16xi32>], vector<16xf32>,
        %gather3A_861 = tpu.vector_load_idx %arg8[%add3A_105, %add3A_752] : memref<128x64xf32, #tpu.memory_space<vmem>>[vector<16xi32>, vector<16xi32>], vector<16xf32>,
        tpu.vector_store_idx %arg10[%add3A_752, %add3A_105], %gather3A_861 : memref<64x128xf32, #tpu.memory_space<vmem>>[vector<16xi32>, vector<16xi32>], vector<16xf32>,
        %gather3A_862 = tpu.vector_load_idx %arg8[%add3A_108, %add3A_752] : memref<128x64xf32, #tpu.memory_space<vmem>>[vector<16xi32>, vector<16xi32>], vector<16xf32>,
        tpu.vector_store_idx %arg10[%add3A_752, %add3A_108], %gather3A_862 : memref<64x128xf32, #tpu.memory_space<vmem>>[vector<16xi32>, vector<16xi32>], vector<16xf32>,
        %gather3A_863 = tpu.vector_load_idx %arg8[%add3A_111, %add3A_752] : memref<128x64xf32, #tpu.memory_space<vmem>>[vector<16xi32>, vector<16xi32>], vector<16xf32>,
        tpu.vector_store_idx %arg10[%add3A_752, %add3A_111], %gather3A_863 : memref<64x128xf32, #tpu.memory_space<vmem>>[vector<16xi32>, vector<16xi32>], vector<16xf32>,
        %gather3A_864 = tpu.vector_load_idx %arg8[%add3A_114, %add3A_752] : memref<128x64xf32, #tpu.memory_space<vmem>>[vector<16xi32>, vector<16xi32>], vector<16xf32>,
        tpu.vector_store_idx %arg10[%add3A_752, %add3A_114], %gather3A_864 : memref<64x128xf32, #tpu.memory_space<vmem>>[vector<16xi32>, vector<16xi32>], vector<16xf32>,
        %gather3A_865 = tpu.vector_load_idx %arg8[%add3A_117, %add3A_752] : memref<128x64xf32, #tpu.memory_space<vmem>>[vector<16xi32>, vector<16xi32>], vector<16xf32>,
        tpu.vector_store_idx %arg10[%add3A_752, %add3A_117], %gather3A_865 : memref<64x128xf32, #tpu.memory_space<vmem>>[vector<16xi32>, vector<16xi32>], vector<16xf32>,
        %gather3A_866 = tpu.vector_load_idx %arg8[%add3A_120, %add3A_752] : memref<128x64xf32, #tpu.memory_space<vmem>>[vector<16xi32>, vector<16xi32>], vector<16xf32>,
        tpu.vector_store_idx %arg10[%add3A_752, %add3A_120], %gather3A_866 : memref<64x128xf32, #tpu.memory_space<vmem>>[vector<16xi32>, vector<16xi32>], vector<16xf32>,
        %gather3A_867 = tpu.vector_load_idx %arg8[%add3A_123, %add3A_752] : memref<128x64xf32, #tpu.memory_space<vmem>>[vector<16xi32>, vector<16xi32>], vector<16xf32>,
        tpu.vector_store_idx %arg10[%add3A_752, %add3A_123], %gather3A_867 : memref<64x128xf32, #tpu.memory_space<vmem>>[vector<16xi32>, vector<16xi32>], vector<16xf32>,
        %gather3A_868 = tpu.vector_load_idx %arg8[%add3A_126, %add3A_752] : memref<128x64xf32, #tpu.memory_space<vmem>>[vector<16xi32>, vector<16xi32>], vector<16xf32>,
        tpu.vector_store_idx %arg10[%add3A_752, %add3A_126], %gather3A_868 : memref<64x128xf32, #tpu.memory_space<vmem>>[vector<16xi32>, vector<16xi32>], vector<16xf32>,
        %gather3A_869 = tpu.vector_load_idx %arg8[%add3A_105, %add3A_754] : memref<128x64xf32, #tpu.memory_space<vmem>>[vector<16xi32>, vector<16xi32>], vector<16xf32>,
        tpu.vector_store_idx %arg10[%add3A_754, %add3A_105], %gather3A_869 : memref<64x128xf32, #tpu.memory_space<vmem>>[vector<16xi32>, vector<16xi32>], vector<16xf32>,
        %gather3A_870 = tpu.vector_load_idx %arg8[%add3A_108, %add3A_754] : memref<128x64xf32, #tpu.memory_space<vmem>>[vector<16xi32>, vector<16xi32>], vector<16xf32>,
        tpu.vector_store_idx %arg10[%add3A_754, %add3A_108], %gather3A_870 : memref<64x128xf32, #tpu.memory_space<vmem>>[vector<16xi32>, vector<16xi32>], vector<16xf32>,
        %gather3A_871 = tpu.vector_load_idx %arg8[%add3A_111, %add3A_754] : memref<128x64xf32, #tpu.memory_space<vmem>>[vector<16xi32>, vector<16xi32>], vector<16xf32>,
        tpu.vector_store_idx %arg10[%add3A_754, %add3A_111], %gather3A_871 : memref<64x128xf32, #tpu.memory_space<vmem>>[vector<16xi32>, vector<16xi32>], vector<16xf32>,
        %gather3A_872 = tpu.vector_load_idx %arg8[%add3A_114, %add3A_754] : memref<128x64xf32, #tpu.memory_space<vmem>>[vector<16xi32>, vector<16xi32>], vector<16xf32>,
        tpu.vector_store_idx %arg10[%add3A_754, %add3A_114], %gather3A_872 : memref<64x128xf32, #tpu.memory_space<vmem>>[vector<16xi32>, vector<16xi32>], vector<16xf32>,
        %gather3A_873 = tpu.vector_load_idx %arg8[%add3A_117, %add3A_754] : memref<128x64xf32, #tpu.memory_space<vmem>>[vector<16xi32>, vector<16xi32>], vector<16xf32>,
        tpu.vector_store_idx %arg10[%add3A_754, %add3A_117], %gather3A_873 : memref<64x128xf32, #tpu.memory_space<vmem>>[vector<16xi32>, vector<16xi32>], vector<16xf32>,
        %gather3A_874 = tpu.vector_load_idx %arg8[%add3A_120, %add3A_754] : memref<128x64xf32, #tpu.memory_space<vmem>>[vector<16xi32>, vector<16xi32>], vector<16xf32>,
        tpu.vector_store_idx %arg10[%add3A_754, %add3A_120], %gather3A_874 : memref<64x128xf32, #tpu.memory_space<vmem>>[vector<16xi32>, vector<16xi32>], vector<16xf32>,
        %gather3A_875 = tpu.vector_load_idx %arg8[%add3A_123, %add3A_754] : memref<128x64xf32, #tpu.memory_space<vmem>>[vector<16xi32>, vector<16xi32>], vector<16xf32>,
        tpu.vector_store_idx %arg10[%add3A_754, %add3A_123], %gather3A_875 : memref<64x128xf32, #tpu.memory_space<vmem>>[vector<16xi32>, vector<16xi32>], vector<16xf32>,
        %gather3A_876 = tpu.vector_load_idx %arg8[%add3A_126, %add3A_754] : memref<128x64xf32, #tpu.memory_space<vmem>>[vector<16xi32>, vector<16xi32>], vector<16xf32>,
        tpu.vector_store_idx %arg10[%add3A_754, %add3A_126], %gather3A_876 : memref<64x128xf32, #tpu.memory_space<vmem>>[vector<16xi32>, vector<16xi32>], vector<16xf32>,
        %gather3A_877 = tpu.vector_load_idx %arg8[%add3A_105, %add3A_756] : memref<128x64xf32, #tpu.memory_space<vmem>>[vector<16xi32>, vector<16xi32>], vector<16xf32>,
        tpu.vector_store_idx %arg10[%add3A_756, %add3A_105], %gather3A_877 : memref<64x128xf32, #tpu.memory_space<vmem>>[vector<16xi32>, vector<16xi32>], vector<16xf32>,
        %gather3A_878 = tpu.vector_load_idx %arg8[%add3A_108, %add3A_756] : memref<128x64xf32, #tpu.memory_space<vmem>>[vector<16xi32>, vector<16xi32>], vector<16xf32>,
        tpu.vector_store_idx %arg10[%add3A_756, %add3A_108], %gather3A_878 : memref<64x128xf32, #tpu.memory_space<vmem>>[vector<16xi32>, vector<16xi32>], vector<16xf32>,
        %gather3A_879 = tpu.vector_load_idx %arg8[%add3A_111, %add3A_756] : memref<128x64xf32, #tpu.memory_space<vmem>>[vector<16xi32>, vector<16xi32>], vector<16xf32>,
        tpu.vector_store_idx %arg10[%add3A_756, %add3A_111], %gather3A_879 : memref<64x128xf32, #tpu.memory_space<vmem>>[vector<16xi32>, vector<16xi32>], vector<16xf32>,
        %gather3A_880 = tpu.vector_load_idx %arg8[%add3A_114, %add3A_756] : memref<128x64xf32, #tpu.memory_space<vmem>>[vector<16xi32>, vector<16xi32>], vector<16xf32>,
        tpu.vector_store_idx %arg10[%add3A_756, %add3A_114], %gather3A_880 : memref<64x128xf32, #tpu.memory_space<vmem>>[vector<16xi32>, vector<16xi32>], vector<16xf32>,
        %gather3A_881 = tpu.vector_load_idx %arg8[%add3A_117, %add3A_756] : memref<128x64xf32, #tpu.memory_space<vmem>>[vector<16xi32>, vector<16xi32>], vector<16xf32>,
        tpu.vector_store_idx %arg10[%add3A_756, %add3A_117], %gather3A_881 : memref<64x128xf32, #tpu.memory_space<vmem>>[vector<16xi32>, vector<16xi32>], vector<16xf32>,
        %gather3A_882 = tpu.vector_load_idx %arg8[%add3A_120, %add3A_756] : memref<128x64xf32, #tpu.memory_space<vmem>>[vector<16xi32>, vector<16xi32>], vector<16xf32>,
        tpu.vector_store_idx %arg10[%add3A_756, %add3A_120], %gather3A_882 : memref<64x128xf32, #tpu.memory_space<vmem>>[vector<16xi32>, vector<16xi32>], vector<16xf32>,
        %gather3A_883 = tpu.vector_load_idx %arg8[%add3A_123, %add3A_756] : memref<128x64xf32, #tpu.memory_space<vmem>>[vector<16xi32>, vector<16xi32>], vector<16xf32>,
        tpu.vector_store_idx %arg10[%add3A_756, %add3A_123], %gather3A_883 : memref<64x128xf32, #tpu.memory_space<vmem>>[vector<16xi32>, vector<16xi32>], vector<16xf32>,
        %gather3A_884 = tpu.vector_load_idx %arg8[%add3A_126, %add3A_756] : memref<128x64xf32, #tpu.memory_space<vmem>>[vector<16xi32>, vector<16xi32>], vector<16xf32>,
        tpu.vector_store_idx %arg10[%add3A_756, %add3A_126], %gather3A_884 : memref<64x128xf32, #tpu.memory_space<vmem>>[vector<16xi32>, vector<16xi32>], vector<16xf32>,
      }
      %scan3A_456 = arith.constant 4 : i32
      %dma_start3A_457 = arith.constant 0 : i32
      %dma_start3A_458 = arith.constant 0 : i32
      %dma_start3A_459 = arith.constant 0 : i32
      %dma_start3A_460 = tpu.memref_slice %arg10[%dma_start3A_458, %dma_start3A_459] : memref<64x128xf32, #tpu.memory_space<vmem>> -> memref<8x128xf32, #tpu.memory_space<vmem>>
      %dma_start3A_461 = arith.constant 0 : i32
      %dma_start3A_462 = arith.constant 0 : i32
      %dma_start3A_463 = tpu.memref_slice %arg4[%add3A_439, %dma_start3A_457, %add3A, %dma_start3A_461, %dma_start3A_462] : memref<200x8x32x8x128xf32, #tpu.memory_space<hbm>> -> memref<1x1x1x8x128xf32, #tpu.memory_space<hbm>>
      %dma_start3A_464 = tpu.memref_squeeze %dma_start3A_463 : memref<1x1x1x8x128xf32, #tpu.memory_space<hbm>> -> memref<8x128xf32, #tpu.memory_space<hbm>>
      %dma_start3A_465 = arith.constant 0 : i32
      %dma_start3A_466 = arith.constant 0 : i32
      %dma_start3A_467 = tpu.memref_slice %arg4[%add3A_439, %dma_start3A_457, %add3A, %dma_start3A_465, %dma_start3A_466] : memref<200x8x32x8x128xf32, #tpu.memory_space<hbm>> -> memref<1x1x1x8x128xf32, #tpu.memory_space<hbm>>
      %dma_start3A_468 = tpu.memref_squeeze %dma_start3A_467 : memref<1x1x1x8x128xf32, #tpu.memory_space<hbm>> -> memref<8x128xf32, #tpu.memory_space<hbm>>
      %dma_start3A_469 = arith.constant 0 : i32
      %dma_start3A_470 = arith.constant 0 : i32
      %dma_start3A_471 = tpu.memref_slice %arg10[%dma_start3A_469, %dma_start3A_470] : memref<64x128xf32, #tpu.memory_space<vmem>> -> memref<8x128xf32, #tpu.memory_space<vmem>>
      tpu.enqueue_dma source(%dma_start3A_471 : memref<8x128xf32, #tpu.memory_space<vmem>>) target(%dma_start3A_468 : memref<8x128xf32, #tpu.memory_space<hbm>>) target_semaphore(%arg14 : memref<!tpu.dma_semaphore, #tpu.memory_space<semaphore_mem>>)
      %dma_start3A_472 = arith.constant 1 : i32
      %dma_start3A_473 = arith.constant 8 : i32
      %dma_start3A_474 = arith.constant 0 : i32
      %dma_start3A_475 = tpu.memref_slice %arg10[%dma_start3A_473, %dma_start3A_474] : memref<64x128xf32, #tpu.memory_space<vmem>> -> memref<8x128xf32, #tpu.memory_space<vmem>>
      %dma_start3A_476 = arith.constant 0 : i32
      %dma_start3A_477 = arith.constant 0 : i32
      %dma_start3A_478 = tpu.memref_slice %arg4[%add3A_439, %dma_start3A_472, %add3A, %dma_start3A_476, %dma_start3A_477] : memref<200x8x32x8x128xf32, #tpu.memory_space<hbm>> -> memref<1x1x1x8x128xf32, #tpu.memory_space<hbm>>
      %dma_start3A_479 = tpu.memref_squeeze %dma_start3A_478 : memref<1x1x1x8x128xf32, #tpu.memory_space<hbm>> -> memref<8x128xf32, #tpu.memory_space<hbm>>
      %dma_start3A_480 = arith.constant 0 : i32
      %dma_start3A_481 = arith.constant 0 : i32
      %dma_start3A_482 = tpu.memref_slice %arg4[%add3A_439, %dma_start3A_472, %add3A, %dma_start3A_480, %dma_start3A_481] : memref<200x8x32x8x128xf32, #tpu.memory_space<hbm>> -> memref<1x1x1x8x128xf32, #tpu.memory_space<hbm>>
      %dma_start3A_483 = tpu.memref_squeeze %dma_start3A_482 : memref<1x1x1x8x128xf32, #tpu.memory_space<hbm>> -> memref<8x128xf32, #tpu.memory_space<hbm>>
      %dma_start3A_484 = arith.constant 8 : i32
      %dma_start3A_485 = arith.constant 0 : i32
      %dma_start3A_486 = tpu.memref_slice %arg10[%dma_start3A_484, %dma_start3A_485] : memref<64x128xf32, #tpu.memory_space<vmem>> -> memref<8x128xf32, #tpu.memory_space<vmem>>
      tpu.enqueue_dma source(%dma_start3A_486 : memref<8x128xf32, #tpu.memory_space<vmem>>) target(%dma_start3A_483 : memref<8x128xf32, #tpu.memory_space<hbm>>) target_semaphore(%arg14 : memref<!tpu.dma_semaphore, #tpu.memory_space<semaphore_mem>>)
      %dma_start3A_487 = arith.constant 2 : i32
      %dma_start3A_488 = arith.constant 16 : i32
      %dma_start3A_489 = arith.constant 0 : i32
      %dma_start3A_490 = tpu.memref_slice %arg10[%dma_start3A_488, %dma_start3A_489] : memref<64x128xf32, #tpu.memory_space<vmem>> -> memref<8x128xf32, #tpu.memory_space<vmem>>
      %dma_start3A_491 = arith.constant 0 : i32
      %dma_start3A_492 = arith.constant 0 : i32
      %dma_start3A_493 = tpu.memref_slice %arg4[%add3A_439, %dma_start3A_487, %add3A, %dma_start3A_491, %dma_start3A_492] : memref<200x8x32x8x128xf32, #tpu.memory_space<hbm>> -> memref<1x1x1x8x128xf32, #tpu.memory_space<hbm>>
      %dma_start3A_494 = tpu.memref_squeeze %dma_start3A_493 : memref<1x1x1x8x128xf32, #tpu.memory_space<hbm>> -> memref<8x128xf32, #tpu.memory_space<hbm>>
      %dma_start3A_495 = arith.constant 0 : i32
      %dma_start3A_496 = arith.constant 0 : i32
      %dma_start3A_497 = tpu.memref_slice %arg4[%add3A_439, %dma_start3A_487, %add3A, %dma_start3A_495, %dma_start3A_496] : memref<200x8x32x8x128xf32, #tpu.memory_space<hbm>> -> memref<1x1x1x8x128xf32, #tpu.memory_space<hbm>>
      %dma_start3A_498 = tpu.memref_squeeze %dma_start3A_497 : memref<1x1x1x8x128xf32, #tpu.memory_space<hbm>> -> memref<8x128xf32, #tpu.memory_space<hbm>>
      %dma_start3A_499 = arith.constant 16 : i32
      %dma_start3A_500 = arith.constant 0 : i32
      %dma_start3A_501 = tpu.memref_slice %arg10[%dma_start3A_499, %dma_start3A_500] : memref<64x128xf32, #tpu.memory_space<vmem>> -> memref<8x128xf32, #tpu.memory_space<vmem>>
      tpu.enqueue_dma source(%dma_start3A_501 : memref<8x128xf32, #tpu.memory_space<vmem>>) target(%dma_start3A_498 : memref<8x128xf32, #tpu.memory_space<hbm>>) target_semaphore(%arg14 : memref<!tpu.dma_semaphore, #tpu.memory_space<semaphore_mem>>)
      %dma_start3A_502 = arith.constant 3 : i32
      %dma_start3A_503 = arith.constant 24 : i32
      %dma_start3A_504 = arith.constant 0 : i32
      %dma_start3A_505 = tpu.memref_slice %arg10[%dma_start3A_503, %dma_start3A_504] : memref<64x128xf32, #tpu.memory_space<vmem>> -> memref<8x128xf32, #tpu.memory_space<vmem>>
      %dma_start3A_506 = arith.constant 0 : i32
      %dma_start3A_507 = arith.constant 0 : i32
      %dma_start3A_508 = tpu.memref_slice %arg4[%add3A_439, %dma_start3A_502, %add3A, %dma_start3A_506, %dma_start3A_507] : memref<200x8x32x8x128xf32, #tpu.memory_space<hbm>> -> memref<1x1x1x8x128xf32, #tpu.memory_space<hbm>>
      %dma_start3A_509 = tpu.memref_squeeze %dma_start3A_508 : memref<1x1x1x8x128xf32, #tpu.memory_space<hbm>> -> memref<8x128xf32, #tpu.memory_space<hbm>>
      %dma_start3A_510 = arith.constant 0 : i32
      %dma_start3A_511 = arith.constant 0 : i32
      %dma_start3A_512 = tpu.memref_slice %arg4[%add3A_439, %dma_start3A_502, %add3A, %dma_start3A_510, %dma_start3A_511] : memref<200x8x32x8x128xf32, #tpu.memory_space<hbm>> -> memref<1x1x1x8x128xf32, #tpu.memory_space<hbm>>
      %dma_start3A_513 = tpu.memref_squeeze %dma_start3A_512 : memref<1x1x1x8x128xf32, #tpu.memory_space<hbm>> -> memref<8x128xf32, #tpu.memory_space<hbm>>
      %dma_start3A_514 = arith.constant 24 : i32
      %dma_start3A_515 = arith.constant 0 : i32
      %dma_start3A_516 = tpu.memref_slice %arg10[%dma_start3A_514, %dma_start3A_515] : memref<64x128xf32, #tpu.memory_space<vmem>> -> memref<8x128xf32, #tpu.memory_space<vmem>>
      tpu.enqueue_dma source(%dma_start3A_516 : memref<8x128xf32, #tpu.memory_space<vmem>>) target(%dma_start3A_513 : memref<8x128xf32, #tpu.memory_space<hbm>>) target_semaphore(%arg14 : memref<!tpu.dma_semaphore, #tpu.memory_space<semaphore_mem>>)
      %dma_start3A_517 = arith.constant 4 : i32
      %dma_start3A_518 = arith.constant 32 : i32
      %dma_start3A_519 = arith.constant 0 : i32
      %dma_start3A_520 = tpu.memref_slice %arg10[%dma_start3A_518, %dma_start3A_519] : memref<64x128xf32, #tpu.memory_space<vmem>> -> memref<8x128xf32, #tpu.memory_space<vmem>>
      %dma_start3A_521 = arith.constant 0 : i32
      %dma_start3A_522 = arith.constant 0 : i32
      %dma_start3A_523 = tpu.memref_slice %arg4[%add3A_439, %dma_start3A_517, %add3A, %dma_start3A_521, %dma_start3A_522] : memref<200x8x32x8x128xf32, #tpu.memory_space<hbm>> -> memref<1x1x1x8x128xf32, #tpu.memory_space<hbm>>
      %dma_start3A_524 = tpu.memref_squeeze %dma_start3A_523 : memref<1x1x1x8x128xf32, #tpu.memory_space<hbm>> -> memref<8x128xf32, #tpu.memory_space<hbm>>
      %dma_start3A_525 = arith.constant 0 : i32
      %dma_start3A_526 = arith.constant 0 : i32
      %dma_start3A_527 = tpu.memref_slice %arg4[%add3A_439, %dma_start3A_517, %add3A, %dma_start3A_525, %dma_start3A_526] : memref<200x8x32x8x128xf32, #tpu.memory_space<hbm>> -> memref<1x1x1x8x128xf32, #tpu.memory_space<hbm>>
      %dma_start3A_528 = tpu.memref_squeeze %dma_start3A_527 : memref<1x1x1x8x128xf32, #tpu.memory_space<hbm>> -> memref<8x128xf32, #tpu.memory_space<hbm>>
      %dma_start3A_529 = arith.constant 32 : i32
      %dma_start3A_530 = arith.constant 0 : i32
      %dma_start3A_531 = tpu.memref_slice %arg10[%dma_start3A_529, %dma_start3A_530] : memref<64x128xf32, #tpu.memory_space<vmem>> -> memref<8x128xf32, #tpu.memory_space<vmem>>
      tpu.enqueue_dma source(%dma_start3A_531 : memref<8x128xf32, #tpu.memory_space<vmem>>) target(%dma_start3A_528 : memref<8x128xf32, #tpu.memory_space<hbm>>) target_semaphore(%arg14 : memref<!tpu.dma_semaphore, #tpu.memory_space<semaphore_mem>>)
      %dma_start3A_532 = arith.constant 5 : i32
      %dma_start3A_533 = arith.constant 40 : i32
      %dma_start3A_534 = arith.constant 0 : i32
      %dma_start3A_535 = tpu.memref_slice %arg10[%dma_start3A_533, %dma_start3A_534] : memref<64x128xf32, #tpu.memory_space<vmem>> -> memref<8x128xf32, #tpu.memory_space<vmem>>
      %dma_start3A_536 = arith.constant 0 : i32
      %dma_start3A_537 = arith.constant 0 : i32
      %dma_start3A_538 = tpu.memref_slice %arg4[%add3A_439, %dma_start3A_532, %add3A, %dma_start3A_536, %dma_start3A_537] : memref<200x8x32x8x128xf32, #tpu.memory_space<hbm>> -> memref<1x1x1x8x128xf32, #tpu.memory_space<hbm>>
      %dma_start3A_539 = tpu.memref_squeeze %dma_start3A_538 : memref<1x1x1x8x128xf32, #tpu.memory_space<hbm>> -> memref<8x128xf32, #tpu.memory_space<hbm>>
      %dma_start3A_540 = arith.constant 0 : i32
      %dma_start3A_541 = arith.constant 0 : i32
      %dma_start3A_542 = tpu.memref_slice %arg4[%add3A_439, %dma_start3A_532, %add3A, %dma_start3A_540, %dma_start3A_541] : memref<200x8x32x8x128xf32, #tpu.memory_space<hbm>> -> memref<1x1x1x8x128xf32, #tpu.memory_space<hbm>>
      %dma_start3A_543 = tpu.memref_squeeze %dma_start3A_542 : memref<1x1x1x8x128xf32, #tpu.memory_space<hbm>> -> memref<8x128xf32, #tpu.memory_space<hbm>>
      %dma_start3A_544 = arith.constant 40 : i32
      %dma_start3A_545 = arith.constant 0 : i32
      %dma_start3A_546 = tpu.memref_slice %arg10[%dma_start3A_544, %dma_start3A_545] : memref<64x128xf32, #tpu.memory_space<vmem>> -> memref<8x128xf32, #tpu.memory_space<vmem>>
      tpu.enqueue_dma source(%dma_start3A_546 : memref<8x128xf32, #tpu.memory_space<vmem>>) target(%dma_start3A_543 : memref<8x128xf32, #tpu.memory_space<hbm>>) target_semaphore(%arg14 : memref<!tpu.dma_semaphore, #tpu.memory_space<semaphore_mem>>)
      %dma_start3A_547 = arith.constant 6 : i32
      %dma_start3A_548 = arith.constant 48 : i32
      %dma_start3A_549 = arith.constant 0 : i32
      %dma_start3A_550 = tpu.memref_slice %arg10[%dma_start3A_548, %dma_start3A_549] : memref<64x128xf32, #tpu.memory_space<vmem>> -> memref<8x128xf32, #tpu.memory_space<vmem>>
      %dma_start3A_551 = arith.constant 0 : i32
      %dma_start3A_552 = arith.constant 0 : i32
      %dma_start3A_553 = tpu.memref_slice %arg4[%add3A_439, %dma_start3A_547, %add3A, %dma_start3A_551, %dma_start3A_552] : memref<200x8x32x8x128xf32, #tpu.memory_space<hbm>> -> memref<1x1x1x8x128xf32, #tpu.memory_space<hbm>>
      %dma_start3A_554 = tpu.memref_squeeze %dma_start3A_553 : memref<1x1x1x8x128xf32, #tpu.memory_space<hbm>> -> memref<8x128xf32, #tpu.memory_space<hbm>>
      %dma_start3A_555 = arith.constant 0 : i32
      %dma_start3A_556 = arith.constant 0 : i32
      %dma_start3A_557 = tpu.memref_slice %arg4[%add3A_439, %dma_start3A_547, %add3A, %dma_start3A_555, %dma_start3A_556] : memref<200x8x32x8x128xf32, #tpu.memory_space<hbm>> -> memref<1x1x1x8x128xf32, #tpu.memory_space<hbm>>
      %dma_start3A_558 = tpu.memref_squeeze %dma_start3A_557 : memref<1x1x1x8x128xf32, #tpu.memory_space<hbm>> -> memref<8x128xf32, #tpu.memory_space<hbm>>
      %dma_start3A_559 = arith.constant 48 : i32
      %dma_start3A_560 = arith.constant 0 : i32
      %dma_start3A_561 = tpu.memref_slice %arg10[%dma_start3A_559, %dma_start3A_560] : memref<64x128xf32, #tpu.memory_space<vmem>> -> memref<8x128xf32, #tpu.memory_space<vmem>>
      tpu.enqueue_dma source(%dma_start3A_561 : memref<8x128xf32, #tpu.memory_space<vmem>>) target(%dma_start3A_558 : memref<8x128xf32, #tpu.memory_space<hbm>>) target_semaphore(%arg14 : memref<!tpu.dma_semaphore, #tpu.memory_space<semaphore_mem>>)
      %dma_start3A_562 = arith.constant 7 : i32
      %dma_start3A_563 = arith.constant 56 : i32
      %dma_start3A_564 = arith.constant 0 : i32
      %dma_start3A_565 = tpu.memref_slice %arg10[%dma_start3A_563, %dma_start3A_564] : memref<64x128xf32, #tpu.memory_space<vmem>> -> memref<8x128xf32, #tpu.memory_space<vmem>>
      %dma_start3A_566 = arith.constant 0 : i32
      %dma_start3A_567 = arith.constant 0 : i32
      %dma_start3A_568 = tpu.memref_slice %arg4[%add3A_439, %dma_start3A_562, %add3A, %dma_start3A_566, %dma_start3A_567] : memref<200x8x32x8x128xf32, #tpu.memory_space<hbm>> -> memref<1x1x1x8x128xf32, #tpu.memory_space<hbm>>
      %dma_start3A_569 = tpu.memref_squeeze %dma_start3A_568 : memref<1x1x1x8x128xf32, #tpu.memory_space<hbm>> -> memref<8x128xf32, #tpu.memory_space<hbm>>
      %dma_start3A_570 = arith.constant 0 : i32
      %dma_start3A_571 = arith.constant 0 : i32
      %dma_start3A_572 = tpu.memref_slice %arg4[%add3A_439, %dma_start3A_562, %add3A, %dma_start3A_570, %dma_start3A_571] : memref<200x8x32x8x128xf32, #tpu.memory_space<hbm>> -> memref<1x1x1x8x128xf32, #tpu.memory_space<hbm>>
      %dma_start3A_573 = tpu.memref_squeeze %dma_start3A_572 : memref<1x1x1x8x128xf32, #tpu.memory_space<hbm>> -> memref<8x128xf32, #tpu.memory_space<hbm>>
      %dma_start3A_574 = arith.constant 56 : i32
      %dma_start3A_575 = arith.constant 0 : i32
      %dma_start3A_576 = tpu.memref_slice %arg10[%dma_start3A_574, %dma_start3A_575] : memref<64x128xf32, #tpu.memory_space<vmem>> -> memref<8x128xf32, #tpu.memory_space<vmem>>
      tpu.enqueue_dma source(%dma_start3A_576 : memref<8x128xf32, #tpu.memory_space<vmem>>) target(%dma_start3A_573 : memref<8x128xf32, #tpu.memory_space<hbm>>) target_semaphore(%arg14 : memref<!tpu.dma_semaphore, #tpu.memory_space<semaphore_mem>>)
      %mul3A_577 = arith.constant 2 : i32
      %mul3A_578 = arith.muli %mul3A_577, %scan3A_435 : i32
      %add3A_579 = arith.constant 1 : i32
      %add3A_580 = arith.addi %mul3A_578, %add3A_579 : i32
      %add3A_581 = arith.constant 1 : i32
      %add3A_582 = arith.addi %add3A_580, %add3A_581 : i32
      %lt3A_583 = arith.constant 200 : i32
      %lt3A_584 = arith.cmpi slt, %add3A_582, %lt3A_583 : i32
      %convert_element_type3A_585 = arith.extui %lt3A_584 : i1 to i32
      %cond3A_586 = arith.constant 0 : i32
      %cond3A_587 = arith.cmpi ne, %convert_element_type3A_585, %cond3A_586 : i32
      scf.if %cond3A_587 {
        %add3A_722 = arith.constant 1 : i32
        %add3A_723 = arith.addi %add3A_580, %add3A_722 : i32
        %add3A_724 = arith.constant 0 : i32
        %add3A_725 = arith.addi %add3A_724, %add3A_723 : i32
        %add3A_726 = vector.broadcast %add3A_725 : i32 to vector<16xi32>
        %add3A_727 = arith.addi %mul3A_7, %add3A_726 : vector<16xi32>
        %gather3A_728 = tpu.vector_load_idx %arg5[%add3A_727] : memref<25600xi32, #tpu.memory_space<vmem>>[vector<16xi32>], vector<16xi32>,
        %swap3A_729 = arith.constant 0 : index
        %swap3A_730 = tpu.vector_load %arg6[%swap3A_729] {strides = array<i32>} : memref<128xi32, #tpu.memory_space<vmem>>, vector<16xi32>,
        tpu.vector_store %arg6[%swap3A_729], %gather3A_728 {strides = array<i32>} : memref<128xi32, #tpu.memory_space<vmem>>, vector<16xi32>,
        %add3A_731 = arith.constant 3200 : i32
        %add3A_732 = arith.addi %add3A_731, %add3A_723 : i32
        %add3A_733 = vector.broadcast %add3A_732 : i32 to vector<16xi32>
        %add3A_734 = arith.addi %mul3A_7, %add3A_733 : vector<16xi32>
        %gather3A_735 = tpu.vector_load_idx %arg5[%add3A_734] : memref<25600xi32, #tpu.memory_space<vmem>>[vector<16xi32>], vector<16xi32>,
        %swap3A_736 = arith.constant 16 : index
        %swap3A_737 = tpu.vector_load %arg6[%swap3A_736] {strides = array<i32>} : memref<128xi32, #tpu.memory_space<vmem>>, vector<16xi32>,
        tpu.vector_store %arg6[%swap3A_736], %gather3A_735 {strides = array<i32>} : memref<128xi32, #tpu.memory_space<vmem>>, vector<16xi32>,
        %add3A_738 = arith.constant 6400 : i32
        %add3A_739 = arith.addi %add3A_738, %add3A_723 : i32
        %add3A_740 = vector.broadcast %add3A_739 : i32 to vector<16xi32>
        %add3A_741 = arith.addi %mul3A_7, %add3A_740 : vector<16xi32>
        %gather3A_742 = tpu.vector_load_idx %arg5[%add3A_741] : memref<25600xi32, #tpu.memory_space<vmem>>[vector<16xi32>], vector<16xi32>,
        %swap3A_743 = arith.constant 32 : index
        %swap3A_744 = tpu.vector_load %arg6[%swap3A_743] {strides = array<i32>} : memref<128xi32, #tpu.memory_space<vmem>>, vector<16xi32>,
        tpu.vector_store %arg6[%swap3A_743], %gather3A_742 {strides = array<i32>} : memref<128xi32, #tpu.memory_space<vmem>>, vector<16xi32>,
        %add3A_745 = arith.constant 9600 : i32
        %add3A_746 = arith.addi %add3A_745, %add3A_723 : i32
        %add3A_747 = vector.broadcast %add3A_746 : i32 to vector<16xi32>
        %add3A_748 = arith.addi %mul3A_7, %add3A_747 : vector<16xi32>
        %gather3A_749 = tpu.vector_load_idx %arg5[%add3A_748] : memref<25600xi32, #tpu.memory_space<vmem>>[vector<16xi32>], vector<16xi32>,
        %swap3A_750 = arith.constant 48 : index
        %swap3A_751 = tpu.vector_load %arg6[%swap3A_750] {strides = array<i32>} : memref<128xi32, #tpu.memory_space<vmem>>, vector<16xi32>,
        tpu.vector_store %arg6[%swap3A_750], %gather3A_749 {strides = array<i32>} : memref<128xi32, #tpu.memory_space<vmem>>, vector<16xi32>,
        %add3A_752 = arith.constant 12800 : i32
        %add3A_753 = arith.addi %add3A_752, %add3A_723 : i32
        %add3A_754 = vector.broadcast %add3A_753 : i32 to vector<16xi32>
        %add3A_755 = arith.addi %mul3A_7, %add3A_754 : vector<16xi32>
        %gather3A_756 = tpu.vector_load_idx %arg5[%add3A_755] : memref<25600xi32, #tpu.memory_space<vmem>>[vector<16xi32>], vector<16xi32>,
        %swap3A_757 = arith.constant 64 : index
        %swap3A_758 = tpu.vector_load %arg6[%swap3A_757] {strides = array<i32>} : memref<128xi32, #tpu.memory_space<vmem>>, vector<16xi32>,
        tpu.vector_store %arg6[%swap3A_757], %gather3A_756 {strides = array<i32>} : memref<128xi32, #tpu.memory_space<vmem>>, vector<16xi32>,
        %add3A_759 = arith.constant 16000 : i32
        %add3A_760 = arith.addi %add3A_759, %add3A_723 : i32
        %add3A_761 = vector.broadcast %add3A_760 : i32 to vector<16xi32>
        %add3A_762 = arith.addi %mul3A_7, %add3A_761 : vector<16xi32>
        %gather3A_763 = tpu.vector_load_idx %arg5[%add3A_762] : memref<25600xi32, #tpu.memory_space<vmem>>[vector<16xi32>], vector<16xi32>,
        %swap3A_764 = arith.constant 80 : index
        %swap3A_765 = tpu.vector_load %arg6[%swap3A_764] {strides = array<i32>} : memref<128xi32, #tpu.memory_space<vmem>>, vector<16xi32>,
        tpu.vector_store %arg6[%swap3A_764], %gather3A_763 {strides = array<i32>} : memref<128xi32, #tpu.memory_space<vmem>>, vector<16xi32>,
        %add3A_766 = arith.constant 19200 : i32
        %add3A_767 = arith.addi %add3A_766, %add3A_723 : i32
        %add3A_768 = vector.broadcast %add3A_767 : i32 to vector<16xi32>
        %add3A_769 = arith.addi %mul3A_7, %add3A_768 : vector<16xi32>
        %gather3A_770 = tpu.vector_load_idx %arg5[%add3A_769] : memref<25600xi32, #tpu.memory_space<vmem>>[vector<16xi32>], vector<16xi32>,
        %swap3A_771 = arith.constant 96 : index
        %swap3A_772 = tpu.vector_load %arg6[%swap3A_771] {strides = array<i32>} : memref<128xi32, #tpu.memory_space<vmem>>, vector<16xi32>,
        tpu.vector_store %arg6[%swap3A_771], %gather3A_770 {strides = array<i32>} : memref<128xi32, #tpu.memory_space<vmem>>, vector<16xi32>,
        %add3A_773 = arith.constant 22400 : i32
        %add3A_774 = arith.addi %add3A_773, %add3A_723 : i32
        %add3A_775 = vector.broadcast %add3A_774 : i32 to vector<16xi32>
        %add3A_776 = arith.addi %mul3A_7, %add3A_775 : vector<16xi32>
        %gather3A_777 = tpu.vector_load_idx %arg5[%add3A_776] : memref<25600xi32, #tpu.memory_space<vmem>>[vector<16xi32>], vector<16xi32>,
        %swap3A_778 = arith.constant 112 : index
        %swap3A_779 = tpu.vector_load %arg6[%swap3A_778] {strides = array<i32>} : memref<128xi32, #tpu.memory_space<vmem>>, vector<16xi32>,
        tpu.vector_store %arg6[%swap3A_778], %gather3A_777 {strides = array<i32>} : memref<128xi32, #tpu.memory_space<vmem>>, vector<16xi32>,
        %dma_start3A_780 = arith.constant 0 : i32
        %dma_start3A_781 = arith.constant 0 : i32
        %dma_start3A_782 = tpu.memref_slice %arg3[%dma_start3A_780, %dma_start3A_781] : memref<100000x64xf32, #tpu.memory_space<hbm>> -> memref<100000x64xf32, #tpu.memory_space<hbm>>
        tpu.enqueue_indirect_dma source(%dma_start3A_782 : memref<100000x64xf32, #tpu.memory_space<hbm>>) target(%arg8 : memref<128x64xf32, #tpu.memory_space<vmem>>) offsets(%arg6 : memref<128xi32, #tpu.memory_space<vmem>>) semaphore(%arg12 : memref<!tpu.dma_semaphore, #tpu.memory_space<semaphore_mem>>)
      } else {
      }
      %dma_wait3A_588 = arith.constant 0 : i32
      %dma_wait3A_589 = arith.constant 0 : i32
      %dma_wait3A_590 = tpu.memref_slice %arg3[%dma_wait3A_588, %dma_wait3A_589] : memref<100000x64xf32, #tpu.memory_space<hbm>> -> memref<100000x64xf32, #tpu.memory_space<hbm>>
      tpu.wait_indirect_dma semaphore(%arg13 : memref<!tpu.dma_semaphore, #tpu.memory_space<semaphore_mem>>) src(%dma_wait3A_590 : memref<100000x64xf32, #tpu.memory_space<hbm>>) dst(%arg9 : memref<128x64xf32, #tpu.memory_space<vmem>>)
      %ge3A_591 = arith.constant 2 : i32
      %ge3A_592 = arith.cmpi sge, %add3A_580, %ge3A_591 : i32
      %convert_element_type3A_593 = arith.extui %ge3A_592 : i1 to i32
      %cond3A_594 = arith.constant 0 : i32
      %cond3A_595 = arith.cmpi ne, %convert_element_type3A_593, %cond3A_594 : i32
      scf.if %cond3A_595 {
        %sub3A = arith.constant 2 : i32
        %sub3A_722 = arith.subi %add3A_580, %sub3A : i32
        %dma_wait3A_723 = arith.constant 0 : i32
        %dma_wait3A_724 = arith.constant 0 : i32
        %dma_wait3A_725 = arith.constant 0 : i32
        %dma_wait3A_726 = tpu.memref_slice %arg11[%dma_wait3A_724, %dma_wait3A_725] : memref<64x128xf32, #tpu.memory_space<vmem>> -> memref<8x128xf32, #tpu.memory_space<vmem>>
        %dma_wait3A_727 = arith.constant 0 : i32
        %dma_wait3A_728 = arith.constant 0 : i32
        %dma_wait3A_729 = tpu.memref_slice %arg4[%sub3A_722, %dma_wait3A_723, %add3A, %dma_wait3A_727, %dma_wait3A_728] : memref<200x8x32x8x128xf32, #tpu.memory_space<hbm>> -> memref<1x1x1x8x128xf32, #tpu.memory_space<hbm>>
        %dma_wait3A_730 = tpu.memref_squeeze %dma_wait3A_729 : memref<1x1x1x8x128xf32, #tpu.memory_space<hbm>> -> memref<8x128xf32, #tpu.memory_space<hbm>>
        %dma_wait3A_731 = arith.constant 0 : i32
        %dma_wait3A_732 = arith.constant 0 : i32
        %dma_wait3A_733 = tpu.memref_slice %arg4[%sub3A_722, %dma_wait3A_723, %add3A, %dma_wait3A_731, %dma_wait3A_732] : memref<200x8x32x8x128xf32, #tpu.memory_space<hbm>> -> memref<1x1x1x8x128xf32, #tpu.memory_space<hbm>>
        %dma_wait3A_734 = tpu.memref_squeeze %dma_wait3A_733 : memref<1x1x1x8x128xf32, #tpu.memory_space<hbm>> -> memref<8x128xf32, #tpu.memory_space<hbm>>
        %dma_wait3A_735 = arith.constant 0 : i32
        %dma_wait3A_736 = arith.constant 0 : i32
        %dma_wait3A_737 = tpu.memref_slice %arg11[%dma_wait3A_735, %dma_wait3A_736] : memref<64x128xf32, #tpu.memory_space<vmem>> -> memref<8x128xf32, #tpu.memory_space<vmem>>
        tpu.wait_dma2 semaphore(%arg15 : memref<!tpu.dma_semaphore, #tpu.memory_space<semaphore_mem>>) src(%dma_wait3A_737 : memref<8x128xf32, #tpu.memory_space<vmem>>) dst(%dma_wait3A_734 : memref<8x128xf32, #tpu.memory_space<hbm>>)
        %dma_wait3A_738 = arith.constant 1 : i32
        %dma_wait3A_739 = arith.constant 8 : i32
        %dma_wait3A_740 = arith.constant 0 : i32
        %dma_wait3A_741 = tpu.memref_slice %arg11[%dma_wait3A_739, %dma_wait3A_740] : memref<64x128xf32, #tpu.memory_space<vmem>> -> memref<8x128xf32, #tpu.memory_space<vmem>>
        %dma_wait3A_742 = arith.constant 0 : i32
        %dma_wait3A_743 = arith.constant 0 : i32
        %dma_wait3A_744 = tpu.memref_slice %arg4[%sub3A_722, %dma_wait3A_738, %add3A, %dma_wait3A_742, %dma_wait3A_743] : memref<200x8x32x8x128xf32, #tpu.memory_space<hbm>> -> memref<1x1x1x8x128xf32, #tpu.memory_space<hbm>>
        %dma_wait3A_745 = tpu.memref_squeeze %dma_wait3A_744 : memref<1x1x1x8x128xf32, #tpu.memory_space<hbm>> -> memref<8x128xf32, #tpu.memory_space<hbm>>
        %dma_wait3A_746 = arith.constant 0 : i32
        %dma_wait3A_747 = arith.constant 0 : i32
        %dma_wait3A_748 = tpu.memref_slice %arg4[%sub3A_722, %dma_wait3A_738, %add3A, %dma_wait3A_746, %dma_wait3A_747] : memref<200x8x32x8x128xf32, #tpu.memory_space<hbm>> -> memref<1x1x1x8x128xf32, #tpu.memory_space<hbm>>
        %dma_wait3A_749 = tpu.memref_squeeze %dma_wait3A_748 : memref<1x1x1x8x128xf32, #tpu.memory_space<hbm>> -> memref<8x128xf32, #tpu.memory_space<hbm>>
        %dma_wait3A_750 = arith.constant 8 : i32
        %dma_wait3A_751 = arith.constant 0 : i32
        %dma_wait3A_752 = tpu.memref_slice %arg11[%dma_wait3A_750, %dma_wait3A_751] : memref<64x128xf32, #tpu.memory_space<vmem>> -> memref<8x128xf32, #tpu.memory_space<vmem>>
        tpu.wait_dma2 semaphore(%arg15 : memref<!tpu.dma_semaphore, #tpu.memory_space<semaphore_mem>>) src(%dma_wait3A_752 : memref<8x128xf32, #tpu.memory_space<vmem>>) dst(%dma_wait3A_749 : memref<8x128xf32, #tpu.memory_space<hbm>>)
        %dma_wait3A_753 = arith.constant 2 : i32
        %dma_wait3A_754 = arith.constant 16 : i32
        %dma_wait3A_755 = arith.constant 0 : i32
        %dma_wait3A_756 = tpu.memref_slice %arg11[%dma_wait3A_754, %dma_wait3A_755] : memref<64x128xf32, #tpu.memory_space<vmem>> -> memref<8x128xf32, #tpu.memory_space<vmem>>
        %dma_wait3A_757 = arith.constant 0 : i32
        %dma_wait3A_758 = arith.constant 0 : i32
        %dma_wait3A_759 = tpu.memref_slice %arg4[%sub3A_722, %dma_wait3A_753, %add3A, %dma_wait3A_757, %dma_wait3A_758] : memref<200x8x32x8x128xf32, #tpu.memory_space<hbm>> -> memref<1x1x1x8x128xf32, #tpu.memory_space<hbm>>
        %dma_wait3A_760 = tpu.memref_squeeze %dma_wait3A_759 : memref<1x1x1x8x128xf32, #tpu.memory_space<hbm>> -> memref<8x128xf32, #tpu.memory_space<hbm>>
        %dma_wait3A_761 = arith.constant 0 : i32
        %dma_wait3A_762 = arith.constant 0 : i32
        %dma_wait3A_763 = tpu.memref_slice %arg4[%sub3A_722, %dma_wait3A_753, %add3A, %dma_wait3A_761, %dma_wait3A_762] : memref<200x8x32x8x128xf32, #tpu.memory_space<hbm>> -> memref<1x1x1x8x128xf32, #tpu.memory_space<hbm>>
        %dma_wait3A_764 = tpu.memref_squeeze %dma_wait3A_763 : memref<1x1x1x8x128xf32, #tpu.memory_space<hbm>> -> memref<8x128xf32, #tpu.memory_space<hbm>>
        %dma_wait3A_765 = arith.constant 16 : i32
        %dma_wait3A_766 = arith.constant 0 : i32
        %dma_wait3A_767 = tpu.memref_slice %arg11[%dma_wait3A_765, %dma_wait3A_766] : memref<64x128xf32, #tpu.memory_space<vmem>> -> memref<8x128xf32, #tpu.memory_space<vmem>>
        tpu.wait_dma2 semaphore(%arg15 : memref<!tpu.dma_semaphore, #tpu.memory_space<semaphore_mem>>) src(%dma_wait3A_767 : memref<8x128xf32, #tpu.memory_space<vmem>>) dst(%dma_wait3A_764 : memref<8x128xf32, #tpu.memory_space<hbm>>)
        %dma_wait3A_768 = arith.constant 3 : i32
        %dma_wait3A_769 = arith.constant 24 : i32
        %dma_wait3A_770 = arith.constant 0 : i32
        %dma_wait3A_771 = tpu.memref_slice %arg11[%dma_wait3A_769, %dma_wait3A_770] : memref<64x128xf32, #tpu.memory_space<vmem>> -> memref<8x128xf32, #tpu.memory_space<vmem>>
        %dma_wait3A_772 = arith.constant 0 : i32
        %dma_wait3A_773 = arith.constant 0 : i32
        %dma_wait3A_774 = tpu.memref_slice %arg4[%sub3A_722, %dma_wait3A_768, %add3A, %dma_wait3A_772, %dma_wait3A_773] : memref<200x8x32x8x128xf32, #tpu.memory_space<hbm>> -> memref<1x1x1x8x128xf32, #tpu.memory_space<hbm>>
        %dma_wait3A_775 = tpu.memref_squeeze %dma_wait3A_774 : memref<1x1x1x8x128xf32, #tpu.memory_space<hbm>> -> memref<8x128xf32, #tpu.memory_space<hbm>>
        %dma_wait3A_776 = arith.constant 0 : i32
        %dma_wait3A_777 = arith.constant 0 : i32
        %dma_wait3A_778 = tpu.memref_slice %arg4[%sub3A_722, %dma_wait3A_768, %add3A, %dma_wait3A_776, %dma_wait3A_777] : memref<200x8x32x8x128xf32, #tpu.memory_space<hbm>> -> memref<1x1x1x8x128xf32, #tpu.memory_space<hbm>>
        %dma_wait3A_779 = tpu.memref_squeeze %dma_wait3A_778 : memref<1x1x1x8x128xf32, #tpu.memory_space<hbm>> -> memref<8x128xf32, #tpu.memory_space<hbm>>
        %dma_wait3A_780 = arith.constant 24 : i32
        %dma_wait3A_781 = arith.constant 0 : i32
        %dma_wait3A_782 = tpu.memref_slice %arg11[%dma_wait3A_780, %dma_wait3A_781] : memref<64x128xf32, #tpu.memory_space<vmem>> -> memref<8x128xf32, #tpu.memory_space<vmem>>
        tpu.wait_dma2 semaphore(%arg15 : memref<!tpu.dma_semaphore, #tpu.memory_space<semaphore_mem>>) src(%dma_wait3A_782 : memref<8x128xf32, #tpu.memory_space<vmem>>) dst(%dma_wait3A_779 : memref<8x128xf32, #tpu.memory_space<hbm>>)
        %dma_wait3A_783 = arith.constant 4 : i32
        %dma_wait3A_784 = arith.constant 32 : i32
        %dma_wait3A_785 = arith.constant 0 : i32
        %dma_wait3A_786 = tpu.memref_slice %arg11[%dma_wait3A_784, %dma_wait3A_785] : memref<64x128xf32, #tpu.memory_space<vmem>> -> memref<8x128xf32, #tpu.memory_space<vmem>>
        %dma_wait3A_787 = arith.constant 0 : i32
        %dma_wait3A_788 = arith.constant 0 : i32
        %dma_wait3A_789 = tpu.memref_slice %arg4[%sub3A_722, %dma_wait3A_783, %add3A, %dma_wait3A_787, %dma_wait3A_788] : memref<200x8x32x8x128xf32, #tpu.memory_space<hbm>> -> memref<1x1x1x8x128xf32, #tpu.memory_space<hbm>>
        %dma_wait3A_790 = tpu.memref_squeeze %dma_wait3A_789 : memref<1x1x1x8x128xf32, #tpu.memory_space<hbm>> -> memref<8x128xf32, #tpu.memory_space<hbm>>
        %dma_wait3A_791 = arith.constant 0 : i32
        %dma_wait3A_792 = arith.constant 0 : i32
        %dma_wait3A_793 = tpu.memref_slice %arg4[%sub3A_722, %dma_wait3A_783, %add3A, %dma_wait3A_791, %dma_wait3A_792] : memref<200x8x32x8x128xf32, #tpu.memory_space<hbm>> -> memref<1x1x1x8x128xf32, #tpu.memory_space<hbm>>
        %dma_wait3A_794 = tpu.memref_squeeze %dma_wait3A_793 : memref<1x1x1x8x128xf32, #tpu.memory_space<hbm>> -> memref<8x128xf32, #tpu.memory_space<hbm>>
        %dma_wait3A_795 = arith.constant 32 : i32
        %dma_wait3A_796 = arith.constant 0 : i32
        %dma_wait3A_797 = tpu.memref_slice %arg11[%dma_wait3A_795, %dma_wait3A_796] : memref<64x128xf32, #tpu.memory_space<vmem>> -> memref<8x128xf32, #tpu.memory_space<vmem>>
        tpu.wait_dma2 semaphore(%arg15 : memref<!tpu.dma_semaphore, #tpu.memory_space<semaphore_mem>>) src(%dma_wait3A_797 : memref<8x128xf32, #tpu.memory_space<vmem>>) dst(%dma_wait3A_794 : memref<8x128xf32, #tpu.memory_space<hbm>>)
        %dma_wait3A_798 = arith.constant 5 : i32
        %dma_wait3A_799 = arith.constant 40 : i32
        %dma_wait3A_800 = arith.constant 0 : i32
        %dma_wait3A_801 = tpu.memref_slice %arg11[%dma_wait3A_799, %dma_wait3A_800] : memref<64x128xf32, #tpu.memory_space<vmem>> -> memref<8x128xf32, #tpu.memory_space<vmem>>
        %dma_wait3A_802 = arith.constant 0 : i32
        %dma_wait3A_803 = arith.constant 0 : i32
        %dma_wait3A_804 = tpu.memref_slice %arg4[%sub3A_722, %dma_wait3A_798, %add3A, %dma_wait3A_802, %dma_wait3A_803] : memref<200x8x32x8x128xf32, #tpu.memory_space<hbm>> -> memref<1x1x1x8x128xf32, #tpu.memory_space<hbm>>
        %dma_wait3A_805 = tpu.memref_squeeze %dma_wait3A_804 : memref<1x1x1x8x128xf32, #tpu.memory_space<hbm>> -> memref<8x128xf32, #tpu.memory_space<hbm>>
        %dma_wait3A_806 = arith.constant 0 : i32
        %dma_wait3A_807 = arith.constant 0 : i32
        %dma_wait3A_808 = tpu.memref_slice %arg4[%sub3A_722, %dma_wait3A_798, %add3A, %dma_wait3A_806, %dma_wait3A_807] : memref<200x8x32x8x128xf32, #tpu.memory_space<hbm>> -> memref<1x1x1x8x128xf32, #tpu.memory_space<hbm>>
        %dma_wait3A_809 = tpu.memref_squeeze %dma_wait3A_808 : memref<1x1x1x8x128xf32, #tpu.memory_space<hbm>> -> memref<8x128xf32, #tpu.memory_space<hbm>>
        %dma_wait3A_810 = arith.constant 40 : i32
        %dma_wait3A_811 = arith.constant 0 : i32
        %dma_wait3A_812 = tpu.memref_slice %arg11[%dma_wait3A_810, %dma_wait3A_811] : memref<64x128xf32, #tpu.memory_space<vmem>> -> memref<8x128xf32, #tpu.memory_space<vmem>>
        tpu.wait_dma2 semaphore(%arg15 : memref<!tpu.dma_semaphore, #tpu.memory_space<semaphore_mem>>) src(%dma_wait3A_812 : memref<8x128xf32, #tpu.memory_space<vmem>>) dst(%dma_wait3A_809 : memref<8x128xf32, #tpu.memory_space<hbm>>)
        %dma_wait3A_813 = arith.constant 6 : i32
        %dma_wait3A_814 = arith.constant 48 : i32
        %dma_wait3A_815 = arith.constant 0 : i32
        %dma_wait3A_816 = tpu.memref_slice %arg11[%dma_wait3A_814, %dma_wait3A_815] : memref<64x128xf32, #tpu.memory_space<vmem>> -> memref<8x128xf32, #tpu.memory_space<vmem>>
        %dma_wait3A_817 = arith.constant 0 : i32
        %dma_wait3A_818 = arith.constant 0 : i32
        %dma_wait3A_819 = tpu.memref_slice %arg4[%sub3A_722, %dma_wait3A_813, %add3A, %dma_wait3A_817, %dma_wait3A_818] : memref<200x8x32x8x128xf32, #tpu.memory_space<hbm>> -> memref<1x1x1x8x128xf32, #tpu.memory_space<hbm>>
        %dma_wait3A_820 = tpu.memref_squeeze %dma_wait3A_819 : memref<1x1x1x8x128xf32, #tpu.memory_space<hbm>> -> memref<8x128xf32, #tpu.memory_space<hbm>>
        %dma_wait3A_821 = arith.constant 0 : i32
        %dma_wait3A_822 = arith.constant 0 : i32
        %dma_wait3A_823 = tpu.memref_slice %arg4[%sub3A_722, %dma_wait3A_813, %add3A, %dma_wait3A_821, %dma_wait3A_822] : memref<200x8x32x8x128xf32, #tpu.memory_space<hbm>> -> memref<1x1x1x8x128xf32, #tpu.memory_space<hbm>>
        %dma_wait3A_824 = tpu.memref_squeeze %dma_wait3A_823 : memref<1x1x1x8x128xf32, #tpu.memory_space<hbm>> -> memref<8x128xf32, #tpu.memory_space<hbm>>
        %dma_wait3A_825 = arith.constant 48 : i32
        %dma_wait3A_826 = arith.constant 0 : i32
        %dma_wait3A_827 = tpu.memref_slice %arg11[%dma_wait3A_825, %dma_wait3A_826] : memref<64x128xf32, #tpu.memory_space<vmem>> -> memref<8x128xf32, #tpu.memory_space<vmem>>
        tpu.wait_dma2 semaphore(%arg15 : memref<!tpu.dma_semaphore, #tpu.memory_space<semaphore_mem>>) src(%dma_wait3A_827 : memref<8x128xf32, #tpu.memory_space<vmem>>) dst(%dma_wait3A_824 : memref<8x128xf32, #tpu.memory_space<hbm>>)
        %dma_wait3A_828 = arith.constant 7 : i32
        %dma_wait3A_829 = arith.constant 56 : i32
        %dma_wait3A_830 = arith.constant 0 : i32
        %dma_wait3A_831 = tpu.memref_slice %arg11[%dma_wait3A_829, %dma_wait3A_830] : memref<64x128xf32, #tpu.memory_space<vmem>> -> memref<8x128xf32, #tpu.memory_space<vmem>>
        %dma_wait3A_832 = arith.constant 0 : i32
        %dma_wait3A_833 = arith.constant 0 : i32
        %dma_wait3A_834 = tpu.memref_slice %arg4[%sub3A_722, %dma_wait3A_828, %add3A, %dma_wait3A_832, %dma_wait3A_833] : memref<200x8x32x8x128xf32, #tpu.memory_space<hbm>> -> memref<1x1x1x8x128xf32, #tpu.memory_space<hbm>>
        %dma_wait3A_835 = tpu.memref_squeeze %dma_wait3A_834 : memref<1x1x1x8x128xf32, #tpu.memory_space<hbm>> -> memref<8x128xf32, #tpu.memory_space<hbm>>
        %dma_wait3A_836 = arith.constant 0 : i32
        %dma_wait3A_837 = arith.constant 0 : i32
        %dma_wait3A_838 = tpu.memref_slice %arg4[%sub3A_722, %dma_wait3A_828, %add3A, %dma_wait3A_836, %dma_wait3A_837] : memref<200x8x32x8x128xf32, #tpu.memory_space<hbm>> -> memref<1x1x1x8x128xf32, #tpu.memory_space<hbm>>
        %dma_wait3A_839 = tpu.memref_squeeze %dma_wait3A_838 : memref<1x1x1x8x128xf32, #tpu.memory_space<hbm>> -> memref<8x128xf32, #tpu.memory_space<hbm>>
        %dma_wait3A_840 = arith.constant 56 : i32
        %dma_wait3A_841 = arith.constant 0 : i32
        %dma_wait3A_842 = tpu.memref_slice %arg11[%dma_wait3A_840, %dma_wait3A_841] : memref<64x128xf32, #tpu.memory_space<vmem>> -> memref<8x128xf32, #tpu.memory_space<vmem>>
        tpu.wait_dma2 semaphore(%arg15 : memref<!tpu.dma_semaphore, #tpu.memory_space<semaphore_mem>>) src(%dma_wait3A_842 : memref<8x128xf32, #tpu.memory_space<vmem>>) dst(%dma_wait3A_839 : memref<8x128xf32, #tpu.memory_space<hbm>>)
      } else {
      }
      %scan3A_596 = arith.constant 0 : i32
      %scan3A_597 = arith.constant 0 : i32
      %scan3A_598 = arith.constant 4 : i32
      %scan3A_599 = arith.addi %scan3A_597, %scan3A_598 : i32
      %scan3A_600 = arith.constant 1 : i32
      scf.for %scan3A_722 = %scan3A_597 to %scan3A_599 step %scan3A_600  : i32 {
        %mul3A_723 = arith.constant 16 : i32
        %mul3A_724 = arith.muli %scan3A_722, %mul3A_723 : i32
        %add3A_725 = vector.broadcast %mul3A_724 : i32 to vector<16xi32>
        %add3A_726 = arith.addi %and3A_12, %add3A_725 : vector<16xi32>
        %add3A_727 = vector.broadcast %mul3A_724 : i32 to vector<16xi32>
        %add3A_728 = arith.addi %and3A_18, %add3A_727 : vector<16xi32>
        %add3A_729 = vector.broadcast %mul3A_724 : i32 to vector<16xi32>
        %add3A_730 = arith.addi %and3A_24, %add3A_729 : vector<16xi32>
        %add3A_731 = vector.broadcast %mul3A_724 : i32 to vector<16xi32>
        %add3A_732 = arith.addi %and3A_30, %add3A_731 : vector<16xi32>
        %add3A_733 = vector.broadcast %mul3A_724 : i32 to vector<16xi32>
        %add3A_734 = arith.addi %and3A_36, %add3A_733 : vector<16xi32>
        %add3A_735 = vector.broadcast %mul3A_724 : i32 to vector<16xi32>
        %add3A_736 = arith.addi %and3A_42, %add3A_735 : vector<16xi32>
        %add3A_737 = vector.broadcast %mul3A_724 : i32 to vector<16xi32>
        %add3A_738 = arith.addi %and3A_48, %add3A_737 : vector<16xi32>
        %add3A_739 = vector.broadcast %mul3A_724 : i32 to vector<16xi32>
        %add3A_740 = arith.addi %and3A_54, %add3A_739 : vector<16xi32>
        %add3A_741 = vector.broadcast %mul3A_724 : i32 to vector<16xi32>
        %add3A_742 = arith.addi %and3A_60, %add3A_741 : vector<16xi32>
        %add3A_743 = vector.broadcast %mul3A_724 : i32 to vector<16xi32>
        %add3A_744 = arith.addi %and3A_66, %add3A_743 : vector<16xi32>
        %add3A_745 = vector.broadcast %mul3A_724 : i32 to vector<16xi32>
        %add3A_746 = arith.addi %and3A_72, %add3A_745 : vector<16xi32>
        %add3A_747 = vector.broadcast %mul3A_724 : i32 to vector<16xi32>
        %add3A_748 = arith.addi %and3A_78, %add3A_747 : vector<16xi32>
        %add3A_749 = vector.broadcast %mul3A_724 : i32 to vector<16xi32>
        %add3A_750 = arith.addi %and3A_84, %add3A_749 : vector<16xi32>
        %add3A_751 = vector.broadcast %mul3A_724 : i32 to vector<16xi32>
        %add3A_752 = arith.addi %and3A_90, %add3A_751 : vector<16xi32>
        %add3A_753 = vector.broadcast %mul3A_724 : i32 to vector<16xi32>
        %add3A_754 = arith.addi %and3A_96, %add3A_753 : vector<16xi32>
        %add3A_755 = vector.broadcast %mul3A_724 : i32 to vector<16xi32>
        %add3A_756 = arith.addi %and3A_102, %add3A_755 : vector<16xi32>
        %gather3A_757 = tpu.vector_load_idx %arg9[%add3A_105, %add3A_726] : memref<128x64xf32, #tpu.memory_space<vmem>>[vector<16xi32>, vector<16xi32>], vector<16xf32>,
        tpu.vector_store_idx %arg11[%add3A_726, %add3A_105], %gather3A_757 : memref<64x128xf32, #tpu.memory_space<vmem>>[vector<16xi32>, vector<16xi32>], vector<16xf32>,
        %gather3A_758 = tpu.vector_load_idx %arg9[%add3A_108, %add3A_726] : memref<128x64xf32, #tpu.memory_space<vmem>>[vector<16xi32>, vector<16xi32>], vector<16xf32>,
        tpu.vector_store_idx %arg11[%add3A_726, %add3A_108], %gather3A_758 : memref<64x128xf32, #tpu.memory_space<vmem>>[vector<16xi32>, vector<16xi32>], vector<16xf32>,
        %gather3A_759 = tpu.vector_load_idx %arg9[%add3A_111, %add3A_726] : memref<128x64xf32, #tpu.memory_space<vmem>>[vector<16xi32>, vector<16xi32>], vector<16xf32>,
        tpu.vector_store_idx %arg11[%add3A_726, %add3A_111], %gather3A_759 : memref<64x128xf32, #tpu.memory_space<vmem>>[vector<16xi32>, vector<16xi32>], vector<16xf32>,
        %gather3A_760 = tpu.vector_load_idx %arg9[%add3A_114, %add3A_726] : memref<128x64xf32, #tpu.memory_space<vmem>>[vector<16xi32>, vector<16xi32>], vector<16xf32>,
        tpu.vector_store_idx %arg11[%add3A_726, %add3A_114], %gather3A_760 : memref<64x128xf32, #tpu.memory_space<vmem>>[vector<16xi32>, vector<16xi32>], vector<16xf32>,
        %gather3A_761 = tpu.vector_load_idx %arg9[%add3A_117, %add3A_726] : memref<128x64xf32, #tpu.memory_space<vmem>>[vector<16xi32>, vector<16xi32>], vector<16xf32>,
        tpu.vector_store_idx %arg11[%add3A_726, %add3A_117], %gather3A_761 : memref<64x128xf32, #tpu.memory_space<vmem>>[vector<16xi32>, vector<16xi32>], vector<16xf32>,
        %gather3A_762 = tpu.vector_load_idx %arg9[%add3A_120, %add3A_726] : memref<128x64xf32, #tpu.memory_space<vmem>>[vector<16xi32>, vector<16xi32>], vector<16xf32>,
        tpu.vector_store_idx %arg11[%add3A_726, %add3A_120], %gather3A_762 : memref<64x128xf32, #tpu.memory_space<vmem>>[vector<16xi32>, vector<16xi32>], vector<16xf32>,
        %gather3A_763 = tpu.vector_load_idx %arg9[%add3A_123, %add3A_726] : memref<128x64xf32, #tpu.memory_space<vmem>>[vector<16xi32>, vector<16xi32>], vector<16xf32>,
        tpu.vector_store_idx %arg11[%add3A_726, %add3A_123], %gather3A_763 : memref<64x128xf32, #tpu.memory_space<vmem>>[vector<16xi32>, vector<16xi32>], vector<16xf32>,
        %gather3A_764 = tpu.vector_load_idx %arg9[%add3A_126, %add3A_726] : memref<128x64xf32, #tpu.memory_space<vmem>>[vector<16xi32>, vector<16xi32>], vector<16xf32>,
        tpu.vector_store_idx %arg11[%add3A_726, %add3A_126], %gather3A_764 : memref<64x128xf32, #tpu.memory_space<vmem>>[vector<16xi32>, vector<16xi32>], vector<16xf32>,
        %gather3A_765 = tpu.vector_load_idx %arg9[%add3A_105, %add3A_728] : memref<128x64xf32, #tpu.memory_space<vmem>>[vector<16xi32>, vector<16xi32>], vector<16xf32>,
        tpu.vector_store_idx %arg11[%add3A_728, %add3A_105], %gather3A_765 : memref<64x128xf32, #tpu.memory_space<vmem>>[vector<16xi32>, vector<16xi32>], vector<16xf32>,
        %gather3A_766 = tpu.vector_load_idx %arg9[%add3A_108, %add3A_728] : memref<128x64xf32, #tpu.memory_space<vmem>>[vector<16xi32>, vector<16xi32>], vector<16xf32>,
        tpu.vector_store_idx %arg11[%add3A_728, %add3A_108], %gather3A_766 : memref<64x128xf32, #tpu.memory_space<vmem>>[vector<16xi32>, vector<16xi32>], vector<16xf32>,
        %gather3A_767 = tpu.vector_load_idx %arg9[%add3A_111, %add3A_728] : memref<128x64xf32, #tpu.memory_space<vmem>>[vector<16xi32>, vector<16xi32>], vector<16xf32>,
        tpu.vector_store_idx %arg11[%add3A_728, %add3A_111], %gather3A_767 : memref<64x128xf32, #tpu.memory_space<vmem>>[vector<16xi32>, vector<16xi32>], vector<16xf32>,
        %gather3A_768 = tpu.vector_load_idx %arg9[%add3A_114, %add3A_728] : memref<128x64xf32, #tpu.memory_space<vmem>>[vector<16xi32>, vector<16xi32>], vector<16xf32>,
        tpu.vector_store_idx %arg11[%add3A_728, %add3A_114], %gather3A_768 : memref<64x128xf32, #tpu.memory_space<vmem>>[vector<16xi32>, vector<16xi32>], vector<16xf32>,
        %gather3A_769 = tpu.vector_load_idx %arg9[%add3A_117, %add3A_728] : memref<128x64xf32, #tpu.memory_space<vmem>>[vector<16xi32>, vector<16xi32>], vector<16xf32>,
        tpu.vector_store_idx %arg11[%add3A_728, %add3A_117], %gather3A_769 : memref<64x128xf32, #tpu.memory_space<vmem>>[vector<16xi32>, vector<16xi32>], vector<16xf32>,
        %gather3A_770 = tpu.vector_load_idx %arg9[%add3A_120, %add3A_728] : memref<128x64xf32, #tpu.memory_space<vmem>>[vector<16xi32>, vector<16xi32>], vector<16xf32>,
        tpu.vector_store_idx %arg11[%add3A_728, %add3A_120], %gather3A_770 : memref<64x128xf32, #tpu.memory_space<vmem>>[vector<16xi32>, vector<16xi32>], vector<16xf32>,
        %gather3A_771 = tpu.vector_load_idx %arg9[%add3A_123, %add3A_728] : memref<128x64xf32, #tpu.memory_space<vmem>>[vector<16xi32>, vector<16xi32>], vector<16xf32>,
        tpu.vector_store_idx %arg11[%add3A_728, %add3A_123], %gather3A_771 : memref<64x128xf32, #tpu.memory_space<vmem>>[vector<16xi32>, vector<16xi32>], vector<16xf32>,
        %gather3A_772 = tpu.vector_load_idx %arg9[%add3A_126, %add3A_728] : memref<128x64xf32, #tpu.memory_space<vmem>>[vector<16xi32>, vector<16xi32>], vector<16xf32>,
        tpu.vector_store_idx %arg11[%add3A_728, %add3A_126], %gather3A_772 : memref<64x128xf32, #tpu.memory_space<vmem>>[vector<16xi32>, vector<16xi32>], vector<16xf32>,
        %gather3A_773 = tpu.vector_load_idx %arg9[%add3A_105, %add3A_730] : memref<128x64xf32, #tpu.memory_space<vmem>>[vector<16xi32>, vector<16xi32>], vector<16xf32>,
        tpu.vector_store_idx %arg11[%add3A_730, %add3A_105], %gather3A_773 : memref<64x128xf32, #tpu.memory_space<vmem>>[vector<16xi32>, vector<16xi32>], vector<16xf32>,
        %gather3A_774 = tpu.vector_load_idx %arg9[%add3A_108, %add3A_730] : memref<128x64xf32, #tpu.memory_space<vmem>>[vector<16xi32>, vector<16xi32>], vector<16xf32>,
        tpu.vector_store_idx %arg11[%add3A_730, %add3A_108], %gather3A_774 : memref<64x128xf32, #tpu.memory_space<vmem>>[vector<16xi32>, vector<16xi32>], vector<16xf32>,
        %gather3A_775 = tpu.vector_load_idx %arg9[%add3A_111, %add3A_730] : memref<128x64xf32, #tpu.memory_space<vmem>>[vector<16xi32>, vector<16xi32>], vector<16xf32>,
        tpu.vector_store_idx %arg11[%add3A_730, %add3A_111], %gather3A_775 : memref<64x128xf32, #tpu.memory_space<vmem>>[vector<16xi32>, vector<16xi32>], vector<16xf32>,
        %gather3A_776 = tpu.vector_load_idx %arg9[%add3A_114, %add3A_730] : memref<128x64xf32, #tpu.memory_space<vmem>>[vector<16xi32>, vector<16xi32>], vector<16xf32>,
        tpu.vector_store_idx %arg11[%add3A_730, %add3A_114], %gather3A_776 : memref<64x128xf32, #tpu.memory_space<vmem>>[vector<16xi32>, vector<16xi32>], vector<16xf32>,
        %gather3A_777 = tpu.vector_load_idx %arg9[%add3A_117, %add3A_730] : memref<128x64xf32, #tpu.memory_space<vmem>>[vector<16xi32>, vector<16xi32>], vector<16xf32>,
        tpu.vector_store_idx %arg11[%add3A_730, %add3A_117], %gather3A_777 : memref<64x128xf32, #tpu.memory_space<vmem>>[vector<16xi32>, vector<16xi32>], vector<16xf32>,
        %gather3A_778 = tpu.vector_load_idx %arg9[%add3A_120, %add3A_730] : memref<128x64xf32, #tpu.memory_space<vmem>>[vector<16xi32>, vector<16xi32>], vector<16xf32>,
        tpu.vector_store_idx %arg11[%add3A_730, %add3A_120], %gather3A_778 : memref<64x128xf32, #tpu.memory_space<vmem>>[vector<16xi32>, vector<16xi32>], vector<16xf32>,
        %gather3A_779 = tpu.vector_load_idx %arg9[%add3A_123, %add3A_730] : memref<128x64xf32, #tpu.memory_space<vmem>>[vector<16xi32>, vector<16xi32>], vector<16xf32>,
        tpu.vector_store_idx %arg11[%add3A_730, %add3A_123], %gather3A_779 : memref<64x128xf32, #tpu.memory_space<vmem>>[vector<16xi32>, vector<16xi32>], vector<16xf32>,
        %gather3A_780 = tpu.vector_load_idx %arg9[%add3A_126, %add3A_730] : memref<128x64xf32, #tpu.memory_space<vmem>>[vector<16xi32>, vector<16xi32>], vector<16xf32>,
        tpu.vector_store_idx %arg11[%add3A_730, %add3A_126], %gather3A_780 : memref<64x128xf32, #tpu.memory_space<vmem>>[vector<16xi32>, vector<16xi32>], vector<16xf32>,
        %gather3A_781 = tpu.vector_load_idx %arg9[%add3A_105, %add3A_732] : memref<128x64xf32, #tpu.memory_space<vmem>>[vector<16xi32>, vector<16xi32>], vector<16xf32>,
        tpu.vector_store_idx %arg11[%add3A_732, %add3A_105], %gather3A_781 : memref<64x128xf32, #tpu.memory_space<vmem>>[vector<16xi32>, vector<16xi32>], vector<16xf32>,
        %gather3A_782 = tpu.vector_load_idx %arg9[%add3A_108, %add3A_732] : memref<128x64xf32, #tpu.memory_space<vmem>>[vector<16xi32>, vector<16xi32>], vector<16xf32>,
        tpu.vector_store_idx %arg11[%add3A_732, %add3A_108], %gather3A_782 : memref<64x128xf32, #tpu.memory_space<vmem>>[vector<16xi32>, vector<16xi32>], vector<16xf32>,
        %gather3A_783 = tpu.vector_load_idx %arg9[%add3A_111, %add3A_732] : memref<128x64xf32, #tpu.memory_space<vmem>>[vector<16xi32>, vector<16xi32>], vector<16xf32>,
        tpu.vector_store_idx %arg11[%add3A_732, %add3A_111], %gather3A_783 : memref<64x128xf32, #tpu.memory_space<vmem>>[vector<16xi32>, vector<16xi32>], vector<16xf32>,
        %gather3A_784 = tpu.vector_load_idx %arg9[%add3A_114, %add3A_732] : memref<128x64xf32, #tpu.memory_space<vmem>>[vector<16xi32>, vector<16xi32>], vector<16xf32>,
        tpu.vector_store_idx %arg11[%add3A_732, %add3A_114], %gather3A_784 : memref<64x128xf32, #tpu.memory_space<vmem>>[vector<16xi32>, vector<16xi32>], vector<16xf32>,
        %gather3A_785 = tpu.vector_load_idx %arg9[%add3A_117, %add3A_732] : memref<128x64xf32, #tpu.memory_space<vmem>>[vector<16xi32>, vector<16xi32>], vector<16xf32>,
        tpu.vector_store_idx %arg11[%add3A_732, %add3A_117], %gather3A_785 : memref<64x128xf32, #tpu.memory_space<vmem>>[vector<16xi32>, vector<16xi32>], vector<16xf32>,
        %gather3A_786 = tpu.vector_load_idx %arg9[%add3A_120, %add3A_732] : memref<128x64xf32, #tpu.memory_space<vmem>>[vector<16xi32>, vector<16xi32>], vector<16xf32>,
        tpu.vector_store_idx %arg11[%add3A_732, %add3A_120], %gather3A_786 : memref<64x128xf32, #tpu.memory_space<vmem>>[vector<16xi32>, vector<16xi32>], vector<16xf32>,
        %gather3A_787 = tpu.vector_load_idx %arg9[%add3A_123, %add3A_732] : memref<128x64xf32, #tpu.memory_space<vmem>>[vector<16xi32>, vector<16xi32>], vector<16xf32>,
        tpu.vector_store_idx %arg11[%add3A_732, %add3A_123], %gather3A_787 : memref<64x128xf32, #tpu.memory_space<vmem>>[vector<16xi32>, vector<16xi32>], vector<16xf32>,
        %gather3A_788 = tpu.vector_load_idx %arg9[%add3A_126, %add3A_732] : memref<128x64xf32, #tpu.memory_space<vmem>>[vector<16xi32>, vector<16xi32>], vector<16xf32>,
        tpu.vector_store_idx %arg11[%add3A_732, %add3A_126], %gather3A_788 : memref<64x128xf32, #tpu.memory_space<vmem>>[vector<16xi32>, vector<16xi32>], vector<16xf32>,
        %gather3A_789 = tpu.vector_load_idx %arg9[%add3A_105, %add3A_734] : memref<128x64xf32, #tpu.memory_space<vmem>>[vector<16xi32>, vector<16xi32>], vector<16xf32>,
        tpu.vector_store_idx %arg11[%add3A_734, %add3A_105], %gather3A_789 : memref<64x128xf32, #tpu.memory_space<vmem>>[vector<16xi32>, vector<16xi32>], vector<16xf32>,
        %gather3A_790 = tpu.vector_load_idx %arg9[%add3A_108, %add3A_734] : memref<128x64xf32, #tpu.memory_space<vmem>>[vector<16xi32>, vector<16xi32>], vector<16xf32>,
        tpu.vector_store_idx %arg11[%add3A_734, %add3A_108], %gather3A_790 : memref<64x128xf32, #tpu.memory_space<vmem>>[vector<16xi32>, vector<16xi32>], vector<16xf32>,
        %gather3A_791 = tpu.vector_load_idx %arg9[%add3A_111, %add3A_734] : memref<128x64xf32, #tpu.memory_space<vmem>>[vector<16xi32>, vector<16xi32>], vector<16xf32>,
        tpu.vector_store_idx %arg11[%add3A_734, %add3A_111], %gather3A_791 : memref<64x128xf32, #tpu.memory_space<vmem>>[vector<16xi32>, vector<16xi32>], vector<16xf32>,
        %gather3A_792 = tpu.vector_load_idx %arg9[%add3A_114, %add3A_734] : memref<128x64xf32, #tpu.memory_space<vmem>>[vector<16xi32>, vector<16xi32>], vector<16xf32>,
        tpu.vector_store_idx %arg11[%add3A_734, %add3A_114], %gather3A_792 : memref<64x128xf32, #tpu.memory_space<vmem>>[vector<16xi32>, vector<16xi32>], vector<16xf32>,
        %gather3A_793 = tpu.vector_load_idx %arg9[%add3A_117, %add3A_734] : memref<128x64xf32, #tpu.memory_space<vmem>>[vector<16xi32>, vector<16xi32>], vector<16xf32>,
        tpu.vector_store_idx %arg11[%add3A_734, %add3A_117], %gather3A_793 : memref<64x128xf32, #tpu.memory_space<vmem>>[vector<16xi32>, vector<16xi32>], vector<16xf32>,
        %gather3A_794 = tpu.vector_load_idx %arg9[%add3A_120, %add3A_734] : memref<128x64xf32, #tpu.memory_space<vmem>>[vector<16xi32>, vector<16xi32>], vector<16xf32>,
        tpu.vector_store_idx %arg11[%add3A_734, %add3A_120], %gather3A_794 : memref<64x128xf32, #tpu.memory_space<vmem>>[vector<16xi32>, vector<16xi32>], vector<16xf32>,
        %gather3A_795 = tpu.vector_load_idx %arg9[%add3A_123, %add3A_734] : memref<128x64xf32, #tpu.memory_space<vmem>>[vector<16xi32>, vector<16xi32>], vector<16xf32>,
        tpu.vector_store_idx %arg11[%add3A_734, %add3A_123], %gather3A_795 : memref<64x128xf32, #tpu.memory_space<vmem>>[vector<16xi32>, vector<16xi32>], vector<16xf32>,
        %gather3A_796 = tpu.vector_load_idx %arg9[%add3A_126, %add3A_734] : memref<128x64xf32, #tpu.memory_space<vmem>>[vector<16xi32>, vector<16xi32>], vector<16xf32>,
        tpu.vector_store_idx %arg11[%add3A_734, %add3A_126], %gather3A_796 : memref<64x128xf32, #tpu.memory_space<vmem>>[vector<16xi32>, vector<16xi32>], vector<16xf32>,
        %gather3A_797 = tpu.vector_load_idx %arg9[%add3A_105, %add3A_736] : memref<128x64xf32, #tpu.memory_space<vmem>>[vector<16xi32>, vector<16xi32>], vector<16xf32>,
        tpu.vector_store_idx %arg11[%add3A_736, %add3A_105], %gather3A_797 : memref<64x128xf32, #tpu.memory_space<vmem>>[vector<16xi32>, vector<16xi32>], vector<16xf32>,
        %gather3A_798 = tpu.vector_load_idx %arg9[%add3A_108, %add3A_736] : memref<128x64xf32, #tpu.memory_space<vmem>>[vector<16xi32>, vector<16xi32>], vector<16xf32>,
        tpu.vector_store_idx %arg11[%add3A_736, %add3A_108], %gather3A_798 : memref<64x128xf32, #tpu.memory_space<vmem>>[vector<16xi32>, vector<16xi32>], vector<16xf32>,
        %gather3A_799 = tpu.vector_load_idx %arg9[%add3A_111, %add3A_736] : memref<128x64xf32, #tpu.memory_space<vmem>>[vector<16xi32>, vector<16xi32>], vector<16xf32>,
        tpu.vector_store_idx %arg11[%add3A_736, %add3A_111], %gather3A_799 : memref<64x128xf32, #tpu.memory_space<vmem>>[vector<16xi32>, vector<16xi32>], vector<16xf32>,
        %gather3A_800 = tpu.vector_load_idx %arg9[%add3A_114, %add3A_736] : memref<128x64xf32, #tpu.memory_space<vmem>>[vector<16xi32>, vector<16xi32>], vector<16xf32>,
        tpu.vector_store_idx %arg11[%add3A_736, %add3A_114], %gather3A_800 : memref<64x128xf32, #tpu.memory_space<vmem>>[vector<16xi32>, vector<16xi32>], vector<16xf32>,
        %gather3A_801 = tpu.vector_load_idx %arg9[%add3A_117, %add3A_736] : memref<128x64xf32, #tpu.memory_space<vmem>>[vector<16xi32>, vector<16xi32>], vector<16xf32>,
        tpu.vector_store_idx %arg11[%add3A_736, %add3A_117], %gather3A_801 : memref<64x128xf32, #tpu.memory_space<vmem>>[vector<16xi32>, vector<16xi32>], vector<16xf32>,
        %gather3A_802 = tpu.vector_load_idx %arg9[%add3A_120, %add3A_736] : memref<128x64xf32, #tpu.memory_space<vmem>>[vector<16xi32>, vector<16xi32>], vector<16xf32>,
        tpu.vector_store_idx %arg11[%add3A_736, %add3A_120], %gather3A_802 : memref<64x128xf32, #tpu.memory_space<vmem>>[vector<16xi32>, vector<16xi32>], vector<16xf32>,
        %gather3A_803 = tpu.vector_load_idx %arg9[%add3A_123, %add3A_736] : memref<128x64xf32, #tpu.memory_space<vmem>>[vector<16xi32>, vector<16xi32>], vector<16xf32>,
        tpu.vector_store_idx %arg11[%add3A_736, %add3A_123], %gather3A_803 : memref<64x128xf32, #tpu.memory_space<vmem>>[vector<16xi32>, vector<16xi32>], vector<16xf32>,
        %gather3A_804 = tpu.vector_load_idx %arg9[%add3A_126, %add3A_736] : memref<128x64xf32, #tpu.memory_space<vmem>>[vector<16xi32>, vector<16xi32>], vector<16xf32>,
        tpu.vector_store_idx %arg11[%add3A_736, %add3A_126], %gather3A_804 : memref<64x128xf32, #tpu.memory_space<vmem>>[vector<16xi32>, vector<16xi32>], vector<16xf32>,
        %gather3A_805 = tpu.vector_load_idx %arg9[%add3A_105, %add3A_738] : memref<128x64xf32, #tpu.memory_space<vmem>>[vector<16xi32>, vector<16xi32>], vector<16xf32>,
        tpu.vector_store_idx %arg11[%add3A_738, %add3A_105], %gather3A_805 : memref<64x128xf32, #tpu.memory_space<vmem>>[vector<16xi32>, vector<16xi32>], vector<16xf32>,
        %gather3A_806 = tpu.vector_load_idx %arg9[%add3A_108, %add3A_738] : memref<128x64xf32, #tpu.memory_space<vmem>>[vector<16xi32>, vector<16xi32>], vector<16xf32>,
        tpu.vector_store_idx %arg11[%add3A_738, %add3A_108], %gather3A_806 : memref<64x128xf32, #tpu.memory_space<vmem>>[vector<16xi32>, vector<16xi32>], vector<16xf32>,
        %gather3A_807 = tpu.vector_load_idx %arg9[%add3A_111, %add3A_738] : memref<128x64xf32, #tpu.memory_space<vmem>>[vector<16xi32>, vector<16xi32>], vector<16xf32>,
        tpu.vector_store_idx %arg11[%add3A_738, %add3A_111], %gather3A_807 : memref<64x128xf32, #tpu.memory_space<vmem>>[vector<16xi32>, vector<16xi32>], vector<16xf32>,
        %gather3A_808 = tpu.vector_load_idx %arg9[%add3A_114, %add3A_738] : memref<128x64xf32, #tpu.memory_space<vmem>>[vector<16xi32>, vector<16xi32>], vector<16xf32>,
        tpu.vector_store_idx %arg11[%add3A_738, %add3A_114], %gather3A_808 : memref<64x128xf32, #tpu.memory_space<vmem>>[vector<16xi32>, vector<16xi32>], vector<16xf32>,
        %gather3A_809 = tpu.vector_load_idx %arg9[%add3A_117, %add3A_738] : memref<128x64xf32, #tpu.memory_space<vmem>>[vector<16xi32>, vector<16xi32>], vector<16xf32>,
        tpu.vector_store_idx %arg11[%add3A_738, %add3A_117], %gather3A_809 : memref<64x128xf32, #tpu.memory_space<vmem>>[vector<16xi32>, vector<16xi32>], vector<16xf32>,
        %gather3A_810 = tpu.vector_load_idx %arg9[%add3A_120, %add3A_738] : memref<128x64xf32, #tpu.memory_space<vmem>>[vector<16xi32>, vector<16xi32>], vector<16xf32>,
        tpu.vector_store_idx %arg11[%add3A_738, %add3A_120], %gather3A_810 : memref<64x128xf32, #tpu.memory_space<vmem>>[vector<16xi32>, vector<16xi32>], vector<16xf32>,
        %gather3A_811 = tpu.vector_load_idx %arg9[%add3A_123, %add3A_738] : memref<128x64xf32, #tpu.memory_space<vmem>>[vector<16xi32>, vector<16xi32>], vector<16xf32>,
        tpu.vector_store_idx %arg11[%add3A_738, %add3A_123], %gather3A_811 : memref<64x128xf32, #tpu.memory_space<vmem>>[vector<16xi32>, vector<16xi32>], vector<16xf32>,
        %gather3A_812 = tpu.vector_load_idx %arg9[%add3A_126, %add3A_738] : memref<128x64xf32, #tpu.memory_space<vmem>>[vector<16xi32>, vector<16xi32>], vector<16xf32>,
        tpu.vector_store_idx %arg11[%add3A_738, %add3A_126], %gather3A_812 : memref<64x128xf32, #tpu.memory_space<vmem>>[vector<16xi32>, vector<16xi32>], vector<16xf32>,
        %gather3A_813 = tpu.vector_load_idx %arg9[%add3A_105, %add3A_740] : memref<128x64xf32, #tpu.memory_space<vmem>>[vector<16xi32>, vector<16xi32>], vector<16xf32>,
        tpu.vector_store_idx %arg11[%add3A_740, %add3A_105], %gather3A_813 : memref<64x128xf32, #tpu.memory_space<vmem>>[vector<16xi32>, vector<16xi32>], vector<16xf32>,
        %gather3A_814 = tpu.vector_load_idx %arg9[%add3A_108, %add3A_740] : memref<128x64xf32, #tpu.memory_space<vmem>>[vector<16xi32>, vector<16xi32>], vector<16xf32>,
        tpu.vector_store_idx %arg11[%add3A_740, %add3A_108], %gather3A_814 : memref<64x128xf32, #tpu.memory_space<vmem>>[vector<16xi32>, vector<16xi32>], vector<16xf32>,
        %gather3A_815 = tpu.vector_load_idx %arg9[%add3A_111, %add3A_740] : memref<128x64xf32, #tpu.memory_space<vmem>>[vector<16xi32>, vector<16xi32>], vector<16xf32>,
        tpu.vector_store_idx %arg11[%add3A_740, %add3A_111], %gather3A_815 : memref<64x128xf32, #tpu.memory_space<vmem>>[vector<16xi32>, vector<16xi32>], vector<16xf32>,
        %gather3A_816 = tpu.vector_load_idx %arg9[%add3A_114, %add3A_740] : memref<128x64xf32, #tpu.memory_space<vmem>>[vector<16xi32>, vector<16xi32>], vector<16xf32>,
        tpu.vector_store_idx %arg11[%add3A_740, %add3A_114], %gather3A_816 : memref<64x128xf32, #tpu.memory_space<vmem>>[vector<16xi32>, vector<16xi32>], vector<16xf32>,
        %gather3A_817 = tpu.vector_load_idx %arg9[%add3A_117, %add3A_740] : memref<128x64xf32, #tpu.memory_space<vmem>>[vector<16xi32>, vector<16xi32>], vector<16xf32>,
        tpu.vector_store_idx %arg11[%add3A_740, %add3A_117], %gather3A_817 : memref<64x128xf32, #tpu.memory_space<vmem>>[vector<16xi32>, vector<16xi32>], vector<16xf32>,
        %gather3A_818 = tpu.vector_load_idx %arg9[%add3A_120, %add3A_740] : memref<128x64xf32, #tpu.memory_space<vmem>>[vector<16xi32>, vector<16xi32>], vector<16xf32>,
        tpu.vector_store_idx %arg11[%add3A_740, %add3A_120], %gather3A_818 : memref<64x128xf32, #tpu.memory_space<vmem>>[vector<16xi32>, vector<16xi32>], vector<16xf32>,
        %gather3A_819 = tpu.vector_load_idx %arg9[%add3A_123, %add3A_740] : memref<128x64xf32, #tpu.memory_space<vmem>>[vector<16xi32>, vector<16xi32>], vector<16xf32>,
        tpu.vector_store_idx %arg11[%add3A_740, %add3A_123], %gather3A_819 : memref<64x128xf32, #tpu.memory_space<vmem>>[vector<16xi32>, vector<16xi32>], vector<16xf32>,
        %gather3A_820 = tpu.vector_load_idx %arg9[%add3A_126, %add3A_740] : memref<128x64xf32, #tpu.memory_space<vmem>>[vector<16xi32>, vector<16xi32>], vector<16xf32>,
        tpu.vector_store_idx %arg11[%add3A_740, %add3A_126], %gather3A_820 : memref<64x128xf32, #tpu.memory_space<vmem>>[vector<16xi32>, vector<16xi32>], vector<16xf32>,
        %gather3A_821 = tpu.vector_load_idx %arg9[%add3A_105, %add3A_742] : memref<128x64xf32, #tpu.memory_space<vmem>>[vector<16xi32>, vector<16xi32>], vector<16xf32>,
        tpu.vector_store_idx %arg11[%add3A_742, %add3A_105], %gather3A_821 : memref<64x128xf32, #tpu.memory_space<vmem>>[vector<16xi32>, vector<16xi32>], vector<16xf32>,
        %gather3A_822 = tpu.vector_load_idx %arg9[%add3A_108, %add3A_742] : memref<128x64xf32, #tpu.memory_space<vmem>>[vector<16xi32>, vector<16xi32>], vector<16xf32>,
        tpu.vector_store_idx %arg11[%add3A_742, %add3A_108], %gather3A_822 : memref<64x128xf32, #tpu.memory_space<vmem>>[vector<16xi32>, vector<16xi32>], vector<16xf32>,
        %gather3A_823 = tpu.vector_load_idx %arg9[%add3A_111, %add3A_742] : memref<128x64xf32, #tpu.memory_space<vmem>>[vector<16xi32>, vector<16xi32>], vector<16xf32>,
        tpu.vector_store_idx %arg11[%add3A_742, %add3A_111], %gather3A_823 : memref<64x128xf32, #tpu.memory_space<vmem>>[vector<16xi32>, vector<16xi32>], vector<16xf32>,
        %gather3A_824 = tpu.vector_load_idx %arg9[%add3A_114, %add3A_742] : memref<128x64xf32, #tpu.memory_space<vmem>>[vector<16xi32>, vector<16xi32>], vector<16xf32>,
        tpu.vector_store_idx %arg11[%add3A_742, %add3A_114], %gather3A_824 : memref<64x128xf32, #tpu.memory_space<vmem>>[vector<16xi32>, vector<16xi32>], vector<16xf32>,
        %gather3A_825 = tpu.vector_load_idx %arg9[%add3A_117, %add3A_742] : memref<128x64xf32, #tpu.memory_space<vmem>>[vector<16xi32>, vector<16xi32>], vector<16xf32>,
        tpu.vector_store_idx %arg11[%add3A_742, %add3A_117], %gather3A_825 : memref<64x128xf32, #tpu.memory_space<vmem>>[vector<16xi32>, vector<16xi32>], vector<16xf32>,
        %gather3A_826 = tpu.vector_load_idx %arg9[%add3A_120, %add3A_742] : memref<128x64xf32, #tpu.memory_space<vmem>>[vector<16xi32>, vector<16xi32>], vector<16xf32>,
        tpu.vector_store_idx %arg11[%add3A_742, %add3A_120], %gather3A_826 : memref<64x128xf32, #tpu.memory_space<vmem>>[vector<16xi32>, vector<16xi32>], vector<16xf32>,
        %gather3A_827 = tpu.vector_load_idx %arg9[%add3A_123, %add3A_742] : memref<128x64xf32, #tpu.memory_space<vmem>>[vector<16xi32>, vector<16xi32>], vector<16xf32>,
        tpu.vector_store_idx %arg11[%add3A_742, %add3A_123], %gather3A_827 : memref<64x128xf32, #tpu.memory_space<vmem>>[vector<16xi32>, vector<16xi32>], vector<16xf32>,
        %gather3A_828 = tpu.vector_load_idx %arg9[%add3A_126, %add3A_742] : memref<128x64xf32, #tpu.memory_space<vmem>>[vector<16xi32>, vector<16xi32>], vector<16xf32>,
        tpu.vector_store_idx %arg11[%add3A_742, %add3A_126], %gather3A_828 : memref<64x128xf32, #tpu.memory_space<vmem>>[vector<16xi32>, vector<16xi32>], vector<16xf32>,
        %gather3A_829 = tpu.vector_load_idx %arg9[%add3A_105, %add3A_744] : memref<128x64xf32, #tpu.memory_space<vmem>>[vector<16xi32>, vector<16xi32>], vector<16xf32>,
        tpu.vector_store_idx %arg11[%add3A_744, %add3A_105], %gather3A_829 : memref<64x128xf32, #tpu.memory_space<vmem>>[vector<16xi32>, vector<16xi32>], vector<16xf32>,
        %gather3A_830 = tpu.vector_load_idx %arg9[%add3A_108, %add3A_744] : memref<128x64xf32, #tpu.memory_space<vmem>>[vector<16xi32>, vector<16xi32>], vector<16xf32>,
        tpu.vector_store_idx %arg11[%add3A_744, %add3A_108], %gather3A_830 : memref<64x128xf32, #tpu.memory_space<vmem>>[vector<16xi32>, vector<16xi32>], vector<16xf32>,
        %gather3A_831 = tpu.vector_load_idx %arg9[%add3A_111, %add3A_744] : memref<128x64xf32, #tpu.memory_space<vmem>>[vector<16xi32>, vector<16xi32>], vector<16xf32>,
        tpu.vector_store_idx %arg11[%add3A_744, %add3A_111], %gather3A_831 : memref<64x128xf32, #tpu.memory_space<vmem>>[vector<16xi32>, vector<16xi32>], vector<16xf32>,
        %gather3A_832 = tpu.vector_load_idx %arg9[%add3A_114, %add3A_744] : memref<128x64xf32, #tpu.memory_space<vmem>>[vector<16xi32>, vector<16xi32>], vector<16xf32>,
        tpu.vector_store_idx %arg11[%add3A_744, %add3A_114], %gather3A_832 : memref<64x128xf32, #tpu.memory_space<vmem>>[vector<16xi32>, vector<16xi32>], vector<16xf32>,
        %gather3A_833 = tpu.vector_load_idx %arg9[%add3A_117, %add3A_744] : memref<128x64xf32, #tpu.memory_space<vmem>>[vector<16xi32>, vector<16xi32>], vector<16xf32>,
        tpu.vector_store_idx %arg11[%add3A_744, %add3A_117], %gather3A_833 : memref<64x128xf32, #tpu.memory_space<vmem>>[vector<16xi32>, vector<16xi32>], vector<16xf32>,
        %gather3A_834 = tpu.vector_load_idx %arg9[%add3A_120, %add3A_744] : memref<128x64xf32, #tpu.memory_space<vmem>>[vector<16xi32>, vector<16xi32>], vector<16xf32>,
        tpu.vector_store_idx %arg11[%add3A_744, %add3A_120], %gather3A_834 : memref<64x128xf32, #tpu.memory_space<vmem>>[vector<16xi32>, vector<16xi32>], vector<16xf32>,
        %gather3A_835 = tpu.vector_load_idx %arg9[%add3A_123, %add3A_744] : memref<128x64xf32, #tpu.memory_space<vmem>>[vector<16xi32>, vector<16xi32>], vector<16xf32>,
        tpu.vector_store_idx %arg11[%add3A_744, %add3A_123], %gather3A_835 : memref<64x128xf32, #tpu.memory_space<vmem>>[vector<16xi32>, vector<16xi32>], vector<16xf32>,
        %gather3A_836 = tpu.vector_load_idx %arg9[%add3A_126, %add3A_744] : memref<128x64xf32, #tpu.memory_space<vmem>>[vector<16xi32>, vector<16xi32>], vector<16xf32>,
        tpu.vector_store_idx %arg11[%add3A_744, %add3A_126], %gather3A_836 : memref<64x128xf32, #tpu.memory_space<vmem>>[vector<16xi32>, vector<16xi32>], vector<16xf32>,
        %gather3A_837 = tpu.vector_load_idx %arg9[%add3A_105, %add3A_746] : memref<128x64xf32, #tpu.memory_space<vmem>>[vector<16xi32>, vector<16xi32>], vector<16xf32>,
        tpu.vector_store_idx %arg11[%add3A_746, %add3A_105], %gather3A_837 : memref<64x128xf32, #tpu.memory_space<vmem>>[vector<16xi32>, vector<16xi32>], vector<16xf32>,
        %gather3A_838 = tpu.vector_load_idx %arg9[%add3A_108, %add3A_746] : memref<128x64xf32, #tpu.memory_space<vmem>>[vector<16xi32>, vector<16xi32>], vector<16xf32>,
        tpu.vector_store_idx %arg11[%add3A_746, %add3A_108], %gather3A_838 : memref<64x128xf32, #tpu.memory_space<vmem>>[vector<16xi32>, vector<16xi32>], vector<16xf32>,
        %gather3A_839 = tpu.vector_load_idx %arg9[%add3A_111, %add3A_746] : memref<128x64xf32, #tpu.memory_space<vmem>>[vector<16xi32>, vector<16xi32>], vector<16xf32>,
        tpu.vector_store_idx %arg11[%add3A_746, %add3A_111], %gather3A_839 : memref<64x128xf32, #tpu.memory_space<vmem>>[vector<16xi32>, vector<16xi32>], vector<16xf32>,
        %gather3A_840 = tpu.vector_load_idx %arg9[%add3A_114, %add3A_746] : memref<128x64xf32, #tpu.memory_space<vmem>>[vector<16xi32>, vector<16xi32>], vector<16xf32>,
        tpu.vector_store_idx %arg11[%add3A_746, %add3A_114], %gather3A_840 : memref<64x128xf32, #tpu.memory_space<vmem>>[vector<16xi32>, vector<16xi32>], vector<16xf32>,
        %gather3A_841 = tpu.vector_load_idx %arg9[%add3A_117, %add3A_746] : memref<128x64xf32, #tpu.memory_space<vmem>>[vector<16xi32>, vector<16xi32>], vector<16xf32>,
        tpu.vector_store_idx %arg11[%add3A_746, %add3A_117], %gather3A_841 : memref<64x128xf32, #tpu.memory_space<vmem>>[vector<16xi32>, vector<16xi32>], vector<16xf32>,
        %gather3A_842 = tpu.vector_load_idx %arg9[%add3A_120, %add3A_746] : memref<128x64xf32, #tpu.memory_space<vmem>>[vector<16xi32>, vector<16xi32>], vector<16xf32>,
        tpu.vector_store_idx %arg11[%add3A_746, %add3A_120], %gather3A_842 : memref<64x128xf32, #tpu.memory_space<vmem>>[vector<16xi32>, vector<16xi32>], vector<16xf32>,
        %gather3A_843 = tpu.vector_load_idx %arg9[%add3A_123, %add3A_746] : memref<128x64xf32, #tpu.memory_space<vmem>>[vector<16xi32>, vector<16xi32>], vector<16xf32>,
        tpu.vector_store_idx %arg11[%add3A_746, %add3A_123], %gather3A_843 : memref<64x128xf32, #tpu.memory_space<vmem>>[vector<16xi32>, vector<16xi32>], vector<16xf32>,
        %gather3A_844 = tpu.vector_load_idx %arg9[%add3A_126, %add3A_746] : memref<128x64xf32, #tpu.memory_space<vmem>>[vector<16xi32>, vector<16xi32>], vector<16xf32>,
        tpu.vector_store_idx %arg11[%add3A_746, %add3A_126], %gather3A_844 : memref<64x128xf32, #tpu.memory_space<vmem>>[vector<16xi32>, vector<16xi32>], vector<16xf32>,
        %gather3A_845 = tpu.vector_load_idx %arg9[%add3A_105, %add3A_748] : memref<128x64xf32, #tpu.memory_space<vmem>>[vector<16xi32>, vector<16xi32>], vector<16xf32>,
        tpu.vector_store_idx %arg11[%add3A_748, %add3A_105], %gather3A_845 : memref<64x128xf32, #tpu.memory_space<vmem>>[vector<16xi32>, vector<16xi32>], vector<16xf32>,
        %gather3A_846 = tpu.vector_load_idx %arg9[%add3A_108, %add3A_748] : memref<128x64xf32, #tpu.memory_space<vmem>>[vector<16xi32>, vector<16xi32>], vector<16xf32>,
        tpu.vector_store_idx %arg11[%add3A_748, %add3A_108], %gather3A_846 : memref<64x128xf32, #tpu.memory_space<vmem>>[vector<16xi32>, vector<16xi32>], vector<16xf32>,
        %gather3A_847 = tpu.vector_load_idx %arg9[%add3A_111, %add3A_748] : memref<128x64xf32, #tpu.memory_space<vmem>>[vector<16xi32>, vector<16xi32>], vector<16xf32>,
        tpu.vector_store_idx %arg11[%add3A_748, %add3A_111], %gather3A_847 : memref<64x128xf32, #tpu.memory_space<vmem>>[vector<16xi32>, vector<16xi32>], vector<16xf32>,
        %gather3A_848 = tpu.vector_load_idx %arg9[%add3A_114, %add3A_748] : memref<128x64xf32, #tpu.memory_space<vmem>>[vector<16xi32>, vector<16xi32>], vector<16xf32>,
        tpu.vector_store_idx %arg11[%add3A_748, %add3A_114], %gather3A_848 : memref<64x128xf32, #tpu.memory_space<vmem>>[vector<16xi32>, vector<16xi32>], vector<16xf32>,
        %gather3A_849 = tpu.vector_load_idx %arg9[%add3A_117, %add3A_748] : memref<128x64xf32, #tpu.memory_space<vmem>>[vector<16xi32>, vector<16xi32>], vector<16xf32>,
        tpu.vector_store_idx %arg11[%add3A_748, %add3A_117], %gather3A_849 : memref<64x128xf32, #tpu.memory_space<vmem>>[vector<16xi32>, vector<16xi32>], vector<16xf32>,
        %gather3A_850 = tpu.vector_load_idx %arg9[%add3A_120, %add3A_748] : memref<128x64xf32, #tpu.memory_space<vmem>>[vector<16xi32>, vector<16xi32>], vector<16xf32>,
        tpu.vector_store_idx %arg11[%add3A_748, %add3A_120], %gather3A_850 : memref<64x128xf32, #tpu.memory_space<vmem>>[vector<16xi32>, vector<16xi32>], vector<16xf32>,
        %gather3A_851 = tpu.vector_load_idx %arg9[%add3A_123, %add3A_748] : memref<128x64xf32, #tpu.memory_space<vmem>>[vector<16xi32>, vector<16xi32>], vector<16xf32>,
        tpu.vector_store_idx %arg11[%add3A_748, %add3A_123], %gather3A_851 : memref<64x128xf32, #tpu.memory_space<vmem>>[vector<16xi32>, vector<16xi32>], vector<16xf32>,
        %gather3A_852 = tpu.vector_load_idx %arg9[%add3A_126, %add3A_748] : memref<128x64xf32, #tpu.memory_space<vmem>>[vector<16xi32>, vector<16xi32>], vector<16xf32>,
        tpu.vector_store_idx %arg11[%add3A_748, %add3A_126], %gather3A_852 : memref<64x128xf32, #tpu.memory_space<vmem>>[vector<16xi32>, vector<16xi32>], vector<16xf32>,
        %gather3A_853 = tpu.vector_load_idx %arg9[%add3A_105, %add3A_750] : memref<128x64xf32, #tpu.memory_space<vmem>>[vector<16xi32>, vector<16xi32>], vector<16xf32>,
        tpu.vector_store_idx %arg11[%add3A_750, %add3A_105], %gather3A_853 : memref<64x128xf32, #tpu.memory_space<vmem>>[vector<16xi32>, vector<16xi32>], vector<16xf32>,
        %gather3A_854 = tpu.vector_load_idx %arg9[%add3A_108, %add3A_750] : memref<128x64xf32, #tpu.memory_space<vmem>>[vector<16xi32>, vector<16xi32>], vector<16xf32>,
        tpu.vector_store_idx %arg11[%add3A_750, %add3A_108], %gather3A_854 : memref<64x128xf32, #tpu.memory_space<vmem>>[vector<16xi32>, vector<16xi32>], vector<16xf32>,
        %gather3A_855 = tpu.vector_load_idx %arg9[%add3A_111, %add3A_750] : memref<128x64xf32, #tpu.memory_space<vmem>>[vector<16xi32>, vector<16xi32>], vector<16xf32>,
        tpu.vector_store_idx %arg11[%add3A_750, %add3A_111], %gather3A_855 : memref<64x128xf32, #tpu.memory_space<vmem>>[vector<16xi32>, vector<16xi32>], vector<16xf32>,
        %gather3A_856 = tpu.vector_load_idx %arg9[%add3A_114, %add3A_750] : memref<128x64xf32, #tpu.memory_space<vmem>>[vector<16xi32>, vector<16xi32>], vector<16xf32>,
        tpu.vector_store_idx %arg11[%add3A_750, %add3A_114], %gather3A_856 : memref<64x128xf32, #tpu.memory_space<vmem>>[vector<16xi32>, vector<16xi32>], vector<16xf32>,
        %gather3A_857 = tpu.vector_load_idx %arg9[%add3A_117, %add3A_750] : memref<128x64xf32, #tpu.memory_space<vmem>>[vector<16xi32>, vector<16xi32>], vector<16xf32>,
        tpu.vector_store_idx %arg11[%add3A_750, %add3A_117], %gather3A_857 : memref<64x128xf32, #tpu.memory_space<vmem>>[vector<16xi32>, vector<16xi32>], vector<16xf32>,
        %gather3A_858 = tpu.vector_load_idx %arg9[%add3A_120, %add3A_750] : memref<128x64xf32, #tpu.memory_space<vmem>>[vector<16xi32>, vector<16xi32>], vector<16xf32>,
        tpu.vector_store_idx %arg11[%add3A_750, %add3A_120], %gather3A_858 : memref<64x128xf32, #tpu.memory_space<vmem>>[vector<16xi32>, vector<16xi32>], vector<16xf32>,
        %gather3A_859 = tpu.vector_load_idx %arg9[%add3A_123, %add3A_750] : memref<128x64xf32, #tpu.memory_space<vmem>>[vector<16xi32>, vector<16xi32>], vector<16xf32>,
        tpu.vector_store_idx %arg11[%add3A_750, %add3A_123], %gather3A_859 : memref<64x128xf32, #tpu.memory_space<vmem>>[vector<16xi32>, vector<16xi32>], vector<16xf32>,
        %gather3A_860 = tpu.vector_load_idx %arg9[%add3A_126, %add3A_750] : memref<128x64xf32, #tpu.memory_space<vmem>>[vector<16xi32>, vector<16xi32>], vector<16xf32>,
        tpu.vector_store_idx %arg11[%add3A_750, %add3A_126], %gather3A_860 : memref<64x128xf32, #tpu.memory_space<vmem>>[vector<16xi32>, vector<16xi32>], vector<16xf32>,
        %gather3A_861 = tpu.vector_load_idx %arg9[%add3A_105, %add3A_752] : memref<128x64xf32, #tpu.memory_space<vmem>>[vector<16xi32>, vector<16xi32>], vector<16xf32>,
        tpu.vector_store_idx %arg11[%add3A_752, %add3A_105], %gather3A_861 : memref<64x128xf32, #tpu.memory_space<vmem>>[vector<16xi32>, vector<16xi32>], vector<16xf32>,
        %gather3A_862 = tpu.vector_load_idx %arg9[%add3A_108, %add3A_752] : memref<128x64xf32, #tpu.memory_space<vmem>>[vector<16xi32>, vector<16xi32>], vector<16xf32>,
        tpu.vector_store_idx %arg11[%add3A_752, %add3A_108], %gather3A_862 : memref<64x128xf32, #tpu.memory_space<vmem>>[vector<16xi32>, vector<16xi32>], vector<16xf32>,
        %gather3A_863 = tpu.vector_load_idx %arg9[%add3A_111, %add3A_752] : memref<128x64xf32, #tpu.memory_space<vmem>>[vector<16xi32>, vector<16xi32>], vector<16xf32>,
        tpu.vector_store_idx %arg11[%add3A_752, %add3A_111], %gather3A_863 : memref<64x128xf32, #tpu.memory_space<vmem>>[vector<16xi32>, vector<16xi32>], vector<16xf32>,
        %gather3A_864 = tpu.vector_load_idx %arg9[%add3A_114, %add3A_752] : memref<128x64xf32, #tpu.memory_space<vmem>>[vector<16xi32>, vector<16xi32>], vector<16xf32>,
        tpu.vector_store_idx %arg11[%add3A_752, %add3A_114], %gather3A_864 : memref<64x128xf32, #tpu.memory_space<vmem>>[vector<16xi32>, vector<16xi32>], vector<16xf32>,
        %gather3A_865 = tpu.vector_load_idx %arg9[%add3A_117, %add3A_752] : memref<128x64xf32, #tpu.memory_space<vmem>>[vector<16xi32>, vector<16xi32>], vector<16xf32>,
        tpu.vector_store_idx %arg11[%add3A_752, %add3A_117], %gather3A_865 : memref<64x128xf32, #tpu.memory_space<vmem>>[vector<16xi32>, vector<16xi32>], vector<16xf32>,
        %gather3A_866 = tpu.vector_load_idx %arg9[%add3A_120, %add3A_752] : memref<128x64xf32, #tpu.memory_space<vmem>>[vector<16xi32>, vector<16xi32>], vector<16xf32>,
        tpu.vector_store_idx %arg11[%add3A_752, %add3A_120], %gather3A_866 : memref<64x128xf32, #tpu.memory_space<vmem>>[vector<16xi32>, vector<16xi32>], vector<16xf32>,
        %gather3A_867 = tpu.vector_load_idx %arg9[%add3A_123, %add3A_752] : memref<128x64xf32, #tpu.memory_space<vmem>>[vector<16xi32>, vector<16xi32>], vector<16xf32>,
        tpu.vector_store_idx %arg11[%add3A_752, %add3A_123], %gather3A_867 : memref<64x128xf32, #tpu.memory_space<vmem>>[vector<16xi32>, vector<16xi32>], vector<16xf32>,
        %gather3A_868 = tpu.vector_load_idx %arg9[%add3A_126, %add3A_752] : memref<128x64xf32, #tpu.memory_space<vmem>>[vector<16xi32>, vector<16xi32>], vector<16xf32>,
        tpu.vector_store_idx %arg11[%add3A_752, %add3A_126], %gather3A_868 : memref<64x128xf32, #tpu.memory_space<vmem>>[vector<16xi32>, vector<16xi32>], vector<16xf32>,
        %gather3A_869 = tpu.vector_load_idx %arg9[%add3A_105, %add3A_754] : memref<128x64xf32, #tpu.memory_space<vmem>>[vector<16xi32>, vector<16xi32>], vector<16xf32>,
        tpu.vector_store_idx %arg11[%add3A_754, %add3A_105], %gather3A_869 : memref<64x128xf32, #tpu.memory_space<vmem>>[vector<16xi32>, vector<16xi32>], vector<16xf32>,
        %gather3A_870 = tpu.vector_load_idx %arg9[%add3A_108, %add3A_754] : memref<128x64xf32, #tpu.memory_space<vmem>>[vector<16xi32>, vector<16xi32>], vector<16xf32>,
        tpu.vector_store_idx %arg11[%add3A_754, %add3A_108], %gather3A_870 : memref<64x128xf32, #tpu.memory_space<vmem>>[vector<16xi32>, vector<16xi32>], vector<16xf32>,
        %gather3A_871 = tpu.vector_load_idx %arg9[%add3A_111, %add3A_754] : memref<128x64xf32, #tpu.memory_space<vmem>>[vector<16xi32>, vector<16xi32>], vector<16xf32>,
        tpu.vector_store_idx %arg11[%add3A_754, %add3A_111], %gather3A_871 : memref<64x128xf32, #tpu.memory_space<vmem>>[vector<16xi32>, vector<16xi32>], vector<16xf32>,
        %gather3A_872 = tpu.vector_load_idx %arg9[%add3A_114, %add3A_754] : memref<128x64xf32, #tpu.memory_space<vmem>>[vector<16xi32>, vector<16xi32>], vector<16xf32>,
        tpu.vector_store_idx %arg11[%add3A_754, %add3A_114], %gather3A_872 : memref<64x128xf32, #tpu.memory_space<vmem>>[vector<16xi32>, vector<16xi32>], vector<16xf32>,
        %gather3A_873 = tpu.vector_load_idx %arg9[%add3A_117, %add3A_754] : memref<128x64xf32, #tpu.memory_space<vmem>>[vector<16xi32>, vector<16xi32>], vector<16xf32>,
        tpu.vector_store_idx %arg11[%add3A_754, %add3A_117], %gather3A_873 : memref<64x128xf32, #tpu.memory_space<vmem>>[vector<16xi32>, vector<16xi32>], vector<16xf32>,
        %gather3A_874 = tpu.vector_load_idx %arg9[%add3A_120, %add3A_754] : memref<128x64xf32, #tpu.memory_space<vmem>>[vector<16xi32>, vector<16xi32>], vector<16xf32>,
        tpu.vector_store_idx %arg11[%add3A_754, %add3A_120], %gather3A_874 : memref<64x128xf32, #tpu.memory_space<vmem>>[vector<16xi32>, vector<16xi32>], vector<16xf32>,
        %gather3A_875 = tpu.vector_load_idx %arg9[%add3A_123, %add3A_754] : memref<128x64xf32, #tpu.memory_space<vmem>>[vector<16xi32>, vector<16xi32>], vector<16xf32>,
        tpu.vector_store_idx %arg11[%add3A_754, %add3A_123], %gather3A_875 : memref<64x128xf32, #tpu.memory_space<vmem>>[vector<16xi32>, vector<16xi32>], vector<16xf32>,
        %gather3A_876 = tpu.vector_load_idx %arg9[%add3A_126, %add3A_754] : memref<128x64xf32, #tpu.memory_space<vmem>>[vector<16xi32>, vector<16xi32>], vector<16xf32>,
        tpu.vector_store_idx %arg11[%add3A_754, %add3A_126], %gather3A_876 : memref<64x128xf32, #tpu.memory_space<vmem>>[vector<16xi32>, vector<16xi32>], vector<16xf32>,
        %gather3A_877 = tpu.vector_load_idx %arg9[%add3A_105, %add3A_756] : memref<128x64xf32, #tpu.memory_space<vmem>>[vector<16xi32>, vector<16xi32>], vector<16xf32>,
        tpu.vector_store_idx %arg11[%add3A_756, %add3A_105], %gather3A_877 : memref<64x128xf32, #tpu.memory_space<vmem>>[vector<16xi32>, vector<16xi32>], vector<16xf32>,
        %gather3A_878 = tpu.vector_load_idx %arg9[%add3A_108, %add3A_756] : memref<128x64xf32, #tpu.memory_space<vmem>>[vector<16xi32>, vector<16xi32>], vector<16xf32>,
        tpu.vector_store_idx %arg11[%add3A_756, %add3A_108], %gather3A_878 : memref<64x128xf32, #tpu.memory_space<vmem>>[vector<16xi32>, vector<16xi32>], vector<16xf32>,
        %gather3A_879 = tpu.vector_load_idx %arg9[%add3A_111, %add3A_756] : memref<128x64xf32, #tpu.memory_space<vmem>>[vector<16xi32>, vector<16xi32>], vector<16xf32>,
        tpu.vector_store_idx %arg11[%add3A_756, %add3A_111], %gather3A_879 : memref<64x128xf32, #tpu.memory_space<vmem>>[vector<16xi32>, vector<16xi32>], vector<16xf32>,
        %gather3A_880 = tpu.vector_load_idx %arg9[%add3A_114, %add3A_756] : memref<128x64xf32, #tpu.memory_space<vmem>>[vector<16xi32>, vector<16xi32>], vector<16xf32>,
        tpu.vector_store_idx %arg11[%add3A_756, %add3A_114], %gather3A_880 : memref<64x128xf32, #tpu.memory_space<vmem>>[vector<16xi32>, vector<16xi32>], vector<16xf32>,
        %gather3A_881 = tpu.vector_load_idx %arg9[%add3A_117, %add3A_756] : memref<128x64xf32, #tpu.memory_space<vmem>>[vector<16xi32>, vector<16xi32>], vector<16xf32>,
        tpu.vector_store_idx %arg11[%add3A_756, %add3A_117], %gather3A_881 : memref<64x128xf32, #tpu.memory_space<vmem>>[vector<16xi32>, vector<16xi32>], vector<16xf32>,
        %gather3A_882 = tpu.vector_load_idx %arg9[%add3A_120, %add3A_756] : memref<128x64xf32, #tpu.memory_space<vmem>>[vector<16xi32>, vector<16xi32>], vector<16xf32>,
        tpu.vector_store_idx %arg11[%add3A_756, %add3A_120], %gather3A_882 : memref<64x128xf32, #tpu.memory_space<vmem>>[vector<16xi32>, vector<16xi32>], vector<16xf32>,
        %gather3A_883 = tpu.vector_load_idx %arg9[%add3A_123, %add3A_756] : memref<128x64xf32, #tpu.memory_space<vmem>>[vector<16xi32>, vector<16xi32>], vector<16xf32>,
        tpu.vector_store_idx %arg11[%add3A_756, %add3A_123], %gather3A_883 : memref<64x128xf32, #tpu.memory_space<vmem>>[vector<16xi32>, vector<16xi32>], vector<16xf32>,
        %gather3A_884 = tpu.vector_load_idx %arg9[%add3A_126, %add3A_756] : memref<128x64xf32, #tpu.memory_space<vmem>>[vector<16xi32>, vector<16xi32>], vector<16xf32>,
        tpu.vector_store_idx %arg11[%add3A_756, %add3A_126], %gather3A_884 : memref<64x128xf32, #tpu.memory_space<vmem>>[vector<16xi32>, vector<16xi32>], vector<16xf32>,
      }
      %scan3A_601 = arith.constant 4 : i32
      %dma_start3A_602 = arith.constant 0 : i32
      %dma_start3A_603 = arith.constant 0 : i32
      %dma_start3A_604 = arith.constant 0 : i32
      %dma_start3A_605 = tpu.memref_slice %arg11[%dma_start3A_603, %dma_start3A_604] : memref<64x128xf32, #tpu.memory_space<vmem>> -> memref<8x128xf32, #tpu.memory_space<vmem>>
      %dma_start3A_606 = arith.constant 0 : i32
      %dma_start3A_607 = arith.constant 0 : i32
      %dma_start3A_608 = tpu.memref_slice %arg4[%add3A_580, %dma_start3A_602, %add3A, %dma_start3A_606, %dma_start3A_607] : memref<200x8x32x8x128xf32, #tpu.memory_space<hbm>> -> memref<1x1x1x8x128xf32, #tpu.memory_space<hbm>>
      %dma_start3A_609 = tpu.memref_squeeze %dma_start3A_608 : memref<1x1x1x8x128xf32, #tpu.memory_space<hbm>> -> memref<8x128xf32, #tpu.memory_space<hbm>>
      %dma_start3A_610 = arith.constant 0 : i32
      %dma_start3A_611 = arith.constant 0 : i32
      %dma_start3A_612 = tpu.memref_slice %arg4[%add3A_580, %dma_start3A_602, %add3A, %dma_start3A_610, %dma_start3A_611] : memref<200x8x32x8x128xf32, #tpu.memory_space<hbm>> -> memref<1x1x1x8x128xf32, #tpu.memory_space<hbm>>
      %dma_start3A_613 = tpu.memref_squeeze %dma_start3A_612 : memref<1x1x1x8x128xf32, #tpu.memory_space<hbm>> -> memref<8x128xf32, #tpu.memory_space<hbm>>
      %dma_start3A_614 = arith.constant 0 : i32
      %dma_start3A_615 = arith.constant 0 : i32
      %dma_start3A_616 = tpu.memref_slice %arg11[%dma_start3A_614, %dma_start3A_615] : memref<64x128xf32, #tpu.memory_space<vmem>> -> memref<8x128xf32, #tpu.memory_space<vmem>>
      tpu.enqueue_dma source(%dma_start3A_616 : memref<8x128xf32, #tpu.memory_space<vmem>>) target(%dma_start3A_613 : memref<8x128xf32, #tpu.memory_space<hbm>>) target_semaphore(%arg15 : memref<!tpu.dma_semaphore, #tpu.memory_space<semaphore_mem>>)
      %dma_start3A_617 = arith.constant 1 : i32
      %dma_start3A_618 = arith.constant 8 : i32
      %dma_start3A_619 = arith.constant 0 : i32
      %dma_start3A_620 = tpu.memref_slice %arg11[%dma_start3A_618, %dma_start3A_619] : memref<64x128xf32, #tpu.memory_space<vmem>> -> memref<8x128xf32, #tpu.memory_space<vmem>>
      %dma_start3A_621 = arith.constant 0 : i32
      %dma_start3A_622 = arith.constant 0 : i32
      %dma_start3A_623 = tpu.memref_slice %arg4[%add3A_580, %dma_start3A_617, %add3A, %dma_start3A_621, %dma_start3A_622] : memref<200x8x32x8x128xf32, #tpu.memory_space<hbm>> -> memref<1x1x1x8x128xf32, #tpu.memory_space<hbm>>
      %dma_start3A_624 = tpu.memref_squeeze %dma_start3A_623 : memref<1x1x1x8x128xf32, #tpu.memory_space<hbm>> -> memref<8x128xf32, #tpu.memory_space<hbm>>
      %dma_start3A_625 = arith.constant 0 : i32
      %dma_start3A_626 = arith.constant 0 : i32
      %dma_start3A_627 = tpu.memref_slice %arg4[%add3A_580, %dma_start3A_617, %add3A, %dma_start3A_625, %dma_start3A_626] : memref<200x8x32x8x128xf32, #tpu.memory_space<hbm>> -> memref<1x1x1x8x128xf32, #tpu.memory_space<hbm>>
      %dma_start3A_628 = tpu.memref_squeeze %dma_start3A_627 : memref<1x1x1x8x128xf32, #tpu.memory_space<hbm>> -> memref<8x128xf32, #tpu.memory_space<hbm>>
      %dma_start3A_629 = arith.constant 8 : i32
      %dma_start3A_630 = arith.constant 0 : i32
      %dma_start3A_631 = tpu.memref_slice %arg11[%dma_start3A_629, %dma_start3A_630] : memref<64x128xf32, #tpu.memory_space<vmem>> -> memref<8x128xf32, #tpu.memory_space<vmem>>
      tpu.enqueue_dma source(%dma_start3A_631 : memref<8x128xf32, #tpu.memory_space<vmem>>) target(%dma_start3A_628 : memref<8x128xf32, #tpu.memory_space<hbm>>) target_semaphore(%arg15 : memref<!tpu.dma_semaphore, #tpu.memory_space<semaphore_mem>>)
      %dma_start3A_632 = arith.constant 2 : i32
      %dma_start3A_633 = arith.constant 16 : i32
      %dma_start3A_634 = arith.constant 0 : i32
      %dma_start3A_635 = tpu.memref_slice %arg11[%dma_start3A_633, %dma_start3A_634] : memref<64x128xf32, #tpu.memory_space<vmem>> -> memref<8x128xf32, #tpu.memory_space<vmem>>
      %dma_start3A_636 = arith.constant 0 : i32
      %dma_start3A_637 = arith.constant 0 : i32
      %dma_start3A_638 = tpu.memref_slice %arg4[%add3A_580, %dma_start3A_632, %add3A, %dma_start3A_636, %dma_start3A_637] : memref<200x8x32x8x128xf32, #tpu.memory_space<hbm>> -> memref<1x1x1x8x128xf32, #tpu.memory_space<hbm>>
      %dma_start3A_639 = tpu.memref_squeeze %dma_start3A_638 : memref<1x1x1x8x128xf32, #tpu.memory_space<hbm>> -> memref<8x128xf32, #tpu.memory_space<hbm>>
      %dma_start3A_640 = arith.constant 0 : i32
      %dma_start3A_641 = arith.constant 0 : i32
      %dma_start3A_642 = tpu.memref_slice %arg4[%add3A_580, %dma_start3A_632, %add3A, %dma_start3A_640, %dma_start3A_641] : memref<200x8x32x8x128xf32, #tpu.memory_space<hbm>> -> memref<1x1x1x8x128xf32, #tpu.memory_space<hbm>>
      %dma_start3A_643 = tpu.memref_squeeze %dma_start3A_642 : memref<1x1x1x8x128xf32, #tpu.memory_space<hbm>> -> memref<8x128xf32, #tpu.memory_space<hbm>>
      %dma_start3A_644 = arith.constant 16 : i32
      %dma_start3A_645 = arith.constant 0 : i32
      %dma_start3A_646 = tpu.memref_slice %arg11[%dma_start3A_644, %dma_start3A_645] : memref<64x128xf32, #tpu.memory_space<vmem>> -> memref<8x128xf32, #tpu.memory_space<vmem>>
      tpu.enqueue_dma source(%dma_start3A_646 : memref<8x128xf32, #tpu.memory_space<vmem>>) target(%dma_start3A_643 : memref<8x128xf32, #tpu.memory_space<hbm>>) target_semaphore(%arg15 : memref<!tpu.dma_semaphore, #tpu.memory_space<semaphore_mem>>)
      %dma_start3A_647 = arith.constant 3 : i32
      %dma_start3A_648 = arith.constant 24 : i32
      %dma_start3A_649 = arith.constant 0 : i32
      %dma_start3A_650 = tpu.memref_slice %arg11[%dma_start3A_648, %dma_start3A_649] : memref<64x128xf32, #tpu.memory_space<vmem>> -> memref<8x128xf32, #tpu.memory_space<vmem>>
      %dma_start3A_651 = arith.constant 0 : i32
      %dma_start3A_652 = arith.constant 0 : i32
      %dma_start3A_653 = tpu.memref_slice %arg4[%add3A_580, %dma_start3A_647, %add3A, %dma_start3A_651, %dma_start3A_652] : memref<200x8x32x8x128xf32, #tpu.memory_space<hbm>> -> memref<1x1x1x8x128xf32, #tpu.memory_space<hbm>>
      %dma_start3A_654 = tpu.memref_squeeze %dma_start3A_653 : memref<1x1x1x8x128xf32, #tpu.memory_space<hbm>> -> memref<8x128xf32, #tpu.memory_space<hbm>>
      %dma_start3A_655 = arith.constant 0 : i32
      %dma_start3A_656 = arith.constant 0 : i32
      %dma_start3A_657 = tpu.memref_slice %arg4[%add3A_580, %dma_start3A_647, %add3A, %dma_start3A_655, %dma_start3A_656] : memref<200x8x32x8x128xf32, #tpu.memory_space<hbm>> -> memref<1x1x1x8x128xf32, #tpu.memory_space<hbm>>
      %dma_start3A_658 = tpu.memref_squeeze %dma_start3A_657 : memref<1x1x1x8x128xf32, #tpu.memory_space<hbm>> -> memref<8x128xf32, #tpu.memory_space<hbm>>
      %dma_start3A_659 = arith.constant 24 : i32
      %dma_start3A_660 = arith.constant 0 : i32
      %dma_start3A_661 = tpu.memref_slice %arg11[%dma_start3A_659, %dma_start3A_660] : memref<64x128xf32, #tpu.memory_space<vmem>> -> memref<8x128xf32, #tpu.memory_space<vmem>>
      tpu.enqueue_dma source(%dma_start3A_661 : memref<8x128xf32, #tpu.memory_space<vmem>>) target(%dma_start3A_658 : memref<8x128xf32, #tpu.memory_space<hbm>>) target_semaphore(%arg15 : memref<!tpu.dma_semaphore, #tpu.memory_space<semaphore_mem>>)
      %dma_start3A_662 = arith.constant 4 : i32
      %dma_start3A_663 = arith.constant 32 : i32
      %dma_start3A_664 = arith.constant 0 : i32
      %dma_start3A_665 = tpu.memref_slice %arg11[%dma_start3A_663, %dma_start3A_664] : memref<64x128xf32, #tpu.memory_space<vmem>> -> memref<8x128xf32, #tpu.memory_space<vmem>>
      %dma_start3A_666 = arith.constant 0 : i32
      %dma_start3A_667 = arith.constant 0 : i32
      %dma_start3A_668 = tpu.memref_slice %arg4[%add3A_580, %dma_start3A_662, %add3A, %dma_start3A_666, %dma_start3A_667] : memref<200x8x32x8x128xf32, #tpu.memory_space<hbm>> -> memref<1x1x1x8x128xf32, #tpu.memory_space<hbm>>
      %dma_start3A_669 = tpu.memref_squeeze %dma_start3A_668 : memref<1x1x1x8x128xf32, #tpu.memory_space<hbm>> -> memref<8x128xf32, #tpu.memory_space<hbm>>
      %dma_start3A_670 = arith.constant 0 : i32
      %dma_start3A_671 = arith.constant 0 : i32
      %dma_start3A_672 = tpu.memref_slice %arg4[%add3A_580, %dma_start3A_662, %add3A, %dma_start3A_670, %dma_start3A_671] : memref<200x8x32x8x128xf32, #tpu.memory_space<hbm>> -> memref<1x1x1x8x128xf32, #tpu.memory_space<hbm>>
      %dma_start3A_673 = tpu.memref_squeeze %dma_start3A_672 : memref<1x1x1x8x128xf32, #tpu.memory_space<hbm>> -> memref<8x128xf32, #tpu.memory_space<hbm>>
      %dma_start3A_674 = arith.constant 32 : i32
      %dma_start3A_675 = arith.constant 0 : i32
      %dma_start3A_676 = tpu.memref_slice %arg11[%dma_start3A_674, %dma_start3A_675] : memref<64x128xf32, #tpu.memory_space<vmem>> -> memref<8x128xf32, #tpu.memory_space<vmem>>
      tpu.enqueue_dma source(%dma_start3A_676 : memref<8x128xf32, #tpu.memory_space<vmem>>) target(%dma_start3A_673 : memref<8x128xf32, #tpu.memory_space<hbm>>) target_semaphore(%arg15 : memref<!tpu.dma_semaphore, #tpu.memory_space<semaphore_mem>>)
      %dma_start3A_677 = arith.constant 5 : i32
      %dma_start3A_678 = arith.constant 40 : i32
      %dma_start3A_679 = arith.constant 0 : i32
      %dma_start3A_680 = tpu.memref_slice %arg11[%dma_start3A_678, %dma_start3A_679] : memref<64x128xf32, #tpu.memory_space<vmem>> -> memref<8x128xf32, #tpu.memory_space<vmem>>
      %dma_start3A_681 = arith.constant 0 : i32
      %dma_start3A_682 = arith.constant 0 : i32
      %dma_start3A_683 = tpu.memref_slice %arg4[%add3A_580, %dma_start3A_677, %add3A, %dma_start3A_681, %dma_start3A_682] : memref<200x8x32x8x128xf32, #tpu.memory_space<hbm>> -> memref<1x1x1x8x128xf32, #tpu.memory_space<hbm>>
      %dma_start3A_684 = tpu.memref_squeeze %dma_start3A_683 : memref<1x1x1x8x128xf32, #tpu.memory_space<hbm>> -> memref<8x128xf32, #tpu.memory_space<hbm>>
      %dma_start3A_685 = arith.constant 0 : i32
      %dma_start3A_686 = arith.constant 0 : i32
      %dma_start3A_687 = tpu.memref_slice %arg4[%add3A_580, %dma_start3A_677, %add3A, %dma_start3A_685, %dma_start3A_686] : memref<200x8x32x8x128xf32, #tpu.memory_space<hbm>> -> memref<1x1x1x8x128xf32, #tpu.memory_space<hbm>>
      %dma_start3A_688 = tpu.memref_squeeze %dma_start3A_687 : memref<1x1x1x8x128xf32, #tpu.memory_space<hbm>> -> memref<8x128xf32, #tpu.memory_space<hbm>>
      %dma_start3A_689 = arith.constant 40 : i32
      %dma_start3A_690 = arith.constant 0 : i32
      %dma_start3A_691 = tpu.memref_slice %arg11[%dma_start3A_689, %dma_start3A_690] : memref<64x128xf32, #tpu.memory_space<vmem>> -> memref<8x128xf32, #tpu.memory_space<vmem>>
      tpu.enqueue_dma source(%dma_start3A_691 : memref<8x128xf32, #tpu.memory_space<vmem>>) target(%dma_start3A_688 : memref<8x128xf32, #tpu.memory_space<hbm>>) target_semaphore(%arg15 : memref<!tpu.dma_semaphore, #tpu.memory_space<semaphore_mem>>)
      %dma_start3A_692 = arith.constant 6 : i32
      %dma_start3A_693 = arith.constant 48 : i32
      %dma_start3A_694 = arith.constant 0 : i32
      %dma_start3A_695 = tpu.memref_slice %arg11[%dma_start3A_693, %dma_start3A_694] : memref<64x128xf32, #tpu.memory_space<vmem>> -> memref<8x128xf32, #tpu.memory_space<vmem>>
      %dma_start3A_696 = arith.constant 0 : i32
      %dma_start3A_697 = arith.constant 0 : i32
      %dma_start3A_698 = tpu.memref_slice %arg4[%add3A_580, %dma_start3A_692, %add3A, %dma_start3A_696, %dma_start3A_697] : memref<200x8x32x8x128xf32, #tpu.memory_space<hbm>> -> memref<1x1x1x8x128xf32, #tpu.memory_space<hbm>>
      %dma_start3A_699 = tpu.memref_squeeze %dma_start3A_698 : memref<1x1x1x8x128xf32, #tpu.memory_space<hbm>> -> memref<8x128xf32, #tpu.memory_space<hbm>>
      %dma_start3A_700 = arith.constant 0 : i32
      %dma_start3A_701 = arith.constant 0 : i32
      %dma_start3A_702 = tpu.memref_slice %arg4[%add3A_580, %dma_start3A_692, %add3A, %dma_start3A_700, %dma_start3A_701] : memref<200x8x32x8x128xf32, #tpu.memory_space<hbm>> -> memref<1x1x1x8x128xf32, #tpu.memory_space<hbm>>
      %dma_start3A_703 = tpu.memref_squeeze %dma_start3A_702 : memref<1x1x1x8x128xf32, #tpu.memory_space<hbm>> -> memref<8x128xf32, #tpu.memory_space<hbm>>
      %dma_start3A_704 = arith.constant 48 : i32
      %dma_start3A_705 = arith.constant 0 : i32
      %dma_start3A_706 = tpu.memref_slice %arg11[%dma_start3A_704, %dma_start3A_705] : memref<64x128xf32, #tpu.memory_space<vmem>> -> memref<8x128xf32, #tpu.memory_space<vmem>>
      tpu.enqueue_dma source(%dma_start3A_706 : memref<8x128xf32, #tpu.memory_space<vmem>>) target(%dma_start3A_703 : memref<8x128xf32, #tpu.memory_space<hbm>>) target_semaphore(%arg15 : memref<!tpu.dma_semaphore, #tpu.memory_space<semaphore_mem>>)
      %dma_start3A_707 = arith.constant 7 : i32
      %dma_start3A_708 = arith.constant 56 : i32
      %dma_start3A_709 = arith.constant 0 : i32
      %dma_start3A_710 = tpu.memref_slice %arg11[%dma_start3A_708, %dma_start3A_709] : memref<64x128xf32, #tpu.memory_space<vmem>> -> memref<8x128xf32, #tpu.memory_space<vmem>>
      %dma_start3A_711 = arith.constant 0 : i32
      %dma_start3A_712 = arith.constant 0 : i32
      %dma_start3A_713 = tpu.memref_slice %arg4[%add3A_580, %dma_start3A_707, %add3A, %dma_start3A_711, %dma_start3A_712] : memref<200x8x32x8x128xf32, #tpu.memory_space<hbm>> -> memref<1x1x1x8x128xf32, #tpu.memory_space<hbm>>
      %dma_start3A_714 = tpu.memref_squeeze %dma_start3A_713 : memref<1x1x1x8x128xf32, #tpu.memory_space<hbm>> -> memref<8x128xf32, #tpu.memory_space<hbm>>
      %dma_start3A_715 = arith.constant 0 : i32
      %dma_start3A_716 = arith.constant 0 : i32
      %dma_start3A_717 = tpu.memref_slice %arg4[%add3A_580, %dma_start3A_707, %add3A, %dma_start3A_715, %dma_start3A_716] : memref<200x8x32x8x128xf32, #tpu.memory_space<hbm>> -> memref<1x1x1x8x128xf32, #tpu.memory_space<hbm>>
      %dma_start3A_718 = tpu.memref_squeeze %dma_start3A_717 : memref<1x1x1x8x128xf32, #tpu.memory_space<hbm>> -> memref<8x128xf32, #tpu.memory_space<hbm>>
      %dma_start3A_719 = arith.constant 56 : i32
      %dma_start3A_720 = arith.constant 0 : i32
      %dma_start3A_721 = tpu.memref_slice %arg11[%dma_start3A_719, %dma_start3A_720] : memref<64x128xf32, #tpu.memory_space<vmem>> -> memref<8x128xf32, #tpu.memory_space<vmem>>
      tpu.enqueue_dma source(%dma_start3A_721 : memref<8x128xf32, #tpu.memory_space<vmem>>) target(%dma_start3A_718 : memref<8x128xf32, #tpu.memory_space<hbm>>) target_semaphore(%arg15 : memref<!tpu.dma_semaphore, #tpu.memory_space<semaphore_mem>>)
    }
    %scan3A_179 = arith.constant 100 : i32
    %dma_wait3A = arith.constant 198 : i32
    %dma_wait3A_180 = arith.constant 0 : i32
    %dma_wait3A_181 = arith.constant 0 : i32
    %dma_wait3A_182 = arith.constant 0 : i32
    %dma_wait3A_183 = tpu.memref_slice %arg10[%dma_wait3A_181, %dma_wait3A_182] : memref<64x128xf32, #tpu.memory_space<vmem>> -> memref<8x128xf32, #tpu.memory_space<vmem>>
    %dma_wait3A_184 = arith.constant 0 : i32
    %dma_wait3A_185 = arith.constant 0 : i32
    %dma_wait3A_186 = tpu.memref_slice %arg4[%dma_wait3A, %dma_wait3A_180, %add3A, %dma_wait3A_184, %dma_wait3A_185] : memref<200x8x32x8x128xf32, #tpu.memory_space<hbm>> -> memref<1x1x1x8x128xf32, #tpu.memory_space<hbm>>
    %dma_wait3A_187 = tpu.memref_squeeze %dma_wait3A_186 : memref<1x1x1x8x128xf32, #tpu.memory_space<hbm>> -> memref<8x128xf32, #tpu.memory_space<hbm>>
    %dma_wait3A_188 = arith.constant 0 : i32
    %dma_wait3A_189 = arith.constant 0 : i32
    %dma_wait3A_190 = tpu.memref_slice %arg4[%dma_wait3A, %dma_wait3A_180, %add3A, %dma_wait3A_188, %dma_wait3A_189] : memref<200x8x32x8x128xf32, #tpu.memory_space<hbm>> -> memref<1x1x1x8x128xf32, #tpu.memory_space<hbm>>
    %dma_wait3A_191 = tpu.memref_squeeze %dma_wait3A_190 : memref<1x1x1x8x128xf32, #tpu.memory_space<hbm>> -> memref<8x128xf32, #tpu.memory_space<hbm>>
    %dma_wait3A_192 = arith.constant 0 : i32
    %dma_wait3A_193 = arith.constant 0 : i32
    %dma_wait3A_194 = tpu.memref_slice %arg10[%dma_wait3A_192, %dma_wait3A_193] : memref<64x128xf32, #tpu.memory_space<vmem>> -> memref<8x128xf32, #tpu.memory_space<vmem>>
    tpu.wait_dma2 semaphore(%arg14 : memref<!tpu.dma_semaphore, #tpu.memory_space<semaphore_mem>>) src(%dma_wait3A_194 : memref<8x128xf32, #tpu.memory_space<vmem>>) dst(%dma_wait3A_191 : memref<8x128xf32, #tpu.memory_space<hbm>>)
    %dma_wait3A_195 = arith.constant 198 : i32
    %dma_wait3A_196 = arith.constant 1 : i32
    %dma_wait3A_197 = arith.constant 8 : i32
    %dma_wait3A_198 = arith.constant 0 : i32
    %dma_wait3A_199 = tpu.memref_slice %arg10[%dma_wait3A_197, %dma_wait3A_198] : memref<64x128xf32, #tpu.memory_space<vmem>> -> memref<8x128xf32, #tpu.memory_space<vmem>>
    %dma_wait3A_200 = arith.constant 0 : i32
    %dma_wait3A_201 = arith.constant 0 : i32
    %dma_wait3A_202 = tpu.memref_slice %arg4[%dma_wait3A_195, %dma_wait3A_196, %add3A, %dma_wait3A_200, %dma_wait3A_201] : memref<200x8x32x8x128xf32, #tpu.memory_space<hbm>> -> memref<1x1x1x8x128xf32, #tpu.memory_space<hbm>>
    %dma_wait3A_203 = tpu.memref_squeeze %dma_wait3A_202 : memref<1x1x1x8x128xf32, #tpu.memory_space<hbm>> -> memref<8x128xf32, #tpu.memory_space<hbm>>
    %dma_wait3A_204 = arith.constant 0 : i32
    %dma_wait3A_205 = arith.constant 0 : i32
    %dma_wait3A_206 = tpu.memref_slice %arg4[%dma_wait3A_195, %dma_wait3A_196, %add3A, %dma_wait3A_204, %dma_wait3A_205] : memref<200x8x32x8x128xf32, #tpu.memory_space<hbm>> -> memref<1x1x1x8x128xf32, #tpu.memory_space<hbm>>
    %dma_wait3A_207 = tpu.memref_squeeze %dma_wait3A_206 : memref<1x1x1x8x128xf32, #tpu.memory_space<hbm>> -> memref<8x128xf32, #tpu.memory_space<hbm>>
    %dma_wait3A_208 = arith.constant 8 : i32
    %dma_wait3A_209 = arith.constant 0 : i32
    %dma_wait3A_210 = tpu.memref_slice %arg10[%dma_wait3A_208, %dma_wait3A_209] : memref<64x128xf32, #tpu.memory_space<vmem>> -> memref<8x128xf32, #tpu.memory_space<vmem>>
    tpu.wait_dma2 semaphore(%arg14 : memref<!tpu.dma_semaphore, #tpu.memory_space<semaphore_mem>>) src(%dma_wait3A_210 : memref<8x128xf32, #tpu.memory_space<vmem>>) dst(%dma_wait3A_207 : memref<8x128xf32, #tpu.memory_space<hbm>>)
    %dma_wait3A_211 = arith.constant 198 : i32
    %dma_wait3A_212 = arith.constant 2 : i32
    %dma_wait3A_213 = arith.constant 16 : i32
    %dma_wait3A_214 = arith.constant 0 : i32
    %dma_wait3A_215 = tpu.memref_slice %arg10[%dma_wait3A_213, %dma_wait3A_214] : memref<64x128xf32, #tpu.memory_space<vmem>> -> memref<8x128xf32, #tpu.memory_space<vmem>>
    %dma_wait3A_216 = arith.constant 0 : i32
    %dma_wait3A_217 = arith.constant 0 : i32
    %dma_wait3A_218 = tpu.memref_slice %arg4[%dma_wait3A_211, %dma_wait3A_212, %add3A, %dma_wait3A_216, %dma_wait3A_217] : memref<200x8x32x8x128xf32, #tpu.memory_space<hbm>> -> memref<1x1x1x8x128xf32, #tpu.memory_space<hbm>>
    %dma_wait3A_219 = tpu.memref_squeeze %dma_wait3A_218 : memref<1x1x1x8x128xf32, #tpu.memory_space<hbm>> -> memref<8x128xf32, #tpu.memory_space<hbm>>
    %dma_wait3A_220 = arith.constant 0 : i32
    %dma_wait3A_221 = arith.constant 0 : i32
    %dma_wait3A_222 = tpu.memref_slice %arg4[%dma_wait3A_211, %dma_wait3A_212, %add3A, %dma_wait3A_220, %dma_wait3A_221] : memref<200x8x32x8x128xf32, #tpu.memory_space<hbm>> -> memref<1x1x1x8x128xf32, #tpu.memory_space<hbm>>
    %dma_wait3A_223 = tpu.memref_squeeze %dma_wait3A_222 : memref<1x1x1x8x128xf32, #tpu.memory_space<hbm>> -> memref<8x128xf32, #tpu.memory_space<hbm>>
    %dma_wait3A_224 = arith.constant 16 : i32
    %dma_wait3A_225 = arith.constant 0 : i32
    %dma_wait3A_226 = tpu.memref_slice %arg10[%dma_wait3A_224, %dma_wait3A_225] : memref<64x128xf32, #tpu.memory_space<vmem>> -> memref<8x128xf32, #tpu.memory_space<vmem>>
    tpu.wait_dma2 semaphore(%arg14 : memref<!tpu.dma_semaphore, #tpu.memory_space<semaphore_mem>>) src(%dma_wait3A_226 : memref<8x128xf32, #tpu.memory_space<vmem>>) dst(%dma_wait3A_223 : memref<8x128xf32, #tpu.memory_space<hbm>>)
    %dma_wait3A_227 = arith.constant 198 : i32
    %dma_wait3A_228 = arith.constant 3 : i32
    %dma_wait3A_229 = arith.constant 24 : i32
    %dma_wait3A_230 = arith.constant 0 : i32
    %dma_wait3A_231 = tpu.memref_slice %arg10[%dma_wait3A_229, %dma_wait3A_230] : memref<64x128xf32, #tpu.memory_space<vmem>> -> memref<8x128xf32, #tpu.memory_space<vmem>>
    %dma_wait3A_232 = arith.constant 0 : i32
    %dma_wait3A_233 = arith.constant 0 : i32
    %dma_wait3A_234 = tpu.memref_slice %arg4[%dma_wait3A_227, %dma_wait3A_228, %add3A, %dma_wait3A_232, %dma_wait3A_233] : memref<200x8x32x8x128xf32, #tpu.memory_space<hbm>> -> memref<1x1x1x8x128xf32, #tpu.memory_space<hbm>>
    %dma_wait3A_235 = tpu.memref_squeeze %dma_wait3A_234 : memref<1x1x1x8x128xf32, #tpu.memory_space<hbm>> -> memref<8x128xf32, #tpu.memory_space<hbm>>
    %dma_wait3A_236 = arith.constant 0 : i32
    %dma_wait3A_237 = arith.constant 0 : i32
    %dma_wait3A_238 = tpu.memref_slice %arg4[%dma_wait3A_227, %dma_wait3A_228, %add3A, %dma_wait3A_236, %dma_wait3A_237] : memref<200x8x32x8x128xf32, #tpu.memory_space<hbm>> -> memref<1x1x1x8x128xf32, #tpu.memory_space<hbm>>
    %dma_wait3A_239 = tpu.memref_squeeze %dma_wait3A_238 : memref<1x1x1x8x128xf32, #tpu.memory_space<hbm>> -> memref<8x128xf32, #tpu.memory_space<hbm>>
    %dma_wait3A_240 = arith.constant 24 : i32
    %dma_wait3A_241 = arith.constant 0 : i32
    %dma_wait3A_242 = tpu.memref_slice %arg10[%dma_wait3A_240, %dma_wait3A_241] : memref<64x128xf32, #tpu.memory_space<vmem>> -> memref<8x128xf32, #tpu.memory_space<vmem>>
    tpu.wait_dma2 semaphore(%arg14 : memref<!tpu.dma_semaphore, #tpu.memory_space<semaphore_mem>>) src(%dma_wait3A_242 : memref<8x128xf32, #tpu.memory_space<vmem>>) dst(%dma_wait3A_239 : memref<8x128xf32, #tpu.memory_space<hbm>>)
    %dma_wait3A_243 = arith.constant 198 : i32
    %dma_wait3A_244 = arith.constant 4 : i32
    %dma_wait3A_245 = arith.constant 32 : i32
    %dma_wait3A_246 = arith.constant 0 : i32
    %dma_wait3A_247 = tpu.memref_slice %arg10[%dma_wait3A_245, %dma_wait3A_246] : memref<64x128xf32, #tpu.memory_space<vmem>> -> memref<8x128xf32, #tpu.memory_space<vmem>>
    %dma_wait3A_248 = arith.constant 0 : i32
    %dma_wait3A_249 = arith.constant 0 : i32
    %dma_wait3A_250 = tpu.memref_slice %arg4[%dma_wait3A_243, %dma_wait3A_244, %add3A, %dma_wait3A_248, %dma_wait3A_249] : memref<200x8x32x8x128xf32, #tpu.memory_space<hbm>> -> memref<1x1x1x8x128xf32, #tpu.memory_space<hbm>>
    %dma_wait3A_251 = tpu.memref_squeeze %dma_wait3A_250 : memref<1x1x1x8x128xf32, #tpu.memory_space<hbm>> -> memref<8x128xf32, #tpu.memory_space<hbm>>
    %dma_wait3A_252 = arith.constant 0 : i32
    %dma_wait3A_253 = arith.constant 0 : i32
    %dma_wait3A_254 = tpu.memref_slice %arg4[%dma_wait3A_243, %dma_wait3A_244, %add3A, %dma_wait3A_252, %dma_wait3A_253] : memref<200x8x32x8x128xf32, #tpu.memory_space<hbm>> -> memref<1x1x1x8x128xf32, #tpu.memory_space<hbm>>
    %dma_wait3A_255 = tpu.memref_squeeze %dma_wait3A_254 : memref<1x1x1x8x128xf32, #tpu.memory_space<hbm>> -> memref<8x128xf32, #tpu.memory_space<hbm>>
    %dma_wait3A_256 = arith.constant 32 : i32
    %dma_wait3A_257 = arith.constant 0 : i32
    %dma_wait3A_258 = tpu.memref_slice %arg10[%dma_wait3A_256, %dma_wait3A_257] : memref<64x128xf32, #tpu.memory_space<vmem>> -> memref<8x128xf32, #tpu.memory_space<vmem>>
    tpu.wait_dma2 semaphore(%arg14 : memref<!tpu.dma_semaphore, #tpu.memory_space<semaphore_mem>>) src(%dma_wait3A_258 : memref<8x128xf32, #tpu.memory_space<vmem>>) dst(%dma_wait3A_255 : memref<8x128xf32, #tpu.memory_space<hbm>>)
    %dma_wait3A_259 = arith.constant 198 : i32
    %dma_wait3A_260 = arith.constant 5 : i32
    %dma_wait3A_261 = arith.constant 40 : i32
    %dma_wait3A_262 = arith.constant 0 : i32
    %dma_wait3A_263 = tpu.memref_slice %arg10[%dma_wait3A_261, %dma_wait3A_262] : memref<64x128xf32, #tpu.memory_space<vmem>> -> memref<8x128xf32, #tpu.memory_space<vmem>>
    %dma_wait3A_264 = arith.constant 0 : i32
    %dma_wait3A_265 = arith.constant 0 : i32
    %dma_wait3A_266 = tpu.memref_slice %arg4[%dma_wait3A_259, %dma_wait3A_260, %add3A, %dma_wait3A_264, %dma_wait3A_265] : memref<200x8x32x8x128xf32, #tpu.memory_space<hbm>> -> memref<1x1x1x8x128xf32, #tpu.memory_space<hbm>>
    %dma_wait3A_267 = tpu.memref_squeeze %dma_wait3A_266 : memref<1x1x1x8x128xf32, #tpu.memory_space<hbm>> -> memref<8x128xf32, #tpu.memory_space<hbm>>
    %dma_wait3A_268 = arith.constant 0 : i32
    %dma_wait3A_269 = arith.constant 0 : i32
    %dma_wait3A_270 = tpu.memref_slice %arg4[%dma_wait3A_259, %dma_wait3A_260, %add3A, %dma_wait3A_268, %dma_wait3A_269] : memref<200x8x32x8x128xf32, #tpu.memory_space<hbm>> -> memref<1x1x1x8x128xf32, #tpu.memory_space<hbm>>
    %dma_wait3A_271 = tpu.memref_squeeze %dma_wait3A_270 : memref<1x1x1x8x128xf32, #tpu.memory_space<hbm>> -> memref<8x128xf32, #tpu.memory_space<hbm>>
    %dma_wait3A_272 = arith.constant 40 : i32
    %dma_wait3A_273 = arith.constant 0 : i32
    %dma_wait3A_274 = tpu.memref_slice %arg10[%dma_wait3A_272, %dma_wait3A_273] : memref<64x128xf32, #tpu.memory_space<vmem>> -> memref<8x128xf32, #tpu.memory_space<vmem>>
    tpu.wait_dma2 semaphore(%arg14 : memref<!tpu.dma_semaphore, #tpu.memory_space<semaphore_mem>>) src(%dma_wait3A_274 : memref<8x128xf32, #tpu.memory_space<vmem>>) dst(%dma_wait3A_271 : memref<8x128xf32, #tpu.memory_space<hbm>>)
    %dma_wait3A_275 = arith.constant 198 : i32
    %dma_wait3A_276 = arith.constant 6 : i32
    %dma_wait3A_277 = arith.constant 48 : i32
    %dma_wait3A_278 = arith.constant 0 : i32
    %dma_wait3A_279 = tpu.memref_slice %arg10[%dma_wait3A_277, %dma_wait3A_278] : memref<64x128xf32, #tpu.memory_space<vmem>> -> memref<8x128xf32, #tpu.memory_space<vmem>>
    %dma_wait3A_280 = arith.constant 0 : i32
    %dma_wait3A_281 = arith.constant 0 : i32
    %dma_wait3A_282 = tpu.memref_slice %arg4[%dma_wait3A_275, %dma_wait3A_276, %add3A, %dma_wait3A_280, %dma_wait3A_281] : memref<200x8x32x8x128xf32, #tpu.memory_space<hbm>> -> memref<1x1x1x8x128xf32, #tpu.memory_space<hbm>>
    %dma_wait3A_283 = tpu.memref_squeeze %dma_wait3A_282 : memref<1x1x1x8x128xf32, #tpu.memory_space<hbm>> -> memref<8x128xf32, #tpu.memory_space<hbm>>
    %dma_wait3A_284 = arith.constant 0 : i32
    %dma_wait3A_285 = arith.constant 0 : i32
    %dma_wait3A_286 = tpu.memref_slice %arg4[%dma_wait3A_275, %dma_wait3A_276, %add3A, %dma_wait3A_284, %dma_wait3A_285] : memref<200x8x32x8x128xf32, #tpu.memory_space<hbm>> -> memref<1x1x1x8x128xf32, #tpu.memory_space<hbm>>
    %dma_wait3A_287 = tpu.memref_squeeze %dma_wait3A_286 : memref<1x1x1x8x128xf32, #tpu.memory_space<hbm>> -> memref<8x128xf32, #tpu.memory_space<hbm>>
    %dma_wait3A_288 = arith.constant 48 : i32
    %dma_wait3A_289 = arith.constant 0 : i32
    %dma_wait3A_290 = tpu.memref_slice %arg10[%dma_wait3A_288, %dma_wait3A_289] : memref<64x128xf32, #tpu.memory_space<vmem>> -> memref<8x128xf32, #tpu.memory_space<vmem>>
    tpu.wait_dma2 semaphore(%arg14 : memref<!tpu.dma_semaphore, #tpu.memory_space<semaphore_mem>>) src(%dma_wait3A_290 : memref<8x128xf32, #tpu.memory_space<vmem>>) dst(%dma_wait3A_287 : memref<8x128xf32, #tpu.memory_space<hbm>>)
    %dma_wait3A_291 = arith.constant 198 : i32
    %dma_wait3A_292 = arith.constant 7 : i32
    %dma_wait3A_293 = arith.constant 56 : i32
    %dma_wait3A_294 = arith.constant 0 : i32
    %dma_wait3A_295 = tpu.memref_slice %arg10[%dma_wait3A_293, %dma_wait3A_294] : memref<64x128xf32, #tpu.memory_space<vmem>> -> memref<8x128xf32, #tpu.memory_space<vmem>>
    %dma_wait3A_296 = arith.constant 0 : i32
    %dma_wait3A_297 = arith.constant 0 : i32
    %dma_wait3A_298 = tpu.memref_slice %arg4[%dma_wait3A_291, %dma_wait3A_292, %add3A, %dma_wait3A_296, %dma_wait3A_297] : memref<200x8x32x8x128xf32, #tpu.memory_space<hbm>> -> memref<1x1x1x8x128xf32, #tpu.memory_space<hbm>>
    %dma_wait3A_299 = tpu.memref_squeeze %dma_wait3A_298 : memref<1x1x1x8x128xf32, #tpu.memory_space<hbm>> -> memref<8x128xf32, #tpu.memory_space<hbm>>
    %dma_wait3A_300 = arith.constant 0 : i32
    %dma_wait3A_301 = arith.constant 0 : i32
    %dma_wait3A_302 = tpu.memref_slice %arg4[%dma_wait3A_291, %dma_wait3A_292, %add3A, %dma_wait3A_300, %dma_wait3A_301] : memref<200x8x32x8x128xf32, #tpu.memory_space<hbm>> -> memref<1x1x1x8x128xf32, #tpu.memory_space<hbm>>
    %dma_wait3A_303 = tpu.memref_squeeze %dma_wait3A_302 : memref<1x1x1x8x128xf32, #tpu.memory_space<hbm>> -> memref<8x128xf32, #tpu.memory_space<hbm>>
    %dma_wait3A_304 = arith.constant 56 : i32
    %dma_wait3A_305 = arith.constant 0 : i32
    %dma_wait3A_306 = tpu.memref_slice %arg10[%dma_wait3A_304, %dma_wait3A_305] : memref<64x128xf32, #tpu.memory_space<vmem>> -> memref<8x128xf32, #tpu.memory_space<vmem>>
    tpu.wait_dma2 semaphore(%arg14 : memref<!tpu.dma_semaphore, #tpu.memory_space<semaphore_mem>>) src(%dma_wait3A_306 : memref<8x128xf32, #tpu.memory_space<vmem>>) dst(%dma_wait3A_303 : memref<8x128xf32, #tpu.memory_space<hbm>>)
    %dma_wait3A_307 = arith.constant 199 : i32
    %dma_wait3A_308 = arith.constant 0 : i32
    %dma_wait3A_309 = arith.constant 0 : i32
    %dma_wait3A_310 = arith.constant 0 : i32
    %dma_wait3A_311 = tpu.memref_slice %arg11[%dma_wait3A_309, %dma_wait3A_310] : memref<64x128xf32, #tpu.memory_space<vmem>> -> memref<8x128xf32, #tpu.memory_space<vmem>>
    %dma_wait3A_312 = arith.constant 0 : i32
    %dma_wait3A_313 = arith.constant 0 : i32
    %dma_wait3A_314 = tpu.memref_slice %arg4[%dma_wait3A_307, %dma_wait3A_308, %add3A, %dma_wait3A_312, %dma_wait3A_313] : memref<200x8x32x8x128xf32, #tpu.memory_space<hbm>> -> memref<1x1x1x8x128xf32, #tpu.memory_space<hbm>>
    %dma_wait3A_315 = tpu.memref_squeeze %dma_wait3A_314 : memref<1x1x1x8x128xf32, #tpu.memory_space<hbm>> -> memref<8x128xf32, #tpu.memory_space<hbm>>
    %dma_wait3A_316 = arith.constant 0 : i32
    %dma_wait3A_317 = arith.constant 0 : i32
    %dma_wait3A_318 = tpu.memref_slice %arg4[%dma_wait3A_307, %dma_wait3A_308, %add3A, %dma_wait3A_316, %dma_wait3A_317] : memref<200x8x32x8x128xf32, #tpu.memory_space<hbm>> -> memref<1x1x1x8x128xf32, #tpu.memory_space<hbm>>
    %dma_wait3A_319 = tpu.memref_squeeze %dma_wait3A_318 : memref<1x1x1x8x128xf32, #tpu.memory_space<hbm>> -> memref<8x128xf32, #tpu.memory_space<hbm>>
    %dma_wait3A_320 = arith.constant 0 : i32
    %dma_wait3A_321 = arith.constant 0 : i32
    %dma_wait3A_322 = tpu.memref_slice %arg11[%dma_wait3A_320, %dma_wait3A_321] : memref<64x128xf32, #tpu.memory_space<vmem>> -> memref<8x128xf32, #tpu.memory_space<vmem>>
    tpu.wait_dma2 semaphore(%arg15 : memref<!tpu.dma_semaphore, #tpu.memory_space<semaphore_mem>>) src(%dma_wait3A_322 : memref<8x128xf32, #tpu.memory_space<vmem>>) dst(%dma_wait3A_319 : memref<8x128xf32, #tpu.memory_space<hbm>>)
    %dma_wait3A_323 = arith.constant 199 : i32
    %dma_wait3A_324 = arith.constant 1 : i32
    %dma_wait3A_325 = arith.constant 8 : i32
    %dma_wait3A_326 = arith.constant 0 : i32
    %dma_wait3A_327 = tpu.memref_slice %arg11[%dma_wait3A_325, %dma_wait3A_326] : memref<64x128xf32, #tpu.memory_space<vmem>> -> memref<8x128xf32, #tpu.memory_space<vmem>>
    %dma_wait3A_328 = arith.constant 0 : i32
    %dma_wait3A_329 = arith.constant 0 : i32
    %dma_wait3A_330 = tpu.memref_slice %arg4[%dma_wait3A_323, %dma_wait3A_324, %add3A, %dma_wait3A_328, %dma_wait3A_329] : memref<200x8x32x8x128xf32, #tpu.memory_space<hbm>> -> memref<1x1x1x8x128xf32, #tpu.memory_space<hbm>>
    %dma_wait3A_331 = tpu.memref_squeeze %dma_wait3A_330 : memref<1x1x1x8x128xf32, #tpu.memory_space<hbm>> -> memref<8x128xf32, #tpu.memory_space<hbm>>
    %dma_wait3A_332 = arith.constant 0 : i32
    %dma_wait3A_333 = arith.constant 0 : i32
    %dma_wait3A_334 = tpu.memref_slice %arg4[%dma_wait3A_323, %dma_wait3A_324, %add3A, %dma_wait3A_332, %dma_wait3A_333] : memref<200x8x32x8x128xf32, #tpu.memory_space<hbm>> -> memref<1x1x1x8x128xf32, #tpu.memory_space<hbm>>
    %dma_wait3A_335 = tpu.memref_squeeze %dma_wait3A_334 : memref<1x1x1x8x128xf32, #tpu.memory_space<hbm>> -> memref<8x128xf32, #tpu.memory_space<hbm>>
    %dma_wait3A_336 = arith.constant 8 : i32
    %dma_wait3A_337 = arith.constant 0 : i32
    %dma_wait3A_338 = tpu.memref_slice %arg11[%dma_wait3A_336, %dma_wait3A_337] : memref<64x128xf32, #tpu.memory_space<vmem>> -> memref<8x128xf32, #tpu.memory_space<vmem>>
    tpu.wait_dma2 semaphore(%arg15 : memref<!tpu.dma_semaphore, #tpu.memory_space<semaphore_mem>>) src(%dma_wait3A_338 : memref<8x128xf32, #tpu.memory_space<vmem>>) dst(%dma_wait3A_335 : memref<8x128xf32, #tpu.memory_space<hbm>>)
    %dma_wait3A_339 = arith.constant 199 : i32
    %dma_wait3A_340 = arith.constant 2 : i32
    %dma_wait3A_341 = arith.constant 16 : i32
    %dma_wait3A_342 = arith.constant 0 : i32
    %dma_wait3A_343 = tpu.memref_slice %arg11[%dma_wait3A_341, %dma_wait3A_342] : memref<64x128xf32, #tpu.memory_space<vmem>> -> memref<8x128xf32, #tpu.memory_space<vmem>>
    %dma_wait3A_344 = arith.constant 0 : i32
    %dma_wait3A_345 = arith.constant 0 : i32
    %dma_wait3A_346 = tpu.memref_slice %arg4[%dma_wait3A_339, %dma_wait3A_340, %add3A, %dma_wait3A_344, %dma_wait3A_345] : memref<200x8x32x8x128xf32, #tpu.memory_space<hbm>> -> memref<1x1x1x8x128xf32, #tpu.memory_space<hbm>>
    %dma_wait3A_347 = tpu.memref_squeeze %dma_wait3A_346 : memref<1x1x1x8x128xf32, #tpu.memory_space<hbm>> -> memref<8x128xf32, #tpu.memory_space<hbm>>
    %dma_wait3A_348 = arith.constant 0 : i32
    %dma_wait3A_349 = arith.constant 0 : i32
    %dma_wait3A_350 = tpu.memref_slice %arg4[%dma_wait3A_339, %dma_wait3A_340, %add3A, %dma_wait3A_348, %dma_wait3A_349] : memref<200x8x32x8x128xf32, #tpu.memory_space<hbm>> -> memref<1x1x1x8x128xf32, #tpu.memory_space<hbm>>
    %dma_wait3A_351 = tpu.memref_squeeze %dma_wait3A_350 : memref<1x1x1x8x128xf32, #tpu.memory_space<hbm>> -> memref<8x128xf32, #tpu.memory_space<hbm>>
    %dma_wait3A_352 = arith.constant 16 : i32
    %dma_wait3A_353 = arith.constant 0 : i32
    %dma_wait3A_354 = tpu.memref_slice %arg11[%dma_wait3A_352, %dma_wait3A_353] : memref<64x128xf32, #tpu.memory_space<vmem>> -> memref<8x128xf32, #tpu.memory_space<vmem>>
    tpu.wait_dma2 semaphore(%arg15 : memref<!tpu.dma_semaphore, #tpu.memory_space<semaphore_mem>>) src(%dma_wait3A_354 : memref<8x128xf32, #tpu.memory_space<vmem>>) dst(%dma_wait3A_351 : memref<8x128xf32, #tpu.memory_space<hbm>>)
    %dma_wait3A_355 = arith.constant 199 : i32
    %dma_wait3A_356 = arith.constant 3 : i32
    %dma_wait3A_357 = arith.constant 24 : i32
    %dma_wait3A_358 = arith.constant 0 : i32
    %dma_wait3A_359 = tpu.memref_slice %arg11[%dma_wait3A_357, %dma_wait3A_358] : memref<64x128xf32, #tpu.memory_space<vmem>> -> memref<8x128xf32, #tpu.memory_space<vmem>>
    %dma_wait3A_360 = arith.constant 0 : i32
    %dma_wait3A_361 = arith.constant 0 : i32
    %dma_wait3A_362 = tpu.memref_slice %arg4[%dma_wait3A_355, %dma_wait3A_356, %add3A, %dma_wait3A_360, %dma_wait3A_361] : memref<200x8x32x8x128xf32, #tpu.memory_space<hbm>> -> memref<1x1x1x8x128xf32, #tpu.memory_space<hbm>>
    %dma_wait3A_363 = tpu.memref_squeeze %dma_wait3A_362 : memref<1x1x1x8x128xf32, #tpu.memory_space<hbm>> -> memref<8x128xf32, #tpu.memory_space<hbm>>
    %dma_wait3A_364 = arith.constant 0 : i32
    %dma_wait3A_365 = arith.constant 0 : i32
    %dma_wait3A_366 = tpu.memref_slice %arg4[%dma_wait3A_355, %dma_wait3A_356, %add3A, %dma_wait3A_364, %dma_wait3A_365] : memref<200x8x32x8x128xf32, #tpu.memory_space<hbm>> -> memref<1x1x1x8x128xf32, #tpu.memory_space<hbm>>
    %dma_wait3A_367 = tpu.memref_squeeze %dma_wait3A_366 : memref<1x1x1x8x128xf32, #tpu.memory_space<hbm>> -> memref<8x128xf32, #tpu.memory_space<hbm>>
    %dma_wait3A_368 = arith.constant 24 : i32
    %dma_wait3A_369 = arith.constant 0 : i32
    %dma_wait3A_370 = tpu.memref_slice %arg11[%dma_wait3A_368, %dma_wait3A_369] : memref<64x128xf32, #tpu.memory_space<vmem>> -> memref<8x128xf32, #tpu.memory_space<vmem>>
    tpu.wait_dma2 semaphore(%arg15 : memref<!tpu.dma_semaphore, #tpu.memory_space<semaphore_mem>>) src(%dma_wait3A_370 : memref<8x128xf32, #tpu.memory_space<vmem>>) dst(%dma_wait3A_367 : memref<8x128xf32, #tpu.memory_space<hbm>>)
    %dma_wait3A_371 = arith.constant 199 : i32
    %dma_wait3A_372 = arith.constant 4 : i32
    %dma_wait3A_373 = arith.constant 32 : i32
    %dma_wait3A_374 = arith.constant 0 : i32
    %dma_wait3A_375 = tpu.memref_slice %arg11[%dma_wait3A_373, %dma_wait3A_374] : memref<64x128xf32, #tpu.memory_space<vmem>> -> memref<8x128xf32, #tpu.memory_space<vmem>>
    %dma_wait3A_376 = arith.constant 0 : i32
    %dma_wait3A_377 = arith.constant 0 : i32
    %dma_wait3A_378 = tpu.memref_slice %arg4[%dma_wait3A_371, %dma_wait3A_372, %add3A, %dma_wait3A_376, %dma_wait3A_377] : memref<200x8x32x8x128xf32, #tpu.memory_space<hbm>> -> memref<1x1x1x8x128xf32, #tpu.memory_space<hbm>>
    %dma_wait3A_379 = tpu.memref_squeeze %dma_wait3A_378 : memref<1x1x1x8x128xf32, #tpu.memory_space<hbm>> -> memref<8x128xf32, #tpu.memory_space<hbm>>
    %dma_wait3A_380 = arith.constant 0 : i32
    %dma_wait3A_381 = arith.constant 0 : i32
    %dma_wait3A_382 = tpu.memref_slice %arg4[%dma_wait3A_371, %dma_wait3A_372, %add3A, %dma_wait3A_380, %dma_wait3A_381] : memref<200x8x32x8x128xf32, #tpu.memory_space<hbm>> -> memref<1x1x1x8x128xf32, #tpu.memory_space<hbm>>
    %dma_wait3A_383 = tpu.memref_squeeze %dma_wait3A_382 : memref<1x1x1x8x128xf32, #tpu.memory_space<hbm>> -> memref<8x128xf32, #tpu.memory_space<hbm>>
    %dma_wait3A_384 = arith.constant 32 : i32
    %dma_wait3A_385 = arith.constant 0 : i32
    %dma_wait3A_386 = tpu.memref_slice %arg11[%dma_wait3A_384, %dma_wait3A_385] : memref<64x128xf32, #tpu.memory_space<vmem>> -> memref<8x128xf32, #tpu.memory_space<vmem>>
    tpu.wait_dma2 semaphore(%arg15 : memref<!tpu.dma_semaphore, #tpu.memory_space<semaphore_mem>>) src(%dma_wait3A_386 : memref<8x128xf32, #tpu.memory_space<vmem>>) dst(%dma_wait3A_383 : memref<8x128xf32, #tpu.memory_space<hbm>>)
    %dma_wait3A_387 = arith.constant 199 : i32
    %dma_wait3A_388 = arith.constant 5 : i32
    %dma_wait3A_389 = arith.constant 40 : i32
    %dma_wait3A_390 = arith.constant 0 : i32
    %dma_wait3A_391 = tpu.memref_slice %arg11[%dma_wait3A_389, %dma_wait3A_390] : memref<64x128xf32, #tpu.memory_space<vmem>> -> memref<8x128xf32, #tpu.memory_space<vmem>>
    %dma_wait3A_392 = arith.constant 0 : i32
    %dma_wait3A_393 = arith.constant 0 : i32
    %dma_wait3A_394 = tpu.memref_slice %arg4[%dma_wait3A_387, %dma_wait3A_388, %add3A, %dma_wait3A_392, %dma_wait3A_393] : memref<200x8x32x8x128xf32, #tpu.memory_space<hbm>> -> memref<1x1x1x8x128xf32, #tpu.memory_space<hbm>>
    %dma_wait3A_395 = tpu.memref_squeeze %dma_wait3A_394 : memref<1x1x1x8x128xf32, #tpu.memory_space<hbm>> -> memref<8x128xf32, #tpu.memory_space<hbm>>
    %dma_wait3A_396 = arith.constant 0 : i32
    %dma_wait3A_397 = arith.constant 0 : i32
    %dma_wait3A_398 = tpu.memref_slice %arg4[%dma_wait3A_387, %dma_wait3A_388, %add3A, %dma_wait3A_396, %dma_wait3A_397] : memref<200x8x32x8x128xf32, #tpu.memory_space<hbm>> -> memref<1x1x1x8x128xf32, #tpu.memory_space<hbm>>
    %dma_wait3A_399 = tpu.memref_squeeze %dma_wait3A_398 : memref<1x1x1x8x128xf32, #tpu.memory_space<hbm>> -> memref<8x128xf32, #tpu.memory_space<hbm>>
    %dma_wait3A_400 = arith.constant 40 : i32
    %dma_wait3A_401 = arith.constant 0 : i32
    %dma_wait3A_402 = tpu.memref_slice %arg11[%dma_wait3A_400, %dma_wait3A_401] : memref<64x128xf32, #tpu.memory_space<vmem>> -> memref<8x128xf32, #tpu.memory_space<vmem>>
    tpu.wait_dma2 semaphore(%arg15 : memref<!tpu.dma_semaphore, #tpu.memory_space<semaphore_mem>>) src(%dma_wait3A_402 : memref<8x128xf32, #tpu.memory_space<vmem>>) dst(%dma_wait3A_399 : memref<8x128xf32, #tpu.memory_space<hbm>>)
    %dma_wait3A_403 = arith.constant 199 : i32
    %dma_wait3A_404 = arith.constant 6 : i32
    %dma_wait3A_405 = arith.constant 48 : i32
    %dma_wait3A_406 = arith.constant 0 : i32
    %dma_wait3A_407 = tpu.memref_slice %arg11[%dma_wait3A_405, %dma_wait3A_406] : memref<64x128xf32, #tpu.memory_space<vmem>> -> memref<8x128xf32, #tpu.memory_space<vmem>>
    %dma_wait3A_408 = arith.constant 0 : i32
    %dma_wait3A_409 = arith.constant 0 : i32
    %dma_wait3A_410 = tpu.memref_slice %arg4[%dma_wait3A_403, %dma_wait3A_404, %add3A, %dma_wait3A_408, %dma_wait3A_409] : memref<200x8x32x8x128xf32, #tpu.memory_space<hbm>> -> memref<1x1x1x8x128xf32, #tpu.memory_space<hbm>>
    %dma_wait3A_411 = tpu.memref_squeeze %dma_wait3A_410 : memref<1x1x1x8x128xf32, #tpu.memory_space<hbm>> -> memref<8x128xf32, #tpu.memory_space<hbm>>
    %dma_wait3A_412 = arith.constant 0 : i32
    %dma_wait3A_413 = arith.constant 0 : i32
    %dma_wait3A_414 = tpu.memref_slice %arg4[%dma_wait3A_403, %dma_wait3A_404, %add3A, %dma_wait3A_412, %dma_wait3A_413] : memref<200x8x32x8x128xf32, #tpu.memory_space<hbm>> -> memref<1x1x1x8x128xf32, #tpu.memory_space<hbm>>
    %dma_wait3A_415 = tpu.memref_squeeze %dma_wait3A_414 : memref<1x1x1x8x128xf32, #tpu.memory_space<hbm>> -> memref<8x128xf32, #tpu.memory_space<hbm>>
    %dma_wait3A_416 = arith.constant 48 : i32
    %dma_wait3A_417 = arith.constant 0 : i32
    %dma_wait3A_418 = tpu.memref_slice %arg11[%dma_wait3A_416, %dma_wait3A_417] : memref<64x128xf32, #tpu.memory_space<vmem>> -> memref<8x128xf32, #tpu.memory_space<vmem>>
    tpu.wait_dma2 semaphore(%arg15 : memref<!tpu.dma_semaphore, #tpu.memory_space<semaphore_mem>>) src(%dma_wait3A_418 : memref<8x128xf32, #tpu.memory_space<vmem>>) dst(%dma_wait3A_415 : memref<8x128xf32, #tpu.memory_space<hbm>>)
    %dma_wait3A_419 = arith.constant 199 : i32
    %dma_wait3A_420 = arith.constant 7 : i32
    %dma_wait3A_421 = arith.constant 56 : i32
    %dma_wait3A_422 = arith.constant 0 : i32
    %dma_wait3A_423 = tpu.memref_slice %arg11[%dma_wait3A_421, %dma_wait3A_422] : memref<64x128xf32, #tpu.memory_space<vmem>> -> memref<8x128xf32, #tpu.memory_space<vmem>>
    %dma_wait3A_424 = arith.constant 0 : i32
    %dma_wait3A_425 = arith.constant 0 : i32
    %dma_wait3A_426 = tpu.memref_slice %arg4[%dma_wait3A_419, %dma_wait3A_420, %add3A, %dma_wait3A_424, %dma_wait3A_425] : memref<200x8x32x8x128xf32, #tpu.memory_space<hbm>> -> memref<1x1x1x8x128xf32, #tpu.memory_space<hbm>>
    %dma_wait3A_427 = tpu.memref_squeeze %dma_wait3A_426 : memref<1x1x1x8x128xf32, #tpu.memory_space<hbm>> -> memref<8x128xf32, #tpu.memory_space<hbm>>
    %dma_wait3A_428 = arith.constant 0 : i32
    %dma_wait3A_429 = arith.constant 0 : i32
    %dma_wait3A_430 = tpu.memref_slice %arg4[%dma_wait3A_419, %dma_wait3A_420, %add3A, %dma_wait3A_428, %dma_wait3A_429] : memref<200x8x32x8x128xf32, #tpu.memory_space<hbm>> -> memref<1x1x1x8x128xf32, #tpu.memory_space<hbm>>
    %dma_wait3A_431 = tpu.memref_squeeze %dma_wait3A_430 : memref<1x1x1x8x128xf32, #tpu.memory_space<hbm>> -> memref<8x128xf32, #tpu.memory_space<hbm>>
    %dma_wait3A_432 = arith.constant 56 : i32
    %dma_wait3A_433 = arith.constant 0 : i32
    %dma_wait3A_434 = tpu.memref_slice %arg11[%dma_wait3A_432, %dma_wait3A_433] : memref<64x128xf32, #tpu.memory_space<vmem>> -> memref<8x128xf32, #tpu.memory_space<vmem>>
    tpu.wait_dma2 semaphore(%arg15 : memref<!tpu.dma_semaphore, #tpu.memory_space<semaphore_mem>>) src(%dma_wait3A_434 : memref<8x128xf32, #tpu.memory_space<vmem>>) dst(%dma_wait3A_431 : memref<8x128xf32, #tpu.memory_space<hbm>>)
    return
  }
}

</mosaic_0001>

<sc_bundles>
// kernel: kernel.3.cloned.1.call-start
scs
__scs_entry_jumppad:
0x0: {  	(pc) =	sbr.rel $0x88, $3  }
0x1: {  	(tag) =	ssettag $0x0;
	lr =	simm.s32 $0x1  }
0x2: {  	[smem:$0x3F9F] =	sst lr;
	_ =	strace $0xD0000000  }
0x3: {  	_ = 	snop  }
0x4: {  	_ = 	snop  }
0x5: {  	_ = 	snop  }
0x6: {  	_ = 	snop  }
0x7: {  	_ = 	snop  }
__scs_overlays_trampoline_lowered:
0x8: {  	[smem:$0x3FAE] =	sst s0  }
0x9: {  	[smem:$0x3FAF] =	sst s1  }
0xa: {  	[smem:$0x3FB0] =	sst s2  }
0xb: {  	[smem:$0x3FB1] =	sst s3  }
0xc: {  	[smem:$0x3FB2] =	sst s4  }
0xd: {  	[smem:$0x3FB3] =	sst s5  }
0xe: {  	[smem:$0x3FB4] =	sst s6  }
0xf: {  	[smem:$0x3FB5] =	sst s7  }
0x10: {  	[smem:$0x3FB6] =	sst s8  }
0x11: {  	[smem:$0x3FB7] =	sst s9;
	s0 =	simm.s32 @!p0 $0x0  }
0x12: {  	s1 =	sld [smem:$0x3F9D];
	s0 =	simm.s32 @p0 $0x1  }
0x13: {  	[smem:$0x3FB8] =	sst s0;
	s0 =	simm.s32 @!p1 $0x0  }
0x14: {  	s2 =	sld [smem:$0x3F9C];
	s0 =	simm.s32 @p1 $0x1  }
0x15: {  	[smem:$0x3FB9] =	sst s0;
	s0 =	simm.s32 @!p2 $0x0  }
0x16: {  	s3 =	sld [smem:$0x3FDB];
	s0 =	simm.s32 @p2 $0x1  }
0x17: {  	s4 =	simm.s32 $0x1BF5;
	[smem:$0x3FBB] =	sst s0  }
0x18: {  	s0 =	sld [smem:$0x3F9E];
	_ =	swait.ge [sflag:s4], $0x0  }
0x19: {  	s7 =	sld [smem:$0x3F9F]  }
0x1a: {  	s8 =	sadd.s32 $0xFFFFE003, lr  }
0x1b: {  	s9 =	sadd.s32 $0xFFFFFEF7, lr;
	s5 =	simm.s32 $0xFFFFFFFF;
	p2 =	slt.u32 s8, $0xFFFFF086  }
0x1c: {  	p1 =	slt.u32 s9, $0xF7A;
	s5 =	simm.s32 @!p2 $0x0  }
0x1d: {  	s5 =	simm.s32 @p1 $0x1;
	p0 =	seq.s32 s7, s2  }
0x1e: {  	s7 =	smul.u32 @!p0 $0xF7A, s2;
	p2 =	seq.s32 @!p0 s5, $0x0  }
0x1f: {  	s9 =	smul.u32 $0xF7A, s1;
	s8 =	simm.s32 @!p0 $0x1BF5;
	p2 =	por !p2, p0  }
0x20: {  	[sflag:s8] =	ssyncset.s32 @!p0 $0xFFFFF086;
	s6 =	sadd.s32 @!p0 s3, s7;
	s7 =	simm.s32 @!p0 $0x108  }
0x21: {  	s3 =	sadd.s32 s3, s9;
	s6 =	sadd.s32 @!p0 $0x88, s6;
	s7 =	simm.s32 @p2 $0x1082  }
0x22: {  	[simem:s7], [sflag:s8] =	dma.local @!p0 [hbm:s6], $0xF7A  }
0x23: {  	s9 =	sor.u32 $0xD0000000, s2;
	s6 =	simm.s32 $0x108;
	_ =	swait.ge @!p0 [sflag:s8], $0x0  }
0x24: {  	s3 =	sadd.s32 $0x88, s3;
	s6 =	simm.s32 @!p1 $0x1082;
	[sflag:s4] =	ssyncset.s32 $0xFFFFF086  }
0x25: {  	[simem:s6], [sflag:s4] =	dma.local [hbm:s3], $0xF7A  }
0x26: {  	[smem:$0x3F9F] =	sst s1;
	(tag) =	ssettag s2;
	_ =	strace s9  }
0x27: {  	s1 =	sld [smem:$0x3FAF]  }
0x28: {  	s2 =	sld [smem:$0x3FB0]  }
0x29: {  	s4 =	sld [smem:$0x3FB2]  }
0x2a: {  	p0 =	seq.s32 s5, $0x0;
	s5 =	sld [smem:$0x3FB3]  }
0x2b: {  	s6 =	sld [smem:$0x3FB4]  }
0x2c: {  	s7 =	sld [smem:$0x3FB5]  }
0x2d: {  	s3 =	simm.s32 $0x108;
	s8 =	sld [smem:$0x3FB6]  }
0x2e: {  	s3 =	simm.s32 @!p0 $0x1082;
	s9 =	sld [smem:$0x3FB7]  }
0x2f: {  	lr =	sadd.s32 s0, s3;
	s0 =	sld [smem:$0x3FAE]  }
0x30: {  	s3 =	sld [smem:$0x3FB1]  }
0x31: {  	[smem:$0x3FBA] =	sst s10  }
0x32: {  	s10 =	sld [smem:$0x3FB8];
	_ =	sdelay $0x3  }
0x33: {  	p0 =	seq.s32 s10, $0x1;
	s10 =	sld [smem:$0x3FBA];
	_ =	sdelay $0x3  }
0x34: {  	[smem:$0x3FBA] =	sst s10  }
0x35: {  	s10 =	sld [smem:$0x3FB9];
	_ =	sdelay $0x3  }
0x36: {  	p1 =	seq.s32 s10, $0x1;
	s10 =	sld [smem:$0x3FBA];
	_ =	sdelay $0x3  }
0x37: {  	[smem:$0x3FBA] =	sst s10  }
0x38: {  	s10 =	sld [smem:$0x3FBB]  }
0x39: {  	_ = 	snop;
	(pc) =	sbr.ind lr, $3  }
0x3a: {  	_ = 	snop  }
0x3b: {  	_ = 	snop  }
0x3c: {  	p2 =	seq.s32 s10, $0x1;
	s10 =	sld [smem:$0x3FBA]  }
0x3d: {  	_ =	shalt  }
0x3e: {  	_ =	shalt  }
0x3f: {  	_ =	shalt  }
0x40: {  	_ =	shalt  }
0x41: {  	_ =	shalt  }
0x42: {  	_ =	shalt  }
0x43: {  	_ =	shalt  }
0x44: {  	_ =	shalt  }
0x45: {  	_ =	shalt  }
0x46: {  	_ =	shalt  }
0x47: {  	_ =	shalt  }
0x48: {  	_ =	shalt  }
0x49: {  	_ =	shalt  }
0x4a: {  	_ =	shalt  }
0x4b: {  	_ =	shalt  }
0x4c: {  	_ =	shalt  }
0x4d: {  	_ =	shalt  }
0x4e: {  	_ =	shalt  }
0x4f: {  	_ =	shalt  }
0x50: {  	_ =	shalt  }
0x51: {  	_ =	shalt  }
0x52: {  	_ =	shalt  }
0x53: {  	_ =	shalt  }
0x54: {  	_ =	shalt  }
0x55: {  	_ =	shalt  }
0x56: {  	_ =	shalt  }
0x57: {  	_ =	shalt  }
0x58: {  	_ =	shalt  }
0x59: {  	_ =	shalt  }
0x5a: {  	_ =	shalt  }
0x5b: {  	_ =	shalt  }
0x5c: {  	_ =	shalt  }
0x5d: {  	_ =	shalt  }
0x5e: {  	_ =	shalt  }
0x5f: {  	_ =	shalt  }
0x60: {  	_ =	shalt  }
0x61: {  	_ =	shalt  }
0x62: {  	_ =	shalt  }
0x63: {  	_ =	shalt  }
0x64: {  	_ =	shalt  }
0x65: {  	_ =	shalt  }
0x66: {  	_ =	shalt  }
0x67: {  	_ =	shalt  }
0x68: {  	_ =	shalt  }
0x69: {  	_ =	shalt  }
0x6a: {  	_ =	shalt  }
0x6b: {  	_ =	shalt  }
0x6c: {  	_ =	shalt  }
0x6d: {  	_ =	shalt  }
0x6e: {  	_ =	shalt  }
0x6f: {  	_ =	shalt  }
0x70: {  	_ =	shalt  }
0x71: {  	_ =	shalt  }
0x72: {  	_ =	shalt  }
0x73: {  	_ =	shalt  }
0x74: {  	_ =	shalt  }
0x75: {  	_ =	shalt  }
0x76: {  	_ =	shalt  }
0x77: {  	_ =	shalt  }
0x78: {  	_ =	shalt  }
0x79: {  	_ =	shalt  }
0x7a: {  	_ =	shalt  }
0x7b: {  	_ =	shalt  }
0x7c: {  	_ =	shalt  }
0x7d: {  	_ =	shalt  }
0x7e: {  	_ =	shalt  }
0x7f: {  	_ =	shalt  }
0x80: {  	_ =	shalt  }
0x81: {  	_ =	shalt  }
0x82: {  	_ =	shalt  }
0x83: {  	_ =	shalt  }
0x84: {  	_ =	shalt  }
0x85: {  	_ =	shalt  }
0x86: {  	_ =	shalt  }
0x87: {  	_ =	shalt  }
.Lfunc_end0:
.L_simem_size_0:
called_computation_lowered:
.L_overlay_start_0:
0x88: {  	s2 =	sld [smem:$0x3FD9]  }
0x89: {  	s3 =	sld [smem:$0x3FFE];
	_ =	sdelay $0x1  }
0x8a: {  	s1 =	srdreg.scid  }
0x8b: {  	s0 =	sand.u32 $0x1, s1  }
0x8c: {  	s17 =	sshll.u32 s0, $0xA;
	s2 =	sadd.s32 s3, s2  }
0x8d: {  	s2 =	sadd.s32 s2, s17  }
0x8e: {  	[smem:$0x3FC6] =	sst s2  }
0x8f: {  	_ = 	snop  }
0x90: {  	s2 =	sld [smem:$0x3FD0];
	(tm) =	ssettm $0x1  }
0x91: {  	s18 =	sld [smem:$0x3FFB];
	_ =	sdelay $0x3  }
0x92: {  	_ =	strace s18  }
0x93: {  	s3 =	sld [smem:$0x3FFC];
	_ =	sdelay $0x3  }
0x94: {  	_ =	strace s3  }
0x95: {  	s3 =	sld [smem:$0x3FFD];
	_ =	sdelay $0x3  }
0x96: {  	_ =	strace s3  }
0x97: {  	_ =	strace $0x8FFFFFFF  }
0x98: {  	s19 =	sld [smem:$0x3FDB];
	_ =	sdelay $0x1  }
0x99: {  	s4 =	simm.s32 $_scs_section_size  }
0x9a: {  	s5 =	simm.s32 $_size__tile_overlayer_lowered;
	s6 =	simm.s32 $_tile_overlayer_lowered  }
0x9b: {  	s22 =	simm.s32 $0x1BFF;
	s21 =	sshll.u32 s6, $0x1;
	s3 =	sadd.s32 s4, s19  }
0x9c: {  	s7 =	simm.s32 $0x0;
	s20 =	sshll.u32 s5, $0x1;
	s5 =	sadd.s32 s21, s3  }
0x9d: {  	[timem:s7], [sflag:s22] =	dma.local [hbm:s5], s20  }
0x9e: {  	_ =	swait.ge [sflag:s22], s20  }
0x9f: {  	s4 =	ssub.s32 $0x0, s20;
	[sflag:s22] =	ssyncset.done $0x0  }
0xa0: {  	[sflag:s22] =	ssyncadd.s32 s4;
	_ =	sdelay $0x1  }
0xa1: {  	s23 =	simm.s32 $0x1B8B  }
0xa2: {  	_ =	swait.ge [sflag:s23], $0x1  }
0xa3: {  	[sflag:s23] =	ssyncset.done $0x0  }
0xa4: {  	s25 =	simm.s32 $0x1B8E;
	s24 =	sld [smem:$0x3FFE];
	[sflag:s23] =	ssyncadd.s32 $0xFFFFFFFF  }
0xa5: {  	s26 =	simm.s32 $execute0_lowered;
	[smem:$0x3FD2] =	sst s25  }
0xa6: {  	s5 =	sshll.u32 s26, $0x1;
	_ =	strace $0x80000046;
	[dreg:$0x1] =	wrdreg $0xFFFFFFFF  }
0xa7: {  	s28 =	simm.s32 $_size_execute0_lowered;
	s3 =	sadd.s32 s3, s5;
	[dreg:$0x0] =	wrdreg $0x0  }
0xa8: {  	s5 =	sshll.u32 s28, $0x1;
	[dreg:$0x2] =	wrdreg s3  }
0xa9: {  	[dreg:$0x3] =	wrdreg s5  }
0xaa: {  	[dreg:$0x4] =	wrdreg $0xC0  }
0xab: {  	_ =	task [dreg:s7], $0x5FFFF  }
0xac: {  	[dreg:$0x1] =	wrdreg $0xFFFFFFFF  }
0xad: {  	[dreg:$0x0] =	wrdreg $0x60  }
0xae: {  	[dreg:$0x2] =	wrdreg s24  }
0xaf: {  	[dreg:$0x3] =	wrdreg s2  }
0xb0: {  	[dreg:$0x4] =	wrdreg $0x9  }
0xb1: {  	_ =	task.clear_ibuf [dreg:s7], $0x5FFFF;
	_ =	strace $0x90000046  }
0xb2: {  	s29 =	simm.s32 $0x9;
	_ =	strace $0x80000048  }
0xb3: {  	_ =	swait.ge [sflag:s29], $0x1  }
0xb4: {  	[sflag:s29] =	ssyncadd.s32 $0xFFFFFFFF  }
0xb5: {  	_ =	strace $0x90000048  }
0xb6: {  	_ =	sfence  }
0xb7: {  	s30 =	sld [smem:$0x0];
	_ =	sdelay $0x2  }
0xb8: {  	s31 =	sshll.u32 s1, $0xD;
	s1 =	sshrl.u32 s1, $0x2  }
0xb9: {  	s3 =	sand.u32 $0x4000, s31;
	s1 =	sadd.s32 s1, s30  }
0xba: {  	s0 =	sor.u32 s3, s0;
	s1 =	sshll.u32 s1, $0x11  }
0xbb: {  	s0 =	sor.u32 s1, s0  }
0xbc: {  	s0 =	sadd.s32 $0x8F2B, s0  }
0xbd: {  	[sflag:s0] =	ssyncadd.remote.s32 $0x1  }
0xbe: {  	_ =	sfence.sel $0xFFFF  }
0xbf: {  	[dreg:$0x0] =	wrdreg $0xFFFFFFFF;
	(pc) =	sbr.abs _section_cstart, $3  }
0xc0: {  	[dreg:$0x1] =	wrdreg $0xFFFFFFFF  }
0xc1: {  	_ =	task.clear_ibuf [dreg:s7], $0x2FFFF;
	_ =	strace $0x9FFFFFFF  }
0xc2: {  	(tm) =	ssettm $0x7FFFFFFF  }
0xc3: {  	_ =	shalt  }
tec
execute0_lowered:
.L_overlay_start_1:
0x0: {  	(tag) =	ssettag $0x1  }
0x1: {  	v0 =	vimm.s32 $0xFEDCBA9  }
0x2: {  	v1 =	vimm.s32 $0x87654321;
	v2 =	vimm.s32 $0x10FEDCBA;
	v3 =	vimm.s32 $0x98765432  }
0x3: {  	v4 =	vimm.s32 $0x210FEDCB;
	v5 =	vimm.s32 $0xA9876543;
	v9 =	vimm.s32 $0x3210FEDC  }
0x4: {  	v10 =	vimm.s32 $0xBA987654;
	v49 =	vimm.s32 $0x43210FED;
	v50 =	vimm.s32 $0xCBA98765  }
0x5: {  	v51 =	vimm.s32 $0x543210FE;
	v11 =	vimm.s32 $0xDCBA9876;
	v12 =	vimm.s32 $0x6543210F  }
0x6: {  	v13 =	vimm.s32 $0xEDCBA987;
	v17 =	vimm.s32 $0xFEDCBA98;
	v19 =	vimm.s32 $0x76543210  }
0x7: {  	v52 =	vimm.s32 $0xC3824100;
	vm15 =	vcmask $0xF00;
	vm10 =	vcmask $0x1310  }
0x8: {  	vm9 =	vcmask $0x1714;
	vm8 =	vcmask $0x1B18;
	vm7 =	vcmask $0x1F1C  }
0x9: {  	vm6 =	vcmask $0x2320;
	vm5 =	vcmask $0x2724;
	vm3 =	vcmask $0x2B28  }
0xa: {  	vm2 =	vcmask $0x2F2C;
	vm1 =	vcmask $0x3330;
	v62 =	vimm.s32 $0x7C7  }
0xb: {  	vm14 =	vcmask $0x300;
	vm0 =	vcmask $0x3734;
	vm13 =	vcmask $0x704  }
0xc: {  	vm12 =	vcmask $0xB08;
	vm11 =	vcmask $0xF0C;
	v63 =	vimm.s32 $0xBC7  }
0xd: {  	vm4 =	vcmask $0x3B38;
	v28 =	vimm.s32 $0x17C7;
	v31 =	vimm.s32 $0x1BC7  }
0xe: {  	v34 =	vimm.s32 $0x1FC7;
	v35 =	vimm.s32 $0xC4834201;
	v40 =	vimm.s32 $0x7C0  }
0xf: {  	v43 =	vimm.s32 $0xBC0;
	v0 =	vunpack.c.l.s4.s8 v0;
	v1 =	vunpack.c.l.s4.s8 v1  }
0x10: {  	v2 =	vunpack.c.l.s4.s8 v2;
	v3 =	vunpack.c.l.s4.s8 v3;
	v4 =	vunpack.c.l.s4.s8 v4  }
0x11: {  	v5 =	vunpack.c.l.s4.s8 v5;
	v9 =	vunpack.c.l.s4.s8 v9;
	v10 =	vunpack.c.l.s4.s8 v10  }
0x12: {  	v11 =	vunpack.c.l.s4.s8 v11;
	v12 =	vunpack.c.l.s4.s8 v12;
	v13 =	vunpack.c.l.s4.s8 v13  }
0x13: {  	v17 =	vunpack.c.l.s4.s8 v17;
	v0 =	vunpack.c.0.s8.s32 v0;
	v1 =	vunpack.c.0.s8.s32 v1  }
0x14: {  	v2 =	vunpack.c.0.s8.s32 v2;
	v3 =	vunpack.c.0.s8.s32 v3;
	v4 =	vunpack.c.0.s8.s32 v4  }
0x15: {  	v5 =	vunpack.c.0.s8.s32 v5;
	v47 =	vunpack.c.0.s8.s32 v9;
	v48 =	vunpack.c.0.s8.s32 v10  }
0x16: {  	v9 =	vunpack.c.l.s4.s8 v50;
	v10 =	vunpack.c.l.s4.s8 v51;
	v12 =	vunpack.c.0.s8.s32 v12  }
0x17: {  	v13 =	vunpack.c.0.s8.s32 v13;
	v6 =	vcombine.low v1, v0;
	v7 =	vcombine.low v3, v2  }
0x18: {  	v11 =	vunpack.c.0.s8.s32 v11;
	v8 =	vcombine.low v5, v4;
	v14 =	vcombine.low v48, v47  }
0x19: {  	v9 =	vunpack.c.0.s8.s32 v9;
	v18 =	vcombine.low v13, v12;
	v0 =	vcombine.low v0, v1  }
0x1a: {  	v10 =	vunpack.c.0.s8.s32 v10;
	v2 =	vcombine.low v2, v3;
	v54 =	vcombine.low v4, v5  }
0x1b: {  	v1 =	vunpack.c.0.s8.s32 v52;
	v56 =	vcombine.low v47, v48;
	v60 =	vcombine.low v12, v13  }
0x1c: {  	v3 =	vunpack.c.0.s8.s32 v35;
	v12 =	vimm.s32 $0x17C6;
	v13 =	vimm.s32 $0x1BC6  }
0x1d: {  	v52 =	vimm.s32 $0x17C0;
	v12 =	vsel vm14, $0x1407, v12;
	v13 =	vsel vm14, $0x1807, v13  }
0x1e: {  	v6 =	vand.u32 $0xF, v6;
	v45 =	vand.u32 $0xF, v7;
	v46 =	vand.u32 $0xF, v8  }
0x1f: {  	v8 =	vunpack.c.l.s4.s8 v49;
	v16 =	vcombine.low v11, v10;
	v14 =	vand.u32 $0xF, v14  }
0x20: {  	v0 =	vand.u32 $0xF, v0;
	v2 =	vand.u32 $0xF, v2;
	v1 =	vand.u32 $0xFF, v1  }
0x21: {  	v59 =	vcombine.low v10, v11;
	v61 =	vand.u32 $0xF, v60;
	v39 =	vand.u32 $0xFF, v3;
	[tilespmem:$0x1FA90] =	vst v6  }
0x22: {  	v49 =	vimm.s32 $0x13C0;
	v12 =	vsel vm13, $0x1440, v12;
	v13 =	vsel vm13, $0x1840, v13;
	[tilespmem:$0x1FAA0] =	vst v45  }
0x23: {  	[tilespmem:$0x1FB10] =	vst v0;
	v0 =	vand.u32 $0xF, v54;
	v55 =	vnsel vm15, $0x3C7, v1;
	v1 =	vand.u32 $0xF, v56  }
0x24: {  	[tilespmem:$0x1FB20] =	vst v2;
	v2 =	vsel vm14, $0x800, v63;
	v6 =	vimm.s32 $0xFC7;
	v45 =	vsel vm14, $0x801, v43  }
0x25: {  	[tilespmem:$0x1FAB0] =	vst v46;
	v46 =	vimm.s32 $0xFC0;
	v54 =	vsel vm14, $0x1401, v52;
	v63 =	vimm.s32 $0x7C1  }
0x26: {  	v12 =	vsel vm12, $0x1481, v12;
	v13 =	vsel vm12, $0x1881, v13;
	v8 =	vunpack.c.0.s8.s32 v8;
	[tilespmem:$0x1FB30] =	vst v0  }
0x27: {  	v0 =	vsel vm10, $0x104, v55;
	[tilespmem:$0x1FB40] =	vst v1;
	v1 =	vand.u32 $0xF, v59;
	v5 =	vsel vm13, $0x841, v2  }
0x28: {  	v2 =	vsel vm14, $0xC00, v6;
	v55 =	vimm.s32 $0x1BC0;
	v59 =	vimm.s32 $0xC5844302  }
0x29: {  	v6 =	vimm.s32 $0xBC1;
	v12 =	vsel vm11, $0x14C2, v12;
	v13 =	vsel vm11, $0x18C2, v13  }
0x2a: {  	v0 =	vsel vm9, $0x145, v0;
	[tilespmem:$0x1FB60] =	vst v1;
	v1 =	vsel vm14, $0x400, v62;
	v2 =	vsel vm13, $0xC41, v2  }
0x2b: {  	v3 =	vunpack.c.0.s8.s32 v59;
	v59 =	vimm.s32 $0x1BC2;
	v12 =	vsel vm10, $0x1503, v12  }
0x2c: {  	v13 =	vsel vm10, $0x1903, v13;
	v15 =	vcombine.low v9, v8;
	v57 =	vcombine.low v8, v9  }
0x2d: {  	v0 =	vsel vm8, $0x186, v0;
	v1 =	vsel vm13, $0x441, v1;
	v2 =	vsel vm12, $0xC82, v2  }
0x2e: {  	v9 =	vimm.s32 $0x13C7;
	v12 =	vsel vm9, $0x1544, v12;
	v13 =	vsel vm9, $0x1944, v13  }
0x2f: {  	v0 =	vsel vm7, $0x1C7, v0;
	v1 =	vsel vm12, $0x482, v1;
	v2 =	vsel vm11, $0xCC3, v2  }
0x30: {  	v62 =	vand.u32 $0xFF, v3;
	v12 =	vsel vm8, $0x1585, v12;
	v13 =	vsel vm8, $0x1985, v13  }
0x31: {  	[tilespmem:$0x1FAC0] =	vst v14;
	v14 =	vand.u32 $0xF, v15;
	v15 =	vand.u32 $0xF, v16;
	v58 =	vand.u32 $0xF, v57  }
0x32: {  	v0 =	vsel vm6, $0x200, v0;
	v1 =	vsel vm11, $0x4C3, v1;
	v2 =	vsel vm10, $0xD04, v2  }
0x33: {  	v12 =	vsel vm7, $0x15C6, v12;
	v13 =	vsel vm7, $0x19C6, v13;
	[tilespmem:$0x1FAD0] =	vst v14;
	v14 =	vunpack.c.l.s4.s8 v19  }
0x34: {  	[tilespmem:$0x1FAE0] =	vst v15;
	v15 =	vand.u32 $0xF, v18;
	v0 =	vsel vm5, $0x241, v0;
	v4 =	vsel vm10, $0x504, v1  }
0x35: {  	[tilespmem:$0x1FB50] =	vst v58;
	v1 =	vsel vm12, $0x882, v5;
	v2 =	vsel vm9, $0xD45, v2;
	v58 =	vimm.s32 $0x1FC0  }
0x36: {  	v12 =	vsel vm6, $0x1607, v12;
	v13 =	vsel vm6, $0x1A07, v13;
	[tilespmem:$0x1FAF0] =	vst v15;
	v15 =	vunpack.c.0.s8.s32 v17  }
0x37: {  	v0 =	vsel vm3, $0x282, v0;
	v1 =	vsel vm11, $0x8C3, v1;
	v2 =	vsel vm8, $0xD86, v2  }
0x38: {  	v12 =	vsel vm5, $0x1640, v12;
	v13 =	vsel vm5, $0x1A40, v13;
	v14 =	vunpack.c.0.s8.s32 v14  }
0x39: {  	v0 =	vsel vm2, $0x2C3, v0;
	v1 =	vsel vm10, $0x904, v1;
	v2 =	vsel vm7, $0xDC7, v2  }
0x3a: {  	v12 =	vsel vm3, $0x1681, v12;
	v13 =	vsel vm3, $0x1A81, v13;
	v15 =	vand.u32 $0xF, v15  }
0x3b: {  	v0 =	vsel vm1, $0x304, v0;
	v1 =	vsel vm9, $0x945, v1;
	v8 =	vsel vm6, $0xE00, v2  }
0x3c: {  	v2 =	vsel vm14, $0x1000, v9;
	v9 =	vimm.s32 $0xFC1;
	v12 =	vsel vm2, $0x16C2, v12  }
0x3d: {  	v53 =	vcombine.low v15, v14;
	v0 =	vsel vm0, $0x345, v0;
	v1 =	vsel vm8, $0x986, v1  }
0x3e: {  	v11 =	vsel vm13, $0x1041, v2;
	v2 =	vsel vm14, $0x1400, v28;
	v28 =	vimm.s32 $0x13C1  }
0x3f: {  	v14 =	vimm.s32 $0x1FC6;
	v12 =	vsel vm1, $0x1703, v12;
	v26 =	vsel vm4, $0x386, v0  }
0x40: {  	v0 =	vsel vm9, $0x545, v4;
	v1 =	vsel vm7, $0x9C7, v1;
	v30 =	vsel vm13, $0x1441, v2  }
0x41: {  	v2 =	vsel vm14, $0x1800, v31;
	v31 =	vimm.s32 $0x17C1;
	v14 =	vsel vm14, $0x1C07, v14  }
0x42: {  	v15 =	vsel vm0, $0x1744, v12;
	v12 =	vsel vm2, $0x1AC2, v13;
	v0 =	vsel vm8, $0x586, v0  }
0x43: {  	v1 =	vsel vm6, $0xA00, v1;
	v2 =	vsel vm13, $0x1841, v2;
	v14 =	vsel vm13, $0x1C40, v14  }
0x44: {  	v0 =	vsel vm7, $0x5C7, v0;
	v1 =	vsel vm5, $0xA41, v1;
	v2 =	vsel vm12, $0x1882, v2  }
0x45: {  	v14 =	vsel vm12, $0x1C81, v14;
	v0 =	vsel vm6, $0x600, v0;
	v1 =	vsel vm3, $0xA82, v1  }
0x46: {  	v2 =	vsel vm11, $0x18C3, v2;
	v14 =	vsel vm11, $0x1CC2, v14;
	v0 =	vsel vm5, $0x641, v0  }
0x47: {  	v7 =	vsel vm2, $0xAC3, v1;
	v1 =	vsel vm5, $0xE41, v8;
	v2 =	vsel vm10, $0x1904, v2  }
0x48: {  	v14 =	vsel vm10, $0x1D03, v14;
	v0 =	vsel vm3, $0x682, v0;
	v1 =	vsel vm3, $0xE82, v1  }
0x49: {  	v2 =	vsel vm9, $0x1945, v2;
	v14 =	vsel vm9, $0x1D44, v14;
	v0 =	vsel vm2, $0x6C3, v0  }
0x4a: {  	v10 =	vsel vm2, $0xEC3, v1;
	v1 =	vsel vm12, $0x1082, v11;
	v2 =	vsel vm8, $0x1986, v2  }
0x4b: {  	v14 =	vsel vm8, $0x1D85, v14;
	v0 =	vsel vm1, $0x704, v0;
	v1 =	vsel vm11, $0x10C3, v1  }
0x4c: {  	v2 =	vsel vm7, $0x19C7, v2;
	v14 =	vsel vm7, $0x1DC6, v14;
	v0 =	vsel vm0, $0x745, v0  }
0x4d: {  	v29 =	vsel vm10, $0x1104, v1;
	v1 =	vsel vm12, $0x1482, v30;
	v33 =	vsel vm6, $0x1A00, v2  }
0x4e: {  	v2 =	vsel vm14, $0x1C00, v34;
	v34 =	vimm.s32 $0x1BC1;
	v14 =	vsel vm6, $0x1E07, v14  }
0x4f: {  	v27 =	vsel vm4, $0x786, v0;
	v0 =	vsel vm1, $0xB04, v7;
	v1 =	vsel vm11, $0x14C3, v1  }
0x50: {  	v2 =	vsel vm13, $0x1C41, v2;
	v14 =	vsel vm5, $0x1E40, v14;
	v0 =	vsel vm0, $0xB45, v0  }
0x51: {  	v1 =	vsel vm10, $0x1504, v1;
	v2 =	vsel vm12, $0x1C82, v2;
	v13 =	vsel vm3, $0x1E81, v14  }
0x52: {  	v0 =	vsel vm4, $0xB86, v0;
	v1 =	vsel vm9, $0x1545, v1;
	v37 =	vsel vm11, $0x1CC3, v2  }
0x53: {  	v2 =	vsel vm14, $0x401, v40;
	[tilespmem:$0x1FB80] =	vst v0;
	v0 =	vsel vm1, $0xF04, v10;
	v1 =	vsel vm8, $0x1586, v1  }
0x54: {  	v38 =	vsel vm10, $0x1D04, v37;
	v2 =	vsel vm13, $0x442, v2;
	v37 =	vimm.s32 $0x1FC1  }
0x55: {  	v0 =	vsel vm0, $0xF45, v0;
	v1 =	vsel vm7, $0x15C7, v1;
	v2 =	vsel vm12, $0x483, v2  }
0x56: {  	v0 =	vsel vm4, $0xF86, v0;
	v1 =	vsel vm6, $0x1600, v1;
	v2 =	vsel vm11, $0x4C4, v2  }
0x57: {  	[tilespmem:$0x1FB90] =	vst v0;
	v0 =	vsel vm9, $0x1145, v29;
	v1 =	vsel vm5, $0x1641, v1;
	v2 =	vsel vm10, $0x505, v2  }
0x58: {  	v0 =	vsel vm8, $0x1186, v0;
	v1 =	vsel vm3, $0x1682, v1;
	v2 =	vsel vm9, $0x546, v2  }
0x59: {  	v0 =	vsel vm7, $0x11C7, v0;
	v32 =	vsel vm2, $0x16C3, v1;
	v1 =	vsel vm5, $0x1A41, v33  }
0x5a: {  	v2 =	vsel vm8, $0x587, v2;
	v0 =	vsel vm6, $0x1200, v0;
	v1 =	vsel vm3, $0x1A82, v1  }
0x5b: {  	v2 =	vsel vm7, $0x5C0, v2;
	v0 =	vsel vm5, $0x1241, v0;
	v1 =	vsel vm2, $0x1AC3, v1  }
0x5c: {  	v42 =	vsel vm6, $0x601, v2;
	v2 =	vsel vm14, $0xC01, v46;
	v0 =	vsel vm3, $0x1282, v0  }
0x5d: {  	v1 =	vsel vm1, $0x1B04, v1;
	v2 =	vsel vm13, $0xC42, v2;
	v0 =	vsel vm2, $0x12C3, v0  }
0x5e: {  	v36 =	vsel vm0, $0x1B45, v1;
	v1 =	vnsel vm15, $0x3C0, v39;
	v48 =	vsel vm12, $0xC83, v2  }
0x5f: {  	v2 =	vsel vm14, $0x1001, v49;
	v0 =	vsel vm1, $0x1304, v0;
	v1 =	vsel vm10, $0x105, v1  }
0x60: {  	v2 =	vsel vm13, $0x1042, v2;
	v0 =	vsel vm0, $0x1345, v0;
	v1 =	vsel vm9, $0x146, v1  }
0x61: {  	v2 =	vsel vm12, $0x1083, v2;
	v0 =	vsel vm4, $0x1386, v0;
	v1 =	vsel vm8, $0x187, v1  }
0x62: {  	v2 =	vsel vm11, $0x10C4, v2;
	[tilespmem:$0x1FBA0] =	vst v0;
	v0 =	vsel vm1, $0x1704, v32;
	v1 =	vsel vm7, $0x1C0, v1  }
0x63: {  	v2 =	vsel vm10, $0x1105, v2;
	v0 =	vsel vm0, $0x1745, v0;
	v1 =	vsel vm6, $0x201, v1  }
0x64: {  	v2 =	vsel vm9, $0x1146, v2;
	v0 =	vsel vm4, $0x1786, v0;
	v1 =	vsel vm5, $0x242, v1  }
0x65: {  	v2 =	vsel vm8, $0x1187, v2;
	[tilespmem:$0x1FBB0] =	vst v0;
	v0 =	vsel vm4, $0x1B86, v36;
	v1 =	vsel vm3, $0x283, v1  }
0x66: {  	v2 =	vsel vm7, $0x11C0, v2;
	[tilespmem:$0x1FBC0] =	vst v0;
	v0 =	vsel vm9, $0x1D45, v38;
	v1 =	vsel vm2, $0x2C4, v1  }
0x67: {  	v51 =	vsel vm6, $0x1201, v2;
	v2 =	vsel vm14, $0x1801, v55;
	v38 =	vimm.s32 $0xC6854403  }
0x68: {  	v0 =	vsel vm8, $0x1D86, v0;
	v41 =	vsel vm1, $0x305, v1;
	v1 =	vsel vm5, $0x642, v42  }
0x69: {  	v2 =	vsel vm13, $0x1842, v2;
	v3 =	vunpack.c.0.s8.s32 v38;
	v0 =	vsel vm7, $0x1DC7, v0  }
0x6a: {  	v44 =	vsel vm3, $0x683, v1;
	v1 =	vsel vm13, $0x842, v45;
	v57 =	vsel vm12, $0x1883, v2  }
0x6b: {  	v2 =	vsel vm14, $0x1C01, v58;
	v0 =	vsel vm6, $0x1E00, v0;
	v1 =	vsel vm12, $0x883, v1  }
0x6c: {  	v2 =	vsel vm13, $0x1C42, v2;
	v0 =	vsel vm5, $0x1E41, v0;
	v1 =	vsel vm11, $0x8C4, v1  }
0x6d: {  	v2 =	vsel vm12, $0x1C83, v2;
	v0 =	vsel vm3, $0x1E82, v0;
	v47 =	vsel vm10, $0x905, v1  }
0x6e: {  	v1 =	vsel vm11, $0xCC4, v48;
	v2 =	vsel vm11, $0x1CC4, v2;
	v0 =	vsel vm2, $0x1EC3, v0  }
0x6f: {  	v1 =	vsel vm10, $0xD05, v1;
	v2 =	vsel vm10, $0x1D05, v2;
	v0 =	vsel vm1, $0x1F04, v0  }
0x70: {  	v1 =	vsel vm9, $0xD46, v1;
	v2 =	vsel vm9, $0x1D46, v2;
	v0 =	vsel vm0, $0x1F45, v0  }
0x71: {  	v1 =	vsel vm8, $0xD87, v1;
	v2 =	vsel vm8, $0x1D87, v2;
	v0 =	vsel vm4, $0x1F86, v0  }
0x72: {  	v1 =	vsel vm7, $0xDC0, v1;
	v2 =	vsel vm7, $0x1DC0, v2;
	[tilespmem:$0x1FBD0] =	vst v0;
	v0 =	vsel vm0, $0x346, v41  }
0x73: {  	v1 =	vsel vm6, $0xE01, v1;
	v2 =	vsel vm6, $0x1E01, v2;
	v41 =	vand.u32 $0xFF, v3  }
0x74: {  	[tilespmem:$0x1FB70] =	vst v61;
	v0 =	vsel vm4, $0x387, v0;
	v1 =	vsel vm5, $0xE42, v1;
	v2 =	vsel vm5, $0x1E42, v2  }
0x75: {  	[tilespmem:$0x1FBE0] =	vst v0;
	v0 =	vsel vm2, $0x6C4, v44;
	v1 =	vsel vm3, $0xE83, v1;
	v61 =	vsel vm3, $0x1E83, v2  }
0x76: {  	v2 =	vsel vm14, $0x402, v63;
	v44 =	vimm.s32 $0x7C2;
	v0 =	vsel vm1, $0x705, v0  }
0x77: {  	v1 =	vsel vm2, $0xEC4, v1;
	v2 =	vsel vm13, $0x443, v2;
	v0 =	vsel vm0, $0x746, v0  }
0x78: {  	v50 =	vsel vm1, $0xF05, v1;
	v1 =	vsel vm5, $0x1242, v51;
	v5 =	vsel vm12, $0x484, v2  }
0x79: {  	[tilespmem:$0x1FB00] =	vst v53;
	v2 =	vsel vm14, $0x802, v6;
	v0 =	vsel vm4, $0x787, v0;
	v53 =	vsel vm3, $0x1283, v1  }
0x7a: {  	v1 =	vsel vm13, $0x1442, v54;
	v2 =	vsel vm13, $0x843, v2;
	[tilespmem:$0x1FBF0] =	vst v0;
	v0 =	vsel vm9, $0x946, v47  }
0x7b: {  	v1 =	vsel vm12, $0x1483, v1;
	v2 =	vsel vm12, $0x884, v2;
	v47 =	vimm.s32 $0xBC2  }
0x7c: {  	v0 =	vsel vm8, $0x987, v0;
	v1 =	vsel vm11, $0x14C4, v1;
	v2 =	vsel vm11, $0x8C5, v2  }
0x7d: {  	v0 =	vsel vm7, $0x9C0, v0;
	v56 =	vsel vm10, $0x1505, v1;
	v1 =	vsel vm11, $0x18C4, v57  }
0x7e: {  	v2 =	vsel vm10, $0x906, v2;
	v0 =	vsel vm6, $0xA01, v0;
	v1 =	vsel vm10, $0x1905, v1  }
0x7f: {  	v2 =	vsel vm9, $0x947, v2;
	v0 =	vsel vm5, $0xA42, v0;
	v1 =	vsel vm9, $0x1946, v1  }
0x80: {  	v2 =	vsel vm8, $0x980, v2;
	v0 =	vsel vm3, $0xA83, v0;
	v1 =	vsel vm8, $0x1987, v1  }
0x81: {  	v8 =	vsel vm7, $0x9C1, v2;
	v2 =	vsel vm14, $0xC02, v9;
	v9 =	vimm.s32 $0xBC3  }
0x82: {  	v0 =	vsel vm2, $0xAC4, v0;
	v1 =	vsel vm7, $0x19C0, v1;
	v11 =	vsel vm13, $0xC43, v2  }
0x83: {  	v2 =	vsel vm14, $0x1002, v28;
	v28 =	vimm.s32 $0xFC3;
	v0 =	vsel vm1, $0xB05, v0  }
0x84: {  	v1 =	vsel vm6, $0x1A01, v1;
	v2 =	vsel vm13, $0x1043, v2;
	v0 =	vsel vm0, $0xB46, v0  }
0x85: {  	v1 =	vsel vm5, $0x1A42, v1;
	v30 =	vsel vm12, $0x1084, v2;
	v2 =	vsel vm14, $0x1402, v31  }
0x86: {  	v31 =	vimm.s32 $0x13C3;
	v0 =	vsel vm4, $0xB87, v0;
	v1 =	vsel vm3, $0x1A83, v1  }
0x87: {  	v2 =	vsel vm13, $0x1443, v2;
	[tilespmem:$0x1FC00] =	vst v0;
	v0 =	vsel vm0, $0xF46, v50;
	v1 =	vsel vm2, $0x1AC4, v1  }
0x88: {  	v2 =	vsel vm12, $0x1484, v2;
	v50 =	vimm.s32 $0xFC2;
	v0 =	vsel vm4, $0xF87, v0  }
0x89: {  	v1 =	vsel vm1, $0x1B05, v1;
	v2 =	vsel vm11, $0x14C5, v2;
	[tilespmem:$0x1FC10] =	vst v0;
	v0 =	vsel vm2, $0x12C4, v53  }
0x8a: {  	v1 =	vsel vm0, $0x1B46, v1;
	v2 =	vsel vm10, $0x1506, v2;
	v53 =	vimm.s32 $0x13C2  }
0x8b: {  	v0 =	vsel vm1, $0x1305, v0;
	v60 =	vsel vm4, $0x1B87, v1;
	v1 =	vnsel vm15, $0x3C1, v62  }
0x8c: {  	v2 =	vsel vm9, $0x1547, v2;
	v62 =	vimm.s32 $0x1FC2;
	v0 =	vsel vm0, $0x1346, v0  }
0x8d: {  	v1 =	vsel vm10, $0x106, v1;
	v2 =	vsel vm8, $0x1580, v2;
	v0 =	vsel vm4, $0x1387, v0  }
0x8e: {  	v4 =	vsel vm9, $0x147, v1;
	v1 =	vsel vm11, $0x4C5, v5;
	v33 =	vsel vm7, $0x15C1, v2  }
0x8f: {  	v2 =	vsel vm14, $0x1802, v34;
	v5 =	vimm.s32 $0xC7864504;
	v34 =	vimm.s32 $0x17C3  }
0x90: {  	[tilespmem:$0x1FC20] =	vst v0;
	v0 =	vsel vm9, $0x1546, v56;
	v1 =	vsel vm10, $0x506, v1;
	v36 =	vsel vm13, $0x1843, v2  }
0x91: {  	v2 =	vsel vm14, $0x1C02, v37;
	v56 =	vimm.s32 $0x17C2;
	v37 =	vimm.s32 $0x1BC3  }
0x92: {  	v0 =	vsel vm8, $0x1587, v0;
	v1 =	vsel vm9, $0x547, v1;
	v2 =	vsel vm13, $0x1C43, v2  }
0x93: {  	v0 =	vsel vm7, $0x15C0, v0;
	v1 =	vsel vm8, $0x580, v1;
	v2 =	vsel vm12, $0x1C84, v2  }
0x94: {  	v0 =	vsel vm6, $0x1601, v0;
	v1 =	vsel vm7, $0x5C1, v1;
	v2 =	vsel vm11, $0x1CC5, v2  }
0x95: {  	v0 =	vsel vm5, $0x1642, v0;
	v1 =	vsel vm6, $0x602, v1;
	v40 =	vsel vm10, $0x1D06, v2  }
0x96: {  	v2 =	vnsel vm15, $0x3C2, v41;
	v0 =	vsel vm3, $0x1683, v0;
	v1 =	vsel vm5, $0x643, v1  }
0x97: {  	v2 =	vsel vm10, $0x107, v2;
	v0 =	vsel vm2, $0x16C4, v0;
	v1 =	vsel vm3, $0x684, v1  }
0x98: {  	v2 =	vsel vm9, $0x140, v2;
	v0 =	vsel vm1, $0x1705, v0;
	v7 =	vsel vm2, $0x6C5, v1  }
0x99: {  	v1 =	vsel vm6, $0xA02, v8;
	v2 =	vsel vm8, $0x181, v2;
	v0 =	vsel vm0, $0x1746, v0  }
0x9a: {  	v1 =	vsel vm5, $0xA43, v1;
	v2 =	vsel vm7, $0x1C2, v2;
	v0 =	vsel vm4, $0x1787, v0  }
0x9b: {  	v10 =	vsel vm3, $0xA84, v1;
	v1 =	vsel vm12, $0xC84, v11;
	v43 =	vsel vm6, $0x203, v2  }
0x9c: {  	v2 =	vsel vm14, $0x403, v44;
	[tilespmem:$0x1FC30] =	vst v0;
	v0 =	vsel vm2, $0x1EC4, v61;
	v1 =	vsel vm11, $0xCC5, v1  }
0x9d: {  	v46 =	vsel vm13, $0x444, v2;
	v2 =	vsel vm14, $0x803, v47;
	v47 =	vimm.s32 $0xBC4  }
0x9e: {  	v0 =	vsel vm1, $0x1F05, v0;
	v1 =	vsel vm10, $0xD06, v1;
	v49 =	vsel vm13, $0x844, v2  }
0x9f: {  	v2 =	vsel vm14, $0xC03, v50;
	v50 =	vimm.s32 $0xFC4;
	v0 =	vsel vm0, $0x1F46, v0  }
0xa0: {  	v29 =	vsel vm9, $0xD47, v1;
	v1 =	vsel vm11, $0x10C5, v30;
	v2 =	vsel vm13, $0xC44, v2  }
0xa1: {  	v30 =	vsel vm14, $0xC04, v28;
	v0 =	vsel vm4, $0x1F87, v0;
	v1 =	vsel vm10, $0x1106, v1  }
0xa2: {  	v2 =	vsel vm12, $0xC85, v2;
	[tilespmem:$0x1FC50] =	vst v0;
	v0 =	vsel vm8, $0x180, v4;
	v1 =	vsel vm9, $0x1147, v1  }
0xa3: {  	v2 =	vsel vm11, $0xCC6, v2;
	v0 =	vsel vm7, $0x1C1, v0;
	v1 =	vsel vm8, $0x1180, v1  }
0xa4: {  	v2 =	vsel vm10, $0xD07, v2;
	v0 =	vsel vm6, $0x202, v0;
	v1 =	vsel vm7, $0x11C1, v1  }
0xa5: {  	v2 =	vsel vm9, $0xD40, v2;
	v0 =	vsel vm5, $0x243, v0;
	v1 =	vsel vm6, $0x1202, v1  }
0xa6: {  	v2 =	vsel vm8, $0xD81, v2;
	v0 =	vsel vm3, $0x284, v0;
	v1 =	vsel vm5, $0x1243, v1  }
0xa7: {  	v2 =	vsel vm7, $0xDC2, v2;
	v0 =	vsel vm2, $0x2C5, v0;
	v1 =	vsel vm3, $0x1284, v1  }
0xa8: {  	v52 =	vsel vm6, $0xE03, v2;
	v2 =	vsel vm14, $0x1003, v53;
	v53 =	vimm.s32 $0x13C4  }
0xa9: {  	v0 =	vsel vm1, $0x306, v0;
	v32 =	vsel vm2, $0x12C5, v1;
	v1 =	vsel vm6, $0x1602, v33  }
0xaa: {  	v55 =	vsel vm13, $0x1044, v2;
	v2 =	vsel vm14, $0x1403, v56;
	v56 =	vimm.s32 $0x17C4  }
0xab: {  	v0 =	vsel vm0, $0x347, v0;
	v1 =	vsel vm5, $0x1643, v1;
	v58 =	vsel vm13, $0x1444, v2  }
0xac: {  	v2 =	vsel vm14, $0x1803, v59;
	v59 =	vimm.s32 $0x1BC4;
	v0 =	vsel vm4, $0x380, v0  }
0xad: {  	v35 =	vsel vm3, $0x1684, v1;
	v1 =	vsel vm12, $0x1884, v36;
	v2 =	vsel vm13, $0x1844, v2  }
0xae: {  	[tilespmem:$0x1FC60] =	vst v0;
	v0 =	vsel vm1, $0x706, v7;
	v1 =	vsel vm11, $0x18C5, v1;
	v2 =	vsel vm12, $0x1885, v2  }
0xaf: {  	v7 =	vimm.s32 $0x7C3;
	v0 =	vsel vm0, $0x747, v0;
	v1 =	vsel vm10, $0x1906, v1  }
0xb0: {  	v2 =	vsel vm11, $0x18C6, v2;
	v0 =	vsel vm4, $0x780, v0;
	v1 =	vsel vm9, $0x1947, v1  }
0xb1: {  	v2 =	vsel vm10, $0x1907, v2;
	[tilespmem:$0x1FC70] =	vst v0;
	v0 =	vsel vm2, $0xAC5, v10;
	v1 =	vsel vm8, $0x1980, v1  }
0xb2: {  	v2 =	vsel vm9, $0x1940, v2;
	v0 =	vsel vm1, $0xB06, v0;
	v39 =	vsel vm7, $0x19C1, v1  }
0xb3: {  	v1 =	vsel vm9, $0x1D47, v40;
	v2 =	vsel vm8, $0x1981, v2;
	v40 =	vimm.s32 $0x1FC3  }
0xb4: {  	v0 =	vsel vm0, $0xB47, v0;
	v1 =	vsel vm8, $0x1D80, v1;
	v2 =	vsel vm7, $0x19C2, v2  }
0xb5: {  	v0 =	vsel vm4, $0xB80, v0;
	v1 =	vsel vm7, $0x1DC1, v1;
	v61 =	vsel vm6, $0x1A03, v2  }
0xb6: {  	v2 =	vsel vm14, $0x1C03, v62;
	[tilespmem:$0x1FC80] =	vst v0;
	v0 =	vsel vm8, $0xD80, v29;
	v1 =	vsel vm6, $0x1E02, v1  }
0xb7: {  	v4 =	vsel vm13, $0x1C44, v2;
	v2 =	vunpack.c.0.s8.s32 v5;
	v0 =	vsel vm7, $0xDC1, v0  }
0xb8: {  	v62 =	vimm.s32 $0x1FC4;
	v1 =	vsel vm5, $0x1E43, v1;
	v0 =	vsel vm6, $0xE02, v0  }
0xb9: {  	v1 =	vsel vm3, $0x1E84, v1;
	v2 =	vand.u32 $0xFF, v2;
	v0 =	vsel vm5, $0xE43, v0  }
0xba: {  	v42 =	vsel vm2, $0x1EC5, v1;
	v1 =	vsel vm5, $0x244, v43;
	v2 =	vnsel vm15, $0x3C3, v2  }
0xbb: {  	v43 =	vimm.s32 $0xC0874605;
	v0 =	vsel vm3, $0xE84, v0;
	v1 =	vsel vm3, $0x285, v1  }
0xbc: {  	v2 =	vsel vm10, $0x100, v2;
	v0 =	vsel vm2, $0xEC5, v0;
	v45 =	vsel vm2, $0x2C6, v1  }
0xbd: {  	v1 =	vsel vm12, $0x485, v46;
	v2 =	vsel vm9, $0x141, v2;
	v0 =	vsel vm1, $0xF06, v0  }
0xbe: {  	v1 =	vsel vm11, $0x4C6, v1;
	v2 =	vsel vm8, $0x182, v2;
	v0 =	vsel vm0, $0xF47, v0  }
0xbf: {  	v48 =	vsel vm10, $0x507, v1;
	v1 =	vsel vm12, $0x885, v49;
	v2 =	vsel vm7, $0x1C3, v2  }
0xc0: {  	v0 =	vsel vm4, $0xF80, v0;
	v1 =	vsel vm11, $0x8C6, v1;
	v2 =	vsel vm6, $0x204, v2  }
0xc1: {  	[tilespmem:$0x1FC90] =	vst v0;
	v0 =	vsel vm1, $0x1306, v32;
	v1 =	vsel vm10, $0x907, v1;
	v2 =	vsel vm5, $0x245, v2  }
0xc2: {  	v0 =	vsel vm0, $0x1347, v0;
	v1 =	vsel vm9, $0x940, v1;
	v2 =	vsel vm3, $0x286, v2  }
0xc3: {  	v0 =	vsel vm4, $0x1380, v0;
	v1 =	vsel vm8, $0x981, v1;
	v8 =	vsel vm2, $0x2C7, v2  }
0xc4: {  	v2 =	vsel vm14, $0x804, v9;
	[tilespmem:$0x1FCA0] =	vst v0;
	v0 =	vsel vm2, $0x16C5, v35;
	v1 =	vsel vm7, $0x9C2, v1  }
0xc5: {  	v11 =	vsel vm13, $0x845, v2;
	v2 =	vsel vm14, $0x1004, v31;
	v0 =	vsel vm1, $0x1706, v0  }
0xc6: {  	v1 =	vsel vm6, $0xA03, v1;
	v2 =	vsel vm13, $0x1045, v2;
	v0 =	vsel vm0, $0x1747, v0  }
0xc7: {  	v1 =	vsel vm5, $0xA44, v1;
	v2 =	vsel vm12, $0x1086, v2;
	v0 =	vsel vm4, $0x1780, v0  }
0xc8: {  	v1 =	vsel vm3, $0xA85, v1;
	v2 =	vsel vm11, $0x10C7, v2;
	[tilespmem:$0x1FCB0] =	vst v0;
	v0 =	vsel vm6, $0x1A02, v39  }
0xc9: {  	v51 =	vsel vm2, $0xAC6, v1;
	v1 =	vsel vm5, $0xE44, v52;
	v2 =	vsel vm10, $0x1100, v2  }
0xca: {  	v39 =	vsel vm14, $0x1804, v37;
	v52 =	vsel vm14, $0xC05, v50;
	v50 =	vimm.s32 $0x13C6  }
0xcb: {  	v0 =	vsel vm5, $0x1A43, v0;
	v1 =	vsel vm3, $0xE85, v1;
	v2 =	vsel vm9, $0x1141, v2  }
0xcc: {  	v0 =	vsel vm3, $0x1A84, v0;
	v54 =	vsel vm2, $0xEC6, v1;
	v1 =	vsel vm12, $0x1085, v55  }
0xcd: {  	v2 =	vsel vm8, $0x1182, v2;
	v0 =	vsel vm2, $0x1AC5, v0;
	v1 =	vsel vm11, $0x10C6, v1  }
0xce: {  	v2 =	vsel vm7, $0x11C3, v2;
	v0 =	vsel vm1, $0x1B06, v0;
	v57 =	vsel vm10, $0x1107, v1  }
0xcf: {  	v1 =	vsel vm12, $0x1485, v58;
	v2 =	vsel vm6, $0x1204, v2;
	v0 =	vsel vm0, $0x1B47, v0  }
0xd0: {  	v1 =	vsel vm11, $0x14C6, v1;
	v33 =	vsel vm5, $0x1245, v2;
	v2 =	vsel vm14, $0x1404, v34  }
0xd1: {  	v34 =	vimm.s32 $0x13C5;
	v0 =	vsel vm4, $0x1B80, v0;
	v1 =	vsel vm10, $0x1507, v1  }
0xd2: {  	v36 =	vsel vm13, $0x1445, v2;
	v2 =	vsel vm14, $0x1C04, v40;
	v40 =	vimm.s32 $0x1FC5  }
0xd3: {  	[tilespmem:$0x1FCC0] =	vst v0;
	v0 =	vsel vm1, $0x1F06, v42;
	v1 =	vsel vm9, $0x1540, v1;
	v2 =	vsel vm13, $0x1C45, v2  }
0xd4: {  	v0 =	vsel vm0, $0x1F47, v0;
	v1 =	vsel vm8, $0x1581, v1;
	v2 =	vsel vm12, $0x1C86, v2  }
0xd5: {  	v0 =	vsel vm4, $0x1F80, v0;
	v1 =	vsel vm7, $0x15C2, v1;
	v2 =	vsel vm11, $0x1CC7, v2  }
0xd6: {  	[tilespmem:$0x1FCD0] =	vst v0;
	v0 =	vsel vm1, $0x307, v45;
	v1 =	vsel vm6, $0x1603, v1;
	v2 =	vsel vm10, $0x1D00, v2  }
0xd7: {  	v45 =	vimm.s32 $0x7C4;
	v0 =	vsel vm0, $0x340, v0;
	v1 =	vsel vm5, $0x1644, v1  }
0xd8: {  	[tilespmem:$0x1FC40] =	vst v60;
	v2 =	vsel vm9, $0x1D41, v2;
	v0 =	vsel vm4, $0x381, v0;
	v1 =	vsel vm3, $0x1685, v1  }
0xd9: {  	v2 =	vsel vm8, $0x1D82, v2;
	[tilespmem:$0x1FCE0] =	vst v0;
	v0 =	vsel vm9, $0x540, v48;
	v60 =	vsel vm2, $0x16C6, v1  }
0xda: {  	v1 =	vsel vm5, $0x1A44, v61;
	v2 =	vsel vm7, $0x1DC3, v2;
	v61 =	vsel vm14, $0x1805, v59  }
0xdb: {  	v0 =	vsel vm8, $0x581, v0;
	v1 =	vsel vm3, $0x1A85, v1;
	v2 =	vsel vm6, $0x1E04, v2  }
0xdc: {  	v0 =	vsel vm7, $0x5C2, v0;
	v63 =	vsel vm2, $0x1AC6, v1;
	v1 =	vsel vm12, $0x1C85, v4  }
0xdd: {  	v42 =	vsel vm5, $0x1E45, v2;
	v2 =	vunpack.c.0.s8.s32 v43;
	v0 =	vsel vm6, $0x603, v0  }
0xde: {  	v43 =	vimm.s32 $0x7C6;
	v1 =	vsel vm11, $0x1CC6, v1;
	v0 =	vsel vm5, $0x644, v0  }
0xdf: {  	v6 =	vsel vm10, $0x1D07, v1;
	v1 =	vsel vm14, $0x404, v7;
	v2 =	vand.u32 $0xFF, v2  }
0xe0: {  	v0 =	vsel vm3, $0x685, v0;
	v1 =	vsel vm13, $0x445, v1;
	v46 =	vnsel vm15, $0x3C4, v2  }
0xe1: {  	v2 =	vsel vm14, $0x805, v47;
	v0 =	vsel vm2, $0x6C6, v0;
	v1 =	vsel vm12, $0x486, v1  }
0xe2: {  	v2 =	vsel vm13, $0x846, v2;
	v0 =	vsel vm1, $0x707, v0;
	v1 =	vsel vm11, $0x4C7, v1  }
0xe3: {  	v2 =	vsel vm12, $0x887, v2;
	v0 =	vsel vm0, $0x740, v0;
	v1 =	vsel vm10, $0x500, v1  }
0xe4: {  	v2 =	vsel vm11, $0x8C0, v2;
	v0 =	vsel vm4, $0x781, v0;
	v1 =	vsel vm9, $0x541, v1  }
0xe5: {  	v2 =	vsel vm10, $0x901, v2;
	[tilespmem:$0x1FCF0] =	vst v0;
	v0 =	vsel vm1, $0xB07, v51;
	v1 =	vsel vm8, $0x582, v1  }
0xe6: {  	v2 =	vsel vm9, $0x942, v2;
	v0 =	vsel vm0, $0xB40, v0;
	v1 =	vsel vm7, $0x5C3, v1  }
0xe7: {  	v2 =	vsel vm8, $0x983, v2;
	v0 =	vsel vm4, $0xB81, v0;
	v1 =	vsel vm6, $0x604, v1  }
0xe8: {  	v2 =	vsel vm7, $0x9C4, v2;
	[tilespmem:$0x1FD00] =	vst v0;
	v0 =	vsel vm1, $0xF07, v54;
	v1 =	vsel vm5, $0x645, v1  }
0xe9: {  	v2 =	vsel vm6, $0xA05, v2;
	v0 =	vsel vm0, $0xF40, v0;
	v1 =	vsel vm3, $0x686, v1  }
0xea: {  	v49 =	vsel vm5, $0xA46, v2;
	v2 =	vsel vm14, $0x1005, v53;
	v0 =	vsel vm4, $0xF81, v0  }
0xeb: {  	v1 =	vsel vm2, $0x6C7, v1;
	v55 =	vsel vm13, $0x1046, v2;
	v2 =	vsel vm14, $0x1405, v56  }
0xec: {  	[tilespmem:$0x1FD10] =	vst v0;
	v0 =	vsel vm9, $0x1140, v57;
	v10 =	vsel vm1, $0x700, v1;
	v1 =	vsel vm12, $0x886, v11  }
0xed: {  	v2 =	vsel vm13, $0x1446, v2;
	v11 =	vimm.s32 $0x7C5;
	v0 =	vsel vm8, $0x1181, v0  }
0xee: {  	v29 =	vsel vm11, $0x8C7, v1;
	v1 =	vsel vm13, $0xC45, v30;
	v2 =	vsel vm12, $0x1487, v2  }
0xef: {  	v30 =	vimm.s32 $0xBC5;
	v0 =	vsel vm7, $0x11C2, v0;
	v1 =	vsel vm12, $0xC86, v1  }
0xf0: {  	v2 =	vsel vm11, $0x14C0, v2;
	v0 =	vsel vm6, $0x1203, v0;
	v1 =	vsel vm11, $0xCC7, v1  }
0xf1: {  	v2 =	vsel vm10, $0x1501, v2;
	v0 =	vsel vm5, $0x1244, v0;
	v1 =	vsel vm10, $0xD00, v1  }
0xf2: {  	v2 =	vsel vm9, $0x1542, v2;
	v0 =	vsel vm3, $0x1285, v0;
	v1 =	vsel vm9, $0xD41, v1  }
0xf3: {  	v2 =	vsel vm8, $0x1583, v2;
	v0 =	vsel vm2, $0x12C6, v0;
	v1 =	vsel vm8, $0xD82, v1  }
0xf4: {  	v2 =	vsel vm7, $0x15C4, v2;
	v0 =	vsel vm1, $0x1307, v0;
	v1 =	vsel vm7, $0xDC3, v1  }
0xf5: {  	v2 =	vsel vm6, $0x1605, v2;
	v0 =	vsel vm0, $0x1340, v0;
	v1 =	vsel vm6, $0xE04, v1  }
0xf6: {  	v58 =	vsel vm5, $0x1646, v2;
	v2 =	vsel vm14, $0x1C05, v62;
	v0 =	vsel vm4, $0x1381, v0  }
0xf7: {  	v1 =	vsel vm5, $0xE45, v1;
	v2 =	vsel vm13, $0x1C46, v2;
	[tilespmem:$0x1FD20] =	vst v0;
	v0 =	vsel vm1, $0x1707, v60  }
0xf8: {  	v1 =	vsel vm3, $0xE86, v1;
	v2 =	vsel vm12, $0x1C87, v2;
	v0 =	vsel vm0, $0x1740, v0  }
0xf9: {  	v32 =	vsel vm2, $0xEC7, v1;
	v1 =	vsel vm3, $0x1286, v33;
	v7 =	vsel vm11, $0x1CC0, v2  }
0xfa: {  	v33 =	vimm.s32 $0xFC5;
	v0 =	vsel vm4, $0x1781, v0;
	v1 =	vsel vm2, $0x12C7, v1  }
0xfb: {  	[tilespmem:$0x1FD30] =	vst v0;
	v0 =	vsel vm1, $0x1B07, v63;
	v35 =	vsel vm1, $0x1300, v1;
	v1 =	vsel vm12, $0x1486, v36  }
0xfc: {  	v63 =	vimm.s32 $0xC1804706;
	v36 =	vimm.s32 $0x17C5;
	v0 =	vsel vm0, $0x1B40, v0  }
0xfd: {  	v38 =	vsel vm11, $0x14C7, v1;
	v1 =	vsel vm13, $0x1845, v39;
	v3 =	vunpack.c.0.s8.s32 v63  }
0xfe: {  	v4 =	vsel vm14, $0x1406, v36;
	v0 =	vsel vm4, $0x1B81, v0;
	v1 =	vsel vm12, $0x1886, v1  }
0xff: {  	v4 =	vsel vm13, $0x1447, v4;
	[tilespmem:$0x1FD40] =	vst v0;
	v0 =	vsel vm9, $0x1D40, v6;
	v1 =	vsel vm11, $0x18C7, v1  }
0x100: {  	v4 =	vsel vm12, $0x1480, v4;
	v0 =	vsel vm8, $0x1D81, v0;
	v1 =	vsel vm10, $0x1900, v1  }
0x101: {  	v4 =	vsel vm11, $0x14C1, v4;
	v0 =	vsel vm7, $0x1DC2, v0;
	v1 =	vsel vm9, $0x1941, v1  }
0x102: {  	v4 =	vsel vm10, $0x1502, v4;
	v0 =	vsel vm6, $0x1E03, v0;
	v1 =	vsel vm8, $0x1982, v1  }
0x103: {  	v4 =	vsel vm9, $0x1543, v4;
	v0 =	vsel vm5, $0x1E44, v0;
	v1 =	vsel vm7, $0x19C3, v1  }
0x104: {  	v4 =	vsel vm8, $0x1584, v4;
	v0 =	vsel vm3, $0x1E85, v0;
	v1 =	vsel vm6, $0x1A04, v1  }
0x105: {  	v4 =	vsel vm7, $0x15C5, v4;
	v0 =	vsel vm2, $0x1EC6, v0;
	v1 =	vsel vm5, $0x1A45, v1  }
0x106: {  	v4 =	vsel vm6, $0x1606, v4;
	v0 =	vsel vm1, $0x1F07, v0;
	v1 =	vsel vm3, $0x1A86, v1  }
0x107: {  	v4 =	vsel vm5, $0x1647, v4;
	v0 =	vsel vm0, $0x1F40, v0;
	v41 =	vsel vm2, $0x1AC7, v1  }
0x108: {  	v1 =	vsel vm3, $0x1E86, v42;
	v4 =	vsel vm3, $0x1680, v4;
	v42 =	vimm.s32 $0xC2814007  }
0x109: {  	v0 =	vsel vm4, $0x1F81, v0;
	v1 =	vsel vm2, $0x1EC7, v1;
	v4 =	vsel vm2, $0x16C1, v4  }
0x10a: {  	[tilespmem:$0x1FD50] =	vst v0;
	v0 =	vsel vm1, $0x300, v8;
	v44 =	vsel vm1, $0x1F00, v1;
	v1 =	vsel vm14, $0x405, v45  }
0x10b: {  	v8 =	vand.u32 $0xFF, v3;
	v3 =	vsel vm14, $0x1006, v34;
	v4 =	vsel vm1, $0x1702, v4  }
0x10c: {  	v0 =	vsel vm0, $0x341, v0;
	v1 =	vsel vm13, $0x446, v1;
	v2 =	vnsel vm15, $0x3C5, v8  }
0x10d: {  	v3 =	vsel vm13, $0x1047, v3;
	v4 =	vsel vm0, $0x1743, v4;
	v8 =	vsel vm14, $0x407, v43  }
0x10e: {  	v0 =	vsel vm4, $0x382, v0;
	v1 =	vsel vm12, $0x487, v1;
	v2 =	vsel vm10, $0x102, v2  }
0x10f: {  	v3 =	vsel vm12, $0x1080, v3;
	v8 =	vsel vm13, $0x440, v8;
	[tilespmem:$0x1FD60] =	vst v0;
	v0 =	vsel vm0, $0x741, v10  }
0x110: {  	v1 =	vsel vm11, $0x4C0, v1;
	v2 =	vsel vm9, $0x143, v2;
	v3 =	vsel vm11, $0x10C1, v3  }
0x111: {  	v8 =	vsel vm12, $0x481, v8;
	v0 =	vsel vm4, $0x782, v0;
	v1 =	vsel vm10, $0x501, v1  }
0x112: {  	v2 =	vsel vm8, $0x184, v2;
	v3 =	vsel vm10, $0x1102, v3;
	v8 =	vsel vm11, $0x4C2, v8  }
0x113: {  	[tilespmem:$0x1FD70] =	vst v0;
	v0 =	vsel vm10, $0x900, v29;
	v1 =	vsel vm9, $0x542, v1;
	v2 =	vsel vm7, $0x1C5, v2  }
0x114: {  	v29 =	vsel vm14, $0x406, v11;
	v3 =	vsel vm9, $0x1143, v3;
	v8 =	vsel vm10, $0x503, v8  }
0x115: {  	v11 =	vsel vm14, $0x1007, v50;
	v0 =	vsel vm9, $0x941, v0;
	v1 =	vsel vm8, $0x583, v1  }
0x116: {  	v2 =	vsel vm6, $0x206, v2;
	v3 =	vsel vm8, $0x1184, v3;
	v8 =	vsel vm9, $0x544, v8  }
0x117: {  	v11 =	vsel vm13, $0x1040, v11;
	v0 =	vsel vm8, $0x982, v0;
	v1 =	vsel vm7, $0x5C4, v1  }
0x118: {  	v2 =	vsel vm5, $0x247, v2;
	v3 =	vsel vm7, $0x11C5, v3;
	v8 =	vsel vm8, $0x585, v8  }
0x119: {  	v11 =	vsel vm12, $0x1081, v11;
	v0 =	vsel vm7, $0x9C3, v0;
	v1 =	vsel vm6, $0x605, v1  }
0x11a: {  	v10 =	vsel vm3, $0x280, v2;
	v2 =	vsel vm14, $0xC06, v33;
	v3 =	vsel vm6, $0x1206, v3  }
0x11b: {  	v8 =	vsel vm7, $0x5C6, v8;
	v11 =	vsel vm11, $0x10C2, v11;
	v0 =	vsel vm6, $0xA04, v0  }
0x11c: {  	v1 =	vsel vm5, $0x646, v1;
	v2 =	vsel vm13, $0xC47, v2;
	v3 =	vsel vm5, $0x1247, v3  }
0x11d: {  	v8 =	vsel vm6, $0x607, v8;
	v11 =	vsel vm10, $0x1103, v11;
	v0 =	vsel vm5, $0xA45, v0  }
0x11e: {  	v1 =	vsel vm3, $0x687, v1;
	v2 =	vsel vm12, $0xC80, v2;
	v3 =	vsel vm3, $0x1280, v3  }
0x11f: {  	v8 =	vsel vm5, $0x640, v8;
	v11 =	vsel vm9, $0x1144, v11;
	v0 =	vsel vm3, $0xA86, v0  }
0x120: {  	v1 =	vsel vm2, $0x6C0, v1;
	v2 =	vsel vm11, $0xCC1, v2;
	v0 =	vsel vm2, $0xAC7, v0  }
0x121: {  	v3 =	vsel vm2, $0x12C1, v3;
	v8 =	vsel vm3, $0x681, v8;
	v0 =	vsel vm1, $0xB00, v0  }
0x122: {  	v11 =	vsel vm8, $0x1185, v11;
	v48 =	vsel vm1, $0x701, v1;
	v0 =	vsel vm0, $0xB41, v0  }
0x123: {  	v1 =	vsel vm3, $0xA87, v49;
	v2 =	vsel vm10, $0xD02, v2;
	v0 =	vsel vm4, $0xB82, v0  }
0x124: {  	v3 =	vsel vm1, $0x1302, v3;
	v8 =	vsel vm2, $0x6C2, v8;
	[tilespmem:$0x1FD80] =	vst v0;
	v0 =	vsel vm1, $0xF00, v32  }
0x125: {  	v49 =	vimm.s32 $0xFC6;
	v11 =	vsel vm7, $0x11C6, v11;
	v0 =	vsel vm0, $0xF41, v0  }
0x126: {  	v51 =	vsel vm2, $0xAC0, v1;
	v1 =	vsel vm13, $0xC46, v52;
	v0 =	vsel vm4, $0xF82, v0  }
0x127: {  	v2 =	vsel vm9, $0xD43, v2;
	v3 =	vsel vm0, $0x1343, v3;
	[tilespmem:$0x1FD90] =	vst v0;
	v0 =	vsel vm0, $0x1341, v35  }
0x128: {  	v8 =	vsel vm1, $0x703, v8;
	v11 =	vsel vm6, $0x1207, v11;
	v0 =	vsel vm4, $0x1382, v0  }
0x129: {  	v1 =	vsel vm12, $0xC87, v1;
	v2 =	vsel vm8, $0xD84, v2;
	[tilespmem:$0x1FDA0] =	vst v0;
	v0 =	vsel vm10, $0x1500, v38  }
0x12a: {  	v39 =	vsel vm4, $0x1384, v3;
	v8 =	vsel vm0, $0x744, v8;
	v0 =	vsel vm9, $0x1541, v0  }
0x12b: {  	v11 =	vsel vm5, $0x1240, v11;
	v54 =	vsel vm11, $0xCC0, v1;
	v0 =	vsel vm8, $0x1582, v0  }
0x12c: {  	v1 =	vsel vm12, $0x1087, v55;
	v2 =	vsel vm7, $0xDC5, v2;
	v0 =	vsel vm7, $0x15C3, v0  }
0x12d: {  	v11 =	vsel vm3, $0x1281, v11;
	v1 =	vsel vm11, $0x10C0, v1;
	v0 =	vsel vm6, $0x1604, v0  }
0x12e: {  	v32 =	vsel vm14, $0x806, v30;
	v2 =	vsel vm6, $0xE06, v2;
	v0 =	vsel vm5, $0x1645, v0  }
0x12f: {  	v11 =	vsel vm2, $0x12C2, v11;
	v1 =	vsel vm10, $0x1101, v1;
	v0 =	vsel vm3, $0x1686, v0  }
0x130: {  	v2 =	vsel vm5, $0xE47, v2;
	v11 =	vsel vm1, $0x1303, v11;
	v0 =	vsel vm2, $0x16C7, v0  }
0x131: {  	v1 =	vsel vm9, $0x1142, v1;
	v2 =	vsel vm3, $0xE80, v2;
	v0 =	vsel vm1, $0x1700, v0  }
0x132: {  	v11 =	vsel vm0, $0x1344, v11;
	v1 =	vsel vm8, $0x1183, v1;
	v0 =	vsel vm0, $0x1741, v0  }
0x133: {  	v2 =	vsel vm2, $0xEC1, v2;
	v53 =	vsel vm4, $0x1385, v11;
	v0 =	vsel vm4, $0x1782, v0  }
0x134: {  	v1 =	vsel vm7, $0x11C4, v1;
	v2 =	vsel vm1, $0xF02, v2;
	[tilespmem:$0x1FDB0] =	vst v0;
	v0 =	vsel vm1, $0x1B00, v41  }
0x135: {  	v1 =	vsel vm6, $0x1205, v1;
	v2 =	vsel vm0, $0xF43, v2;
	v0 =	vsel vm0, $0x1B41, v0  }
0x136: {  	v38 =	vimm.s32 $0x1BC5;
	v1 =	vsel vm5, $0x1246, v1;
	v0 =	vsel vm4, $0x1B82, v0  }
0x137: {  	v37 =	vsel vm4, $0xF84, v2;
	v5 =	vsel vm14, $0x1806, v38;
	[tilespmem:$0x1FDC0] =	vst v0;
	v0 =	vsel vm0, $0x1F41, v44  }
0x138: {  	v1 =	vsel vm3, $0x1287, v1;
	v5 =	vsel vm13, $0x1847, v5;
	v0 =	vsel vm4, $0x1F82, v0  }
0x139: {  	v1 =	vsel vm2, $0x12C0, v1;
	v5 =	vsel vm12, $0x1880, v5;
	[tilespmem:$0x1FDD0] =	vst v0;
	v0 =	vsel vm10, $0x101, v46  }
0x13a: {  	v57 =	vsel vm1, $0x1301, v1;
	v1 =	vsel vm3, $0x1687, v58;
	v0 =	vsel vm9, $0x142, v0  }
0x13b: {  	v5 =	vsel vm11, $0x18C1, v5;
	v60 =	vsel vm2, $0x16C0, v1;
	v0 =	vsel vm8, $0x183, v0  }
0x13c: {  	v1 =	vsel vm13, $0x1846, v61;
	v5 =	vsel vm10, $0x1902, v5;
	v0 =	vsel vm7, $0x1C4, v0  }
0x13d: {  	v1 =	vsel vm12, $0x1887, v1;
	v5 =	vsel vm9, $0x1943, v5;
	v0 =	vsel vm6, $0x205, v0  }
0x13e: {  	v1 =	vsel vm11, $0x18C0, v1;
	v5 =	vsel vm8, $0x1984, v5;
	v0 =	vsel vm5, $0x246, v0  }
0x13f: {  	v1 =	vsel vm10, $0x1901, v1;
	v5 =	vsel vm7, $0x19C5, v5;
	v0 =	vsel vm3, $0x287, v0  }
0x140: {  	v6 =	vsel vm9, $0x1942, v1;
	v1 =	vsel vm10, $0x1D01, v7;
	v0 =	vsel vm2, $0x2C0, v0  }
0x141: {  	v5 =	vsel vm6, $0x1A06, v5;
	v7 =	vunpack.c.0.s8.s32 v42;
	v0 =	vsel vm1, $0x301, v0  }
0x142: {  	v1 =	vsel vm9, $0x1D42, v1;
	v5 =	vsel vm5, $0x1A47, v5;
	v0 =	vsel vm0, $0x342, v0  }
0x143: {  	v1 =	vsel vm8, $0x1D83, v1;
	v5 =	vsel vm3, $0x1A80, v5;
	v0 =	vsel vm4, $0x383, v0  }
0x144: {  	v41 =	vsel vm4, $0x1784, v4;
	v7 =	vand.u32 $0xFF, v7;
	[tilespmem:$0x1FDE0] =	vst v0;
	v0 =	vsel vm0, $0x742, v48  }
0x145: {  	v1 =	vsel vm7, $0x1DC4, v1;
	v5 =	vsel vm2, $0x1AC1, v5;
	v0 =	vsel vm4, $0x783, v0  }
0x146: {  	v7 =	vnsel vm15, $0x3C6, v7;
	v1 =	vsel vm6, $0x1E05, v1;
	[tilespmem:$0x1FDF0] =	vst v0;
	v0 =	vsel vm1, $0xB01, v51  }
0x147: {  	v5 =	vsel vm1, $0x1B02, v5;
	v7 =	vsel vm10, $0x103, v7;
	v0 =	vsel vm0, $0xB42, v0  }
0x148: {  	v1 =	vsel vm5, $0x1E46, v1;
	v5 =	vsel vm0, $0x1B43, v5;
	v0 =	vsel vm4, $0xB83, v0  }
0x149: {  	v7 =	vsel vm9, $0x144, v7;
	v1 =	vsel vm3, $0x1E87, v1;
	[tilespmem:$0x1FE00] =	vst v0;
	v0 =	vsel vm10, $0xD01, v54  }
0x14a: {  	v44 =	vsel vm4, $0x1B84, v5;
	v7 =	vsel vm8, $0x185, v7;
	v0 =	vsel vm9, $0xD42, v0  }
0x14b: {  	v1 =	vsel vm2, $0x1EC0, v1;
	v7 =	vsel vm7, $0x1C6, v7;
	v0 =	vsel vm8, $0xD83, v0  }
0x14c: {  	v46 =	vimm.s32 $0xBC6;
	v9 =	vsel vm1, $0x1F01, v1;
	v0 =	vsel vm7, $0xDC4, v0  }
0x14d: {  	v1 =	vsel vm2, $0x2C1, v10;
	v7 =	vsel vm6, $0x207, v7;
	v0 =	vsel vm6, $0xE05, v0  }
0x14e: {  	v10 =	vsel vm14, $0xC07, v49;
	v28 =	vsel vm1, $0x302, v1;
	v0 =	vsel vm5, $0xE46, v0  }
0x14f: {  	v1 =	vsel vm13, $0x447, v29;
	v7 =	vsel vm5, $0x240, v7;
	v0 =	vsel vm3, $0xE87, v0  }
0x150: {  	v10 =	vsel vm13, $0xC40, v10;
	v31 =	vsel vm12, $0x480, v1;
	v0 =	vsel vm2, $0xEC0, v0  }
0x151: {  	v1 =	vsel vm13, $0x847, v32;
	v7 =	vsel vm3, $0x281, v7;
	v0 =	vsel vm1, $0xF01, v0  }
0x152: {  	v10 =	vsel vm12, $0xC81, v10;
	v1 =	vsel vm12, $0x880, v1;
	v0 =	vsel vm0, $0xF42, v0  }
0x153: {  	v7 =	vsel vm2, $0x2C2, v7;
	v10 =	vsel vm11, $0xCC2, v10;
	v0 =	vsel vm4, $0xF83, v0  }
0x154: {  	v1 =	vsel vm11, $0x8C1, v1;
	v7 =	vsel vm1, $0x303, v7;
	[tilespmem:$0x1FE10] =	vst v0;
	v0 =	vsel vm0, $0x1342, v57  }
0x155: {  	v10 =	vsel vm10, $0xD03, v10;
	v1 =	vsel vm10, $0x902, v1;
	v0 =	vsel vm4, $0x1383, v0  }
0x156: {  	v7 =	vsel vm0, $0x344, v7;
	v10 =	vsel vm9, $0xD44, v10;
	[tilespmem:$0x1FE20] =	vst v0;
	v0 =	vsel vm1, $0x1701, v60  }
0x157: {  	v1 =	vsel vm9, $0x943, v1;
	v47 =	vsel vm4, $0x385, v7;
	v0 =	vsel vm0, $0x1742, v0  }
0x158: {  	v10 =	vsel vm8, $0xD85, v10;
	v1 =	vsel vm8, $0x984, v1;
	v0 =	vsel vm4, $0x1783, v0  }
0x159: {  	v10 =	vsel vm7, $0xDC6, v10;
	v1 =	vsel vm7, $0x9C5, v1;
	[tilespmem:$0x1FE30] =	vst v0;
	v0 =	vsel vm8, $0x1983, v6  }
0x15a: {  	v10 =	vsel vm6, $0xE07, v10;
	v1 =	vsel vm6, $0xA06, v1;
	v0 =	vsel vm7, $0x19C4, v0  }
0x15b: {  	v10 =	vsel vm5, $0xE40, v10;
	v1 =	vsel vm5, $0xA47, v1;
	v0 =	vsel vm6, $0x1A05, v0  }
0x15c: {  	v48 =	vsel vm4, $0x785, v8;
	v10 =	vsel vm3, $0xE81, v10;
	v0 =	vsel vm5, $0x1A46, v0  }
0x15d: {  	v1 =	vsel vm3, $0xA80, v1;
	v10 =	vsel vm2, $0xEC2, v10;
	v0 =	vsel vm3, $0x1A87, v0  }
0x15e: {  	v1 =	vsel vm2, $0xAC1, v1;
	v10 =	vsel vm1, $0xF03, v10;
	v0 =	vsel vm2, $0x1AC0, v0  }
0x15f: {  	v1 =	vsel vm1, $0xB02, v1;
	v10 =	vsel vm0, $0xF44, v10;
	v0 =	vsel vm1, $0x1B01, v0  }
0x160: {  	v1 =	vsel vm0, $0xB43, v1;
	v52 =	vsel vm4, $0xF85, v10;
	v0 =	vsel vm0, $0x1B42, v0  }
0x161: {  	v35 =	vsel vm4, $0xB84, v1;
	v6 =	vsel vm14, $0x1C06, v40;
	v0 =	vsel vm4, $0x1B83, v0  }
0x162: {  	v6 =	vsel vm13, $0x1C47, v6;
	[tilespmem:$0x1FE40] =	vst v0;
	v0 =	vsel vm0, $0x1F42, v9;
	v9 =	vsel vm14, $0x807, v46  }
0x163: {  	v6 =	vsel vm12, $0x1C80, v6;
	v0 =	vsel vm4, $0x1F83, v0;
	v9 =	vsel vm13, $0x840, v9  }
0x164: {  	v6 =	vsel vm11, $0x1CC1, v6;
	[tilespmem:$0x1FE50] =	vst v0;
	v0 =	vsel vm0, $0x343, v28;
	v9 =	vsel vm12, $0x881, v9  }
0x165: {  	v6 =	vsel vm10, $0x1D02, v6;
	v0 =	vsel vm4, $0x384, v0;
	v9 =	vsel vm11, $0x8C2, v9  }
0x166: {  	v6 =	vsel vm9, $0x1D43, v6;
	[tilespmem:$0x1FE60] =	vst v0;
	v0 =	vsel vm11, $0x4C1, v31;
	v9 =	vsel vm10, $0x903, v9  }
0x167: {  	[tilespmem:$0x1FEA0] =	vst v39;
	v6 =	vsel vm8, $0x1D84, v6;
	v0 =	vsel vm10, $0x502, v0;
	v9 =	vsel vm9, $0x944, v9  }
0x168: {  	[tilespmem:$0x1FF20] =	vst v53;
	v6 =	vsel vm7, $0x1DC5, v6;
	v0 =	vsel vm9, $0x543, v0;
	v9 =	vsel vm8, $0x985, v9  }
0x169: {  	[tilespmem:$0x1FE90] =	vst v37;
	v6 =	vsel vm6, $0x1E06, v6;
	v0 =	vsel vm8, $0x584, v0;
	v9 =	vsel vm7, $0x9C6, v9  }
0x16a: {  	[tilespmem:$0x1FEB0] =	vst v41;
	v6 =	vsel vm5, $0x1E47, v6;
	v0 =	vsel vm7, $0x5C5, v0;
	v9 =	vsel vm6, $0xA07, v9  }
0x16b: {  	[tilespmem:$0x1FEC0] =	vst v44;
	v6 =	vsel vm3, $0x1E80, v6;
	v0 =	vsel vm6, $0x606, v0;
	v9 =	vsel vm5, $0xA40, v9  }
0x16c: {  	[tilespmem:$0x1FEE0] =	vst v47;
	v6 =	vsel vm2, $0x1EC1, v6;
	v0 =	vsel vm5, $0x647, v0;
	v9 =	vsel vm3, $0xA81, v9  }
0x16d: {  	[tilespmem:$0x1FEF0] =	vst v48;
	v6 =	vsel vm1, $0x1F02, v6;
	v0 =	vsel vm3, $0x680, v0;
	v9 =	vsel vm2, $0xAC2, v9  }
0x16e: {  	[tilespmem:$0x1FF10] =	vst v52;
	v6 =	vsel vm0, $0x1F43, v6;
	v0 =	vsel vm2, $0x6C1, v0;
	v9 =	vsel vm1, $0xB03, v9  }
0x16f: {  	s0 =	srdreg.scid;
	s2 =	stileid.u32;
	[tilespmem:$0x1FE80] =	vst v35;
	v45 =	vsel vm4, $0x1F84, v6;
	v0 =	vsel vm1, $0x702, v0;
	v9 =	vsel vm0, $0xB44, v9  }
0x170: {  	s0 =	sand.u32 $0x1, s0;
	s3 =	sshll.u32 s2, $0x1;
	v14 =	vsel vm1, $0x1B03, v12;
	[tilespmem:$0x1FED0] =	vst v45;
	v0 =	vsel vm0, $0x743, v0;
	v51 =	vsel vm4, $0xB85, v9  }
0x171: {  	s1 =	rddreg [dreg:$0x0];
	s5 =	sor.u32 s0, s3;
	s3 =	simm.s32 $0x0;
	v12 =	vlaneseq.u32;
	v13 =	vsel vm2, $0x1EC2, v13;
	v0 =	vsel vm4, $0x784, v0;
	[tilespmem:$0x1FF00] =	vst v51  }
0x172: {  	[smem:$0x7FF] =	sst s3;
	v14 =	vsel vm0, $0x1B44, v14;
	v16 =	vsel vm1, $0x1F03, v13;
	v55 =	vsel vm4, $0x1785, v15;
	[tilespmem:$0x1FE70] =	vst v0  }
0x173: {  	s2 =	rddreg [dreg:$0x1];
	v56 =	vsel vm4, $0x1B85, v14;
	v15 =	vsel vm0, $0x1F44, v16;
	v54 =	vmul.u32 $0xC8, v12;
	_ =	strace $0x80000047;
	[tilespmem:$0x1FF30] =	vst v55  }
0x174: {  	v57 =	vsel vm4, $0x1F85, v15;
	[tilespmem:$0x1FF40] =	vst v56  }
0x175: {  	s16 =	simm.s32 $0x80;
	s18 =	simm.s32 $0x6500;
	s20 =	simm.s32 $0x8500;
	v58 =	vadd.s32 $0xC80, v54;
	[tilespmem:$0x1FF50] =	vst v57  }
0x176: {  	s21 =	simm.s32 $0x1;
	s22 =	simm.s32 $0xA500;
	s31 =	simm.s32 $0x2;
	v59 =	vadd.s32 $0x1900, v54;
	[tilespmem:$0x1FF60] =	vst v58  }
0x177: {  	s14 =	simm.s32 $0xCD00;
	s15 =	simm.s32 $0xD100;
	s17 =	simm.s32 $0xD500;
	v60 =	vadd.s32 $0x2580, v54;
	[tilespmem:$0x1FF70] =	vst v59  }
0x178: {  	s19 =	simm.s32 $0xD900;
	s23 =	simm.s32 $0xDD00;
	s24 =	simm.s32 $0xE100;
	v61 =	vadd.s32 $0x3200, v54;
	[tilespmem:$0x1FF80] =	vst v60  }
0x179: {  	s0 =	ssub.s32 $0x2, s0;
	s8 =	sadd.s32 $0x2000, s2;
	s9 =	sadd.s32 $0x3000, s2;
	v62 =	vadd.s32 $0x3E80, v54;
	[tilespmem:$0x1FF90] =	vst v61  }
0x17a: {  	s10 =	sadd.s32 $0x4000, s2;
	s11 =	sadd.s32 $0x5000, s2;
	s4 =	smul.u32 $0xC80, s5;
	v63 =	vadd.s32 $0x4B00, v54;
	[tilespmem:$0x1FFA0] =	vst v62  }
0x17b: {  	s12 =	sadd.s32 $0x6000, s2;
	s13 =	sadd.s32 $0x7000, s2;
	s7 =	sshrl.u32 s0, $0x1;
	[tilespmem:$0x1FFB0] =	vst v63  }
0x17c: {  	s0 =	ssub.s32 s0, s7;
	s7 =	sadd.s32 $0x1000, s2;
	s6 =	sadd.s32 s4, s1;
	v0 =	vadd.s32 $0x5780, v54;
	[tilespmem:$0x1FFC0] =	vst v54  }
0x17d: {  	s4 =	sadd.s32 $0x19400, s1;
	s0 =	smax.u32 s0, $0x1;
	s30 =	sadd.s32 $0x400, s6;
	v17 =	vor.u32 $0x20, v12;
	[tilespmem:$0x1FFD0] =	vst v0  }
0x17e: {  	s1 =	simm.s32 $0x4;
	s6 =	sshll.u32 s5, $0xA;
	v18 =	vor.u32 $0x30, v12;
	v19 =	vor.u32 $0x40, v12;
	v20 =	vor.u32 $0x50, v12;
	[dreg:$0x3] =	wrdreg s30;
	[tilespmem:$0x1FFE0] =	vst v26  }
0x17f: {  	s5 =	simm.s32 $0x0;
	v21 =	vor.u32 $0x60, v12;
	v22 =	vor.u32 $0x70, v12;
	v16 =	vor.u32 $0x10, v12;
	[dreg:$0x4] =	wrdreg s0;
	s0 =	simm.s32 $0xC500;
	[tilespmem:$0x1FFF0] =	vst v27  }
.LBB2_1:
0x180: {  	[dreg:$0x5] =	wrdreg s5  }
0x181: {  	s25 =	rddreg [dreg:$0x3];
	s29 =	simm.s32 $0x5  }
0x182: {  	[tilespmem:s3], [sflag:$0x5] =	stream.linear.gather [hbm4b:s25+s3], $0x6400, $0x38;
	[tilespmem:$0xE500] =	vst v63  }
0x183: {  	_ =	swait.ge [sflag:s29], $0x6400  }
0x184: {  	v0 =	vld [tilespmem:$0x1FFC0];
	_ =	sdelay $0x5  }
0x185: {  	[sflag:s29] =	ssyncset.done $0x0;
	v57 =	vld [tilespmem:$0x1FF60]  }
0x186: {  	[sflag:s29] =	ssyncadd.s32 $0xFFFF9C00  }
0x187: {  	v23 =	vld.idx.msk [tilespmem:v0+s3+$0x0], $0xffff;
	_ =	sdelay $0x3  }
0x188: {  	v58 =	vld [tilespmem:$0x1FF70]  }
0x189: {  	[tilespmem:$0x6400] =	vst v23  }
0x18a: {  	v23 =	vld.idx.msk [tilespmem:v57+s3+$0x0], $0xffff;
	_ =	sdelay $0x3  }
0x18b: {  	v59 =	vld [tilespmem:$0x1FF80]  }
0x18c: {  	[tilespmem:$0x6410] =	vst v23  }
0x18d: {  	v23 =	vld.idx.msk [tilespmem:v58+s3+$0x0], $0xffff;
	_ =	sdelay $0x3  }
0x18e: {  	v60 =	vld [tilespmem:$0x1FF90]  }
0x18f: {  	[tilespmem:$0x6420] =	vst v23  }
0x190: {  	v23 =	vld.idx.msk [tilespmem:v59+s3+$0x0], $0xffff;
	_ =	sdelay $0x3  }
0x191: {  	v61 =	vld [tilespmem:$0x1FFA0]  }
0x192: {  	[tilespmem:$0x6430] =	vst v23  }
0x193: {  	v23 =	vld.idx.msk [tilespmem:v60+s3+$0x0], $0xffff;
	_ =	sdelay $0x3  }
0x194: {  	v62 =	vld [tilespmem:$0x1FFB0]  }
0x195: {  	[tilespmem:$0x6440] =	vst v23  }
0x196: {  	v23 =	vld.idx.msk [tilespmem:v61+s3+$0x0], $0xffff;
	_ =	sdelay $0x3  }
0x197: {  	v63 =	vld [tilespmem:$0x1FFD0]  }
0x198: {  	[tilespmem:$0x6450] =	vst v23  }
0x199: {  	v23 =	vld.idx.msk [tilespmem:v62+s3+$0x0], $0xffff;
	_ =	sdelay $0x4  }
0x19a: {  	[tilespmem:$0x6460] =	vst v23  }
0x19b: {  	v23 =	vld.idx.msk [tilespmem:v63+s3+$0x0], $0xffff;
	_ =	sdelay $0x4  }
0x19c: {  	s30 =	simm.s32 $0x6400;
	s25 =	simm.s32 $0x0;
	[tilespmem:$0x6470] =	vst v23  }
0x19d: {  	[tilespmem:s18], [sflag:$0x1] =	stream.indirect.gather [hbm4b:s4+s16], $0x40, s30, s16, $0xb8;
	[tilespmem:$0xE500] =	vst v63  }
.LBB2_2:
0x19e: {  	v0 =	vld [tilespmem:$0x1FFC0];
	_ =	sdelay $0x3  }
0x19f: {  	s26 =	sshllo.u32 s25, $0x1  }
0x1a0: {  	v23 =	vadd.s32 s26, v0;
	_ =	sdelay $0x3  }
0x1a1: {  	s28 =	sshll.u32 s25, $0x1  }
0x1a2: {  	s29 =	sadd.s32 $0xC81, s28;
	v23 =	vld.idx.msk [tilespmem:v23+s3+$0x0], $0xffff  }
0x1a3: {  	v24 =	vadd.s32 s29, v0;
	_ =	sdelay $0x3  }
0x1a4: {  	[tilespmem:$0x6480] =	vst v23  }
0x1a5: {  	s29 =	sor.u32 $0x1901, s28;
	v23 =	vld.idx.msk [tilespmem:v24+s3+$0x0], $0xffff  }
0x1a6: {  	v24 =	vadd.s32 s29, v0;
	_ =	sdelay $0x3  }
0x1a7: {  	[tilespmem:$0x6490] =	vst v23  }
0x1a8: {  	s29 =	sadd.s32 $0x2581, s28;
	v23 =	vld.idx.msk [tilespmem:v24+s3+$0x0], $0xffff  }
0x1a9: {  	v24 =	vadd.s32 s29, v0;
	_ =	sdelay $0x3  }
0x1aa: {  	[tilespmem:$0x64A0] =	vst v23  }
0x1ab: {  	s29 =	sor.u32 $0x3201, s28;
	v23 =	vld.idx.msk [tilespmem:v24+s3+$0x0], $0xffff  }
0x1ac: {  	v24 =	vadd.s32 s29, v0;
	_ =	sdelay $0x3  }
0x1ad: {  	[tilespmem:$0x64B0] =	vst v23  }
0x1ae: {  	s29 =	sadd.s32 $0x3E81, s28;
	v23 =	vld.idx.msk [tilespmem:v24+s3+$0x0], $0xffff  }
0x1af: {  	v24 =	vadd.s32 s29, v0;
	_ =	sdelay $0x3  }
0x1b0: {  	[tilespmem:$0x64C0] =	vst v23  }
0x1b1: {  	s29 =	sor.u32 $0x4B01, s28;
	v23 =	vld.idx.msk [tilespmem:v24+s3+$0x0], $0xffff  }
0x1b2: {  	v24 =	vadd.s32 s29, v0;
	_ =	sdelay $0x3  }
0x1b3: {  	[tilespmem:$0x64D0] =	vst v23  }
0x1b4: {  	s29 =	sadd.s32 $0x5781, s28;
	v23 =	vld.idx.msk [tilespmem:v24+s3+$0x0], $0xffff  }
0x1b5: {  	v24 =	vadd.s32 s29, v0;
	_ =	sdelay $0x3  }
0x1b6: {  	[tilespmem:$0x64E0] =	vst v23  }
0x1b7: {  	v23 =	vld.idx.msk [tilespmem:v24+s3+$0x0], $0xffff;
	_ =	sdelay $0x4  }
0x1b8: {  	s29 =	simm.s32 $0x6480;
	[tilespmem:$0x64F0] =	vst v23  }
0x1b9: {  	[tilespmem:s20], [sflag:$0x2] =	stream.indirect.gather [hbm4b:s4+s16], $0x40, s29, s16, $0xb8;
	[tilespmem:$0xE500] =	vst v63  }
0x1ba: {  	_ =	swait.ge [sflag:s21], $0x2000  }
0x1bb: {  	p0 =	seq.s32 s25, $0x0;
	[sflag:s21] =	ssyncset.done $0x0  }
0x1bc: {  	s29 =	simm.s32 @!p0 $0x3;
	[sflag:s21] =	ssyncadd.s32 $0xFFFFE000  }
0x1bd: {  	_ =	swait.ge @!p0 [sflag:s29], $0x400  }
0x1be: {  	[sflag:s29] =	ssyncset.done @!p0 $0x0  }
0x1bf: {  	[sflag:s29] =	ssyncadd.s32 @!p0 $0xFFFFFC00  }
0x1c0: {  	_ =	swait.ge @!p0 [sflag:s29], $0x400  }
0x1c1: {  	[sflag:s29] =	ssyncset.done @!p0 $0x0  }
0x1c2: {  	[sflag:s29] =	ssyncadd.s32 @!p0 $0xFFFFFC00  }
0x1c3: {  	_ =	swait.ge @!p0 [sflag:s29], $0x400  }
0x1c4: {  	[sflag:s29] =	ssyncset.done @!p0 $0x0  }
0x1c5: {  	[sflag:s29] =	ssyncadd.s32 @!p0 $0xFFFFFC00  }
0x1c6: {  	_ =	swait.ge @!p0 [sflag:s29], $0x400  }
0x1c7: {  	[sflag:s29] =	ssyncset.done @!p0 $0x0  }
0x1c8: {  	[sflag:s29] =	ssyncadd.s32 @!p0 $0xFFFFFC00  }
0x1c9: {  	_ =	swait.ge @!p0 [sflag:s29], $0x400  }
0x1ca: {  	[sflag:s29] =	ssyncset.done @!p0 $0x0  }
0x1cb: {  	[sflag:s29] =	ssyncadd.s32 @!p0 $0xFFFFFC00  }
0x1cc: {  	_ =	swait.ge @!p0 [sflag:s29], $0x400  }
0x1cd: {  	[sflag:s29] =	ssyncset.done @!p0 $0x0  }
0x1ce: {  	[sflag:s29] =	ssyncadd.s32 @!p0 $0xFFFFFC00  }
0x1cf: {  	_ =	swait.ge @!p0 [sflag:s29], $0x400  }
0x1d0: {  	[sflag:s29] =	ssyncset.done @!p0 $0x0  }
0x1d1: {  	[sflag:s29] =	ssyncadd.s32 @!p0 $0xFFFFFC00  }
0x1d2: {  	_ =	swait.ge @!p0 [sflag:s29], $0x400  }
0x1d3: {  	[sflag:s29] =	ssyncset.done @!p0 $0x0  }
0x1d4: {  	[sflag:s29] =	ssyncadd.s32 @!p0 $0xFFFFFC00;
	s29 =	simm.s32 $0x0  }
.LBB2_3:
0x1d5: {  	_ =	sdelay $0x1  }
0x1d6: {  	v23 =	vor.u32 s29, v12  }
0x1d7: {  	v24 =	vand.u32 $0x38, v23  }
0x1d8: {  	v25 =	vor.u32 v26, v24  }
0x1d9: {  	v0 =	vld [tilespmem:$0x1FFF0];
	_ =	sdelay $0x2  }
0x1da: {  	v23 =	vshll.u32 v23, $0x7  }
0x1db: {  	v26 =	vor.u32 v12, v23;
	v25 =	vld.idx.msk [tilespmem:v25+s18+$0x0], $0xffff  }
0x1dc: {  	v27 =	vor.u32 v0, v24  }
0x1dd: {  	v43 =	vld [tilespmem:$0x1FB80];
	_ =	sdelay $0x2  }
0x1de: {  	[tilespmem:v26+s22+$0x0] =	vst.idx.msk $0xffff, v25  }
0x1df: {  	v26 =	vor.u32 v16, v23;
	v25 =	vld.idx.msk [tilespmem:v27+s18+$0x0], $0xffff  }
0x1e0: {  	v27 =	vor.u32 v43, v24  }
0x1e1: {  	v44 =	vld [tilespmem:$0x1FB90];
	_ =	sdelay $0x2  }
0x1e2: {  	[tilespmem:v26+s22+$0x0] =	vst.idx.msk $0xffff, v25  }
0x1e3: {  	v26 =	vor.u32 v17, v23;
	v25 =	vld.idx.msk [tilespmem:v27+s18+$0x0], $0xffff  }
0x1e4: {  	v27 =	vor.u32 v44, v24  }
0x1e5: {  	v45 =	vld [tilespmem:$0x1FBA0];
	_ =	sdelay $0x2  }
0x1e6: {  	[tilespmem:v26+s22+$0x0] =	vst.idx.msk $0xffff, v25  }
0x1e7: {  	v26 =	vor.u32 v18, v23;
	v25 =	vld.idx.msk [tilespmem:v27+s18+$0x0], $0xffff  }
0x1e8: {  	v27 =	vor.u32 v45, v24  }
0x1e9: {  	v46 =	vld [tilespmem:$0x1FBB0];
	_ =	sdelay $0x2  }
0x1ea: {  	[tilespmem:v26+s22+$0x0] =	vst.idx.msk $0xffff, v25  }
0x1eb: {  	v26 =	vor.u32 v19, v23;
	v25 =	vld.idx.msk [tilespmem:v27+s18+$0x0], $0xffff  }
0x1ec: {  	v27 =	vor.u32 v46, v24  }
0x1ed: {  	v47 =	vld [tilespmem:$0x1FBC0];
	_ =	sdelay $0x2  }
0x1ee: {  	[tilespmem:v26+s22+$0x0] =	vst.idx.msk $0xffff, v25  }
0x1ef: {  	v26 =	vor.u32 v20, v23;
	v25 =	vld.idx.msk [tilespmem:v27+s18+$0x0], $0xffff  }
0x1f0: {  	v27 =	vor.u32 v47, v24;
	_ =	sdelay $0x1  }
0x1f1: {  	v48 =	vld [tilespmem:$0x1FBD0];
	_ =	sdelay $0x1  }
0x1f2: {  	[tilespmem:v26+s22+$0x0] =	vst.idx.msk $0xffff, v25  }
0x1f3: {  	v25 =	vld.idx.msk [tilespmem:v27+s18+$0x0], $0xffff  }
0x1f4: {  	v26 =	vor.u32 v21, v23;
	v27 =	vld [tilespmem:$0x1FA90]  }
0x1f5: {  	v24 =	vor.u32 v48, v24  }
0x1f6: {  	v49 =	vld [tilespmem:$0x1FBE0];
	_ =	sdelay $0x2  }
0x1f7: {  	v27 =	vor.u32 s29, v27;
	[tilespmem:v26+s22+$0x0] =	vst.idx.msk $0xffff, v25  }
0x1f8: {  	v23 =	vor.u32 v22, v23;
	v24 =	vld.idx.msk [tilespmem:v24+s18+$0x0], $0xffff;
	v25 =	vand.u32 $0x38, v27  }
0x1f9: {  	v26 =	vor.u32 v49, v25  }
0x1fa: {  	v50 =	vld [tilespmem:$0x1FBF0];
	_ =	sdelay $0x2  }
0x1fb: {  	[tilespmem:v23+s22+$0x0] =	vst.idx.msk $0xffff, v24;
	v23 =	vshll.u32 v27, $0x7  }
0x1fc: {  	v24 =	vld.idx.msk [tilespmem:v26+s18+$0x0], $0xffff;
	v26 =	vor.u32 v12, v23  }
0x1fd: {  	v27 =	vor.u32 v50, v25  }
0x1fe: {  	v51 =	vld [tilespmem:$0x1FC00];
	_ =	sdelay $0x2  }
0x1ff: {  	[tilespmem:v26+s22+$0x0] =	vst.idx.msk $0xffff, v24  }
0x200: {  	v26 =	vor.u32 v16, v23;
	v24 =	vld.idx.msk [tilespmem:v27+s18+$0x0], $0xffff  }
0x201: {  	v27 =	vor.u32 v51, v25  }
0x202: {  	v52 =	vld [tilespmem:$0x1FC10];
	_ =	sdelay $0x2  }
0x203: {  	[tilespmem:v26+s22+$0x0] =	vst.idx.msk $0xffff, v24  }
0x204: {  	v26 =	vor.u32 v17, v23;
	v24 =	vld.idx.msk [tilespmem:v27+s18+$0x0], $0xffff  }
0x205: {  	v27 =	vor.u32 v52, v25  }
0x206: {  	v53 =	vld [tilespmem:$0x1FC20];
	_ =	sdelay $0x2  }
0x207: {  	[tilespmem:v26+s22+$0x0] =	vst.idx.msk $0xffff, v24  }
0x208: {  	v26 =	vor.u32 v18, v23;
	v24 =	vld.idx.msk [tilespmem:v27+s18+$0x0], $0xffff  }
0x209: {  	v27 =	vor.u32 v53, v25  }
0x20a: {  	v54 =	vld [tilespmem:$0x1FC30];
	_ =	sdelay $0x2  }
0x20b: {  	[tilespmem:v26+s22+$0x0] =	vst.idx.msk $0xffff, v24  }
0x20c: {  	v26 =	vor.u32 v19, v23;
	v24 =	vld.idx.msk [tilespmem:v27+s18+$0x0], $0xffff  }
0x20d: {  	v27 =	vor.u32 v54, v25  }
0x20e: {  	v55 =	vld [tilespmem:$0x1FC40];
	_ =	sdelay $0x2  }
0x20f: {  	[tilespmem:v26+s22+$0x0] =	vst.idx.msk $0xffff, v24  }
0x210: {  	v26 =	vor.u32 v20, v23;
	v24 =	vld.idx.msk [tilespmem:v27+s18+$0x0], $0xffff  }
0x211: {  	v27 =	vor.u32 v55, v25;
	_ =	sdelay $0x1  }
0x212: {  	v56 =	vld [tilespmem:$0x1FC50];
	_ =	sdelay $0x1  }
0x213: {  	[tilespmem:v26+s22+$0x0] =	vst.idx.msk $0xffff, v24  }
0x214: {  	v24 =	vld.idx.msk [tilespmem:v27+s18+$0x0], $0xffff  }
0x215: {  	v26 =	vor.u32 v21, v23;
	v27 =	vld [tilespmem:$0x1FAA0]  }
0x216: {  	v25 =	vor.u32 v56, v25  }
0x217: {  	v57 =	vld [tilespmem:$0x1FC60];
	_ =	sdelay $0x2  }
0x218: {  	v27 =	vor.u32 s29, v27;
	[tilespmem:v26+s22+$0x0] =	vst.idx.msk $0xffff, v24  }
0x219: {  	v23 =	vor.u32 v22, v23;
	v24 =	vld.idx.msk [tilespmem:v25+s18+$0x0], $0xffff;
	v25 =	vand.u32 $0x38, v27  }
0x21a: {  	v26 =	vor.u32 v57, v25  }
0x21b: {  	v58 =	vld [tilespmem:$0x1FC70];
	_ =	sdelay $0x2  }
0x21c: {  	[tilespmem:v23+s22+$0x0] =	vst.idx.msk $0xffff, v24;
	v23 =	vshll.u32 v27, $0x7  }
0x21d: {  	v24 =	vld.idx.msk [tilespmem:v26+s18+$0x0], $0xffff;
	v26 =	vor.u32 v12, v23  }
0x21e: {  	v27 =	vor.u32 v58, v25  }
0x21f: {  	v59 =	vld [tilespmem:$0x1FC80];
	_ =	sdelay $0x2  }
0x220: {  	[tilespmem:v26+s22+$0x0] =	vst.idx.msk $0xffff, v24  }
0x221: {  	v26 =	vor.u32 v16, v23;
	v24 =	vld.idx.msk [tilespmem:v27+s18+$0x0], $0xffff  }
0x222: {  	v27 =	vor.u32 v59, v25  }
0x223: {  	v60 =	vld [tilespmem:$0x1FC90];
	_ =	sdelay $0x2  }
0x224: {  	[tilespmem:v26+s22+$0x0] =	vst.idx.msk $0xffff, v24  }
0x225: {  	v26 =	vor.u32 v17, v23;
	v24 =	vld.idx.msk [tilespmem:v27+s18+$0x0], $0xffff  }
0x226: {  	v27 =	vor.u32 v60, v25  }
0x227: {  	v61 =	vld [tilespmem:$0x1FCA0];
	_ =	sdelay $0x2  }
0x228: {  	[tilespmem:v26+s22+$0x0] =	vst.idx.msk $0xffff, v24  }
0x229: {  	v26 =	vor.u32 v18, v23;
	v24 =	vld.idx.msk [tilespmem:v27+s18+$0x0], $0xffff  }
0x22a: {  	v27 =	vor.u32 v61, v25  }
0x22b: {  	v62 =	vld [tilespmem:$0x1FCB0];
	_ =	sdelay $0x2  }
0x22c: {  	[tilespmem:v26+s22+$0x0] =	vst.idx.msk $0xffff, v24  }
0x22d: {  	v26 =	vor.u32 v19, v23;
	v24 =	vld.idx.msk [tilespmem:v27+s18+$0x0], $0xffff  }
0x22e: {  	v27 =	vor.u32 v62, v25  }
0x22f: {  	v63 =	vld [tilespmem:$0x1FCC0];
	_ =	sdelay $0x2  }
0x230: {  	[tilespmem:v26+s22+$0x0] =	vst.idx.msk $0xffff, v24  }
0x231: {  	v26 =	vor.u32 v20, v23;
	v24 =	vld.idx.msk [tilespmem:v27+s18+$0x0], $0xffff  }
0x232: {  	v27 =	vor.u32 v63, v25;
	_ =	sdelay $0x1  }
0x233: {  	v42 =	vld [tilespmem:$0x1FCD0];
	_ =	sdelay $0x1  }
0x234: {  	[tilespmem:v26+s22+$0x0] =	vst.idx.msk $0xffff, v24  }
0x235: {  	v24 =	vld.idx.msk [tilespmem:v27+s18+$0x0], $0xffff  }
0x236: {  	v26 =	vor.u32 v21, v23;
	v27 =	vld [tilespmem:$0x1FAB0]  }
0x237: {  	v25 =	vor.u32 v42, v25  }
0x238: {  	v1 =	vld [tilespmem:$0x1FCE0];
	_ =	sdelay $0x2  }
0x239: {  	v27 =	vor.u32 s29, v27;
	[tilespmem:v26+s22+$0x0] =	vst.idx.msk $0xffff, v24  }
0x23a: {  	v23 =	vor.u32 v22, v23;
	v24 =	vld.idx.msk [tilespmem:v25+s18+$0x0], $0xffff;
	v25 =	vand.u32 $0x38, v27  }
0x23b: {  	v26 =	vor.u32 v1, v25  }
0x23c: {  	v2 =	vld [tilespmem:$0x1FCF0];
	_ =	sdelay $0x2  }
0x23d: {  	[tilespmem:v23+s22+$0x0] =	vst.idx.msk $0xffff, v24;
	v23 =	vshll.u32 v27, $0x7  }
0x23e: {  	v24 =	vld.idx.msk [tilespmem:v26+s18+$0x0], $0xffff;
	v26 =	vor.u32 v12, v23  }
0x23f: {  	v27 =	vor.u32 v2, v25  }
0x240: {  	v3 =	vld [tilespmem:$0x1FD00];
	_ =	sdelay $0x2  }
0x241: {  	[tilespmem:v26+s22+$0x0] =	vst.idx.msk $0xffff, v24  }
0x242: {  	v26 =	vor.u32 v16, v23;
	v24 =	vld.idx.msk [tilespmem:v27+s18+$0x0], $0xffff  }
0x243: {  	v27 =	vor.u32 v3, v25  }
0x244: {  	v4 =	vld [tilespmem:$0x1FD10];
	_ =	sdelay $0x2  }
0x245: {  	[tilespmem:v26+s22+$0x0] =	vst.idx.msk $0xffff, v24  }
0x246: {  	v26 =	vor.u32 v17, v23;
	v24 =	vld.idx.msk [tilespmem:v27+s18+$0x0], $0xffff  }
0x247: {  	v27 =	vor.u32 v4, v25  }
0x248: {  	v5 =	vld [tilespmem:$0x1FD20];
	_ =	sdelay $0x2  }
0x249: {  	[tilespmem:v26+s22+$0x0] =	vst.idx.msk $0xffff, v24  }
0x24a: {  	v26 =	vor.u32 v18, v23;
	v24 =	vld.idx.msk [tilespmem:v27+s18+$0x0], $0xffff  }
0x24b: {  	v27 =	vor.u32 v5, v25  }
0x24c: {  	v6 =	vld [tilespmem:$0x1FD30];
	_ =	sdelay $0x2  }
0x24d: {  	[tilespmem:v26+s22+$0x0] =	vst.idx.msk $0xffff, v24  }
0x24e: {  	v26 =	vor.u32 v19, v23;
	v24 =	vld.idx.msk [tilespmem:v27+s18+$0x0], $0xffff  }
0x24f: {  	v27 =	vor.u32 v6, v25  }
0x250: {  	v7 =	vld [tilespmem:$0x1FD40];
	_ =	sdelay $0x2  }
0x251: {  	[tilespmem:v26+s22+$0x0] =	vst.idx.msk $0xffff, v24  }
0x252: {  	v26 =	vor.u32 v20, v23;
	v24 =	vld.idx.msk [tilespmem:v27+s18+$0x0], $0xffff  }
0x253: {  	v27 =	vor.u32 v7, v25;
	_ =	sdelay $0x1  }
0x254: {  	v8 =	vld [tilespmem:$0x1FD50];
	_ =	sdelay $0x1  }
0x255: {  	[tilespmem:v26+s22+$0x0] =	vst.idx.msk $0xffff, v24  }
0x256: {  	v24 =	vld.idx.msk [tilespmem:v27+s18+$0x0], $0xffff  }
0x257: {  	v26 =	vor.u32 v21, v23;
	v27 =	vld [tilespmem:$0x1FAC0]  }
0x258: {  	v25 =	vor.u32 v8, v25  }
0x259: {  	v9 =	vld [tilespmem:$0x1FD60];
	_ =	sdelay $0x2  }
0x25a: {  	v27 =	vor.u32 s29, v27;
	[tilespmem:v26+s22+$0x0] =	vst.idx.msk $0xffff, v24  }
0x25b: {  	v23 =	vor.u32 v22, v23;
	v24 =	vld.idx.msk [tilespmem:v25+s18+$0x0], $0xffff;
	v25 =	vand.u32 $0x38, v27  }
0x25c: {  	v26 =	vor.u32 v9, v25  }
0x25d: {  	v10 =	vld [tilespmem:$0x1FD70];
	_ =	sdelay $0x2  }
0x25e: {  	[tilespmem:v23+s22+$0x0] =	vst.idx.msk $0xffff, v24;
	v23 =	vshll.u32 v27, $0x7  }
0x25f: {  	v24 =	vld.idx.msk [tilespmem:v26+s18+$0x0], $0xffff;
	v26 =	vor.u32 v12, v23  }
0x260: {  	v27 =	vor.u32 v10, v25  }
0x261: {  	v11 =	vld [tilespmem:$0x1FD80];
	_ =	sdelay $0x2  }
0x262: {  	[tilespmem:v26+s22+$0x0] =	vst.idx.msk $0xffff, v24  }
0x263: {  	v26 =	vor.u32 v16, v23;
	v24 =	vld.idx.msk [tilespmem:v27+s18+$0x0], $0xffff  }
0x264: {  	v27 =	vor.u32 v11, v25  }
0x265: {  	v13 =	vld [tilespmem:$0x1FD90];
	_ =	sdelay $0x2  }
0x266: {  	[tilespmem:v26+s22+$0x0] =	vst.idx.msk $0xffff, v24  }
0x267: {  	v26 =	vor.u32 v17, v23;
	v24 =	vld.idx.msk [tilespmem:v27+s18+$0x0], $0xffff  }
0x268: {  	v27 =	vor.u32 v13, v25  }
0x269: {  	v14 =	vld [tilespmem:$0x1FDA0];
	_ =	sdelay $0x2  }
0x26a: {  	[tilespmem:v26+s22+$0x0] =	vst.idx.msk $0xffff, v24  }
0x26b: {  	v26 =	vor.u32 v18, v23;
	v24 =	vld.idx.msk [tilespmem:v27+s18+$0x0], $0xffff  }
0x26c: {  	v27 =	vor.u32 v14, v25  }
0x26d: {  	v15 =	vld [tilespmem:$0x1FDB0];
	_ =	sdelay $0x2  }
0x26e: {  	[tilespmem:v26+s22+$0x0] =	vst.idx.msk $0xffff, v24  }
0x26f: {  	v26 =	vor.u32 v19, v23;
	v24 =	vld.idx.msk [tilespmem:v27+s18+$0x0], $0xffff  }
0x270: {  	v27 =	vor.u32 v15, v25  }
0x271: {  	v30 =	vld [tilespmem:$0x1FDC0];
	_ =	sdelay $0x2  }
0x272: {  	[tilespmem:v26+s22+$0x0] =	vst.idx.msk $0xffff, v24  }
0x273: {  	v26 =	vor.u32 v20, v23;
	v24 =	vld.idx.msk [tilespmem:v27+s18+$0x0], $0xffff  }
0x274: {  	v27 =	vor.u32 v30, v25;
	_ =	sdelay $0x1  }
0x275: {  	v31 =	vld [tilespmem:$0x1FDD0];
	_ =	sdelay $0x1  }
0x276: {  	[tilespmem:v26+s22+$0x0] =	vst.idx.msk $0xffff, v24  }
0x277: {  	v24 =	vld.idx.msk [tilespmem:v27+s18+$0x0], $0xffff  }
0x278: {  	v26 =	vor.u32 v21, v23;
	v27 =	vld [tilespmem:$0x1FAD0]  }
0x279: {  	v25 =	vor.u32 v31, v25  }
0x27a: {  	v32 =	vld [tilespmem:$0x1FDE0];
	_ =	sdelay $0x2  }
0x27b: {  	v27 =	vor.u32 s29, v27;
	[tilespmem:v26+s22+$0x0] =	vst.idx.msk $0xffff, v24  }
0x27c: {  	v23 =	vor.u32 v22, v23;
	v24 =	vld.idx.msk [tilespmem:v25+s18+$0x0], $0xffff;
	v25 =	vand.u32 $0x38, v27  }
0x27d: {  	v26 =	vor.u32 v32, v25  }
0x27e: {  	v33 =	vld [tilespmem:$0x1FDF0];
	_ =	sdelay $0x2  }
0x27f: {  	[tilespmem:v23+s22+$0x0] =	vst.idx.msk $0xffff, v24;
	v23 =	vshll.u32 v27, $0x7  }
0x280: {  	v24 =	vld.idx.msk [tilespmem:v26+s18+$0x0], $0xffff;
	v26 =	vor.u32 v12, v23  }
0x281: {  	v27 =	vor.u32 v33, v25  }
0x282: {  	v34 =	vld [tilespmem:$0x1FE00];
	_ =	sdelay $0x2  }
0x283: {  	[tilespmem:v26+s22+$0x0] =	vst.idx.msk $0xffff, v24  }
0x284: {  	v26 =	vor.u32 v16, v23;
	v24 =	vld.idx.msk [tilespmem:v27+s18+$0x0], $0xffff  }
0x285: {  	v27 =	vor.u32 v34, v25  }
0x286: {  	v35 =	vld [tilespmem:$0x1FE10];
	_ =	sdelay $0x2  }
0x287: {  	[tilespmem:v26+s22+$0x0] =	vst.idx.msk $0xffff, v24  }
0x288: {  	v26 =	vor.u32 v17, v23;
	v24 =	vld.idx.msk [tilespmem:v27+s18+$0x0], $0xffff  }
0x289: {  	v27 =	vor.u32 v35, v25  }
0x28a: {  	v36 =	vld [tilespmem:$0x1FE20];
	_ =	sdelay $0x2  }
0x28b: {  	[tilespmem:v26+s22+$0x0] =	vst.idx.msk $0xffff, v24  }
0x28c: {  	v26 =	vor.u32 v18, v23;
	v24 =	vld.idx.msk [tilespmem:v27+s18+$0x0], $0xffff  }
0x28d: {  	v27 =	vor.u32 v36, v25  }
0x28e: {  	v37 =	vld [tilespmem:$0x1FE30];
	_ =	sdelay $0x2  }
0x28f: {  	[tilespmem:v26+s22+$0x0] =	vst.idx.msk $0xffff, v24  }
0x290: {  	v26 =	vor.u32 v19, v23;
	v24 =	vld.idx.msk [tilespmem:v27+s18+$0x0], $0xffff  }
0x291: {  	v27 =	vor.u32 v37, v25  }
0x292: {  	v38 =	vld [tilespmem:$0x1FE40];
	_ =	sdelay $0x2  }
0x293: {  	[tilespmem:v26+s22+$0x0] =	vst.idx.msk $0xffff, v24  }
0x294: {  	v26 =	vor.u32 v20, v23;
	v24 =	vld.idx.msk [tilespmem:v27+s18+$0x0], $0xffff  }
0x295: {  	v27 =	vor.u32 v38, v25;
	_ =	sdelay $0x1  }
0x296: {  	v39 =	vld [tilespmem:$0x1FE50];
	_ =	sdelay $0x1  }
0x297: {  	[tilespmem:v26+s22+$0x0] =	vst.idx.msk $0xffff, v24  }
0x298: {  	v24 =	vld.idx.msk [tilespmem:v27+s18+$0x0], $0xffff  }
0x299: {  	v26 =	vor.u32 v21, v23;
	v27 =	vld [tilespmem:$0x1FAE0]  }
0x29a: {  	v25 =	vor.u32 v39, v25  }
0x29b: {  	v40 =	vld [tilespmem:$0x1FE60];
	_ =	sdelay $0x2  }
0x29c: {  	v27 =	vor.u32 s29, v27;
	[tilespmem:v26+s22+$0x0] =	vst.idx.msk $0xffff, v24  }
0x29d: {  	v23 =	vor.u32 v22, v23;
	v24 =	vld.idx.msk [tilespmem:v25+s18+$0x0], $0xffff;
	v25 =	vand.u32 $0x38, v27  }
0x29e: {  	v26 =	vor.u32 v40, v25  }
0x29f: {  	v41 =	vld [tilespmem:$0x1FE70];
	_ =	sdelay $0x2  }
0x2a0: {  	[tilespmem:v23+s22+$0x0] =	vst.idx.msk $0xffff, v24;
	v23 =	vshll.u32 v27, $0x7  }
0x2a1: {  	v24 =	vld.idx.msk [tilespmem:v26+s18+$0x0], $0xffff;
	v26 =	vor.u32 v12, v23  }
0x2a2: {  	v27 =	vor.u32 v41, v25  }
0x2a3: {  	v42 =	vld [tilespmem:$0x1FE80];
	_ =	sdelay $0x2  }
0x2a4: {  	[tilespmem:v26+s22+$0x0] =	vst.idx.msk $0xffff, v24  }
0x2a5: {  	v26 =	vor.u32 v16, v23;
	v24 =	vld.idx.msk [tilespmem:v27+s18+$0x0], $0xffff  }
0x2a6: {  	v27 =	vor.u32 v42, v25  }
0x2a7: {  	v28 =	vld [tilespmem:$0x1FE90];
	_ =	sdelay $0x2  }
0x2a8: {  	[tilespmem:v26+s22+$0x0] =	vst.idx.msk $0xffff, v24  }
0x2a9: {  	v26 =	vor.u32 v17, v23;
	v24 =	vld.idx.msk [tilespmem:v27+s18+$0x0], $0xffff  }
0x2aa: {  	v27 =	vor.u32 v28, v25  }
0x2ab: {  	v29 =	vld [tilespmem:$0x1FEA0];
	_ =	sdelay $0x2  }
0x2ac: {  	[tilespmem:v26+s22+$0x0] =	vst.idx.msk $0xffff, v24  }
0x2ad: {  	v26 =	vor.u32 v18, v23;
	v24 =	vld.idx.msk [tilespmem:v27+s18+$0x0], $0xffff  }
0x2ae: {  	v27 =	vor.u32 v29, v25  }
0x2af: {  	v0 =	vld [tilespmem:$0x1FEB0];
	_ =	sdelay $0x2  }
0x2b0: {  	[tilespmem:v26+s22+$0x0] =	vst.idx.msk $0xffff, v24  }
0x2b1: {  	v26 =	vor.u32 v19, v23;
	v24 =	vld.idx.msk [tilespmem:v27+s18+$0x0], $0xffff  }
0x2b2: {  	v27 =	vor.u32 v0, v25  }
0x2b3: {  	v0 =	vld [tilespmem:$0x1FEC0];
	_ =	sdelay $0x2  }
0x2b4: {  	[tilespmem:v26+s22+$0x0] =	vst.idx.msk $0xffff, v24  }
0x2b5: {  	v26 =	vor.u32 v20, v23;
	v24 =	vld.idx.msk [tilespmem:v27+s18+$0x0], $0xffff  }
0x2b6: {  	v27 =	vor.u32 v0, v25;
	_ =	sdelay $0x1  }
0x2b7: {  	v0 =	vld [tilespmem:$0x1FED0];
	_ =	sdelay $0x1  }
0x2b8: {  	[tilespmem:v26+s22+$0x0] =	vst.idx.msk $0xffff, v24  }
0x2b9: {  	v24 =	vld.idx.msk [tilespmem:v27+s18+$0x0], $0xffff  }
0x2ba: {  	v26 =	vor.u32 v21, v23;
	v27 =	vld [tilespmem:$0x1FAF0]  }
0x2bb: {  	v25 =	vor.u32 v0, v25  }
0x2bc: {  	v0 =	vld [tilespmem:$0x1FEE0];
	_ =	sdelay $0x2  }
0x2bd: {  	v27 =	vor.u32 s29, v27;
	[tilespmem:v26+s22+$0x0] =	vst.idx.msk $0xffff, v24  }
0x2be: {  	v23 =	vor.u32 v22, v23;
	v24 =	vld.idx.msk [tilespmem:v25+s18+$0x0], $0xffff;
	v25 =	vand.u32 $0x38, v27  }
0x2bf: {  	v26 =	vor.u32 v0, v25  }
0x2c0: {  	v0 =	vld [tilespmem:$0x1FEF0];
	_ =	sdelay $0x2  }
0x2c1: {  	[tilespmem:v23+s22+$0x0] =	vst.idx.msk $0xffff, v24;
	v23 =	vshll.u32 v27, $0x7  }
0x2c2: {  	v24 =	vld.idx.msk [tilespmem:v26+s18+$0x0], $0xffff;
	v26 =	vor.u32 v12, v23  }
0x2c3: {  	v27 =	vor.u32 v0, v25  }
0x2c4: {  	v0 =	vld [tilespmem:$0x1FF00];
	_ =	sdelay $0x2  }
0x2c5: {  	[tilespmem:v26+s22+$0x0] =	vst.idx.msk $0xffff, v24  }
0x2c6: {  	v26 =	vor.u32 v16, v23;
	v24 =	vld.idx.msk [tilespmem:v27+s18+$0x0], $0xffff  }
0x2c7: {  	v27 =	vor.u32 v0, v25  }
0x2c8: {  	v0 =	vld [tilespmem:$0x1FF10];
	_ =	sdelay $0x2  }
0x2c9: {  	[tilespmem:v26+s22+$0x0] =	vst.idx.msk $0xffff, v24  }
0x2ca: {  	v26 =	vor.u32 v17, v23;
	v24 =	vld.idx.msk [tilespmem:v27+s18+$0x0], $0xffff  }
0x2cb: {  	v27 =	vor.u32 v0, v25  }
0x2cc: {  	v0 =	vld [tilespmem:$0x1FF20];
	_ =	sdelay $0x2  }
0x2cd: {  	[tilespmem:v26+s22+$0x0] =	vst.idx.msk $0xffff, v24  }
0x2ce: {  	v26 =	vor.u32 v18, v23;
	v24 =	vld.idx.msk [tilespmem:v27+s18+$0x0], $0xffff  }
0x2cf: {  	v27 =	vor.u32 v0, v25  }
0x2d0: {  	v0 =	vld [tilespmem:$0x1FF30];
	_ =	sdelay $0x2  }
0x2d1: {  	[tilespmem:v26+s22+$0x0] =	vst.idx.msk $0xffff, v24  }
0x2d2: {  	v26 =	vor.u32 v19, v23;
	v24 =	vld.idx.msk [tilespmem:v27+s18+$0x0], $0xffff  }
0x2d3: {  	v27 =	vor.u32 v0, v25  }
0x2d4: {  	v0 =	vld [tilespmem:$0x1FF40];
	_ =	sdelay $0x2  }
0x2d5: {  	[tilespmem:v26+s22+$0x0] =	vst.idx.msk $0xffff, v24  }
0x2d6: {  	v26 =	vor.u32 v20, v23;
	v24 =	vld.idx.msk [tilespmem:v27+s18+$0x0], $0xffff  }
0x2d7: {  	v27 =	vor.u32 v0, v25  }
0x2d8: {  	v0 =	vld [tilespmem:$0x1FF50];
	_ =	sdelay $0x2  }
0x2d9: {  	[tilespmem:v26+s22+$0x0] =	vst.idx.msk $0xffff, v24  }
0x2da: {  	v26 =	vor.u32 v21, v23;
	v24 =	vld.idx.msk [tilespmem:v27+s18+$0x0], $0xffff  }
0x2db: {  	v25 =	vor.u32 v0, v25;
	_ =	sdelay $0x1  }
0x2dc: {  	v27 =	vld [tilespmem:$0x1FB00];
	_ =	sdelay $0x1  }
0x2dd: {  	[tilespmem:v26+s22+$0x0] =	vst.idx.msk $0xffff, v24;
	v26 =	vld [tilespmem:$0x1FFE0]  }
0x2de: {  	v23 =	vor.u32 v22, v23;
	v24 =	vld.idx.msk [tilespmem:v25+s18+$0x0], $0xffff;
	_ =	sdelay $0x1  }
0x2df: {  	v27 =	vor.u32 s29, v27  }
0x2e0: {  	v25 =	vand.u32 $0x38, v27  }
0x2e1: {  	v26 =	vor.u32 v26, v25  }
0x2e2: {  	[tilespmem:v23+s22+$0x0] =	vst.idx.msk $0xffff, v24;
	v23 =	vshll.u32 v27, $0x7;
	v27 =	vld [tilespmem:$0x1FFF0];
	_ =	sdelay $0x3  }
0x2e3: {  	v24 =	vld.idx.msk [tilespmem:v26+s18+$0x0], $0xffff;
	v26 =	vor.u32 v12, v23  }
0x2e4: {  	v27 =	vor.u32 v27, v25;
	_ =	sdelay $0x3  }
0x2e5: {  	[tilespmem:v26+s22+$0x0] =	vst.idx.msk $0xffff, v24  }
0x2e6: {  	v26 =	vor.u32 v16, v23;
	v24 =	vld.idx.msk [tilespmem:v27+s18+$0x0], $0xffff  }
0x2e7: {  	v27 =	vor.u32 v43, v25;
	_ =	sdelay $0x3  }
0x2e8: {  	[tilespmem:v26+s22+$0x0] =	vst.idx.msk $0xffff, v24  }
0x2e9: {  	v26 =	vor.u32 v17, v23;
	v24 =	vld.idx.msk [tilespmem:v27+s18+$0x0], $0xffff  }
0x2ea: {  	v27 =	vor.u32 v44, v25;
	_ =	sdelay $0x3  }
0x2eb: {  	[tilespmem:v26+s22+$0x0] =	vst.idx.msk $0xffff, v24  }
0x2ec: {  	v26 =	vor.u32 v18, v23;
	v24 =	vld.idx.msk [tilespmem:v27+s18+$0x0], $0xffff  }
0x2ed: {  	v27 =	vor.u32 v45, v25;
	_ =	sdelay $0x3  }
0x2ee: {  	[tilespmem:v26+s22+$0x0] =	vst.idx.msk $0xffff, v24  }
0x2ef: {  	v26 =	vor.u32 v19, v23;
	v24 =	vld.idx.msk [tilespmem:v27+s18+$0x0], $0xffff  }
0x2f0: {  	v27 =	vor.u32 v46, v25;
	_ =	sdelay $0x3  }
0x2f1: {  	[tilespmem:v26+s22+$0x0] =	vst.idx.msk $0xffff, v24  }
0x2f2: {  	v26 =	vor.u32 v20, v23;
	v24 =	vld.idx.msk [tilespmem:v27+s18+$0x0], $0xffff  }
0x2f3: {  	v27 =	vor.u32 v47, v25;
	_ =	sdelay $0x3  }
0x2f4: {  	[tilespmem:v26+s22+$0x0] =	vst.idx.msk $0xffff, v24  }
0x2f5: {  	v24 =	vld.idx.msk [tilespmem:v27+s18+$0x0], $0xffff  }
0x2f6: {  	v26 =	vor.u32 v21, v23;
	v27 =	vld [tilespmem:$0x1FB10]  }
0x2f7: {  	v25 =	vor.u32 v48, v25;
	_ =	sdelay $0x3  }
0x2f8: {  	v27 =	vor.u32 s29, v27;
	[tilespmem:v26+s22+$0x0] =	vst.idx.msk $0xffff, v24  }
0x2f9: {  	v23 =	vor.u32 v22, v23;
	v24 =	vld.idx.msk [tilespmem:v25+s18+$0x0], $0xffff;
	v25 =	vand.u32 $0x38, v27  }
0x2fa: {  	v26 =	vor.u32 v49, v25;
	_ =	sdelay $0x3  }
0x2fb: {  	[tilespmem:v23+s22+$0x0] =	vst.idx.msk $0xffff, v24;
	v23 =	vshll.u32 v27, $0x7  }
0x2fc: {  	v24 =	vld.idx.msk [tilespmem:v26+s18+$0x0], $0xffff;
	v26 =	vor.u32 v12, v23  }
0x2fd: {  	v27 =	vor.u32 v50, v25;
	_ =	sdelay $0x3  }
0x2fe: {  	[tilespmem:v26+s22+$0x0] =	vst.idx.msk $0xffff, v24  }
0x2ff: {  	v26 =	vor.u32 v16, v23;
	v24 =	vld.idx.msk [tilespmem:v27+s18+$0x0], $0xffff  }
0x300: {  	v27 =	vor.u32 v51, v25;
	_ =	sdelay $0x3  }
0x301: {  	[tilespmem:v26+s22+$0x0] =	vst.idx.msk $0xffff, v24  }
0x302: {  	v26 =	vor.u32 v17, v23;
	v24 =	vld.idx.msk [tilespmem:v27+s18+$0x0], $0xffff  }
0x303: {  	v27 =	vor.u32 v52, v25;
	_ =	sdelay $0x3  }
0x304: {  	[tilespmem:v26+s22+$0x0] =	vst.idx.msk $0xffff, v24  }
0x305: {  	v26 =	vor.u32 v18, v23;
	v24 =	vld.idx.msk [tilespmem:v27+s18+$0x0], $0xffff  }
0x306: {  	v27 =	vor.u32 v53, v25;
	_ =	sdelay $0x3  }
0x307: {  	[tilespmem:v26+s22+$0x0] =	vst.idx.msk $0xffff, v24  }
0x308: {  	v26 =	vor.u32 v19, v23;
	v24 =	vld.idx.msk [tilespmem:v27+s18+$0x0], $0xffff  }
0x309: {  	v27 =	vor.u32 v54, v25;
	_ =	sdelay $0x3  }
0x30a: {  	[tilespmem:v26+s22+$0x0] =	vst.idx.msk $0xffff, v24  }
0x30b: {  	v26 =	vor.u32 v20, v23;
	v24 =	vld.idx.msk [tilespmem:v27+s18+$0x0], $0xffff  }
0x30c: {  	v27 =	vor.u32 v55, v25;
	_ =	sdelay $0x3  }
0x30d: {  	[tilespmem:v26+s22+$0x0] =	vst.idx.msk $0xffff, v24  }
0x30e: {  	v24 =	vld.idx.msk [tilespmem:v27+s18+$0x0], $0xffff  }
0x30f: {  	v26 =	vor.u32 v21, v23;
	v27 =	vld [tilespmem:$0x1FB20]  }
0x310: {  	v25 =	vor.u32 v56, v25;
	_ =	sdelay $0x3  }
0x311: {  	v27 =	vor.u32 s29, v27;
	[tilespmem:v26+s22+$0x0] =	vst.idx.msk $0xffff, v24  }
0x312: {  	v23 =	vor.u32 v22, v23;
	v24 =	vld.idx.msk [tilespmem:v25+s18+$0x0], $0xffff;
	v25 =	vand.u32 $0x38, v27  }
0x313: {  	v26 =	vor.u32 v57, v25;
	_ =	sdelay $0x3  }
0x314: {  	[tilespmem:v23+s22+$0x0] =	vst.idx.msk $0xffff, v24;
	v23 =	vshll.u32 v27, $0x7  }
0x315: {  	v24 =	vld.idx.msk [tilespmem:v26+s18+$0x0], $0xffff;
	v26 =	vor.u32 v12, v23  }
0x316: {  	v27 =	vor.u32 v58, v25;
	_ =	sdelay $0x3  }
0x317: {  	[tilespmem:v26+s22+$0x0] =	vst.idx.msk $0xffff, v24  }
0x318: {  	v26 =	vor.u32 v16, v23;
	v24 =	vld.idx.msk [tilespmem:v27+s18+$0x0], $0xffff  }
0x319: {  	v27 =	vor.u32 v59, v25;
	_ =	sdelay $0x3  }
0x31a: {  	[tilespmem:v26+s22+$0x0] =	vst.idx.msk $0xffff, v24  }
0x31b: {  	v26 =	vor.u32 v17, v23;
	v24 =	vld.idx.msk [tilespmem:v27+s18+$0x0], $0xffff  }
0x31c: {  	v27 =	vor.u32 v60, v25;
	_ =	sdelay $0x3  }
0x31d: {  	[tilespmem:v26+s22+$0x0] =	vst.idx.msk $0xffff, v24  }
0x31e: {  	v26 =	vor.u32 v18, v23;
	v24 =	vld.idx.msk [tilespmem:v27+s18+$0x0], $0xffff  }
0x31f: {  	v27 =	vor.u32 v61, v25;
	_ =	sdelay $0x3  }
0x320: {  	[tilespmem:v26+s22+$0x0] =	vst.idx.msk $0xffff, v24  }
0x321: {  	v26 =	vor.u32 v19, v23;
	v24 =	vld.idx.msk [tilespmem:v27+s18+$0x0], $0xffff  }
0x322: {  	v27 =	vor.u32 v62, v25;
	_ =	sdelay $0x3  }
0x323: {  	[tilespmem:v26+s22+$0x0] =	vst.idx.msk $0xffff, v24  }
0x324: {  	v26 =	vor.u32 v20, v23;
	v24 =	vld.idx.msk [tilespmem:v27+s18+$0x0], $0xffff  }
0x325: {  	v27 =	vor.u32 v63, v25;
	_ =	sdelay $0x3  }
0x326: {  	[tilespmem:v26+s22+$0x0] =	vst.idx.msk $0xffff, v24  }
0x327: {  	v24 =	vld.idx.msk [tilespmem:v27+s18+$0x0], $0xffff  }
0x328: {  	v27 =	vld [tilespmem:$0x1FCD0];
	_ =	sdelay $0x4  }
0x329: {  	v26 =	vor.u32 v21, v23;
	v25 =	vor.u32 v27, v25;
	v27 =	vld [tilespmem:$0x1FB30];
	_ =	sdelay $0x4  }
0x32a: {  	[tilespmem:v26+s22+$0x0] =	vst.idx.msk $0xffff, v24;
	v27 =	vor.u32 s29, v27  }
0x32b: {  	v23 =	vor.u32 v22, v23;
	v24 =	vld.idx.msk [tilespmem:v25+s18+$0x0], $0xffff;
	v25 =	vand.u32 $0x38, v27  }
0x32c: {  	v26 =	vor.u32 v1, v25;
	_ =	sdelay $0x3  }
0x32d: {  	[tilespmem:v23+s22+$0x0] =	vst.idx.msk $0xffff, v24;
	v23 =	vshll.u32 v27, $0x7  }
0x32e: {  	v24 =	vld.idx.msk [tilespmem:v26+s18+$0x0], $0xffff;
	v26 =	vor.u32 v12, v23  }
0x32f: {  	v27 =	vor.u32 v2, v25;
	_ =	sdelay $0x3  }
0x330: {  	[tilespmem:v26+s22+$0x0] =	vst.idx.msk $0xffff, v24  }
0x331: {  	v26 =	vor.u32 v16, v23;
	v24 =	vld.idx.msk [tilespmem:v27+s18+$0x0], $0xffff  }
0x332: {  	v27 =	vor.u32 v3, v25;
	_ =	sdelay $0x3  }
0x333: {  	[tilespmem:v26+s22+$0x0] =	vst.idx.msk $0xffff, v24  }
0x334: {  	v26 =	vor.u32 v17, v23;
	v24 =	vld.idx.msk [tilespmem:v27+s18+$0x0], $0xffff  }
0x335: {  	v27 =	vor.u32 v4, v25;
	_ =	sdelay $0x3  }
0x336: {  	[tilespmem:v26+s22+$0x0] =	vst.idx.msk $0xffff, v24  }
0x337: {  	v26 =	vor.u32 v18, v23;
	v24 =	vld.idx.msk [tilespmem:v27+s18+$0x0], $0xffff  }
0x338: {  	v27 =	vor.u32 v5, v25;
	_ =	sdelay $0x3  }
0x339: {  	[tilespmem:v26+s22+$0x0] =	vst.idx.msk $0xffff, v24  }
0x33a: {  	v26 =	vor.u32 v19, v23;
	v24 =	vld.idx.msk [tilespmem:v27+s18+$0x0], $0xffff  }
0x33b: {  	v27 =	vor.u32 v6, v25;
	_ =	sdelay $0x3  }
0x33c: {  	[tilespmem:v26+s22+$0x0] =	vst.idx.msk $0xffff, v24  }
0x33d: {  	v26 =	vor.u32 v20, v23;
	v24 =	vld.idx.msk [tilespmem:v27+s18+$0x0], $0xffff  }
0x33e: {  	v27 =	vor.u32 v7, v25;
	_ =	sdelay $0x3  }
0x33f: {  	[tilespmem:v26+s22+$0x0] =	vst.idx.msk $0xffff, v24  }
0x340: {  	v24 =	vld.idx.msk [tilespmem:v27+s18+$0x0], $0xffff  }
0x341: {  	v26 =	vor.u32 v21, v23;
	v27 =	vld [tilespmem:$0x1FB40]  }
0x342: {  	v25 =	vor.u32 v8, v25;
	_ =	sdelay $0x3  }
0x343: {  	v27 =	vor.u32 s29, v27;
	[tilespmem:v26+s22+$0x0] =	vst.idx.msk $0xffff, v24  }
0x344: {  	v23 =	vor.u32 v22, v23;
	v24 =	vld.idx.msk [tilespmem:v25+s18+$0x0], $0xffff;
	v25 =	vand.u32 $0x38, v27  }
0x345: {  	v26 =	vor.u32 v9, v25;
	_ =	sdelay $0x3  }
0x346: {  	[tilespmem:v23+s22+$0x0] =	vst.idx.msk $0xffff, v24;
	v23 =	vshll.u32 v27, $0x7  }
0x347: {  	v24 =	vld.idx.msk [tilespmem:v26+s18+$0x0], $0xffff;
	v26 =	vor.u32 v12, v23  }
0x348: {  	v27 =	vor.u32 v10, v25;
	_ =	sdelay $0x3  }
0x349: {  	[tilespmem:v26+s22+$0x0] =	vst.idx.msk $0xffff, v24  }
0x34a: {  	v26 =	vor.u32 v16, v23;
	v24 =	vld.idx.msk [tilespmem:v27+s18+$0x0], $0xffff  }
0x34b: {  	v27 =	vor.u32 v11, v25;
	_ =	sdelay $0x3  }
0x34c: {  	[tilespmem:v26+s22+$0x0] =	vst.idx.msk $0xffff, v24  }
0x34d: {  	v26 =	vor.u32 v17, v23;
	v24 =	vld.idx.msk [tilespmem:v27+s18+$0x0], $0xffff  }
0x34e: {  	v27 =	vor.u32 v13, v25;
	_ =	sdelay $0x3  }
0x34f: {  	[tilespmem:v26+s22+$0x0] =	vst.idx.msk $0xffff, v24  }
0x350: {  	v26 =	vor.u32 v18, v23;
	v24 =	vld.idx.msk [tilespmem:v27+s18+$0x0], $0xffff  }
0x351: {  	v27 =	vor.u32 v14, v25;
	_ =	sdelay $0x3  }
0x352: {  	[tilespmem:v26+s22+$0x0] =	vst.idx.msk $0xffff, v24  }
0x353: {  	v26 =	vor.u32 v19, v23;
	v24 =	vld.idx.msk [tilespmem:v27+s18+$0x0], $0xffff  }
0x354: {  	v27 =	vor.u32 v15, v25;
	_ =	sdelay $0x3  }
0x355: {  	[tilespmem:v26+s22+$0x0] =	vst.idx.msk $0xffff, v24  }
0x356: {  	v26 =	vor.u32 v20, v23;
	v24 =	vld.idx.msk [tilespmem:v27+s18+$0x0], $0xffff  }
0x357: {  	v27 =	vor.u32 v30, v25;
	_ =	sdelay $0x3  }
0x358: {  	[tilespmem:v26+s22+$0x0] =	vst.idx.msk $0xffff, v24  }
0x359: {  	v24 =	vld.idx.msk [tilespmem:v27+s18+$0x0], $0xffff  }
0x35a: {  	v26 =	vor.u32 v21, v23;
	v27 =	vld [tilespmem:$0x1FB50]  }
0x35b: {  	v25 =	vor.u32 v31, v25;
	_ =	sdelay $0x3  }
0x35c: {  	v27 =	vor.u32 s29, v27;
	[tilespmem:v26+s22+$0x0] =	vst.idx.msk $0xffff, v24  }
0x35d: {  	v23 =	vor.u32 v22, v23;
	v24 =	vld.idx.msk [tilespmem:v25+s18+$0x0], $0xffff;
	v25 =	vand.u32 $0x38, v27  }
0x35e: {  	v26 =	vor.u32 v32, v25;
	_ =	sdelay $0x3  }
0x35f: {  	[tilespmem:v23+s22+$0x0] =	vst.idx.msk $0xffff, v24;
	v23 =	vshll.u32 v27, $0x7  }
0x360: {  	v24 =	vld.idx.msk [tilespmem:v26+s18+$0x0], $0xffff;
	v26 =	vor.u32 v12, v23  }
0x361: {  	v27 =	vor.u32 v33, v25;
	_ =	sdelay $0x3  }
0x362: {  	[tilespmem:v26+s22+$0x0] =	vst.idx.msk $0xffff, v24  }
0x363: {  	v26 =	vor.u32 v16, v23;
	v24 =	vld.idx.msk [tilespmem:v27+s18+$0x0], $0xffff  }
0x364: {  	v27 =	vor.u32 v34, v25;
	_ =	sdelay $0x3  }
0x365: {  	[tilespmem:v26+s22+$0x0] =	vst.idx.msk $0xffff, v24  }
0x366: {  	v26 =	vor.u32 v17, v23;
	v24 =	vld.idx.msk [tilespmem:v27+s18+$0x0], $0xffff  }
0x367: {  	v27 =	vor.u32 v35, v25;
	_ =	sdelay $0x3  }
0x368: {  	[tilespmem:v26+s22+$0x0] =	vst.idx.msk $0xffff, v24  }
0x369: {  	v26 =	vor.u32 v18, v23;
	v24 =	vld.idx.msk [tilespmem:v27+s18+$0x0], $0xffff  }
0x36a: {  	v27 =	vor.u32 v36, v25;
	_ =	sdelay $0x3  }
0x36b: {  	[tilespmem:v26+s22+$0x0] =	vst.idx.msk $0xffff, v24  }
0x36c: {  	v26 =	vor.u32 v19, v23;
	v24 =	vld.idx.msk [tilespmem:v27+s18+$0x0], $0xffff  }
0x36d: {  	v27 =	vor.u32 v37, v25;
	_ =	sdelay $0x3  }
0x36e: {  	[tilespmem:v26+s22+$0x0] =	vst.idx.msk $0xffff, v24  }
0x36f: {  	v26 =	vor.u32 v20, v23;
	v24 =	vld.idx.msk [tilespmem:v27+s18+$0x0], $0xffff  }
0x370: {  	v27 =	vor.u32 v38, v25;
	_ =	sdelay $0x3  }
0x371: {  	[tilespmem:v26+s22+$0x0] =	vst.idx.msk $0xffff, v24  }
0x372: {  	v24 =	vld.idx.msk [tilespmem:v27+s18+$0x0], $0xffff  }
0x373: {  	v26 =	vor.u32 v21, v23;
	v27 =	vld [tilespmem:$0x1FB60]  }
0x374: {  	v25 =	vor.u32 v39, v25;
	_ =	sdelay $0x3  }
0x375: {  	v27 =	vor.u32 s29, v27;
	[tilespmem:v26+s22+$0x0] =	vst.idx.msk $0xffff, v24  }
0x376: {  	v23 =	vor.u32 v22, v23;
	v24 =	vld.idx.msk [tilespmem:v25+s18+$0x0], $0xffff;
	v25 =	vand.u32 $0x38, v27  }
0x377: {  	v26 =	vor.u32 v40, v25;
	_ =	sdelay $0x3  }
0x378: {  	[tilespmem:v23+s22+$0x0] =	vst.idx.msk $0xffff, v24;
	v23 =	vshll.u32 v27, $0x7  }
0x379: {  	v24 =	vld.idx.msk [tilespmem:v26+s18+$0x0], $0xffff;
	v26 =	vor.u32 v12, v23  }
0x37a: {  	v27 =	vor.u32 v41, v25;
	_ =	sdelay $0x3  }
0x37b: {  	[tilespmem:v26+s22+$0x0] =	vst.idx.msk $0xffff, v24  }
0x37c: {  	v26 =	vor.u32 v16, v23;
	v24 =	vld.idx.msk [tilespmem:v27+s18+$0x0], $0xffff  }
0x37d: {  	v27 =	vor.u32 v42, v25;
	_ =	sdelay $0x3  }
0x37e: {  	[tilespmem:v26+s22+$0x0] =	vst.idx.msk $0xffff, v24  }
0x37f: {  	v26 =	vor.u32 v17, v23;
	v24 =	vld.idx.msk [tilespmem:v27+s18+$0x0], $0xffff  }
0x380: {  	v27 =	vor.u32 v28, v25;
	_ =	sdelay $0x3  }
0x381: {  	[tilespmem:v26+s22+$0x0] =	vst.idx.msk $0xffff, v24  }
0x382: {  	v26 =	vor.u32 v18, v23;
	v24 =	vld.idx.msk [tilespmem:v27+s18+$0x0], $0xffff  }
0x383: {  	v27 =	vor.u32 v29, v25  }
0x384: {  	v54 =	vld [tilespmem:$0x1FEB0];
	_ =	sdelay $0x2  }
0x385: {  	[tilespmem:v26+s22+$0x0] =	vst.idx.msk $0xffff, v24  }
0x386: {  	v26 =	vor.u32 v19, v23;
	v24 =	vld.idx.msk [tilespmem:v27+s18+$0x0], $0xffff  }
0x387: {  	v27 =	vor.u32 v54, v25  }
0x388: {  	v55 =	vld [tilespmem:$0x1FEC0];
	_ =	sdelay $0x2  }
0x389: {  	[tilespmem:v26+s22+$0x0] =	vst.idx.msk $0xffff, v24  }
0x38a: {  	v26 =	vor.u32 v20, v23;
	v24 =	vld.idx.msk [tilespmem:v27+s18+$0x0], $0xffff  }
0x38b: {  	v27 =	vor.u32 v55, v25;
	_ =	sdelay $0x1  }
0x38c: {  	v56 =	vld [tilespmem:$0x1FED0];
	_ =	sdelay $0x1  }
0x38d: {  	[tilespmem:v26+s22+$0x0] =	vst.idx.msk $0xffff, v24  }
0x38e: {  	v24 =	vld.idx.msk [tilespmem:v27+s18+$0x0], $0xffff  }
0x38f: {  	v26 =	vor.u32 v21, v23;
	v27 =	vld [tilespmem:$0x1FB70]  }
0x390: {  	v25 =	vor.u32 v56, v25  }
0x391: {  	v57 =	vld [tilespmem:$0x1FEE0];
	_ =	sdelay $0x2  }
0x392: {  	v27 =	vor.u32 s29, v27;
	[tilespmem:v26+s22+$0x0] =	vst.idx.msk $0xffff, v24  }
0x393: {  	v23 =	vor.u32 v22, v23;
	v24 =	vld.idx.msk [tilespmem:v25+s18+$0x0], $0xffff;
	v25 =	vand.u32 $0x38, v27  }
0x394: {  	v26 =	vor.u32 v57, v25  }
0x395: {  	v58 =	vld [tilespmem:$0x1FEF0];
	_ =	sdelay $0x2  }
0x396: {  	[tilespmem:v23+s22+$0x0] =	vst.idx.msk $0xffff, v24;
	v23 =	vshll.u32 v27, $0x7  }
0x397: {  	v24 =	vld.idx.msk [tilespmem:v26+s18+$0x0], $0xffff;
	v26 =	vor.u32 v12, v23  }
0x398: {  	v27 =	vor.u32 v58, v25  }
0x399: {  	v59 =	vld [tilespmem:$0x1FF00];
	_ =	sdelay $0x2  }
0x39a: {  	[tilespmem:v26+s22+$0x0] =	vst.idx.msk $0xffff, v24  }
0x39b: {  	v26 =	vor.u32 v16, v23;
	v24 =	vld.idx.msk [tilespmem:v27+s18+$0x0], $0xffff  }
0x39c: {  	v27 =	vor.u32 v59, v25  }
0x39d: {  	v60 =	vld [tilespmem:$0x1FF10];
	_ =	sdelay $0x2  }
0x39e: {  	[tilespmem:v26+s22+$0x0] =	vst.idx.msk $0xffff, v24  }
0x39f: {  	v26 =	vor.u32 v17, v23;
	v24 =	vld.idx.msk [tilespmem:v27+s18+$0x0], $0xffff  }
0x3a0: {  	v27 =	vor.u32 v60, v25  }
0x3a1: {  	v61 =	vld [tilespmem:$0x1FF20];
	_ =	sdelay $0x2  }
0x3a2: {  	[tilespmem:v26+s22+$0x0] =	vst.idx.msk $0xffff, v24  }
0x3a3: {  	v26 =	vor.u32 v18, v23;
	v24 =	vld.idx.msk [tilespmem:v27+s18+$0x0], $0xffff  }
0x3a4: {  	v27 =	vor.u32 v61, v25  }
0x3a5: {  	v62 =	vld [tilespmem:$0x1FF30];
	_ =	sdelay $0x2  }
0x3a6: {  	[tilespmem:v26+s22+$0x0] =	vst.idx.msk $0xffff, v24  }
0x3a7: {  	v26 =	vor.u32 v19, v23;
	v24 =	vld.idx.msk [tilespmem:v27+s18+$0x0], $0xffff  }
0x3a8: {  	v27 =	vor.u32 v62, v25  }
0x3a9: {  	v63 =	vld [tilespmem:$0x1FF40];
	_ =	sdelay $0x2  }
0x3aa: {  	[tilespmem:v26+s22+$0x0] =	vst.idx.msk $0xffff, v24  }
0x3ab: {  	v26 =	vor.u32 v20, v23;
	v24 =	vld.idx.msk [tilespmem:v27+s18+$0x0], $0xffff  }
0x3ac: {  	v27 =	vor.u32 v63, v25;
	_ =	sdelay $0x3  }
0x3ad: {  	[tilespmem:v26+s22+$0x0] =	vst.idx.msk $0xffff, v24  }
0x3ae: {  	v26 =	vor.u32 v21, v23;
	v24 =	vld.idx.msk [tilespmem:v27+s18+$0x0], $0xffff  }
0x3af: {  	v25 =	vor.u32 v0, v25;
	_ =	sdelay $0x3  }
0x3b0: {  	[tilespmem:v26+s22+$0x0] =	vst.idx.msk $0xffff, v24  }
0x3b1: {  	p1 =	sne.s32 s29, $0x30;
	v23 =	vor.u32 v22, v23;
	v24 =	vld.idx.msk [tilespmem:v25+s18+$0x0], $0xffff  }
.Ltmp0:
0x3b2: {  	_ = 	snop;
	(pc) =	sbr.rel @p1 .LBB2_3-.Ltmp0, $2  }
0x3b3: {  	_ =	sdelay $0x2  }
0x3b4: {  	s29 =	sadd.s32 $0x10, s29;
	v26 =	vld [tilespmem:$0x1FFE0];
	[tilespmem:v23+s22+$0x0] =	vst.idx.msk $0xffff, v24  }
0x3b5: {  	s29 =	sshll.u32 s25, $0x13  }
0x3b6: {  	s29 =	sor.u32 s6, s29  }
0x3b7: {  	s29 =	sshrl.u32 s29, $0x3  }
0x3b8: {  	s30 =	sadd.s32 s2, s29  }
0x3b9: {  	[hbm4b:s30+s3] =	stream.linear.scatter [tilespmem:s22], [sflag:$0x3], $0x400, $0x38;
	[tilespmem:$0xE500] =	vst v63  }
0x3ba: {  	s5 =	simm.s32 $0xA900;
	s30 =	sadd.s32 s29, s7  }
0x3bb: {  	[hbm4b:s30+s3] =	stream.linear.scatter [tilespmem:s5], [sflag:$0x3], $0x400, $0x38;
	[tilespmem:$0xE500] =	vst v63  }
0x3bc: {  	s30 =	sadd.s32 s29, s8;
	s5 =	simm.s32 $0xAD00  }
0x3bd: {  	[hbm4b:s30+s3] =	stream.linear.scatter [tilespmem:s5], [sflag:$0x3], $0x400, $0x38;
	[tilespmem:$0xE500] =	vst v63  }
0x3be: {  	s30 =	sadd.s32 s29, s9;
	s5 =	simm.s32 $0xB100  }
0x3bf: {  	[hbm4b:s30+s3] =	stream.linear.scatter [tilespmem:s5], [sflag:$0x3], $0x400, $0x38;
	[tilespmem:$0xE500] =	vst v63  }
0x3c0: {  	s30 =	sadd.s32 s29, s10;
	s5 =	simm.s32 $0xB500  }
0x3c1: {  	[hbm4b:s30+s3] =	stream.linear.scatter [tilespmem:s5], [sflag:$0x3], $0x400, $0x38;
	[tilespmem:$0xE500] =	vst v63  }
0x3c2: {  	p1 =	sne.s32 s25, $0x63;
	s30 =	sadd.s32 s29, s11;
	s5 =	simm.s32 $0xB900  }
0x3c3: {  	[hbm4b:s30+s3] =	stream.linear.scatter [tilespmem:s5], [sflag:$0x3], $0x400, $0x38;
	[tilespmem:$0xE500] =	vst v63  }
.Ltmp1:
0x3c4: {  	_ = 	snop;
	(pc) =	sbr.rel @p1 .LBB2_6-.Ltmp1, $4  }
0x3c5: {  	s30 =	sadd.s32 s29, s12;
	s5 =	simm.s32 $0xBD00  }
0x3c6: {  	[hbm4b:s30+s3] =	stream.linear.scatter [tilespmem:s5], [sflag:$0x3], $0x400, $0x38;
	[tilespmem:$0xE500] =	vst v63  }
0x3c7: {  	s29 =	sadd.s32 s29, s13;
	s30 =	simm.s32 $0xC100  }
0x3c8: {  	[hbm4b:s29+s3] =	stream.linear.scatter [tilespmem:s30], [sflag:$0x3], $0x400, $0x38;
	[tilespmem:$0xE500] =	vst v63  }
.Ltmp2:
0x3c9: {  	(pc) =	sbr.rel .LBB2_7-.Ltmp2, $4  }
0x3ca: {  	_ = 	snop  }
0x3cb: {  	_ =	swait.ge [sflag:s31], $0x2000  }
0x3cc: {  	[sflag:s31] =	ssyncset.done $0x0  }
0x3cd: {  	[sflag:s31] =	ssyncadd.s32 $0xFFFFE000  }
.LBB2_6:
0x3ce: {  	v0 =	vld [tilespmem:$0x1FFC0];
	_ =	sdelay $0x3  }
0x3cf: {  	s29 =	sadd.s32 $0x2, s28  }
0x3d0: {  	v23 =	vmov s29;
	v24 =	vadd.s32 s29, v0  }
0x3d1: {  	v23 =	vand.u32 $0x6, v23;
	v24 =	vand.u32 $0x1FF8, v24  }
0x3d2: {  	v23 =	vor.u32 v23, v24;
	_ =	sdelay $0x2  }
0x3d3: {  	s30 =	sadd.s32 $0xC82, s28  }
0x3d4: {  	v25 =	vadd.s32 s30, v0;
	v24 =	vmov s30  }
0x3d5: {  	v25 =	vand.u32 $0x1FF8, v25;
	v24 =	vand.u32 $0x6, v24;
	v23 =	vld.idx.msk [tilespmem:v23+s3+$0x0], $0xffff  }
0x3d6: {  	v24 =	vor.u32 v24, v25;
	_ =	sdelay $0x2  }
0x3d7: {  	s5 =	sadd.s32 $0x1902, s28  }
0x3d8: {  	v25 =	vadd.s32 s5, v0;
	[tilespmem:$0x6400] =	vst v23;
	v23 =	vmov s5  }
0x3d9: {  	v25 =	vand.u32 $0x3FF8, v25;
	v24 =	vld.idx.msk [tilespmem:v24+s3+$0x0], $0xffff;
	v23 =	vand.u32 $0x6, v23  }
0x3da: {  	v23 =	vor.u32 v23, v25;
	_ =	sdelay $0x2  }
0x3db: {  	s30 =	sadd.s32 $0x2582, s28  }
0x3dc: {  	v25 =	vadd.s32 s30, v0;
	[tilespmem:$0x6410] =	vst v24;
	v24 =	vmov s30  }
0x3dd: {  	v25 =	vand.u32 $0x3FF8, v25;
	v23 =	vld.idx.msk [tilespmem:v23+s3+$0x0], $0xffff;
	v24 =	vand.u32 $0x6, v24  }
0x3de: {  	v24 =	vor.u32 v24, v25;
	_ =	sdelay $0x2  }
0x3df: {  	s5 =	sadd.s32 $0x3202, s28  }
0x3e0: {  	v25 =	vadd.s32 s5, v0;
	[tilespmem:$0x6420] =	vst v23;
	v23 =	vmov s5  }
0x3e1: {  	v25 =	vand.u32 $0x7FF8, v25;
	v24 =	vld.idx.msk [tilespmem:v24+s3+$0x0], $0xffff;
	v23 =	vand.u32 $0x6, v23  }
0x3e2: {  	v23 =	vor.u32 v23, v25;
	_ =	sdelay $0x2  }
0x3e3: {  	s30 =	sadd.s32 $0x3E82, s28  }
0x3e4: {  	v25 =	vadd.s32 s30, v0;
	[tilespmem:$0x6430] =	vst v24;
	v24 =	vmov s30  }
0x3e5: {  	v25 =	vand.u32 $0x7FF8, v25;
	v23 =	vld.idx.msk [tilespmem:v23+s3+$0x0], $0xffff;
	v24 =	vand.u32 $0x6, v24  }
0x3e6: {  	v24 =	vor.u32 v24, v25;
	_ =	sdelay $0x2  }
0x3e7: {  	s5 =	sadd.s32 $0x4B02, s28  }
0x3e8: {  	v25 =	vadd.s32 s5, v0;
	[tilespmem:$0x6440] =	vst v23;
	v23 =	vmov s5  }
0x3e9: {  	v25 =	vand.u32 $0x5FF8, v25;
	v24 =	vld.idx.msk [tilespmem:v24+s3+$0x0], $0xffff;
	v23 =	vand.u32 $0x6, v23  }
0x3ea: {  	v23 =	vor.u32 v23, v25;
	_ =	sdelay $0x2  }
0x3eb: {  	s29 =	sadd.s32 $0x5782, s28  }
0x3ec: {  	v25 =	vadd.s32 s29, v0;
	[tilespmem:$0x6450] =	vst v24;
	v24 =	vmov s29  }
0x3ed: {  	v25 =	vand.u32 $0x7FF8, v25;
	v23 =	vld.idx.msk [tilespmem:v23+s3+$0x0], $0xffff;
	v24 =	vand.u32 $0x6, v24  }
0x3ee: {  	v24 =	vor.u32 v24, v25;
	_ =	sdelay $0x3  }
0x3ef: {  	[tilespmem:$0x6460] =	vst v23  }
0x3f0: {  	v23 =	vld.idx.msk [tilespmem:v24+s3+$0x0], $0xffff;
	_ =	sdelay $0x4  }
.Ltmp3:
0x3f1: {  	s30 =	simm.s32 $0x6400;
	[tilespmem:$0x6470] =	vst v23;
	(pc) =	sbr.rel @p0 .LBB2_8-.Ltmp3, $4  }
0x3f2: {  	[tilespmem:s18], [sflag:$0x1] =	stream.indirect.gather [hbm4b:s4+s16], $0x40, s30, s16, $0xb8;
	[tilespmem:$0xE500] =	vst v63  }
0x3f3: {  	_ =	swait.ge [sflag:s31], $0x2000  }
0x3f4: {  	[sflag:s31] =	ssyncset.done $0x0  }
0x3f5: {  	[sflag:s31] =	ssyncadd.s32 $0xFFFFE000  }
.LBB2_7:
0x3f6: {  	_ =	swait.ge [sflag:s1], $0x400  }
0x3f7: {  	[sflag:s1] =	ssyncset.done $0x0  }
0x3f8: {  	[sflag:s1] =	ssyncadd.s32 $0xFFFFFC00  }
0x3f9: {  	_ =	swait.ge [sflag:s1], $0x400  }
0x3fa: {  	[sflag:s1] =	ssyncset.done $0x0  }
0x3fb: {  	[sflag:s1] =	ssyncadd.s32 $0xFFFFFC00  }
0x3fc: {  	_ =	swait.ge [sflag:s1], $0x400  }
0x3fd: {  	[sflag:s1] =	ssyncset.done $0x0  }
0x3fe: {  	[sflag:s1] =	ssyncadd.s32 $0xFFFFFC00  }
0x3ff: {  	_ =	swait.ge [sflag:s1], $0x400  }
0x400: {  	[sflag:s1] =	ssyncset.done $0x0  }
0x401: {  	[sflag:s1] =	ssyncadd.s32 $0xFFFFFC00  }
0x402: {  	_ =	swait.ge [sflag:s1], $0x400  }
0x403: {  	[sflag:s1] =	ssyncset.done $0x0  }
0x404: {  	[sflag:s1] =	ssyncadd.s32 $0xFFFFFC00  }
0x405: {  	_ =	swait.ge [sflag:s1], $0x400  }
0x406: {  	[sflag:s1] =	ssyncset.done $0x0  }
0x407: {  	[sflag:s1] =	ssyncadd.s32 $0xFFFFFC00  }
0x408: {  	_ =	swait.ge [sflag:s1], $0x400  }
0x409: {  	[sflag:s1] =	ssyncset.done $0x0  }
0x40a: {  	[sflag:s1] =	ssyncadd.s32 $0xFFFFFC00  }
0x40b: {  	_ =	swait.ge [sflag:s1], $0x400  }
0x40c: {  	[sflag:s1] =	ssyncset.done $0x0  }
0x40d: {  	[sflag:s1] =	ssyncadd.s32 $0xFFFFFC00  }
.LBB2_8:
0x40e: {  	s28 =	simm.s32 $0x0  }
.LBB2_9:
0x40f: {  	_ =	sdelay $0x1  }
0x410: {  	v23 =	vor.u32 s28, v12  }
0x411: {  	v24 =	vand.u32 $0x38, v23  }
0x412: {  	v25 =	vor.u32 v26, v24  }
0x413: {  	v0 =	vld [tilespmem:$0x1FFF0];
	_ =	sdelay $0x2  }
0x414: {  	v23 =	vshll.u32 v23, $0x7  }
0x415: {  	v26 =	vor.u32 v12, v23;
	v25 =	vld.idx.msk [tilespmem:v25+s20+$0x0], $0xffff  }
0x416: {  	v27 =	vor.u32 v0, v24  }
0x417: {  	v43 =	vld [tilespmem:$0x1FB80];
	_ =	sdelay $0x2  }
0x418: {  	[tilespmem:v26+s0+$0x0] =	vst.idx.msk $0xffff, v25  }
0x419: {  	v26 =	vor.u32 v16, v23;
	v25 =	vld.idx.msk [tilespmem:v27+s20+$0x0], $0xffff  }
0x41a: {  	v27 =	vor.u32 v43, v24  }
0x41b: {  	v44 =	vld [tilespmem:$0x1FB90];
	_ =	sdelay $0x2  }
0x41c: {  	[tilespmem:v26+s0+$0x0] =	vst.idx.msk $0xffff, v25  }
0x41d: {  	v26 =	vor.u32 v17, v23;
	v25 =	vld.idx.msk [tilespmem:v27+s20+$0x0], $0xffff  }
0x41e: {  	v27 =	vor.u32 v44, v24  }
0x41f: {  	v45 =	vld [tilespmem:$0x1FBA0];
	_ =	sdelay $0x2  }
0x420: {  	[tilespmem:v26+s0+$0x0] =	vst.idx.msk $0xffff, v25  }
0x421: {  	v26 =	vor.u32 v18, v23;
	v25 =	vld.idx.msk [tilespmem:v27+s20+$0x0], $0xffff  }
0x422: {  	v27 =	vor.u32 v45, v24  }
0x423: {  	v46 =	vld [tilespmem:$0x1FBB0];
	_ =	sdelay $0x2  }
0x424: {  	[tilespmem:v26+s0+$0x0] =	vst.idx.msk $0xffff, v25  }
0x425: {  	v26 =	vor.u32 v19, v23;
	v25 =	vld.idx.msk [tilespmem:v27+s20+$0x0], $0xffff  }
0x426: {  	v27 =	vor.u32 v46, v24  }
0x427: {  	v47 =	vld [tilespmem:$0x1FBC0];
	_ =	sdelay $0x2  }
0x428: {  	[tilespmem:v26+s0+$0x0] =	vst.idx.msk $0xffff, v25  }
0x429: {  	v26 =	vor.u32 v20, v23;
	v25 =	vld.idx.msk [tilespmem:v27+s20+$0x0], $0xffff  }
0x42a: {  	v27 =	vor.u32 v47, v24;
	_ =	sdelay $0x1  }
0x42b: {  	v48 =	vld [tilespmem:$0x1FBD0];
	_ =	sdelay $0x1  }
0x42c: {  	[tilespmem:v26+s0+$0x0] =	vst.idx.msk $0xffff, v25  }
0x42d: {  	v25 =	vld.idx.msk [tilespmem:v27+s20+$0x0], $0xffff  }
0x42e: {  	v26 =	vor.u32 v21, v23;
	v27 =	vld [tilespmem:$0x1FA90]  }
0x42f: {  	v24 =	vor.u32 v48, v24  }
0x430: {  	v49 =	vld [tilespmem:$0x1FBE0];
	_ =	sdelay $0x2  }
0x431: {  	v27 =	vor.u32 s28, v27;
	[tilespmem:v26+s0+$0x0] =	vst.idx.msk $0xffff, v25  }
0x432: {  	v23 =	vor.u32 v22, v23;
	v24 =	vld.idx.msk [tilespmem:v24+s20+$0x0], $0xffff;
	v25 =	vand.u32 $0x38, v27  }
0x433: {  	v26 =	vor.u32 v49, v25  }
0x434: {  	v50 =	vld [tilespmem:$0x1FBF0];
	_ =	sdelay $0x2  }
0x435: {  	[tilespmem:v23+s0+$0x0] =	vst.idx.msk $0xffff, v24;
	v23 =	vshll.u32 v27, $0x7  }
0x436: {  	v24 =	vld.idx.msk [tilespmem:v26+s20+$0x0], $0xffff;
	v26 =	vor.u32 v12, v23  }
0x437: {  	v27 =	vor.u32 v50, v25  }
0x438: {  	v51 =	vld [tilespmem:$0x1FC00];
	_ =	sdelay $0x2  }
0x439: {  	[tilespmem:v26+s0+$0x0] =	vst.idx.msk $0xffff, v24  }
0x43a: {  	v26 =	vor.u32 v16, v23;
	v24 =	vld.idx.msk [tilespmem:v27+s20+$0x0], $0xffff  }
0x43b: {  	v27 =	vor.u32 v51, v25  }
0x43c: {  	v52 =	vld [tilespmem:$0x1FC10];
	_ =	sdelay $0x2  }
0x43d: {  	[tilespmem:v26+s0+$0x0] =	vst.idx.msk $0xffff, v24  }
0x43e: {  	v26 =	vor.u32 v17, v23;
	v24 =	vld.idx.msk [tilespmem:v27+s20+$0x0], $0xffff  }
0x43f: {  	v27 =	vor.u32 v52, v25  }
0x440: {  	v53 =	vld [tilespmem:$0x1FC20];
	_ =	sdelay $0x2  }
0x441: {  	[tilespmem:v26+s0+$0x0] =	vst.idx.msk $0xffff, v24  }
0x442: {  	v26 =	vor.u32 v18, v23;
	v24 =	vld.idx.msk [tilespmem:v27+s20+$0x0], $0xffff  }
0x443: {  	v27 =	vor.u32 v53, v25  }
0x444: {  	v54 =	vld [tilespmem:$0x1FC30];
	_ =	sdelay $0x2  }
0x445: {  	[tilespmem:v26+s0+$0x0] =	vst.idx.msk $0xffff, v24  }
0x446: {  	v26 =	vor.u32 v19, v23;
	v24 =	vld.idx.msk [tilespmem:v27+s20+$0x0], $0xffff  }
0x447: {  	v27 =	vor.u32 v54, v25  }
0x448: {  	v55 =	vld [tilespmem:$0x1FC40];
	_ =	sdelay $0x2  }
0x449: {  	[tilespmem:v26+s0+$0x0] =	vst.idx.msk $0xffff, v24  }
0x44a: {  	v26 =	vor.u32 v20, v23;
	v24 =	vld.idx.msk [tilespmem:v27+s20+$0x0], $0xffff  }
0x44b: {  	v27 =	vor.u32 v55, v25;
	_ =	sdelay $0x1  }
0x44c: {  	v56 =	vld [tilespmem:$0x1FC50];
	_ =	sdelay $0x1  }
0x44d: {  	[tilespmem:v26+s0+$0x0] =	vst.idx.msk $0xffff, v24  }
0x44e: {  	v24 =	vld.idx.msk [tilespmem:v27+s20+$0x0], $0xffff  }
0x44f: {  	v26 =	vor.u32 v21, v23;
	v27 =	vld [tilespmem:$0x1FAA0]  }
0x450: {  	v25 =	vor.u32 v56, v25  }
0x451: {  	v57 =	vld [tilespmem:$0x1FC60];
	_ =	sdelay $0x2  }
0x452: {  	v27 =	vor.u32 s28, v27;
	[tilespmem:v26+s0+$0x0] =	vst.idx.msk $0xffff, v24  }
0x453: {  	v23 =	vor.u32 v22, v23;
	v24 =	vld.idx.msk [tilespmem:v25+s20+$0x0], $0xffff;
	v25 =	vand.u32 $0x38, v27  }
0x454: {  	v26 =	vor.u32 v57, v25  }
0x455: {  	v58 =	vld [tilespmem:$0x1FC70];
	_ =	sdelay $0x2  }
0x456: {  	[tilespmem:v23+s0+$0x0] =	vst.idx.msk $0xffff, v24;
	v23 =	vshll.u32 v27, $0x7  }
0x457: {  	v24 =	vld.idx.msk [tilespmem:v26+s20+$0x0], $0xffff;
	v26 =	vor.u32 v12, v23  }
0x458: {  	v27 =	vor.u32 v58, v25  }
0x459: {  	v59 =	vld [tilespmem:$0x1FC80];
	_ =	sdelay $0x2  }
0x45a: {  	[tilespmem:v26+s0+$0x0] =	vst.idx.msk $0xffff, v24  }
0x45b: {  	v26 =	vor.u32 v16, v23;
	v24 =	vld.idx.msk [tilespmem:v27+s20+$0x0], $0xffff  }
0x45c: {  	v27 =	vor.u32 v59, v25  }
0x45d: {  	v60 =	vld [tilespmem:$0x1FC90];
	_ =	sdelay $0x2  }
0x45e: {  	[tilespmem:v26+s0+$0x0] =	vst.idx.msk $0xffff, v24  }
0x45f: {  	v26 =	vor.u32 v17, v23;
	v24 =	vld.idx.msk [tilespmem:v27+s20+$0x0], $0xffff  }
0x460: {  	v27 =	vor.u32 v60, v25  }
0x461: {  	v61 =	vld [tilespmem:$0x1FCA0];
	_ =	sdelay $0x2  }
0x462: {  	[tilespmem:v26+s0+$0x0] =	vst.idx.msk $0xffff, v24  }
0x463: {  	v26 =	vor.u32 v18, v23;
	v24 =	vld.idx.msk [tilespmem:v27+s20+$0x0], $0xffff  }
0x464: {  	v27 =	vor.u32 v61, v25  }
0x465: {  	v62 =	vld [tilespmem:$0x1FCB0];
	_ =	sdelay $0x2  }
0x466: {  	[tilespmem:v26+s0+$0x0] =	vst.idx.msk $0xffff, v24  }
0x467: {  	v26 =	vor.u32 v19, v23;
	v24 =	vld.idx.msk [tilespmem:v27+s20+$0x0], $0xffff  }
0x468: {  	v27 =	vor.u32 v62, v25  }
0x469: {  	v63 =	vld [tilespmem:$0x1FCC0];
	_ =	sdelay $0x2  }
0x46a: {  	[tilespmem:v26+s0+$0x0] =	vst.idx.msk $0xffff, v24  }
0x46b: {  	v26 =	vor.u32 v20, v23;
	v24 =	vld.idx.msk [tilespmem:v27+s20+$0x0], $0xffff  }
0x46c: {  	v27 =	vor.u32 v63, v25;
	_ =	sdelay $0x1  }
0x46d: {  	v11 =	vld [tilespmem:$0x1FCD0];
	_ =	sdelay $0x1  }
0x46e: {  	[tilespmem:v26+s0+$0x0] =	vst.idx.msk $0xffff, v24  }
0x46f: {  	v24 =	vld.idx.msk [tilespmem:v27+s20+$0x0], $0xffff  }
0x470: {  	v26 =	vor.u32 v21, v23;
	v27 =	vld [tilespmem:$0x1FAB0]  }
0x471: {  	v25 =	vor.u32 v11, v25  }
0x472: {  	v1 =	vld [tilespmem:$0x1FCE0];
	_ =	sdelay $0x2  }
0x473: {  	v27 =	vor.u32 s28, v27;
	[tilespmem:v26+s0+$0x0] =	vst.idx.msk $0xffff, v24  }
0x474: {  	v23 =	vor.u32 v22, v23;
	v24 =	vld.idx.msk [tilespmem:v25+s20+$0x0], $0xffff;
	v25 =	vand.u32 $0x38, v27  }
0x475: {  	v26 =	vor.u32 v1, v25  }
0x476: {  	v2 =	vld [tilespmem:$0x1FCF0];
	_ =	sdelay $0x2  }
0x477: {  	[tilespmem:v23+s0+$0x0] =	vst.idx.msk $0xffff, v24;
	v23 =	vshll.u32 v27, $0x7  }
0x478: {  	v24 =	vld.idx.msk [tilespmem:v26+s20+$0x0], $0xffff;
	v26 =	vor.u32 v12, v23  }
0x479: {  	v27 =	vor.u32 v2, v25  }
0x47a: {  	v3 =	vld [tilespmem:$0x1FD00];
	_ =	sdelay $0x2  }
0x47b: {  	[tilespmem:v26+s0+$0x0] =	vst.idx.msk $0xffff, v24  }
0x47c: {  	v26 =	vor.u32 v16, v23;
	v24 =	vld.idx.msk [tilespmem:v27+s20+$0x0], $0xffff  }
0x47d: {  	v27 =	vor.u32 v3, v25  }
0x47e: {  	v4 =	vld [tilespmem:$0x1FD10];
	_ =	sdelay $0x2  }
0x47f: {  	[tilespmem:v26+s0+$0x0] =	vst.idx.msk $0xffff, v24  }
0x480: {  	v26 =	vor.u32 v17, v23;
	v24 =	vld.idx.msk [tilespmem:v27+s20+$0x0], $0xffff  }
0x481: {  	v27 =	vor.u32 v4, v25  }
0x482: {  	v5 =	vld [tilespmem:$0x1FD20];
	_ =	sdelay $0x2  }
0x483: {  	[tilespmem:v26+s0+$0x0] =	vst.idx.msk $0xffff, v24  }
0x484: {  	v26 =	vor.u32 v18, v23;
	v24 =	vld.idx.msk [tilespmem:v27+s20+$0x0], $0xffff  }
0x485: {  	v27 =	vor.u32 v5, v25  }
0x486: {  	v6 =	vld [tilespmem:$0x1FD30];
	_ =	sdelay $0x2  }
0x487: {  	[tilespmem:v26+s0+$0x0] =	vst.idx.msk $0xffff, v24  }
0x488: {  	v26 =	vor.u32 v19, v23;
	v24 =	vld.idx.msk [tilespmem:v27+s20+$0x0], $0xffff  }
0x489: {  	v27 =	vor.u32 v6, v25  }
0x48a: {  	v7 =	vld [tilespmem:$0x1FD40];
	_ =	sdelay $0x2  }
0x48b: {  	[tilespmem:v26+s0+$0x0] =	vst.idx.msk $0xffff, v24  }
0x48c: {  	v26 =	vor.u32 v20, v23;
	v24 =	vld.idx.msk [tilespmem:v27+s20+$0x0], $0xffff  }
0x48d: {  	v27 =	vor.u32 v7, v25;
	_ =	sdelay $0x1  }
0x48e: {  	v8 =	vld [tilespmem:$0x1FD50];
	_ =	sdelay $0x1  }
0x48f: {  	[tilespmem:v26+s0+$0x0] =	vst.idx.msk $0xffff, v24  }
0x490: {  	v24 =	vld.idx.msk [tilespmem:v27+s20+$0x0], $0xffff  }
0x491: {  	v26 =	vor.u32 v21, v23;
	v27 =	vld [tilespmem:$0x1FAC0]  }
0x492: {  	v25 =	vor.u32 v8, v25  }
0x493: {  	v9 =	vld [tilespmem:$0x1FD60];
	_ =	sdelay $0x2  }
0x494: {  	v27 =	vor.u32 s28, v27;
	[tilespmem:v26+s0+$0x0] =	vst.idx.msk $0xffff, v24  }
0x495: {  	v23 =	vor.u32 v22, v23;
	v24 =	vld.idx.msk [tilespmem:v25+s20+$0x0], $0xffff;
	v25 =	vand.u32 $0x38, v27  }
0x496: {  	v26 =	vor.u32 v9, v25  }
0x497: {  	v10 =	vld [tilespmem:$0x1FD70];
	_ =	sdelay $0x2  }
0x498: {  	[tilespmem:v23+s0+$0x0] =	vst.idx.msk $0xffff, v24;
	v23 =	vshll.u32 v27, $0x7  }
0x499: {  	v24 =	vld.idx.msk [tilespmem:v26+s20+$0x0], $0xffff;
	v26 =	vor.u32 v12, v23  }
0x49a: {  	v27 =	vor.u32 v10, v25  }
0x49b: {  	v11 =	vld [tilespmem:$0x1FD80];
	_ =	sdelay $0x2  }
0x49c: {  	[tilespmem:v26+s0+$0x0] =	vst.idx.msk $0xffff, v24  }
0x49d: {  	v26 =	vor.u32 v16, v23;
	v24 =	vld.idx.msk [tilespmem:v27+s20+$0x0], $0xffff  }
0x49e: {  	v27 =	vor.u32 v11, v25  }
0x49f: {  	v13 =	vld [tilespmem:$0x1FD90];
	_ =	sdelay $0x2  }
0x4a0: {  	[tilespmem:v26+s0+$0x0] =	vst.idx.msk $0xffff, v24  }
0x4a1: {  	v26 =	vor.u32 v17, v23;
	v24 =	vld.idx.msk [tilespmem:v27+s20+$0x0], $0xffff  }
0x4a2: {  	v27 =	vor.u32 v13, v25  }
0x4a3: {  	v14 =	vld [tilespmem:$0x1FDA0];
	_ =	sdelay $0x2  }
0x4a4: {  	[tilespmem:v26+s0+$0x0] =	vst.idx.msk $0xffff, v24  }
0x4a5: {  	v26 =	vor.u32 v18, v23;
	v24 =	vld.idx.msk [tilespmem:v27+s20+$0x0], $0xffff  }
0x4a6: {  	v27 =	vor.u32 v14, v25  }
0x4a7: {  	v15 =	vld [tilespmem:$0x1FDB0];
	_ =	sdelay $0x2  }
0x4a8: {  	[tilespmem:v26+s0+$0x0] =	vst.idx.msk $0xffff, v24  }
0x4a9: {  	v26 =	vor.u32 v19, v23;
	v24 =	vld.idx.msk [tilespmem:v27+s20+$0x0], $0xffff  }
0x4aa: {  	v27 =	vor.u32 v15, v25  }
0x4ab: {  	v30 =	vld [tilespmem:$0x1FDC0];
	_ =	sdelay $0x2  }
0x4ac: {  	[tilespmem:v26+s0+$0x0] =	vst.idx.msk $0xffff, v24  }
0x4ad: {  	v26 =	vor.u32 v20, v23;
	v24 =	vld.idx.msk [tilespmem:v27+s20+$0x0], $0xffff  }
0x4ae: {  	v27 =	vor.u32 v30, v25;
	_ =	sdelay $0x1  }
0x4af: {  	v31 =	vld [tilespmem:$0x1FDD0];
	_ =	sdelay $0x1  }
0x4b0: {  	[tilespmem:v26+s0+$0x0] =	vst.idx.msk $0xffff, v24  }
0x4b1: {  	v24 =	vld.idx.msk [tilespmem:v27+s20+$0x0], $0xffff  }
0x4b2: {  	v26 =	vor.u32 v21, v23;
	v27 =	vld [tilespmem:$0x1FAD0]  }
0x4b3: {  	v25 =	vor.u32 v31, v25  }
0x4b4: {  	v32 =	vld [tilespmem:$0x1FDE0];
	_ =	sdelay $0x2  }
0x4b5: {  	v27 =	vor.u32 s28, v27;
	[tilespmem:v26+s0+$0x0] =	vst.idx.msk $0xffff, v24  }
0x4b6: {  	v23 =	vor.u32 v22, v23;
	v24 =	vld.idx.msk [tilespmem:v25+s20+$0x0], $0xffff;
	v25 =	vand.u32 $0x38, v27  }
0x4b7: {  	v26 =	vor.u32 v32, v25  }
0x4b8: {  	v33 =	vld [tilespmem:$0x1FDF0];
	_ =	sdelay $0x2  }
0x4b9: {  	[tilespmem:v23+s0+$0x0] =	vst.idx.msk $0xffff, v24;
	v23 =	vshll.u32 v27, $0x7  }
0x4ba: {  	v24 =	vld.idx.msk [tilespmem:v26+s20+$0x0], $0xffff;
	v26 =	vor.u32 v12, v23  }
0x4bb: {  	v27 =	vor.u32 v33, v25  }
0x4bc: {  	v34 =	vld [tilespmem:$0x1FE00];
	_ =	sdelay $0x2  }
0x4bd: {  	[tilespmem:v26+s0+$0x0] =	vst.idx.msk $0xffff, v24  }
0x4be: {  	v26 =	vor.u32 v16, v23;
	v24 =	vld.idx.msk [tilespmem:v27+s20+$0x0], $0xffff  }
0x4bf: {  	v27 =	vor.u32 v34, v25  }
0x4c0: {  	v35 =	vld [tilespmem:$0x1FE10];
	_ =	sdelay $0x2  }
0x4c1: {  	[tilespmem:v26+s0+$0x0] =	vst.idx.msk $0xffff, v24  }
0x4c2: {  	v26 =	vor.u32 v17, v23;
	v24 =	vld.idx.msk [tilespmem:v27+s20+$0x0], $0xffff  }
0x4c3: {  	v27 =	vor.u32 v35, v25  }
0x4c4: {  	v36 =	vld [tilespmem:$0x1FE20];
	_ =	sdelay $0x2  }
0x4c5: {  	[tilespmem:v26+s0+$0x0] =	vst.idx.msk $0xffff, v24  }
0x4c6: {  	v26 =	vor.u32 v18, v23;
	v24 =	vld.idx.msk [tilespmem:v27+s20+$0x0], $0xffff  }
0x4c7: {  	v27 =	vor.u32 v36, v25  }
0x4c8: {  	v37 =	vld [tilespmem:$0x1FE30];
	_ =	sdelay $0x2  }
0x4c9: {  	[tilespmem:v26+s0+$0x0] =	vst.idx.msk $0xffff, v24  }
0x4ca: {  	v26 =	vor.u32 v19, v23;
	v24 =	vld.idx.msk [tilespmem:v27+s20+$0x0], $0xffff  }
0x4cb: {  	v27 =	vor.u32 v37, v25  }
0x4cc: {  	v38 =	vld [tilespmem:$0x1FE40];
	_ =	sdelay $0x2  }
0x4cd: {  	[tilespmem:v26+s0+$0x0] =	vst.idx.msk $0xffff, v24  }
0x4ce: {  	v26 =	vor.u32 v20, v23;
	v24 =	vld.idx.msk [tilespmem:v27+s20+$0x0], $0xffff  }
0x4cf: {  	v27 =	vor.u32 v38, v25;
	_ =	sdelay $0x1  }
0x4d0: {  	v39 =	vld [tilespmem:$0x1FE50];
	_ =	sdelay $0x1  }
0x4d1: {  	[tilespmem:v26+s0+$0x0] =	vst.idx.msk $0xffff, v24  }
0x4d2: {  	v24 =	vld.idx.msk [tilespmem:v27+s20+$0x0], $0xffff  }
0x4d3: {  	v26 =	vor.u32 v21, v23;
	v27 =	vld [tilespmem:$0x1FAE0]  }
0x4d4: {  	v25 =	vor.u32 v39, v25  }
0x4d5: {  	v40 =	vld [tilespmem:$0x1FE60];
	_ =	sdelay $0x2  }
0x4d6: {  	v27 =	vor.u32 s28, v27;
	[tilespmem:v26+s0+$0x0] =	vst.idx.msk $0xffff, v24  }
0x4d7: {  	v23 =	vor.u32 v22, v23;
	v24 =	vld.idx.msk [tilespmem:v25+s20+$0x0], $0xffff;
	v25 =	vand.u32 $0x38, v27  }
0x4d8: {  	v26 =	vor.u32 v40, v25  }
0x4d9: {  	v41 =	vld [tilespmem:$0x1FE70];
	_ =	sdelay $0x2  }
0x4da: {  	[tilespmem:v23+s0+$0x0] =	vst.idx.msk $0xffff, v24;
	v23 =	vshll.u32 v27, $0x7  }
0x4db: {  	v24 =	vld.idx.msk [tilespmem:v26+s20+$0x0], $0xffff;
	v26 =	vor.u32 v12, v23  }
0x4dc: {  	v27 =	vor.u32 v41, v25  }
0x4dd: {  	v42 =	vld [tilespmem:$0x1FE80];
	_ =	sdelay $0x2  }
0x4de: {  	[tilespmem:v26+s0+$0x0] =	vst.idx.msk $0xffff, v24  }
0x4df: {  	v26 =	vor.u32 v16, v23;
	v24 =	vld.idx.msk [tilespmem:v27+s20+$0x0], $0xffff  }
0x4e0: {  	v27 =	vor.u32 v42, v25  }
0x4e1: {  	v29 =	vld [tilespmem:$0x1FE90];
	_ =	sdelay $0x2  }
0x4e2: {  	[tilespmem:v26+s0+$0x0] =	vst.idx.msk $0xffff, v24  }
0x4e3: {  	v26 =	vor.u32 v17, v23;
	v24 =	vld.idx.msk [tilespmem:v27+s20+$0x0], $0xffff  }
0x4e4: {  	v27 =	vor.u32 v29, v25  }
0x4e5: {  	v28 =	vld [tilespmem:$0x1FEA0];
	_ =	sdelay $0x2  }
0x4e6: {  	[tilespmem:v26+s0+$0x0] =	vst.idx.msk $0xffff, v24  }
0x4e7: {  	v26 =	vor.u32 v18, v23;
	v24 =	vld.idx.msk [tilespmem:v27+s20+$0x0], $0xffff  }
0x4e8: {  	v27 =	vor.u32 v28, v25  }
0x4e9: {  	v28 =	vld [tilespmem:$0x1FEB0];
	_ =	sdelay $0x2  }
0x4ea: {  	[tilespmem:v26+s0+$0x0] =	vst.idx.msk $0xffff, v24  }
0x4eb: {  	v26 =	vor.u32 v19, v23;
	v24 =	vld.idx.msk [tilespmem:v27+s20+$0x0], $0xffff  }
0x4ec: {  	v27 =	vor.u32 v28, v25  }
0x4ed: {  	v0 =	vld [tilespmem:$0x1FEC0];
	_ =	sdelay $0x2  }
0x4ee: {  	[tilespmem:v26+s0+$0x0] =	vst.idx.msk $0xffff, v24  }
0x4ef: {  	v26 =	vor.u32 v20, v23;
	v24 =	vld.idx.msk [tilespmem:v27+s20+$0x0], $0xffff  }
0x4f0: {  	v27 =	vor.u32 v0, v25;
	_ =	sdelay $0x1  }
0x4f1: {  	v0 =	vld [tilespmem:$0x1FED0];
	_ =	sdelay $0x1  }
0x4f2: {  	[tilespmem:v26+s0+$0x0] =	vst.idx.msk $0xffff, v24  }
0x4f3: {  	v24 =	vld.idx.msk [tilespmem:v27+s20+$0x0], $0xffff  }
0x4f4: {  	v26 =	vor.u32 v21, v23;
	v27 =	vld [tilespmem:$0x1FAF0]  }
0x4f5: {  	v25 =	vor.u32 v0, v25  }
0x4f6: {  	v0 =	vld [tilespmem:$0x1FEE0];
	_ =	sdelay $0x2  }
0x4f7: {  	v27 =	vor.u32 s28, v27;
	[tilespmem:v26+s0+$0x0] =	vst.idx.msk $0xffff, v24  }
0x4f8: {  	v23 =	vor.u32 v22, v23;
	v24 =	vld.idx.msk [tilespmem:v25+s20+$0x0], $0xffff;
	v25 =	vand.u32 $0x38, v27  }
0x4f9: {  	v26 =	vor.u32 v0, v25  }
0x4fa: {  	v0 =	vld [tilespmem:$0x1FEF0];
	_ =	sdelay $0x2  }
0x4fb: {  	[tilespmem:v23+s0+$0x0] =	vst.idx.msk $0xffff, v24;
	v23 =	vshll.u32 v27, $0x7  }
0x4fc: {  	v24 =	vld.idx.msk [tilespmem:v26+s20+$0x0], $0xffff;
	v26 =	vor.u32 v12, v23  }
0x4fd: {  	v27 =	vor.u32 v0, v25  }
0x4fe: {  	v0 =	vld [tilespmem:$0x1FF00];
	_ =	sdelay $0x2  }
0x4ff: {  	[tilespmem:v26+s0+$0x0] =	vst.idx.msk $0xffff, v24  }
0x500: {  	v26 =	vor.u32 v16, v23;
	v24 =	vld.idx.msk [tilespmem:v27+s20+$0x0], $0xffff  }
0x501: {  	v27 =	vor.u32 v0, v25  }
0x502: {  	v0 =	vld [tilespmem:$0x1FF10];
	_ =	sdelay $0x2  }
0x503: {  	[tilespmem:v26+s0+$0x0] =	vst.idx.msk $0xffff, v24  }
0x504: {  	v26 =	vor.u32 v17, v23;
	v24 =	vld.idx.msk [tilespmem:v27+s20+$0x0], $0xffff  }
0x505: {  	v27 =	vor.u32 v0, v25  }
0x506: {  	v0 =	vld [tilespmem:$0x1FF20];
	_ =	sdelay $0x2  }
0x507: {  	[tilespmem:v26+s0+$0x0] =	vst.idx.msk $0xffff, v24  }
0x508: {  	v26 =	vor.u32 v18, v23;
	v24 =	vld.idx.msk [tilespmem:v27+s20+$0x0], $0xffff  }
0x509: {  	v27 =	vor.u32 v0, v25  }
0x50a: {  	v0 =	vld [tilespmem:$0x1FF30];
	_ =	sdelay $0x2  }
0x50b: {  	[tilespmem:v26+s0+$0x0] =	vst.idx.msk $0xffff, v24  }
0x50c: {  	v26 =	vor.u32 v19, v23;
	v24 =	vld.idx.msk [tilespmem:v27+s20+$0x0], $0xffff  }
0x50d: {  	v27 =	vor.u32 v0, v25  }
0x50e: {  	v0 =	vld [tilespmem:$0x1FF40];
	_ =	sdelay $0x2  }
0x50f: {  	[tilespmem:v26+s0+$0x0] =	vst.idx.msk $0xffff, v24  }
0x510: {  	v26 =	vor.u32 v20, v23;
	v24 =	vld.idx.msk [tilespmem:v27+s20+$0x0], $0xffff  }
0x511: {  	v27 =	vor.u32 v0, v25  }
0x512: {  	v0 =	vld [tilespmem:$0x1FF50];
	_ =	sdelay $0x2  }
0x513: {  	[tilespmem:v26+s0+$0x0] =	vst.idx.msk $0xffff, v24  }
0x514: {  	v26 =	vor.u32 v21, v23;
	v24 =	vld.idx.msk [tilespmem:v27+s20+$0x0], $0xffff  }
0x515: {  	v25 =	vor.u32 v0, v25;
	_ =	sdelay $0x1  }
0x516: {  	v27 =	vld [tilespmem:$0x1FB00];
	_ =	sdelay $0x1  }
0x517: {  	[tilespmem:v26+s0+$0x0] =	vst.idx.msk $0xffff, v24;
	v26 =	vld [tilespmem:$0x1FFE0]  }
0x518: {  	v23 =	vor.u32 v22, v23;
	v24 =	vld.idx.msk [tilespmem:v25+s20+$0x0], $0xffff;
	_ =	sdelay $0x1  }
0x519: {  	v27 =	vor.u32 s28, v27  }
0x51a: {  	v25 =	vand.u32 $0x38, v27  }
0x51b: {  	v26 =	vor.u32 v26, v25  }
0x51c: {  	[tilespmem:v23+s0+$0x0] =	vst.idx.msk $0xffff, v24;
	v23 =	vshll.u32 v27, $0x7;
	v27 =	vld [tilespmem:$0x1FFF0];
	_ =	sdelay $0x3  }
0x51d: {  	v24 =	vld.idx.msk [tilespmem:v26+s20+$0x0], $0xffff;
	v26 =	vor.u32 v12, v23  }
0x51e: {  	v27 =	vor.u32 v27, v25;
	_ =	sdelay $0x3  }
0x51f: {  	[tilespmem:v26+s0+$0x0] =	vst.idx.msk $0xffff, v24  }
0x520: {  	v26 =	vor.u32 v16, v23;
	v24 =	vld.idx.msk [tilespmem:v27+s20+$0x0], $0xffff  }
0x521: {  	v27 =	vor.u32 v43, v25;
	_ =	sdelay $0x3  }
0x522: {  	[tilespmem:v26+s0+$0x0] =	vst.idx.msk $0xffff, v24  }
0x523: {  	v26 =	vor.u32 v17, v23;
	v24 =	vld.idx.msk [tilespmem:v27+s20+$0x0], $0xffff  }
0x524: {  	v27 =	vor.u32 v44, v25;
	_ =	sdelay $0x3  }
0x525: {  	[tilespmem:v26+s0+$0x0] =	vst.idx.msk $0xffff, v24  }
0x526: {  	v26 =	vor.u32 v18, v23;
	v24 =	vld.idx.msk [tilespmem:v27+s20+$0x0], $0xffff  }
0x527: {  	v27 =	vor.u32 v45, v25;
	_ =	sdelay $0x3  }
0x528: {  	[tilespmem:v26+s0+$0x0] =	vst.idx.msk $0xffff, v24  }
0x529: {  	v26 =	vor.u32 v19, v23;
	v24 =	vld.idx.msk [tilespmem:v27+s20+$0x0], $0xffff  }
0x52a: {  	v27 =	vor.u32 v46, v25;
	_ =	sdelay $0x3  }
0x52b: {  	[tilespmem:v26+s0+$0x0] =	vst.idx.msk $0xffff, v24  }
0x52c: {  	v26 =	vor.u32 v20, v23;
	v24 =	vld.idx.msk [tilespmem:v27+s20+$0x0], $0xffff  }
0x52d: {  	v27 =	vor.u32 v47, v25;
	_ =	sdelay $0x3  }
0x52e: {  	[tilespmem:v26+s0+$0x0] =	vst.idx.msk $0xffff, v24  }
0x52f: {  	v24 =	vld.idx.msk [tilespmem:v27+s20+$0x0], $0xffff  }
0x530: {  	v26 =	vor.u32 v21, v23;
	v27 =	vld [tilespmem:$0x1FB10]  }
0x531: {  	v25 =	vor.u32 v48, v25;
	_ =	sdelay $0x3  }
0x532: {  	v27 =	vor.u32 s28, v27;
	[tilespmem:v26+s0+$0x0] =	vst.idx.msk $0xffff, v24  }
0x533: {  	v23 =	vor.u32 v22, v23;
	v24 =	vld.idx.msk [tilespmem:v25+s20+$0x0], $0xffff;
	v25 =	vand.u32 $0x38, v27  }
0x534: {  	v26 =	vor.u32 v49, v25;
	_ =	sdelay $0x3  }
0x535: {  	[tilespmem:v23+s0+$0x0] =	vst.idx.msk $0xffff, v24;
	v23 =	vshll.u32 v27, $0x7  }
0x536: {  	v24 =	vld.idx.msk [tilespmem:v26+s20+$0x0], $0xffff;
	v26 =	vor.u32 v12, v23  }
0x537: {  	v27 =	vor.u32 v50, v25;
	_ =	sdelay $0x3  }
0x538: {  	[tilespmem:v26+s0+$0x0] =	vst.idx.msk $0xffff, v24  }
0x539: {  	v26 =	vor.u32 v16, v23;
	v24 =	vld.idx.msk [tilespmem:v27+s20+$0x0], $0xffff  }
0x53a: {  	v27 =	vor.u32 v51, v25;
	_ =	sdelay $0x3  }
0x53b: {  	[tilespmem:v26+s0+$0x0] =	vst.idx.msk $0xffff, v24  }
0x53c: {  	v26 =	vor.u32 v17, v23;
	v24 =	vld.idx.msk [tilespmem:v27+s20+$0x0], $0xffff  }
0x53d: {  	v27 =	vor.u32 v52, v25;
	_ =	sdelay $0x3  }
0x53e: {  	[tilespmem:v26+s0+$0x0] =	vst.idx.msk $0xffff, v24  }
0x53f: {  	v26 =	vor.u32 v18, v23;
	v24 =	vld.idx.msk [tilespmem:v27+s20+$0x0], $0xffff  }
0x540: {  	v27 =	vor.u32 v53, v25;
	_ =	sdelay $0x3  }
0x541: {  	[tilespmem:v26+s0+$0x0] =	vst.idx.msk $0xffff, v24  }
0x542: {  	v26 =	vor.u32 v19, v23;
	v24 =	vld.idx.msk [tilespmem:v27+s20+$0x0], $0xffff  }
0x543: {  	v27 =	vor.u32 v54, v25;
	_ =	sdelay $0x3  }
0x544: {  	[tilespmem:v26+s0+$0x0] =	vst.idx.msk $0xffff, v24  }
0x545: {  	v26 =	vor.u32 v20, v23;
	v24 =	vld.idx.msk [tilespmem:v27+s20+$0x0], $0xffff  }
0x546: {  	v27 =	vor.u32 v55, v25;
	_ =	sdelay $0x3  }
0x547: {  	[tilespmem:v26+s0+$0x0] =	vst.idx.msk $0xffff, v24  }
0x548: {  	v24 =	vld.idx.msk [tilespmem:v27+s20+$0x0], $0xffff  }
0x549: {  	v26 =	vor.u32 v21, v23;
	v27 =	vld [tilespmem:$0x1FB20]  }
0x54a: {  	v25 =	vor.u32 v56, v25;
	_ =	sdelay $0x3  }
0x54b: {  	v27 =	vor.u32 s28, v27;
	[tilespmem:v26+s0+$0x0] =	vst.idx.msk $0xffff, v24  }
0x54c: {  	v23 =	vor.u32 v22, v23;
	v24 =	vld.idx.msk [tilespmem:v25+s20+$0x0], $0xffff;
	v25 =	vand.u32 $0x38, v27  }
0x54d: {  	v26 =	vor.u32 v57, v25;
	_ =	sdelay $0x3  }
0x54e: {  	[tilespmem:v23+s0+$0x0] =	vst.idx.msk $0xffff, v24;
	v23 =	vshll.u32 v27, $0x7  }
0x54f: {  	v24 =	vld.idx.msk [tilespmem:v26+s20+$0x0], $0xffff;
	v26 =	vor.u32 v12, v23  }
0x550: {  	v27 =	vor.u32 v58, v25;
	_ =	sdelay $0x3  }
0x551: {  	[tilespmem:v26+s0+$0x0] =	vst.idx.msk $0xffff, v24  }
0x552: {  	v26 =	vor.u32 v16, v23;
	v24 =	vld.idx.msk [tilespmem:v27+s20+$0x0], $0xffff  }
0x553: {  	v27 =	vor.u32 v59, v25;
	_ =	sdelay $0x3  }
0x554: {  	[tilespmem:v26+s0+$0x0] =	vst.idx.msk $0xffff, v24  }
0x555: {  	v26 =	vor.u32 v17, v23;
	v24 =	vld.idx.msk [tilespmem:v27+s20+$0x0], $0xffff  }
0x556: {  	v27 =	vor.u32 v60, v25;
	_ =	sdelay $0x3  }
0x557: {  	[tilespmem:v26+s0+$0x0] =	vst.idx.msk $0xffff, v24  }
0x558: {  	v26 =	vor.u32 v18, v23;
	v24 =	vld.idx.msk [tilespmem:v27+s20+$0x0], $0xffff  }
0x559: {  	v27 =	vor.u32 v61, v25;
	_ =	sdelay $0x3  }
0x55a: {  	[tilespmem:v26+s0+$0x0] =	vst.idx.msk $0xffff, v24  }
0x55b: {  	v26 =	vor.u32 v19, v23;
	v24 =	vld.idx.msk [tilespmem:v27+s20+$0x0], $0xffff  }
0x55c: {  	v27 =	vor.u32 v62, v25;
	_ =	sdelay $0x3  }
0x55d: {  	[tilespmem:v26+s0+$0x0] =	vst.idx.msk $0xffff, v24  }
0x55e: {  	v26 =	vor.u32 v20, v23;
	v24 =	vld.idx.msk [tilespmem:v27+s20+$0x0], $0xffff  }
0x55f: {  	v27 =	vor.u32 v63, v25;
	_ =	sdelay $0x3  }
0x560: {  	[tilespmem:v26+s0+$0x0] =	vst.idx.msk $0xffff, v24  }
0x561: {  	v24 =	vld.idx.msk [tilespmem:v27+s20+$0x0], $0xffff  }
0x562: {  	v27 =	vld [tilespmem:$0x1FCD0];
	_ =	sdelay $0x4  }
0x563: {  	v26 =	vor.u32 v21, v23;
	v25 =	vor.u32 v27, v25;
	v27 =	vld [tilespmem:$0x1FB30];
	_ =	sdelay $0x4  }
0x564: {  	[tilespmem:v26+s0+$0x0] =	vst.idx.msk $0xffff, v24;
	v27 =	vor.u32 s28, v27  }
0x565: {  	v23 =	vor.u32 v22, v23;
	v24 =	vld.idx.msk [tilespmem:v25+s20+$0x0], $0xffff;
	v25 =	vand.u32 $0x38, v27  }
0x566: {  	v26 =	vor.u32 v1, v25;
	_ =	sdelay $0x3  }
0x567: {  	[tilespmem:v23+s0+$0x0] =	vst.idx.msk $0xffff, v24;
	v23 =	vshll.u32 v27, $0x7  }
0x568: {  	v24 =	vld.idx.msk [tilespmem:v26+s20+$0x0], $0xffff;
	v26 =	vor.u32 v12, v23  }
0x569: {  	v27 =	vor.u32 v2, v25;
	_ =	sdelay $0x3  }
0x56a: {  	[tilespmem:v26+s0+$0x0] =	vst.idx.msk $0xffff, v24  }
0x56b: {  	v26 =	vor.u32 v16, v23;
	v24 =	vld.idx.msk [tilespmem:v27+s20+$0x0], $0xffff  }
0x56c: {  	v27 =	vor.u32 v3, v25;
	_ =	sdelay $0x3  }
0x56d: {  	[tilespmem:v26+s0+$0x0] =	vst.idx.msk $0xffff, v24  }
0x56e: {  	v26 =	vor.u32 v17, v23;
	v24 =	vld.idx.msk [tilespmem:v27+s20+$0x0], $0xffff  }
0x56f: {  	v27 =	vor.u32 v4, v25;
	_ =	sdelay $0x3  }
0x570: {  	[tilespmem:v26+s0+$0x0] =	vst.idx.msk $0xffff, v24  }
0x571: {  	v26 =	vor.u32 v18, v23;
	v24 =	vld.idx.msk [tilespmem:v27+s20+$0x0], $0xffff  }
0x572: {  	v27 =	vor.u32 v5, v25;
	_ =	sdelay $0x3  }
0x573: {  	[tilespmem:v26+s0+$0x0] =	vst.idx.msk $0xffff, v24  }
0x574: {  	v26 =	vor.u32 v19, v23;
	v24 =	vld.idx.msk [tilespmem:v27+s20+$0x0], $0xffff  }
0x575: {  	v27 =	vor.u32 v6, v25;
	_ =	sdelay $0x3  }
0x576: {  	[tilespmem:v26+s0+$0x0] =	vst.idx.msk $0xffff, v24  }
0x577: {  	v26 =	vor.u32 v20, v23;
	v24 =	vld.idx.msk [tilespmem:v27+s20+$0x0], $0xffff  }
0x578: {  	v27 =	vor.u32 v7, v25;
	_ =	sdelay $0x3  }
0x579: {  	[tilespmem:v26+s0+$0x0] =	vst.idx.msk $0xffff, v24  }
0x57a: {  	v24 =	vld.idx.msk [tilespmem:v27+s20+$0x0], $0xffff  }
0x57b: {  	v26 =	vor.u32 v21, v23;
	v27 =	vld [tilespmem:$0x1FB40]  }
0x57c: {  	v25 =	vor.u32 v8, v25;
	_ =	sdelay $0x3  }
0x57d: {  	v27 =	vor.u32 s28, v27;
	[tilespmem:v26+s0+$0x0] =	vst.idx.msk $0xffff, v24  }
0x57e: {  	v23 =	vor.u32 v22, v23;
	v24 =	vld.idx.msk [tilespmem:v25+s20+$0x0], $0xffff;
	v25 =	vand.u32 $0x38, v27  }
0x57f: {  	v26 =	vor.u32 v9, v25;
	_ =	sdelay $0x3  }
0x580: {  	[tilespmem:v23+s0+$0x0] =	vst.idx.msk $0xffff, v24;
	v23 =	vshll.u32 v27, $0x7  }
0x581: {  	v24 =	vld.idx.msk [tilespmem:v26+s20+$0x0], $0xffff;
	v26 =	vor.u32 v12, v23  }
0x582: {  	v27 =	vor.u32 v10, v25;
	_ =	sdelay $0x3  }
0x583: {  	[tilespmem:v26+s0+$0x0] =	vst.idx.msk $0xffff, v24  }
0x584: {  	v26 =	vor.u32 v16, v23;
	v24 =	vld.idx.msk [tilespmem:v27+s20+$0x0], $0xffff  }
0x585: {  	v27 =	vor.u32 v11, v25;
	_ =	sdelay $0x3  }
0x586: {  	[tilespmem:v26+s0+$0x0] =	vst.idx.msk $0xffff, v24  }
0x587: {  	v26 =	vor.u32 v17, v23;
	v24 =	vld.idx.msk [tilespmem:v27+s20+$0x0], $0xffff  }
0x588: {  	v27 =	vor.u32 v13, v25;
	_ =	sdelay $0x3  }
0x589: {  	[tilespmem:v26+s0+$0x0] =	vst.idx.msk $0xffff, v24  }
0x58a: {  	v26 =	vor.u32 v18, v23;
	v24 =	vld.idx.msk [tilespmem:v27+s20+$0x0], $0xffff  }
0x58b: {  	v27 =	vor.u32 v14, v25;
	_ =	sdelay $0x3  }
0x58c: {  	[tilespmem:v26+s0+$0x0] =	vst.idx.msk $0xffff, v24  }
0x58d: {  	v26 =	vor.u32 v19, v23;
	v24 =	vld.idx.msk [tilespmem:v27+s20+$0x0], $0xffff  }
0x58e: {  	v27 =	vor.u32 v15, v25;
	_ =	sdelay $0x3  }
0x58f: {  	[tilespmem:v26+s0+$0x0] =	vst.idx.msk $0xffff, v24  }
0x590: {  	v26 =	vor.u32 v20, v23;
	v24 =	vld.idx.msk [tilespmem:v27+s20+$0x0], $0xffff  }
0x591: {  	v27 =	vor.u32 v30, v25;
	_ =	sdelay $0x3  }
0x592: {  	[tilespmem:v26+s0+$0x0] =	vst.idx.msk $0xffff, v24  }
0x593: {  	v24 =	vld.idx.msk [tilespmem:v27+s20+$0x0], $0xffff  }
0x594: {  	v26 =	vor.u32 v21, v23;
	v27 =	vld [tilespmem:$0x1FB50]  }
0x595: {  	v25 =	vor.u32 v31, v25;
	_ =	sdelay $0x3  }
0x596: {  	v27 =	vor.u32 s28, v27;
	[tilespmem:v26+s0+$0x0] =	vst.idx.msk $0xffff, v24  }
0x597: {  	v23 =	vor.u32 v22, v23;
	v24 =	vld.idx.msk [tilespmem:v25+s20+$0x0], $0xffff;
	v25 =	vand.u32 $0x38, v27  }
0x598: {  	v26 =	vor.u32 v32, v25;
	_ =	sdelay $0x3  }
0x599: {  	[tilespmem:v23+s0+$0x0] =	vst.idx.msk $0xffff, v24;
	v23 =	vshll.u32 v27, $0x7  }
0x59a: {  	v24 =	vld.idx.msk [tilespmem:v26+s20+$0x0], $0xffff;
	v26 =	vor.u32 v12, v23  }
0x59b: {  	v27 =	vor.u32 v33, v25;
	_ =	sdelay $0x3  }
0x59c: {  	[tilespmem:v26+s0+$0x0] =	vst.idx.msk $0xffff, v24  }
0x59d: {  	v26 =	vor.u32 v16, v23;
	v24 =	vld.idx.msk [tilespmem:v27+s20+$0x0], $0xffff  }
0x59e: {  	v27 =	vor.u32 v34, v25;
	_ =	sdelay $0x3  }
0x59f: {  	[tilespmem:v26+s0+$0x0] =	vst.idx.msk $0xffff, v24  }
0x5a0: {  	v26 =	vor.u32 v17, v23;
	v24 =	vld.idx.msk [tilespmem:v27+s20+$0x0], $0xffff  }
0x5a1: {  	v27 =	vor.u32 v35, v25;
	_ =	sdelay $0x3  }
0x5a2: {  	[tilespmem:v26+s0+$0x0] =	vst.idx.msk $0xffff, v24  }
0x5a3: {  	v26 =	vor.u32 v18, v23;
	v24 =	vld.idx.msk [tilespmem:v27+s20+$0x0], $0xffff  }
0x5a4: {  	v27 =	vor.u32 v36, v25;
	_ =	sdelay $0x3  }
0x5a5: {  	[tilespmem:v26+s0+$0x0] =	vst.idx.msk $0xffff, v24  }
0x5a6: {  	v26 =	vor.u32 v19, v23;
	v24 =	vld.idx.msk [tilespmem:v27+s20+$0x0], $0xffff  }
0x5a7: {  	v27 =	vor.u32 v37, v25;
	_ =	sdelay $0x3  }
0x5a8: {  	[tilespmem:v26+s0+$0x0] =	vst.idx.msk $0xffff, v24  }
0x5a9: {  	v26 =	vor.u32 v20, v23;
	v24 =	vld.idx.msk [tilespmem:v27+s20+$0x0], $0xffff  }
0x5aa: {  	v27 =	vor.u32 v38, v25;
	_ =	sdelay $0x3  }
0x5ab: {  	[tilespmem:v26+s0+$0x0] =	vst.idx.msk $0xffff, v24  }
0x5ac: {  	v24 =	vld.idx.msk [tilespmem:v27+s20+$0x0], $0xffff  }
0x5ad: {  	v26 =	vor.u32 v21, v23;
	v27 =	vld [tilespmem:$0x1FB60]  }
0x5ae: {  	v25 =	vor.u32 v39, v25;
	_ =	sdelay $0x3  }
0x5af: {  	v27 =	vor.u32 s28, v27;
	[tilespmem:v26+s0+$0x0] =	vst.idx.msk $0xffff, v24  }
0x5b0: {  	v23 =	vor.u32 v22, v23;
	v24 =	vld.idx.msk [tilespmem:v25+s20+$0x0], $0xffff;
	v25 =	vand.u32 $0x38, v27  }
0x5b1: {  	v26 =	vor.u32 v40, v25;
	_ =	sdelay $0x3  }
0x5b2: {  	[tilespmem:v23+s0+$0x0] =	vst.idx.msk $0xffff, v24;
	v23 =	vshll.u32 v27, $0x7  }
0x5b3: {  	v24 =	vld.idx.msk [tilespmem:v26+s20+$0x0], $0xffff;
	v26 =	vor.u32 v12, v23  }
0x5b4: {  	v27 =	vor.u32 v41, v25;
	_ =	sdelay $0x3  }
0x5b5: {  	[tilespmem:v26+s0+$0x0] =	vst.idx.msk $0xffff, v24  }
0x5b6: {  	v26 =	vor.u32 v16, v23;
	v24 =	vld.idx.msk [tilespmem:v27+s20+$0x0], $0xffff  }
0x5b7: {  	v27 =	vor.u32 v42, v25;
	_ =	sdelay $0x3  }
0x5b8: {  	[tilespmem:v26+s0+$0x0] =	vst.idx.msk $0xffff, v24  }
0x5b9: {  	v26 =	vor.u32 v17, v23;
	v24 =	vld.idx.msk [tilespmem:v27+s20+$0x0], $0xffff  }
0x5ba: {  	v27 =	vor.u32 v29, v25  }
0x5bb: {  	v54 =	vld [tilespmem:$0x1FEA0];
	_ =	sdelay $0x2  }
0x5bc: {  	[tilespmem:v26+s0+$0x0] =	vst.idx.msk $0xffff, v24  }
0x5bd: {  	v26 =	vor.u32 v18, v23;
	v24 =	vld.idx.msk [tilespmem:v27+s20+$0x0], $0xffff  }
0x5be: {  	v27 =	vor.u32 v54, v25;
	_ =	sdelay $0x3  }
0x5bf: {  	[tilespmem:v26+s0+$0x0] =	vst.idx.msk $0xffff, v24  }
0x5c0: {  	v26 =	vor.u32 v19, v23;
	v24 =	vld.idx.msk [tilespmem:v27+s20+$0x0], $0xffff  }
0x5c1: {  	v27 =	vor.u32 v28, v25  }
0x5c2: {  	v55 =	vld [tilespmem:$0x1FEC0];
	_ =	sdelay $0x2  }
0x5c3: {  	[tilespmem:v26+s0+$0x0] =	vst.idx.msk $0xffff, v24  }
0x5c4: {  	v26 =	vor.u32 v20, v23;
	v24 =	vld.idx.msk [tilespmem:v27+s20+$0x0], $0xffff  }
0x5c5: {  	v27 =	vor.u32 v55, v25;
	_ =	sdelay $0x1  }
0x5c6: {  	v56 =	vld [tilespmem:$0x1FED0];
	_ =	sdelay $0x1  }
0x5c7: {  	[tilespmem:v26+s0+$0x0] =	vst.idx.msk $0xffff, v24  }
0x5c8: {  	v24 =	vld.idx.msk [tilespmem:v27+s20+$0x0], $0xffff  }
0x5c9: {  	v26 =	vor.u32 v21, v23;
	v27 =	vld [tilespmem:$0x1FB70]  }
0x5ca: {  	v25 =	vor.u32 v56, v25  }
0x5cb: {  	v57 =	vld [tilespmem:$0x1FEE0];
	_ =	sdelay $0x2  }
0x5cc: {  	v27 =	vor.u32 s28, v27;
	[tilespmem:v26+s0+$0x0] =	vst.idx.msk $0xffff, v24  }
0x5cd: {  	v23 =	vor.u32 v22, v23;
	v24 =	vld.idx.msk [tilespmem:v25+s20+$0x0], $0xffff;
	v25 =	vand.u32 $0x38, v27  }
0x5ce: {  	v26 =	vor.u32 v57, v25  }
0x5cf: {  	v58 =	vld [tilespmem:$0x1FEF0];
	_ =	sdelay $0x2  }
0x5d0: {  	[tilespmem:v23+s0+$0x0] =	vst.idx.msk $0xffff, v24;
	v23 =	vshll.u32 v27, $0x7  }
0x5d1: {  	v24 =	vld.idx.msk [tilespmem:v26+s20+$0x0], $0xffff;
	v26 =	vor.u32 v12, v23  }
0x5d2: {  	v27 =	vor.u32 v58, v25  }
0x5d3: {  	v59 =	vld [tilespmem:$0x1FF00];
	_ =	sdelay $0x2  }
0x5d4: {  	[tilespmem:v26+s0+$0x0] =	vst.idx.msk $0xffff, v24  }
0x5d5: {  	v26 =	vor.u32 v16, v23;
	v24 =	vld.idx.msk [tilespmem:v27+s20+$0x0], $0xffff  }
0x5d6: {  	v27 =	vor.u32 v59, v25  }
0x5d7: {  	v60 =	vld [tilespmem:$0x1FF10];
	_ =	sdelay $0x2  }
0x5d8: {  	[tilespmem:v26+s0+$0x0] =	vst.idx.msk $0xffff, v24  }
0x5d9: {  	v26 =	vor.u32 v17, v23;
	v24 =	vld.idx.msk [tilespmem:v27+s20+$0x0], $0xffff  }
0x5da: {  	v27 =	vor.u32 v60, v25  }
0x5db: {  	v61 =	vld [tilespmem:$0x1FF20];
	_ =	sdelay $0x2  }
0x5dc: {  	[tilespmem:v26+s0+$0x0] =	vst.idx.msk $0xffff, v24  }
0x5dd: {  	v26 =	vor.u32 v18, v23;
	v24 =	vld.idx.msk [tilespmem:v27+s20+$0x0], $0xffff  }
0x5de: {  	v27 =	vor.u32 v61, v25  }
0x5df: {  	v62 =	vld [tilespmem:$0x1FF30];
	_ =	sdelay $0x2  }
0x5e0: {  	[tilespmem:v26+s0+$0x0] =	vst.idx.msk $0xffff, v24  }
0x5e1: {  	v26 =	vor.u32 v19, v23;
	v24 =	vld.idx.msk [tilespmem:v27+s20+$0x0], $0xffff  }
0x5e2: {  	v27 =	vor.u32 v62, v25  }
0x5e3: {  	v63 =	vld [tilespmem:$0x1FF40];
	_ =	sdelay $0x2  }
0x5e4: {  	[tilespmem:v26+s0+$0x0] =	vst.idx.msk $0xffff, v24  }
0x5e5: {  	v26 =	vor.u32 v20, v23;
	v24 =	vld.idx.msk [tilespmem:v27+s20+$0x0], $0xffff  }
0x5e6: {  	v27 =	vor.u32 v63, v25;
	_ =	sdelay $0x3  }
0x5e7: {  	[tilespmem:v26+s0+$0x0] =	vst.idx.msk $0xffff, v24  }
0x5e8: {  	v26 =	vor.u32 v21, v23;
	v24 =	vld.idx.msk [tilespmem:v27+s20+$0x0], $0xffff  }
0x5e9: {  	v25 =	vor.u32 v0, v25;
	_ =	sdelay $0x3  }
0x5ea: {  	[tilespmem:v26+s0+$0x0] =	vst.idx.msk $0xffff, v24  }
0x5eb: {  	p0 =	sne.s32 s28, $0x30;
	v23 =	vor.u32 v22, v23;
	v24 =	vld.idx.msk [tilespmem:v25+s20+$0x0], $0xffff  }
.Ltmp4:
0x5ec: {  	_ = 	snop;
	(pc) =	sbr.rel @p0 .LBB2_9-.Ltmp4, $2  }
0x5ed: {  	_ =	sdelay $0x2  }
0x5ee: {  	s28 =	sadd.s32 $0x10, s28;
	v26 =	vld [tilespmem:$0x1FFE0];
	[tilespmem:v23+s0+$0x0] =	vst.idx.msk $0xffff, v24  }
0x5ef: {  	s26 =	sshll.u32 s26, $0x12  }
0x5f0: {  	s26 =	sor.u32 s6, s26  }
0x5f1: {  	s26 =	sshrl.u32 s26, $0x3  }
0x5f2: {  	s28 =	sadd.s32 s2, s26  }
0x5f3: {  	[hbm4b:s28+s3] =	stream.linear.scatter [tilespmem:s0], [sflag:$0x4], $0x400, $0x38;
	[tilespmem:$0xE500] =	vst v63  }
0x5f4: {  	s5 =	simm.s32 $0xC900;
	s30 =	sadd.s32 s26, s7  }
0x5f5: {  	[hbm4b:s30+s3] =	stream.linear.scatter [tilespmem:s5], [sflag:$0x4], $0x400, $0x38;
	[tilespmem:$0xE500] =	vst v63  }
0x5f6: {  	s29 =	sadd.s32 s26, s8  }
0x5f7: {  	[hbm4b:s29+s3] =	stream.linear.scatter [tilespmem:s14], [sflag:$0x4], $0x400, $0x38;
	[tilespmem:$0xE500] =	vst v63  }
0x5f8: {  	s30 =	sadd.s32 s26, s9  }
0x5f9: {  	[hbm4b:s30+s3] =	stream.linear.scatter [tilespmem:s15], [sflag:$0x4], $0x400, $0x38;
	[tilespmem:$0xE500] =	vst v63  }
0x5fa: {  	s25 =	sadd.s32 $0x1, s25;
	s5 =	sadd.s32 s26, s10  }
0x5fb: {  	[hbm4b:s5+s3] =	stream.linear.scatter [tilespmem:s17], [sflag:$0x4], $0x400, $0x38;
	[tilespmem:$0xE500] =	vst v63  }
0x5fc: {  	p0 =	sne.s32 s25, $0x64;
	s29 =	sadd.s32 s26, s11  }
0x5fd: {  	[hbm4b:s29+s3] =	stream.linear.scatter [tilespmem:s19], [sflag:$0x4], $0x400, $0x38;
	[tilespmem:$0xE500] =	vst v63  }
.Ltmp5:
0x5fe: {  	_ = 	snop;
	(pc) =	sbr.rel @p0 .LBB2_2-.Ltmp5, $4  }
0x5ff: {  	s30 =	sadd.s32 s26, s12  }
0x600: {  	[hbm4b:s30+s3] =	stream.linear.scatter [tilespmem:s23], [sflag:$0x4], $0x400, $0x38;
	[tilespmem:$0xE500] =	vst v63  }
0x601: {  	s26 =	sadd.s32 s26, s13  }
0x602: {  	[hbm4b:s26+s3] =	stream.linear.scatter [tilespmem:s24], [sflag:$0x4], $0x400, $0x38;
	[tilespmem:$0xE500] =	vst v63  }
0x603: {  	s5 =	simm.s32 $0x3  }
0x604: {  	_ =	swait.ge [sflag:s5], $0x400  }
0x605: {  	[sflag:s5] =	ssyncset.done $0x0  }
0x606: {  	[sflag:s5] =	ssyncadd.s32 $0xFFFFFC00  }
0x607: {  	_ =	swait.ge [sflag:s5], $0x400  }
0x608: {  	[sflag:s5] =	ssyncset.done $0x0  }
0x609: {  	[sflag:s5] =	ssyncadd.s32 $0xFFFFFC00  }
0x60a: {  	_ =	swait.ge [sflag:s5], $0x400  }
0x60b: {  	[sflag:s5] =	ssyncset.done $0x0  }
0x60c: {  	[sflag:s5] =	ssyncadd.s32 $0xFFFFFC00  }
0x60d: {  	_ =	swait.ge [sflag:s5], $0x400  }
0x60e: {  	[sflag:s5] =	ssyncset.done $0x0  }
0x60f: {  	[sflag:s5] =	ssyncadd.s32 $0xFFFFFC00  }
0x610: {  	_ =	swait.ge [sflag:s5], $0x400  }
0x611: {  	[sflag:s5] =	ssyncset.done $0x0  }
0x612: {  	[sflag:s5] =	ssyncadd.s32 $0xFFFFFC00  }
0x613: {  	_ =	swait.ge [sflag:s5], $0x400  }
0x614: {  	[sflag:s5] =	ssyncset.done $0x0  }
0x615: {  	[sflag:s5] =	ssyncadd.s32 $0xFFFFFC00  }
0x616: {  	_ =	swait.ge [sflag:s5], $0x400  }
0x617: {  	[sflag:s5] =	ssyncset.done $0x0  }
0x618: {  	[sflag:s5] =	ssyncadd.s32 $0xFFFFFC00  }
0x619: {  	_ =	swait.ge [sflag:s5], $0x400  }
0x61a: {  	[sflag:s5] =	ssyncset.done $0x0  }
0x61b: {  	[sflag:s5] =	ssyncadd.s32 $0xFFFFFC00  }
0x61c: {  	_ =	swait.ge [sflag:s1], $0x400  }
0x61d: {  	[sflag:s1] =	ssyncset.done $0x0  }
0x61e: {  	[sflag:s1] =	ssyncadd.s32 $0xFFFFFC00  }
0x61f: {  	_ =	swait.ge [sflag:s1], $0x400  }
0x620: {  	[sflag:s1] =	ssyncset.done $0x0  }
0x621: {  	[sflag:s1] =	ssyncadd.s32 $0xFFFFFC00  }
0x622: {  	_ =	swait.ge [sflag:s1], $0x400  }
0x623: {  	[sflag:s1] =	ssyncset.done $0x0  }
0x624: {  	[sflag:s1] =	ssyncadd.s32 $0xFFFFFC00  }
0x625: {  	_ =	swait.ge [sflag:s1], $0x400  }
0x626: {  	[sflag:s1] =	ssyncset.done $0x0  }
0x627: {  	[sflag:s1] =	ssyncadd.s32 $0xFFFFFC00  }
0x628: {  	_ =	swait.ge [sflag:s1], $0x400  }
0x629: {  	[sflag:s1] =	ssyncset.done $0x0  }
0x62a: {  	[sflag:s1] =	ssyncadd.s32 $0xFFFFFC00  }
0x62b: {  	_ =	swait.ge [sflag:s1], $0x400  }
0x62c: {  	[sflag:s1] =	ssyncset.done $0x0  }
0x62d: {  	[sflag:s1] =	ssyncadd.s32 $0xFFFFFC00  }
0x62e: {  	_ =	swait.ge [sflag:s1], $0x400  }
0x62f: {  	[sflag:s1] =	ssyncset.done $0x0  }
0x630: {  	[sflag:s1] =	ssyncadd.s32 $0xFFFFFC00  }
0x631: {  	_ =	swait.ge [sflag:s1], $0x400  }
0x632: {  	s30 =	rddreg [dreg:$0x5]  }
0x633: {  	s25 =	rddreg [dreg:$0x4];
	s5 =	sadd.s32 $0x1, s30  }
0x634: {  	p0 =	sne.s32 s5, s25  }
.Ltmp6:
0x635: {  	_ = 	snop;
	(pc) =	sbr.rel @p0 .LBB2_1-.Ltmp6, $3  }
0x636: {  	_ =	sdelay $0x1  }
0x637: {  	[sflag:s1] =	ssyncset.done $0x0  }
0x638: {  	[sflag:s1] =	ssyncadd.s32 $0xFFFFFC00  }
0x639: {  	_ =	sfence.sel $0x180000  }
0x63a: {  	[bflag:$0x0] =	sbarrier.arrive $0xFFFF  }
0x63b: {  	_ =	strace $0x90000047  }
0x63c: {  	s0 =	stileid.u32;
	[bflag:$0x2] =	sbarrier.arrive $0xFFFF  }
0x63d: {  	p0 =	sne.s32 s0, $0x0;
	s0 =	rddreg [dreg:$0x2]  }
0x63e: {  	s0 =	sadd.s32 @!p0 $0x100000, s0  }
0x63f: {  	[sflag:s0] =	ssyncadd.tile.s32 @!p0 $0x1;
	_ =	shalt  }
.Lfunc_end2:
_tile_overlayer_lowered:
.L_overlay_start_2:
0x640: {  	(tag) =	ssettag $0x2  }
0x641: {  	s0 =	rddreg [dreg:$0x0];
	s2 =	stileid.u32  }
0x642: {  	s1 =	rddreg [dreg:$0x1];
	p0 =	sne.s32 s2, $0x0  }
0x643: {  	s3 =	rddreg [dreg:$0x2];
	[bflag:$0x3] =	sbarrier.arrive $0xFFFF;
	s2 =	simm.s32 @!p0 $0x1C05  }
0x644: {  	[timem:s3], [sflag:s2] =	dma.local @!p0 [hbm:s0], s1  }
0x645: {  	s0 =	simm.s32 @!p0 $0x5  }
0x646: {  	_ =	swait.ge @!p0 [sflag:s0], s1  }
0x647: {  	s1 =	ssub.s32 @!p0 $0x0, s1;
	[sflag:s0] =	ssyncset.done @!p0 $0x0  }
0x648: {  	[sflag:s0] =	ssyncadd.s32 @!p0 s1  }
0x649: {  	[bflag:$0x3] =	sbarrier.arrive $0xFFFF  }
0x64a: {  	_ =	shalt  }

</sc_bundles>
